<compile_context>
chip_gen: v7x
topology: tpu7x:2x2x1
jax: 0.10.2.dev20260603
libtpu: 0.0.44.dev20260713+nightly
codegen_flags: <defaults>
</compile_context>

<pallas_src>
import functools

import jax
import jax.numpy as jnp
from jax import lax
from jax.experimental import pallas as pl
from jax.experimental.pallas import tpu as pltpu
from jax.experimental.pallas import tpu_sc as plsc

_NC = 81
_P = 24564
_B = 16
_NT = 16
_BT = _B * _NT
_BLK = 2048
_NBLK = (_P + _BLK - 1) // _BLK
_PP = _NBLK * _BLK


def _overlaps(pt_ref, tr_ref, valid):
    pcx = pt_ref[0:1, :]
    pcy = pt_ref[1:2, :]
    pw = pt_ref[2:3, :]
    ph = pt_ref[3:4, :]
    pxmin = pcx - pw / 2.0
    pymin = pcy - ph / 2.0
    pxmax = pcx + pw / 2.0
    pymax = pcy + ph / 2.0
    parea = (pxmax - pxmin) * (pymax - pymin)

    txmin = tr_ref[:, 0:1]
    tymin = tr_ref[:, 1:2]
    txmax = tr_ref[:, 2:3]
    tymax = tr_ref[:, 3:4]
    tarea = (txmax - txmin) * (tymax - tymin)

    iw = jnp.clip(jnp.minimum(txmax, pxmax) - jnp.maximum(txmin, pxmin), 0.0, None)
    ih = jnp.clip(jnp.minimum(tymax, pymax) - jnp.maximum(tymin, pymin), 0.0, None)
    inter = iw * ih
    ov = inter / (tarea + parea - inter)
    return jnp.where(valid, ov, -1.0)


def _fused_kernel(pt_ref, tr_ref, lab_ref, loc_ref, conf_ref,
                  lc_ref, npos_ref, pce_ref, ll_ref,
                  rm_ref, ri_ref, bto_ref, bti_ref,
                  snp_ref, spce_ref, sll_ref):
    p = pl.program_id(0)
    j = pl.program_id(1)
    gidx = jax.lax.broadcasted_iota(jnp.int32, (1, _BLK), 1) + j * _BLK
    valid = gidx < _P
    tio3 = jax.lax.broadcasted_iota(jnp.int32, (_NT, 1, 1), 0)

    @pl.when(jnp.logical_and(p == 0, j == 0))
    def _init():
        rm_ref[...] = jnp.full((_BT, 1), -2.0, jnp.float32)
        ri_ref[...] = jnp.zeros((_BT, 1), jnp.int32)
        snp_ref[...] = jnp.zeros((_B, 1), jnp.float32)
        spce_ref[...] = jnp.zeros((1, 1), jnp.float32)
        sll_ref[...] = jnp.zeros((1, 1), jnp.float32)

    @pl.when(p == 0)
    def _pass0():
        ov = _overlaps(pt_ref, tr_ref, valid)
        bm = jnp.max(ov, axis=1, keepdims=True)
        lane = jax.lax.broadcasted_iota(jnp.int32, (_BT, _BLK), 1)
        bi = jnp.min(jnp.where(ov == bm, lane, _BLK), axis=1, keepdims=True)
        upd = bm > rm_ref[...]
        rm_ref[...] = jnp.where(upd, bm, rm_ref[...])
        ri_ref[...] = jnp.where(upd, bi + j * _BLK, ri_ref[...])
        ov3 = ov.reshape(_NT, _B, _BLK)
        bto = jnp.max(ov3, axis=0)
        bti = jnp.min(jnp.where(ov3 == bto[None], tio3, _NT), axis=0)
        bto_ref[:, pl.ds(j * _BLK, _BLK)] = bto
        bti_ref[:, pl.ds(j * _BLK, _BLK)] = bti

    @pl.when(p == 1)
    def _pass1():
        pcx = pt_ref[0:1, :]
        pcy = pt_ref[1:2, :]
        pw = pt_ref[2:3, :]
        ph = pt_ref[3:4, :]
        safe_w = jnp.where(valid, pw, 1.0)
        safe_h = jnp.where(valid, ph, 1.0)

        bto = bto_ref[:, pl.ds(j * _BLK, _BLK)]
        bti = bti_ref[:, pl.ds(j * _BLK, _BLK)]

        bpi3 = ri_ref[...].reshape(_NT, _B, 1)
        jsel = jnp.max(jnp.where(bpi3 == gidx[None], tio3, -1), axis=0)
        forced = jsel >= 0
        bti = jnp.where(forced, jsel, bti)
        bto = jnp.where(forced, 2.0, bto)

        pos = jnp.logical_and(bto >= 0.5, valid)

        onehot = bti[None] == tio3
        lab3 = lab_ref[...].reshape(_NT, _B, 1)
        labv = jnp.sum(jnp.where(onehot, lab3, 0.0), axis=0)
        conf_t = jnp.where(pos, labv.astype(jnp.int32) + 1, 0)

        def pick(c):
            t3 = tr_ref[:, c:c + 1].reshape(_NT, _B, 1)
            return jnp.sum(jnp.where(onehot, t3, 0.0), axis=0)

        mxmin, mymin, mxmax, mymax = pick(0), pick(1), pick(2), pick(3)

        g_cx = ((mxmin + mxmax) / 2.0 - pcx) / (0.1 * safe_w)
        g_cy = ((mymin + mymax) / 2.0 - pcy) / (0.1 * safe_h)
        g_w = jnp.log(jnp.maximum((mxmax - mxmin) / safe_w, 1e-30)) / 0.2
        g_h = jnp.log(jnp.maximum((mymax - mymin) / safe_h, 1e-30)) / 0.2

        sl1 = jnp.zeros((_B, _BLK), jnp.float32)
        for c, g in enumerate((g_cx, g_cy, g_w, g_h)):
            d = loc_ref[:, c, :] - g
            a = jnp.abs(d)
            sl1 = sl1 + jnp.where(a < 1.0, 0.5 * d * d, a - 0.5)

        s = jnp.zeros((_B, _BLK), jnp.float32)
        gath = jnp.zeros((_B, _BLK), jnp.float32)
        for c in range(_NC):
            xc = conf_ref[c]
            s = s + jnp.exp(xc)
            gath = gath + jnp.where(conf_t == c, xc, 0.0)
        ce = jnp.log(s) - gath

        lc_ref[...] = jnp.where(
            jnp.logical_or(pos, jnp.logical_not(valid)), 0.0, ce)
        snp_ref[...] = snp_ref[...] + jnp.sum(
            pos.astype(jnp.float32), axis=1, keepdims=True)
        posf = pos.astype(jnp.float32)
        spce_ref[...] = spce_ref[...] + jnp.sum(
            posf * ce, axis=(0, 1), keepdims=True).reshape(1, 1)
        sll_ref[...] = sll_ref[...] + jnp.sum(
            posf * sl1, axis=(0, 1), keepdims=True).reshape(1, 1)

    @pl.when(jnp.logical_and(p == 1, j == _NBLK - 1))
    def _fin():
        npos_ref[...] = snp_ref[...]
        pce_ref[...] = spce_ref[...]
        ll_ref[...] = sll_ref[...]


_NB = 2048
_NV = _PP // 16


def _lane(x, i):
    return lax.squeeze(lax.slice(x, (i,), (i + 1,)), (0,))


def _sc_mine_body(lc_hbm, np_hbm, out_hbm, row_v, hist_v, cand_v, np_v, out_v):
    wid = lax.axis_index("s") * 2 + lax.axis_index("c")

    @pl.when(wid < _B)
    def _work():
        lanes = lax.iota(jnp.int32, 16)
        ones = jnp.ones((16,), jnp.float32)
        zeros = jnp.zeros((16,), jnp.float32)

        pltpu.sync_copy(np_hbm, np_v)
        pltpu.sync_copy(lc_hbm.at[wid], row_v)

        npos_b = jnp.sum(jnp.where(lanes == wid, np_v[...], 0.0))
        k = jnp.minimum(3.0 * npos_b, float(_P - 1))

        def zbody(i, c):
            for u in range(16):
                hist_v[pl.ds((i * 16 + u) * 16, 16)] = zeros
            return c

        lax.fori_loop(0, _NB // 16, zbody, 0)

        def hbody(i, c):
            for u in range(16):
                v = row_v[pl.ds((i * 16 + u) * 16, 16)]
                key = lax.shift_right_logical(plsc.bitcast(v, jnp.int32), 20)
                plsc.addupdate_scatter(hist_v, [key * 16 + lanes], ones)
            return c

        lax.fori_loop(0, _NV // 16, hbody, 0)

        def sbody(i, carry):
            cnt, cnt_above, bstar, found = carry
            base = (_NB // 16 - 1 - i) * 16
            m = zeros
            for l in range(16):
                m = m + plsc.load_gather(hist_v, [(base + lanes) * 16 + l])
            rm = lax.rev(m, (0,))
            cs = plsc.cumsum(rm)
            cross = cnt + cs >= k
            nset = _lane(plsc.all_reduce_population_count(cross), 0)
            crossed = jnp.logical_and(found == 0, nset > 0)
            idx = _lane(plsc.all_reduce_ffs(cross), 0)
            csi = jnp.sum(jnp.where(lanes == idx, cs - rm, 0.0))
            bstar = jnp.where(crossed, base + 15 - idx, bstar)
            cnt_above = jnp.where(crossed, cnt + csi, cnt_above)
            found = jnp.where(crossed, jnp.int32(1), found)
            cnt = cnt + _lane(cs, 15)
            return cnt, cnt_above, bstar, found

        _, cnt_above, bstar, _ = lax.fori_loop(
            0, _NB // 16, sbody, (0.0, 0.0, jnp.int32(0), jnp.int32(0)))

        def cbody(i, carry):
            off, acc = carry
            for u in range(16):
                v = row_v[pl.ds((i * 16 + u) * 16, 16)]
                key = lax.shift_right_logical(plsc.bitcast(v, jnp.int32), 20)
                acc = acc + jnp.where(key > bstar, v, 0.0)
                m = key == bstar
                plsc.store_compressed(cand_v.at[pl.ds(off, 16)], v, mask=m)
                off = off + _lane(plsc.all_reduce_population_count(m), 0)
            return off, acc

        ncand, acc = lax.fori_loop(0, _NV // 16, cbody, (jnp.int32(0), zeros))
        sum_above = jnp.sum(acc)
        r = k - cnt_above

        def count_ge(t_bits):
            tv = plsc.bitcast(jnp.zeros((16,), jnp.int32) + t_bits, jnp.float32)

            def ibody(i, a):
                for u in range(16):
                    v = cand_v[pl.ds((i * 16 + u) * 16, 16)]
                    ok = jnp.logical_and((i * 16 + u) * 16 + lanes < ncand, v >= tv)
                    a = a + jnp.where(ok, 1.0, 0.0)
                return a

            nv = lax.div(ncand + 255, 256)
            return jnp.sum(lax.fori_loop(0, nv, ibody, zeros))

        def bbody(_, lh):
            lo, hi = lh
            mid = lo + lax.shift_right_logical(hi - lo + 1, 1)
            ok = count_ge(mid) >= r
            return jnp.where(ok, mid, lo), jnp.where(ok, hi, mid - 1)

        lo0 = lax.shift_left(bstar, 20)
        hi0 = lax.shift_left(bstar + 1, 20) - 1
        lo, _ = lax.fori_loop(0, 21, bbody, (lo0, hi0))
        vth = plsc.bitcast(jnp.zeros((16,), jnp.int32) + lo, jnp.float32)

        def fbody(i, carry):
            sacc, cacc = carry
            for u in range(16):
                v = cand_v[pl.ds((i * 16 + u) * 16, 16)]
                ok = jnp.logical_and((i * 16 + u) * 16 + lanes < ncand, v > vth)
                sacc = sacc + jnp.where(ok, v, 0.0)
                cacc = cacc + jnp.where(ok, 1.0, 0.0)
            return sacc, cacc

        nv = lax.div(ncand + 255, 256)
        sacc, cacc = lax.fori_loop(0, nv, fbody, (zeros, zeros))
        topk = sum_above + jnp.sum(sacc) + (r - jnp.sum(cacc)) * _lane(vth, 0)

        out_v[...] = zeros + topk
        pltpu.sync_copy(out_v, out_hbm.at[wid])


def _sc_mine(lc, npos):
    mesh = plsc.VectorSubcoreMesh(core_axis_name="c", subcore_axis_name="s")
    return functools.partial(
        pl.kernel,
        mesh=mesh,
        compiler_params=pltpu.CompilerParams(needs_layout_passes=False),
        out_type=jax.ShapeDtypeStruct((_B, 16), jnp.float32),
        scratch_types=[
            pltpu.VMEM((_PP,), jnp.float32),
            pltpu.VMEM((_NB * 16,), jnp.float32),
            pltpu.VMEM((_PP + 16,), jnp.float32),
            pltpu.VMEM((16,), jnp.float32),
            pltpu.VMEM((16,), jnp.float32),
        ],
    )(_sc_mine_body)(lc, npos)


def kernel(loc_data, conf_data, targets, priors):
    pt = priors.T
    tr = targets[..., :4].transpose(1, 0, 2).reshape(_BT, 4)
    lab = targets[..., 4].transpose(1, 0).reshape(_BT, 1)
    conf3 = conf_data.transpose(1, 0, 2)

    lc, npos, pce, ll = pl.pallas_call(
        _fused_kernel,
        grid=(2, _NBLK),
        in_specs=[
            pl.BlockSpec((4, _BLK), lambda p, j: (0, j)),
            pl.BlockSpec((_BT, 4), lambda p, j: (0, 0)),
            pl.BlockSpec((_BT, 1), lambda p, j: (0, 0)),
            pl.BlockSpec((_B, 4, _BLK), lambda p, j: (0, 0, p * j)),
            pl.BlockSpec((_NC, _B, _BLK), lambda p, j: (0, 0, p * j)),
        ],
        out_specs=[
            pl.BlockSpec((_B, _BLK), lambda p, j: (0, p * j)),
            pl.BlockSpec((_B, 1), lambda p, j: (0, 0)),
            pl.BlockSpec((1, 1), lambda p, j: (0, 0)),
            pl.BlockSpec((1, 1), lambda p, j: (0, 0)),
        ],
        out_shape=[
            jax.ShapeDtypeStruct((_B, _PP), jnp.float32),
            jax.ShapeDtypeStruct((_B, 1), jnp.float32),
            jax.ShapeDtypeStruct((1, 1), jnp.float32),
            jax.ShapeDtypeStruct((1, 1), jnp.float32),
        ],
        scratch_shapes=[
            pltpu.VMEM((_BT, 1), jnp.float32),
            pltpu.VMEM((_BT, 1), jnp.int32),
            pltpu.VMEM((_B, _PP), jnp.float32),
            pltpu.VMEM((_B, _PP), jnp.int32),
            pltpu.VMEM((_B, 1), jnp.float32),
            pltpu.VMEM((1, 1), jnp.float32),
            pltpu.VMEM((1, 1), jnp.float32),
        ],
    )(pt, tr, lab, loc_data, conf3)

    topk = _sc_mine(lc, npos.reshape(_B))

    n = jnp.sum(npos)
    loss_l = (ll / n).reshape(())
    loss_c = ((jnp.sum(topk[:, 0]) + pce[0, 0]) / n).reshape(())
    return loss_l, loss_c

# --- scband reference (transcript-rebuilt; emitter-appended) ---
"""Pipeline reference for scband-multi-box-loss-22230750724470 (READ-ONLY COPY).

The authoritative reference and input builder live on the scoring server;
editing this copy changes nothing except your own understanding.
"""

import jax, jax.numpy as jnp
import numpy as np

NUM_CLASSES = 81
THRESHOLD = 0.5
NEGPOS_RATIO = 3
VAR0, VAR1 = 0.1, 0.2
B, NUM_PRIORS, NUM_OBJS = 16, 24564, 16


def point_form(boxes):
    return jnp.concatenate([boxes[:, :2] - boxes[:, 2:] / 2.0, boxes[:, :2] + boxes[:, 2:] / 2.0], axis=1)


def intersect(a, b):
    max_xy = jnp.minimum(a[:, None, 2:], b[None, :, 2:])
    min_xy = jnp.maximum(a[:, None, :2], b[None, :, :2])
    inter = jnp.clip(max_xy - min_xy, 0.0, None)
    return inter[..., 0] * inter[..., 1]


def jaccard(a, b):
    inter = intersect(a, b)
    area_a = ((a[:, 2] - a[:, 0]) * (a[:, 3] - a[:, 1]))[:, None]
    area_b = ((b[:, 2] - b[:, 0]) * (b[:, 3] - b[:, 1]))[None, :]
    return inter / (area_a + area_b - inter)


def encode(matched, priors):
    g_cxcy = (matched[:, :2] + matched[:, 2:]) / 2.0 - priors[:, :2]
    g_cxcy = g_cxcy / (VAR0 * priors[:, 2:])
    g_wh = (matched[:, 2:] - matched[:, :2]) / priors[:, 2:]
    g_wh = jnp.log(g_wh) / VAR1
    return jnp.concatenate([g_cxcy, g_wh], axis=1)


def match(truths, labels, priors):
    overlaps = jaccard(truths, point_form(priors))
    best_prior_idx = jnp.argmax(overlaps, axis=1)
    best_truth_overlap = jnp.max(overlaps, axis=0)
    best_truth_idx = jnp.argmax(overlaps, axis=0)
    best_truth_overlap = best_truth_overlap.at[best_prior_idx].set(2.0)
    best_truth_idx = best_truth_idx.at[best_prior_idx].set(jnp.arange(truths.shape[0]))
    matches = truths[best_truth_idx]
    conf = labels[best_truth_idx].astype(jnp.int32) + 1
    conf = jnp.where(best_truth_overlap < THRESHOLD, 0, conf)
    loc = encode(matches, priors)
    return loc, conf


def log_sum_exp(x):
    x_max = jnp.max(x)
    return jnp.log(jnp.sum(jnp.exp(x - x_max), axis=1, keepdims=True)) + x_max


def setup_inputs(seed: int = 0):
    key = jax.random.key(seed)
    k1, k2, k3, k4, k5, k6 = jax.random.split(key, 6)
    loc_data = jax.random.normal(k1, (B, 4, NUM_PRIORS), dtype=jnp.float32)
    conf_data = jax.random.normal(k2, (B, NUM_CLASSES, NUM_PRIORS), dtype=jnp.float32)
    cxcy = jax.random.uniform(k3, (B, NUM_OBJS, 2), minval=0.2, maxval=0.8, dtype=jnp.float32)
    wh = jax.random.uniform(k4, (B, NUM_OBJS, 2), minval=0.1, maxval=0.4, dtype=jnp.float32)
    truths = jnp.concatenate([cxcy - wh / 2.0, cxcy + wh / 2.0], axis=-1)
    labels = jax.random.randint(k5, (B, NUM_OBJS, 1), 0, NUM_CLASSES - 1).astype(jnp.float32)
    targets = jnp.concatenate([truths, labels], axis=-1)
    pcxcy = jax.random.uniform(k6, (NUM_PRIORS, 2), minval=0.05, maxval=0.95, dtype=jnp.float32)
    pwh = jax.random.uniform(jax.random.fold_in(key, 7), (NUM_PRIORS, 2), minval=0.05, maxval=0.5, dtype=jnp.float32)
    priors = jnp.concatenate([pcxcy, pwh], axis=-1)
    return {"loc_data": loc_data, "conf_data": conf_data, "targets": targets, "priors": priors}


def reference(loc_data, conf_data, targets, priors):
    num = loc_data.shape[0]
    num_priors = priors.shape[0]

    def per_image(t):
        return match(t[:, :4], t[:, 4], priors)

    loc_t, conf_t = jax.vmap(per_image)(targets)
    loc_p = jnp.transpose(loc_data, (0, 2, 1))
    conf_p = jnp.transpose(conf_data, (0, 2, 1))
    pos = conf_t > 0
    diff = loc_p - loc_t
    abs_diff = jnp.abs(diff)
    sl1 = jnp.where(abs_diff < 1.0, 0.5 * diff * diff, abs_diff - 0.5)
    loss_l = jnp.sum(sl1 * pos[..., None].astype(sl1.dtype))
    batch_conf = conf_p.reshape(-1, NUM_CLASSES)
    gathered = jnp.take_along_axis(batch_conf, conf_t.reshape(-1, 1), axis=1)
    loss_c = (log_sum_exp(batch_conf) - gathered).reshape(num, -1)
    loss_c = jnp.where(pos, 0.0, loss_c)
    loss_idx = jnp.argsort(-loss_c, axis=1)
    idx_rank = jnp.argsort(loss_idx, axis=1)
    num_pos = jnp.sum(pos.astype(jnp.int32), axis=1, keepdims=True)
    num_neg = jnp.minimum(NEGPOS_RATIO * num_pos, num_priors - 1)
    neg = idx_rank < num_neg
    mask = (pos | neg).astype(conf_p.dtype)
    logp = jax.nn.log_softmax(conf_p, axis=-1)
    ce = -jnp.take_along_axis(logp, conf_t[..., None], axis=-1)[..., 0]
    loss_c_final = jnp.sum(ce * mask)
    N = jnp.sum(num_pos).astype(loss_l.dtype)
    return loss_l / N, loss_c_final / N

if __name__ == "__main__":
    import jax
    _d = setup_inputs()
    print(jax.jit(kernel)(*tuple(_d.values())))

</pallas_src>

<mosaic_0001>
#map = affine_map<(d0, d1) -> (0, 0)>
#map1 = affine_map<(d0, d1) -> (0)>
module attributes {stable_mosaic.version = 14 : i64} {
  func.func @_sc_mine_body(%arg0: i32, %arg1: i32, %arg2: memref<16x24576xf32, #tpu.memory_space<hbm>>, %arg3: memref<16xf32, #tpu.memory_space<hbm>>, %arg4: memref<16x16xf32, #tpu.memory_space<hbm>>, %arg5: memref<24576xf32, #tpu.memory_space<vmem>>, %arg6: memref<32768xf32, #tpu.memory_space<vmem>>, %arg7: memref<24592xf32, #tpu.memory_space<vmem>>, %arg8: memref<16xf32, #tpu.memory_space<vmem>>, %arg9: memref<16xf32, #tpu.memory_space<vmem>>) attributes {dimension_semantics = [#tpu.dimension_semantics<core_parallel>, #tpu.dimension_semantics<subcore_parallel>], iteration_bounds = array<i64: 2, 16>, scalar_prefetch = 0 : i64, scratch_operands = 5 : i64, tpu.core_type = #tpu.core_type<sc_vector_subcore>, window_params = [{transform_indices = #map}, {transform_indices = #map1}, {transform_indices = #map}]} {
    %mul3A = arith.constant 2 : i32
    %mul3A_0 = arith.muli %arg1, %mul3A : i32
    %add3A = arith.addi %mul3A_0, %arg0 : i32
    %lt3A = arith.constant 16 : i32
    %lt3A_1 = arith.cmpi slt, %add3A, %lt3A : i32
    %convert_element_type3A = arith.extui %lt3A_1 : i1 to i32
    %cond3A = arith.constant 0 : i32
    %cond3A_2 = arith.cmpi ne, %convert_element_type3A, %cond3A : i32
    scf.if %cond3A_2 {
      %iota3A = tpu.iota {dimensions = array<i32: 0>} : vector<16xi32>
      %broadcast_in_dim3A = arith.constant 1.000000e+00 : f32
      %broadcast_in_dim3A_3 = vector.broadcast %broadcast_in_dim3A : f32 to vector<16xf32>
      %broadcast_in_dim3A_4 = arith.constant 0.000000e+00 : f32
      %broadcast_in_dim3A_5 = vector.broadcast %broadcast_in_dim3A_4 : f32 to vector<16xf32>
      "tpu.region"() ({
        %run_scoped3A = tpu.sem_alloc : memref<!tpu.dma_semaphore, #tpu.memory_space<semaphore_mem>>
        tpu.enqueue_dma source(%arg3 : memref<16xf32, #tpu.memory_space<hbm>>) target(%arg8 : memref<16xf32, #tpu.memory_space<vmem>>) target_semaphore(%run_scoped3A : memref<!tpu.dma_semaphore, #tpu.memory_space<semaphore_mem>>)
        tpu.wait_dma2 semaphore(%run_scoped3A : memref<!tpu.dma_semaphore, #tpu.memory_space<semaphore_mem>>) src(%arg3 : memref<16xf32, #tpu.memory_space<hbm>>) dst(%arg8 : memref<16xf32, #tpu.memory_space<vmem>>)
        tpu.yield
      }) : () -> ()
      "tpu.region"() ({
        %run_scoped3A = tpu.sem_alloc : memref<!tpu.dma_semaphore, #tpu.memory_space<semaphore_mem>>
        %dma_start3A = arith.constant 0 : i32
        %dma_start3A_92 = tpu.memref_slice %arg2[%add3A, %dma_start3A] : memref<16x24576xf32, #tpu.memory_space<hbm>> -> memref<1x24576xf32, #tpu.memory_space<hbm>>
        %dma_start3A_93 = tpu.memref_squeeze %dma_start3A_92 : memref<1x24576xf32, #tpu.memory_space<hbm>> -> memref<24576xf32, #tpu.memory_space<hbm>>
        %dma_start3A_94 = arith.constant 0 : i32
        %dma_start3A_95 = tpu.memref_slice %arg2[%add3A, %dma_start3A_94] : memref<16x24576xf32, #tpu.memory_space<hbm>> -> memref<1x24576xf32, #tpu.memory_space<hbm>>
        %dma_start3A_96 = tpu.memref_squeeze %dma_start3A_95 : memref<1x24576xf32, #tpu.memory_space<hbm>> -> memref<24576xf32, #tpu.memory_space<hbm>>
        tpu.enqueue_dma source(%dma_start3A_96 : memref<24576xf32, #tpu.memory_space<hbm>>) target(%arg5 : memref<24576xf32, #tpu.memory_space<vmem>>) target_semaphore(%run_scoped3A : memref<!tpu.dma_semaphore, #tpu.memory_space<semaphore_mem>>)
        %dma_wait3A = arith.constant 0 : i32
        %dma_wait3A_97 = tpu.memref_slice %arg2[%add3A, %dma_wait3A] : memref<16x24576xf32, #tpu.memory_space<hbm>> -> memref<1x24576xf32, #tpu.memory_space<hbm>>
        %dma_wait3A_98 = tpu.memref_squeeze %dma_wait3A_97 : memref<1x24576xf32, #tpu.memory_space<hbm>> -> memref<24576xf32, #tpu.memory_space<hbm>>
        %dma_wait3A_99 = arith.constant 0 : i32
        %dma_wait3A_100 = tpu.memref_slice %arg2[%add3A, %dma_wait3A_99] : memref<16x24576xf32, #tpu.memory_space<hbm>> -> memref<1x24576xf32, #tpu.memory_space<hbm>>
        %dma_wait3A_101 = tpu.memref_squeeze %dma_wait3A_100 : memref<1x24576xf32, #tpu.memory_space<hbm>> -> memref<24576xf32, #tpu.memory_space<hbm>>
        tpu.wait_dma2 semaphore(%run_scoped3A : memref<!tpu.dma_semaphore, #tpu.memory_space<semaphore_mem>>) src(%dma_wait3A_101 : memref<24576xf32, #tpu.memory_space<hbm>>) dst(%arg5 : memref<24576xf32, #tpu.memory_space<vmem>>)
        tpu.yield
      }) : () -> ()
      %eq3A = vector.broadcast %add3A : i32 to vector<16xi32>
      %eq3A_6 = arith.cmpi eq, %iota3A, %eq3A : vector<16xi32>
      %get3A = arith.constant 0 : index
      %get3A_7 = tpu.vector_load %arg8[%get3A] {strides = array<i32>} : memref<16xf32, #tpu.memory_space<vmem>>, vector<16xf32>,
      %jit3A = arith.constant 0.000000e+00 : f32
      %broadcast_in_dim3A_8 = vector.broadcast %jit3A : f32 to vector<16xf32>
      %select_n3A = arith.select %eq3A_6, %get3A_7, %broadcast_in_dim3A_8 : vector<16xi1>, vector<16xf32>
      %reduce_sum3A = arith.constant true
      %reduce_sum3A_9 = vector.broadcast %reduce_sum3A : i1 to vector<16xi1>
      %reduce_sum3A_10 = tpu.scan <sum>, %select_n3A masked %reduce_sum3A_9 : vector<16xf32>, vector<16xi1> -> vector<16xf32>
      %reduce_sum3A_11 = vector.extract %reduce_sum3A_10[15] : f32 from vector<16xf32>
      %mul3A_12 = arith.constant 3.000000e+00 : f32
      %mul3A_13 = arith.mulf %mul3A_12, %reduce_sum3A_11 : f32
      %min3A = arith.constant 2.456300e+04 : f32
      %min3A_14 = arith.minimumf %mul3A_13, %min3A : f32
      %scan3A = arith.constant 0 : i32
      %scan3A_15 = arith.constant 0 : i32
      %scan3A_16 = arith.constant 128 : i32
      %scan3A_17 = arith.addi %scan3A_15, %scan3A_16 : i32
      %scan3A_18 = arith.constant 1 : i32
      scf.for %scan3A_92 = %scan3A_15 to %scan3A_17 step %scan3A_18  : i32 {
        %mul3A_93 = arith.constant 16 : i32
        %mul3A_94 = arith.muli %scan3A_92, %mul3A_93 : i32
        %add3A_95 = arith.constant 0 : i32
        %add3A_96 = arith.addi %mul3A_94, %add3A_95 : i32
        %mul3A_97 = arith.constant 16 : i32
        %mul3A_98 = arith.muli %add3A_96, %mul3A_97 : i32
        %swap3A_99 = arith.index_cast %mul3A_98 : i32 to index
        %swap3A_100 = tpu.vector_load %arg6[%swap3A_99] {strides = array<i32>} : memref<32768xf32, #tpu.memory_space<vmem>>, vector<16xf32>,
        tpu.vector_store %arg6[%swap3A_99], %broadcast_in_dim3A_5 {strides = array<i32>} : memref<32768xf32, #tpu.memory_space<vmem>>, vector<16xf32>,
        %mul3A_101 = arith.constant 16 : i32
        %mul3A_102 = arith.muli %scan3A_92, %mul3A_101 : i32
        %add3A_103 = arith.constant 1 : i32
        %add3A_104 = arith.addi %mul3A_102, %add3A_103 : i32
        %mul3A_105 = arith.constant 16 : i32
        %mul3A_106 = arith.muli %add3A_104, %mul3A_105 : i32
        %swap3A_107 = arith.index_cast %mul3A_106 : i32 to index
        %swap3A_108 = tpu.vector_load %arg6[%swap3A_107] {strides = array<i32>} : memref<32768xf32, #tpu.memory_space<vmem>>, vector<16xf32>,
        tpu.vector_store %arg6[%swap3A_107], %broadcast_in_dim3A_5 {strides = array<i32>} : memref<32768xf32, #tpu.memory_space<vmem>>, vector<16xf32>,
        %mul3A_109 = arith.constant 16 : i32
        %mul3A_110 = arith.muli %scan3A_92, %mul3A_109 : i32
        %add3A_111 = arith.constant 2 : i32
        %add3A_112 = arith.addi %mul3A_110, %add3A_111 : i32
        %mul3A_113 = arith.constant 16 : i32
        %mul3A_114 = arith.muli %add3A_112, %mul3A_113 : i32
        %swap3A_115 = arith.index_cast %mul3A_114 : i32 to index
        %swap3A_116 = tpu.vector_load %arg6[%swap3A_115] {strides = array<i32>} : memref<32768xf32, #tpu.memory_space<vmem>>, vector<16xf32>,
        tpu.vector_store %arg6[%swap3A_115], %broadcast_in_dim3A_5 {strides = array<i32>} : memref<32768xf32, #tpu.memory_space<vmem>>, vector<16xf32>,
        %mul3A_117 = arith.constant 16 : i32
        %mul3A_118 = arith.muli %scan3A_92, %mul3A_117 : i32
        %add3A_119 = arith.constant 3 : i32
        %add3A_120 = arith.addi %mul3A_118, %add3A_119 : i32
        %mul3A_121 = arith.constant 16 : i32
        %mul3A_122 = arith.muli %add3A_120, %mul3A_121 : i32
        %swap3A_123 = arith.index_cast %mul3A_122 : i32 to index
        %swap3A_124 = tpu.vector_load %arg6[%swap3A_123] {strides = array<i32>} : memref<32768xf32, #tpu.memory_space<vmem>>, vector<16xf32>,
        tpu.vector_store %arg6[%swap3A_123], %broadcast_in_dim3A_5 {strides = array<i32>} : memref<32768xf32, #tpu.memory_space<vmem>>, vector<16xf32>,
        %mul3A_125 = arith.constant 16 : i32
        %mul3A_126 = arith.muli %scan3A_92, %mul3A_125 : i32
        %add3A_127 = arith.constant 4 : i32
        %add3A_128 = arith.addi %mul3A_126, %add3A_127 : i32
        %mul3A_129 = arith.constant 16 : i32
        %mul3A_130 = arith.muli %add3A_128, %mul3A_129 : i32
        %swap3A_131 = arith.index_cast %mul3A_130 : i32 to index
        %swap3A_132 = tpu.vector_load %arg6[%swap3A_131] {strides = array<i32>} : memref<32768xf32, #tpu.memory_space<vmem>>, vector<16xf32>,
        tpu.vector_store %arg6[%swap3A_131], %broadcast_in_dim3A_5 {strides = array<i32>} : memref<32768xf32, #tpu.memory_space<vmem>>, vector<16xf32>,
        %mul3A_133 = arith.constant 16 : i32
        %mul3A_134 = arith.muli %scan3A_92, %mul3A_133 : i32
        %add3A_135 = arith.constant 5 : i32
        %add3A_136 = arith.addi %mul3A_134, %add3A_135 : i32
        %mul3A_137 = arith.constant 16 : i32
        %mul3A_138 = arith.muli %add3A_136, %mul3A_137 : i32
        %swap3A_139 = arith.index_cast %mul3A_138 : i32 to index
        %swap3A_140 = tpu.vector_load %arg6[%swap3A_139] {strides = array<i32>} : memref<32768xf32, #tpu.memory_space<vmem>>, vector<16xf32>,
        tpu.vector_store %arg6[%swap3A_139], %broadcast_in_dim3A_5 {strides = array<i32>} : memref<32768xf32, #tpu.memory_space<vmem>>, vector<16xf32>,
        %mul3A_141 = arith.constant 16 : i32
        %mul3A_142 = arith.muli %scan3A_92, %mul3A_141 : i32
        %add3A_143 = arith.constant 6 : i32
        %add3A_144 = arith.addi %mul3A_142, %add3A_143 : i32
        %mul3A_145 = arith.constant 16 : i32
        %mul3A_146 = arith.muli %add3A_144, %mul3A_145 : i32
        %swap3A_147 = arith.index_cast %mul3A_146 : i32 to index
        %swap3A_148 = tpu.vector_load %arg6[%swap3A_147] {strides = array<i32>} : memref<32768xf32, #tpu.memory_space<vmem>>, vector<16xf32>,
        tpu.vector_store %arg6[%swap3A_147], %broadcast_in_dim3A_5 {strides = array<i32>} : memref<32768xf32, #tpu.memory_space<vmem>>, vector<16xf32>,
        %mul3A_149 = arith.constant 16 : i32
        %mul3A_150 = arith.muli %scan3A_92, %mul3A_149 : i32
        %add3A_151 = arith.constant 7 : i32
        %add3A_152 = arith.addi %mul3A_150, %add3A_151 : i32
        %mul3A_153 = arith.constant 16 : i32
        %mul3A_154 = arith.muli %add3A_152, %mul3A_153 : i32
        %swap3A_155 = arith.index_cast %mul3A_154 : i32 to index
        %swap3A_156 = tpu.vector_load %arg6[%swap3A_155] {strides = array<i32>} : memref<32768xf32, #tpu.memory_space<vmem>>, vector<16xf32>,
        tpu.vector_store %arg6[%swap3A_155], %broadcast_in_dim3A_5 {strides = array<i32>} : memref<32768xf32, #tpu.memory_space<vmem>>, vector<16xf32>,
        %mul3A_157 = arith.constant 16 : i32
        %mul3A_158 = arith.muli %scan3A_92, %mul3A_157 : i32
        %add3A_159 = arith.constant 8 : i32
        %add3A_160 = arith.addi %mul3A_158, %add3A_159 : i32
        %mul3A_161 = arith.constant 16 : i32
        %mul3A_162 = arith.muli %add3A_160, %mul3A_161 : i32
        %swap3A_163 = arith.index_cast %mul3A_162 : i32 to index
        %swap3A_164 = tpu.vector_load %arg6[%swap3A_163] {strides = array<i32>} : memref<32768xf32, #tpu.memory_space<vmem>>, vector<16xf32>,
        tpu.vector_store %arg6[%swap3A_163], %broadcast_in_dim3A_5 {strides = array<i32>} : memref<32768xf32, #tpu.memory_space<vmem>>, vector<16xf32>,
        %mul3A_165 = arith.constant 16 : i32
        %mul3A_166 = arith.muli %scan3A_92, %mul3A_165 : i32
        %add3A_167 = arith.constant 9 : i32
        %add3A_168 = arith.addi %mul3A_166, %add3A_167 : i32
        %mul3A_169 = arith.constant 16 : i32
        %mul3A_170 = arith.muli %add3A_168, %mul3A_169 : i32
        %swap3A_171 = arith.index_cast %mul3A_170 : i32 to index
        %swap3A_172 = tpu.vector_load %arg6[%swap3A_171] {strides = array<i32>} : memref<32768xf32, #tpu.memory_space<vmem>>, vector<16xf32>,
        tpu.vector_store %arg6[%swap3A_171], %broadcast_in_dim3A_5 {strides = array<i32>} : memref<32768xf32, #tpu.memory_space<vmem>>, vector<16xf32>,
        %mul3A_173 = arith.constant 16 : i32
        %mul3A_174 = arith.muli %scan3A_92, %mul3A_173 : i32
        %add3A_175 = arith.constant 10 : i32
        %add3A_176 = arith.addi %mul3A_174, %add3A_175 : i32
        %mul3A_177 = arith.constant 16 : i32
        %mul3A_178 = arith.muli %add3A_176, %mul3A_177 : i32
        %swap3A_179 = arith.index_cast %mul3A_178 : i32 to index
        %swap3A_180 = tpu.vector_load %arg6[%swap3A_179] {strides = array<i32>} : memref<32768xf32, #tpu.memory_space<vmem>>, vector<16xf32>,
        tpu.vector_store %arg6[%swap3A_179], %broadcast_in_dim3A_5 {strides = array<i32>} : memref<32768xf32, #tpu.memory_space<vmem>>, vector<16xf32>,
        %mul3A_181 = arith.constant 16 : i32
        %mul3A_182 = arith.muli %scan3A_92, %mul3A_181 : i32
        %add3A_183 = arith.constant 11 : i32
        %add3A_184 = arith.addi %mul3A_182, %add3A_183 : i32
        %mul3A_185 = arith.constant 16 : i32
        %mul3A_186 = arith.muli %add3A_184, %mul3A_185 : i32
        %swap3A_187 = arith.index_cast %mul3A_186 : i32 to index
        %swap3A_188 = tpu.vector_load %arg6[%swap3A_187] {strides = array<i32>} : memref<32768xf32, #tpu.memory_space<vmem>>, vector<16xf32>,
        tpu.vector_store %arg6[%swap3A_187], %broadcast_in_dim3A_5 {strides = array<i32>} : memref<32768xf32, #tpu.memory_space<vmem>>, vector<16xf32>,
        %mul3A_189 = arith.constant 16 : i32
        %mul3A_190 = arith.muli %scan3A_92, %mul3A_189 : i32
        %add3A_191 = arith.constant 12 : i32
        %add3A_192 = arith.addi %mul3A_190, %add3A_191 : i32
        %mul3A_193 = arith.constant 16 : i32
        %mul3A_194 = arith.muli %add3A_192, %mul3A_193 : i32
        %swap3A_195 = arith.index_cast %mul3A_194 : i32 to index
        %swap3A_196 = tpu.vector_load %arg6[%swap3A_195] {strides = array<i32>} : memref<32768xf32, #tpu.memory_space<vmem>>, vector<16xf32>,
        tpu.vector_store %arg6[%swap3A_195], %broadcast_in_dim3A_5 {strides = array<i32>} : memref<32768xf32, #tpu.memory_space<vmem>>, vector<16xf32>,
        %mul3A_197 = arith.constant 16 : i32
        %mul3A_198 = arith.muli %scan3A_92, %mul3A_197 : i32
        %add3A_199 = arith.constant 13 : i32
        %add3A_200 = arith.addi %mul3A_198, %add3A_199 : i32
        %mul3A_201 = arith.constant 16 : i32
        %mul3A_202 = arith.muli %add3A_200, %mul3A_201 : i32
        %swap3A_203 = arith.index_cast %mul3A_202 : i32 to index
        %swap3A_204 = tpu.vector_load %arg6[%swap3A_203] {strides = array<i32>} : memref<32768xf32, #tpu.memory_space<vmem>>, vector<16xf32>,
        tpu.vector_store %arg6[%swap3A_203], %broadcast_in_dim3A_5 {strides = array<i32>} : memref<32768xf32, #tpu.memory_space<vmem>>, vector<16xf32>,
        %mul3A_205 = arith.constant 16 : i32
        %mul3A_206 = arith.muli %scan3A_92, %mul3A_205 : i32
        %add3A_207 = arith.constant 14 : i32
        %add3A_208 = arith.addi %mul3A_206, %add3A_207 : i32
        %mul3A_209 = arith.constant 16 : i32
        %mul3A_210 = arith.muli %add3A_208, %mul3A_209 : i32
        %swap3A_211 = arith.index_cast %mul3A_210 : i32 to index
        %swap3A_212 = tpu.vector_load %arg6[%swap3A_211] {strides = array<i32>} : memref<32768xf32, #tpu.memory_space<vmem>>, vector<16xf32>,
        tpu.vector_store %arg6[%swap3A_211], %broadcast_in_dim3A_5 {strides = array<i32>} : memref<32768xf32, #tpu.memory_space<vmem>>, vector<16xf32>,
        %mul3A_213 = arith.constant 16 : i32
        %mul3A_214 = arith.muli %scan3A_92, %mul3A_213 : i32
        %add3A_215 = arith.constant 15 : i32
        %add3A_216 = arith.addi %mul3A_214, %add3A_215 : i32
        %mul3A_217 = arith.constant 16 : i32
        %mul3A_218 = arith.muli %add3A_216, %mul3A_217 : i32
        %swap3A_219 = arith.index_cast %mul3A_218 : i32 to index
        %swap3A_220 = tpu.vector_load %arg6[%swap3A_219] {strides = array<i32>} : memref<32768xf32, #tpu.memory_space<vmem>>, vector<16xf32>,
        tpu.vector_store %arg6[%swap3A_219], %broadcast_in_dim3A_5 {strides = array<i32>} : memref<32768xf32, #tpu.memory_space<vmem>>, vector<16xf32>,
      }
      %scan3A_19 = arith.constant 128 : i32
      %scan3A_20 = arith.constant 0 : i32
      %scan3A_21 = arith.constant 0 : i32
      %scan3A_22 = arith.constant 96 : i32
      %scan3A_23 = arith.addi %scan3A_21, %scan3A_22 : i32
      %scan3A_24 = arith.constant 1 : i32
      scf.for %scan3A_92 = %scan3A_21 to %scan3A_23 step %scan3A_24  : i32 {
        %mul3A_93 = arith.constant 16 : i32
        %mul3A_94 = arith.muli %scan3A_92, %mul3A_93 : i32
        %add3A_95 = arith.constant 0 : i32
        %add3A_96 = arith.addi %mul3A_94, %add3A_95 : i32
        %mul3A_97 = arith.constant 16 : i32
        %mul3A_98 = arith.muli %add3A_96, %mul3A_97 : i32
        %get3A_99 = arith.index_cast %mul3A_98 : i32 to index
        %get3A_100 = tpu.vector_load %arg5[%get3A_99] {strides = array<i32>} : memref<24576xf32, #tpu.memory_space<vmem>>, vector<16xf32>,
        %bitcast3A_101 = vector.bitcast %get3A_100 : vector<16xf32> to vector<16xi32>
        %shift_right_logical3A = arith.constant 20 : i32
        %shift_right_logical3A_102 = vector.broadcast %shift_right_logical3A : i32 to vector<16xi32>
        %shift_right_logical3A_103 = arith.shrui %bitcast3A_101, %shift_right_logical3A_102 : vector<16xi32>
        %mul3A_104 = arith.constant 16 : i32
        %mul3A_105 = vector.broadcast %mul3A_104 : i32 to vector<16xi32>
        %mul3A_106 = arith.muli %shift_right_logical3A_103, %mul3A_105 : vector<16xi32>
        %add3A_107 = arith.addi %mul3A_106, %iota3A : vector<16xi32>
        tpu.vector_store_idx %arg6[%add3A_107], %broadcast_in_dim3A_3 {add = true} : memref<32768xf32, #tpu.memory_space<vmem>>[vector<16xi32>], vector<16xf32>,
        %mul3A_108 = arith.constant 16 : i32
        %mul3A_109 = arith.muli %scan3A_92, %mul3A_108 : i32
        %add3A_110 = arith.constant 1 : i32
        %add3A_111 = arith.addi %mul3A_109, %add3A_110 : i32
        %mul3A_112 = arith.constant 16 : i32
        %mul3A_113 = arith.muli %add3A_111, %mul3A_112 : i32
        %get3A_114 = arith.index_cast %mul3A_113 : i32 to index
        %get3A_115 = tpu.vector_load %arg5[%get3A_114] {strides = array<i32>} : memref<24576xf32, #tpu.memory_space<vmem>>, vector<16xf32>,
        %bitcast3A_116 = vector.bitcast %get3A_115 : vector<16xf32> to vector<16xi32>
        %shift_right_logical3A_117 = arith.constant 20 : i32
        %shift_right_logical3A_118 = vector.broadcast %shift_right_logical3A_117 : i32 to vector<16xi32>
        %shift_right_logical3A_119 = arith.shrui %bitcast3A_116, %shift_right_logical3A_118 : vector<16xi32>
        %mul3A_120 = arith.constant 16 : i32
        %mul3A_121 = vector.broadcast %mul3A_120 : i32 to vector<16xi32>
        %mul3A_122 = arith.muli %shift_right_logical3A_119, %mul3A_121 : vector<16xi32>
        %add3A_123 = arith.addi %mul3A_122, %iota3A : vector<16xi32>
        tpu.vector_store_idx %arg6[%add3A_123], %broadcast_in_dim3A_3 {add = true} : memref<32768xf32, #tpu.memory_space<vmem>>[vector<16xi32>], vector<16xf32>,
        %mul3A_124 = arith.constant 16 : i32
        %mul3A_125 = arith.muli %scan3A_92, %mul3A_124 : i32
        %add3A_126 = arith.constant 2 : i32
        %add3A_127 = arith.addi %mul3A_125, %add3A_126 : i32
        %mul3A_128 = arith.constant 16 : i32
        %mul3A_129 = arith.muli %add3A_127, %mul3A_128 : i32
        %get3A_130 = arith.index_cast %mul3A_129 : i32 to index
        %get3A_131 = tpu.vector_load %arg5[%get3A_130] {strides = array<i32>} : memref<24576xf32, #tpu.memory_space<vmem>>, vector<16xf32>,
        %bitcast3A_132 = vector.bitcast %get3A_131 : vector<16xf32> to vector<16xi32>
        %shift_right_logical3A_133 = arith.constant 20 : i32
        %shift_right_logical3A_134 = vector.broadcast %shift_right_logical3A_133 : i32 to vector<16xi32>
        %shift_right_logical3A_135 = arith.shrui %bitcast3A_132, %shift_right_logical3A_134 : vector<16xi32>
        %mul3A_136 = arith.constant 16 : i32
        %mul3A_137 = vector.broadcast %mul3A_136 : i32 to vector<16xi32>
        %mul3A_138 = arith.muli %shift_right_logical3A_135, %mul3A_137 : vector<16xi32>
        %add3A_139 = arith.addi %mul3A_138, %iota3A : vector<16xi32>
        tpu.vector_store_idx %arg6[%add3A_139], %broadcast_in_dim3A_3 {add = true} : memref<32768xf32, #tpu.memory_space<vmem>>[vector<16xi32>], vector<16xf32>,
        %mul3A_140 = arith.constant 16 : i32
        %mul3A_141 = arith.muli %scan3A_92, %mul3A_140 : i32
        %add3A_142 = arith.constant 3 : i32
        %add3A_143 = arith.addi %mul3A_141, %add3A_142 : i32
        %mul3A_144 = arith.constant 16 : i32
        %mul3A_145 = arith.muli %add3A_143, %mul3A_144 : i32
        %get3A_146 = arith.index_cast %mul3A_145 : i32 to index
        %get3A_147 = tpu.vector_load %arg5[%get3A_146] {strides = array<i32>} : memref<24576xf32, #tpu.memory_space<vmem>>, vector<16xf32>,
        %bitcast3A_148 = vector.bitcast %get3A_147 : vector<16xf32> to vector<16xi32>
        %shift_right_logical3A_149 = arith.constant 20 : i32
        %shift_right_logical3A_150 = vector.broadcast %shift_right_logical3A_149 : i32 to vector<16xi32>
        %shift_right_logical3A_151 = arith.shrui %bitcast3A_148, %shift_right_logical3A_150 : vector<16xi32>
        %mul3A_152 = arith.constant 16 : i32
        %mul3A_153 = vector.broadcast %mul3A_152 : i32 to vector<16xi32>
        %mul3A_154 = arith.muli %shift_right_logical3A_151, %mul3A_153 : vector<16xi32>
        %add3A_155 = arith.addi %mul3A_154, %iota3A : vector<16xi32>
        tpu.vector_store_idx %arg6[%add3A_155], %broadcast_in_dim3A_3 {add = true} : memref<32768xf32, #tpu.memory_space<vmem>>[vector<16xi32>], vector<16xf32>,
        %mul3A_156 = arith.constant 16 : i32
        %mul3A_157 = arith.muli %scan3A_92, %mul3A_156 : i32
        %add3A_158 = arith.constant 4 : i32
        %add3A_159 = arith.addi %mul3A_157, %add3A_158 : i32
        %mul3A_160 = arith.constant 16 : i32
        %mul3A_161 = arith.muli %add3A_159, %mul3A_160 : i32
        %get3A_162 = arith.index_cast %mul3A_161 : i32 to index
        %get3A_163 = tpu.vector_load %arg5[%get3A_162] {strides = array<i32>} : memref<24576xf32, #tpu.memory_space<vmem>>, vector<16xf32>,
        %bitcast3A_164 = vector.bitcast %get3A_163 : vector<16xf32> to vector<16xi32>
        %shift_right_logical3A_165 = arith.constant 20 : i32
        %shift_right_logical3A_166 = vector.broadcast %shift_right_logical3A_165 : i32 to vector<16xi32>
        %shift_right_logical3A_167 = arith.shrui %bitcast3A_164, %shift_right_logical3A_166 : vector<16xi32>
        %mul3A_168 = arith.constant 16 : i32
        %mul3A_169 = vector.broadcast %mul3A_168 : i32 to vector<16xi32>
        %mul3A_170 = arith.muli %shift_right_logical3A_167, %mul3A_169 : vector<16xi32>
        %add3A_171 = arith.addi %mul3A_170, %iota3A : vector<16xi32>
        tpu.vector_store_idx %arg6[%add3A_171], %broadcast_in_dim3A_3 {add = true} : memref<32768xf32, #tpu.memory_space<vmem>>[vector<16xi32>], vector<16xf32>,
        %mul3A_172 = arith.constant 16 : i32
        %mul3A_173 = arith.muli %scan3A_92, %mul3A_172 : i32
        %add3A_174 = arith.constant 5 : i32
        %add3A_175 = arith.addi %mul3A_173, %add3A_174 : i32
        %mul3A_176 = arith.constant 16 : i32
        %mul3A_177 = arith.muli %add3A_175, %mul3A_176 : i32
        %get3A_178 = arith.index_cast %mul3A_177 : i32 to index
        %get3A_179 = tpu.vector_load %arg5[%get3A_178] {strides = array<i32>} : memref<24576xf32, #tpu.memory_space<vmem>>, vector<16xf32>,
        %bitcast3A_180 = vector.bitcast %get3A_179 : vector<16xf32> to vector<16xi32>
        %shift_right_logical3A_181 = arith.constant 20 : i32
        %shift_right_logical3A_182 = vector.broadcast %shift_right_logical3A_181 : i32 to vector<16xi32>
        %shift_right_logical3A_183 = arith.shrui %bitcast3A_180, %shift_right_logical3A_182 : vector<16xi32>
        %mul3A_184 = arith.constant 16 : i32
        %mul3A_185 = vector.broadcast %mul3A_184 : i32 to vector<16xi32>
        %mul3A_186 = arith.muli %shift_right_logical3A_183, %mul3A_185 : vector<16xi32>
        %add3A_187 = arith.addi %mul3A_186, %iota3A : vector<16xi32>
        tpu.vector_store_idx %arg6[%add3A_187], %broadcast_in_dim3A_3 {add = true} : memref<32768xf32, #tpu.memory_space<vmem>>[vector<16xi32>], vector<16xf32>,
        %mul3A_188 = arith.constant 16 : i32
        %mul3A_189 = arith.muli %scan3A_92, %mul3A_188 : i32
        %add3A_190 = arith.constant 6 : i32
        %add3A_191 = arith.addi %mul3A_189, %add3A_190 : i32
        %mul3A_192 = arith.constant 16 : i32
        %mul3A_193 = arith.muli %add3A_191, %mul3A_192 : i32
        %get3A_194 = arith.index_cast %mul3A_193 : i32 to index
        %get3A_195 = tpu.vector_load %arg5[%get3A_194] {strides = array<i32>} : memref<24576xf32, #tpu.memory_space<vmem>>, vector<16xf32>,
        %bitcast3A_196 = vector.bitcast %get3A_195 : vector<16xf32> to vector<16xi32>
        %shift_right_logical3A_197 = arith.constant 20 : i32
        %shift_right_logical3A_198 = vector.broadcast %shift_right_logical3A_197 : i32 to vector<16xi32>
        %shift_right_logical3A_199 = arith.shrui %bitcast3A_196, %shift_right_logical3A_198 : vector<16xi32>
        %mul3A_200 = arith.constant 16 : i32
        %mul3A_201 = vector.broadcast %mul3A_200 : i32 to vector<16xi32>
        %mul3A_202 = arith.muli %shift_right_logical3A_199, %mul3A_201 : vector<16xi32>
        %add3A_203 = arith.addi %mul3A_202, %iota3A : vector<16xi32>
        tpu.vector_store_idx %arg6[%add3A_203], %broadcast_in_dim3A_3 {add = true} : memref<32768xf32, #tpu.memory_space<vmem>>[vector<16xi32>], vector<16xf32>,
        %mul3A_204 = arith.constant 16 : i32
        %mul3A_205 = arith.muli %scan3A_92, %mul3A_204 : i32
        %add3A_206 = arith.constant 7 : i32
        %add3A_207 = arith.addi %mul3A_205, %add3A_206 : i32
        %mul3A_208 = arith.constant 16 : i32
        %mul3A_209 = arith.muli %add3A_207, %mul3A_208 : i32
        %get3A_210 = arith.index_cast %mul3A_209 : i32 to index
        %get3A_211 = tpu.vector_load %arg5[%get3A_210] {strides = array<i32>} : memref<24576xf32, #tpu.memory_space<vmem>>, vector<16xf32>,
        %bitcast3A_212 = vector.bitcast %get3A_211 : vector<16xf32> to vector<16xi32>
        %shift_right_logical3A_213 = arith.constant 20 : i32
        %shift_right_logical3A_214 = vector.broadcast %shift_right_logical3A_213 : i32 to vector<16xi32>
        %shift_right_logical3A_215 = arith.shrui %bitcast3A_212, %shift_right_logical3A_214 : vector<16xi32>
        %mul3A_216 = arith.constant 16 : i32
        %mul3A_217 = vector.broadcast %mul3A_216 : i32 to vector<16xi32>
        %mul3A_218 = arith.muli %shift_right_logical3A_215, %mul3A_217 : vector<16xi32>
        %add3A_219 = arith.addi %mul3A_218, %iota3A : vector<16xi32>
        tpu.vector_store_idx %arg6[%add3A_219], %broadcast_in_dim3A_3 {add = true} : memref<32768xf32, #tpu.memory_space<vmem>>[vector<16xi32>], vector<16xf32>,
        %mul3A_220 = arith.constant 16 : i32
        %mul3A_221 = arith.muli %scan3A_92, %mul3A_220 : i32
        %add3A_222 = arith.constant 8 : i32
        %add3A_223 = arith.addi %mul3A_221, %add3A_222 : i32
        %mul3A_224 = arith.constant 16 : i32
        %mul3A_225 = arith.muli %add3A_223, %mul3A_224 : i32
        %get3A_226 = arith.index_cast %mul3A_225 : i32 to index
        %get3A_227 = tpu.vector_load %arg5[%get3A_226] {strides = array<i32>} : memref<24576xf32, #tpu.memory_space<vmem>>, vector<16xf32>,
        %bitcast3A_228 = vector.bitcast %get3A_227 : vector<16xf32> to vector<16xi32>
        %shift_right_logical3A_229 = arith.constant 20 : i32
        %shift_right_logical3A_230 = vector.broadcast %shift_right_logical3A_229 : i32 to vector<16xi32>
        %shift_right_logical3A_231 = arith.shrui %bitcast3A_228, %shift_right_logical3A_230 : vector<16xi32>
        %mul3A_232 = arith.constant 16 : i32
        %mul3A_233 = vector.broadcast %mul3A_232 : i32 to vector<16xi32>
        %mul3A_234 = arith.muli %shift_right_logical3A_231, %mul3A_233 : vector<16xi32>
        %add3A_235 = arith.addi %mul3A_234, %iota3A : vector<16xi32>
        tpu.vector_store_idx %arg6[%add3A_235], %broadcast_in_dim3A_3 {add = true} : memref<32768xf32, #tpu.memory_space<vmem>>[vector<16xi32>], vector<16xf32>,
        %mul3A_236 = arith.constant 16 : i32
        %mul3A_237 = arith.muli %scan3A_92, %mul3A_236 : i32
        %add3A_238 = arith.constant 9 : i32
        %add3A_239 = arith.addi %mul3A_237, %add3A_238 : i32
        %mul3A_240 = arith.constant 16 : i32
        %mul3A_241 = arith.muli %add3A_239, %mul3A_240 : i32
        %get3A_242 = arith.index_cast %mul3A_241 : i32 to index
        %get3A_243 = tpu.vector_load %arg5[%get3A_242] {strides = array<i32>} : memref<24576xf32, #tpu.memory_space<vmem>>, vector<16xf32>,
        %bitcast3A_244 = vector.bitcast %get3A_243 : vector<16xf32> to vector<16xi32>
        %shift_right_logical3A_245 = arith.constant 20 : i32
        %shift_right_logical3A_246 = vector.broadcast %shift_right_logical3A_245 : i32 to vector<16xi32>
        %shift_right_logical3A_247 = arith.shrui %bitcast3A_244, %shift_right_logical3A_246 : vector<16xi32>
        %mul3A_248 = arith.constant 16 : i32
        %mul3A_249 = vector.broadcast %mul3A_248 : i32 to vector<16xi32>
        %mul3A_250 = arith.muli %shift_right_logical3A_247, %mul3A_249 : vector<16xi32>
        %add3A_251 = arith.addi %mul3A_250, %iota3A : vector<16xi32>
        tpu.vector_store_idx %arg6[%add3A_251], %broadcast_in_dim3A_3 {add = true} : memref<32768xf32, #tpu.memory_space<vmem>>[vector<16xi32>], vector<16xf32>,
        %mul3A_252 = arith.constant 16 : i32
        %mul3A_253 = arith.muli %scan3A_92, %mul3A_252 : i32
        %add3A_254 = arith.constant 10 : i32
        %add3A_255 = arith.addi %mul3A_253, %add3A_254 : i32
        %mul3A_256 = arith.constant 16 : i32
        %mul3A_257 = arith.muli %add3A_255, %mul3A_256 : i32
        %get3A_258 = arith.index_cast %mul3A_257 : i32 to index
        %get3A_259 = tpu.vector_load %arg5[%get3A_258] {strides = array<i32>} : memref<24576xf32, #tpu.memory_space<vmem>>, vector<16xf32>,
        %bitcast3A_260 = vector.bitcast %get3A_259 : vector<16xf32> to vector<16xi32>
        %shift_right_logical3A_261 = arith.constant 20 : i32
        %shift_right_logical3A_262 = vector.broadcast %shift_right_logical3A_261 : i32 to vector<16xi32>
        %shift_right_logical3A_263 = arith.shrui %bitcast3A_260, %shift_right_logical3A_262 : vector<16xi32>
        %mul3A_264 = arith.constant 16 : i32
        %mul3A_265 = vector.broadcast %mul3A_264 : i32 to vector<16xi32>
        %mul3A_266 = arith.muli %shift_right_logical3A_263, %mul3A_265 : vector<16xi32>
        %add3A_267 = arith.addi %mul3A_266, %iota3A : vector<16xi32>
        tpu.vector_store_idx %arg6[%add3A_267], %broadcast_in_dim3A_3 {add = true} : memref<32768xf32, #tpu.memory_space<vmem>>[vector<16xi32>], vector<16xf32>,
        %mul3A_268 = arith.constant 16 : i32
        %mul3A_269 = arith.muli %scan3A_92, %mul3A_268 : i32
        %add3A_270 = arith.constant 11 : i32
        %add3A_271 = arith.addi %mul3A_269, %add3A_270 : i32
        %mul3A_272 = arith.constant 16 : i32
        %mul3A_273 = arith.muli %add3A_271, %mul3A_272 : i32
        %get3A_274 = arith.index_cast %mul3A_273 : i32 to index
        %get3A_275 = tpu.vector_load %arg5[%get3A_274] {strides = array<i32>} : memref<24576xf32, #tpu.memory_space<vmem>>, vector<16xf32>,
        %bitcast3A_276 = vector.bitcast %get3A_275 : vector<16xf32> to vector<16xi32>
        %shift_right_logical3A_277 = arith.constant 20 : i32
        %shift_right_logical3A_278 = vector.broadcast %shift_right_logical3A_277 : i32 to vector<16xi32>
        %shift_right_logical3A_279 = arith.shrui %bitcast3A_276, %shift_right_logical3A_278 : vector<16xi32>
        %mul3A_280 = arith.constant 16 : i32
        %mul3A_281 = vector.broadcast %mul3A_280 : i32 to vector<16xi32>
        %mul3A_282 = arith.muli %shift_right_logical3A_279, %mul3A_281 : vector<16xi32>
        %add3A_283 = arith.addi %mul3A_282, %iota3A : vector<16xi32>
        tpu.vector_store_idx %arg6[%add3A_283], %broadcast_in_dim3A_3 {add = true} : memref<32768xf32, #tpu.memory_space<vmem>>[vector<16xi32>], vector<16xf32>,
        %mul3A_284 = arith.constant 16 : i32
        %mul3A_285 = arith.muli %scan3A_92, %mul3A_284 : i32
        %add3A_286 = arith.constant 12 : i32
        %add3A_287 = arith.addi %mul3A_285, %add3A_286 : i32
        %mul3A_288 = arith.constant 16 : i32
        %mul3A_289 = arith.muli %add3A_287, %mul3A_288 : i32
        %get3A_290 = arith.index_cast %mul3A_289 : i32 to index
        %get3A_291 = tpu.vector_load %arg5[%get3A_290] {strides = array<i32>} : memref<24576xf32, #tpu.memory_space<vmem>>, vector<16xf32>,
        %bitcast3A_292 = vector.bitcast %get3A_291 : vector<16xf32> to vector<16xi32>
        %shift_right_logical3A_293 = arith.constant 20 : i32
        %shift_right_logical3A_294 = vector.broadcast %shift_right_logical3A_293 : i32 to vector<16xi32>
        %shift_right_logical3A_295 = arith.shrui %bitcast3A_292, %shift_right_logical3A_294 : vector<16xi32>
        %mul3A_296 = arith.constant 16 : i32
        %mul3A_297 = vector.broadcast %mul3A_296 : i32 to vector<16xi32>
        %mul3A_298 = arith.muli %shift_right_logical3A_295, %mul3A_297 : vector<16xi32>
        %add3A_299 = arith.addi %mul3A_298, %iota3A : vector<16xi32>
        tpu.vector_store_idx %arg6[%add3A_299], %broadcast_in_dim3A_3 {add = true} : memref<32768xf32, #tpu.memory_space<vmem>>[vector<16xi32>], vector<16xf32>,
        %mul3A_300 = arith.constant 16 : i32
        %mul3A_301 = arith.muli %scan3A_92, %mul3A_300 : i32
        %add3A_302 = arith.constant 13 : i32
        %add3A_303 = arith.addi %mul3A_301, %add3A_302 : i32
        %mul3A_304 = arith.constant 16 : i32
        %mul3A_305 = arith.muli %add3A_303, %mul3A_304 : i32
        %get3A_306 = arith.index_cast %mul3A_305 : i32 to index
        %get3A_307 = tpu.vector_load %arg5[%get3A_306] {strides = array<i32>} : memref<24576xf32, #tpu.memory_space<vmem>>, vector<16xf32>,
        %bitcast3A_308 = vector.bitcast %get3A_307 : vector<16xf32> to vector<16xi32>
        %shift_right_logical3A_309 = arith.constant 20 : i32
        %shift_right_logical3A_310 = vector.broadcast %shift_right_logical3A_309 : i32 to vector<16xi32>
        %shift_right_logical3A_311 = arith.shrui %bitcast3A_308, %shift_right_logical3A_310 : vector<16xi32>
        %mul3A_312 = arith.constant 16 : i32
        %mul3A_313 = vector.broadcast %mul3A_312 : i32 to vector<16xi32>
        %mul3A_314 = arith.muli %shift_right_logical3A_311, %mul3A_313 : vector<16xi32>
        %add3A_315 = arith.addi %mul3A_314, %iota3A : vector<16xi32>
        tpu.vector_store_idx %arg6[%add3A_315], %broadcast_in_dim3A_3 {add = true} : memref<32768xf32, #tpu.memory_space<vmem>>[vector<16xi32>], vector<16xf32>,
        %mul3A_316 = arith.constant 16 : i32
        %mul3A_317 = arith.muli %scan3A_92, %mul3A_316 : i32
        %add3A_318 = arith.constant 14 : i32
        %add3A_319 = arith.addi %mul3A_317, %add3A_318 : i32
        %mul3A_320 = arith.constant 16 : i32
        %mul3A_321 = arith.muli %add3A_319, %mul3A_320 : i32
        %get3A_322 = arith.index_cast %mul3A_321 : i32 to index
        %get3A_323 = tpu.vector_load %arg5[%get3A_322] {strides = array<i32>} : memref<24576xf32, #tpu.memory_space<vmem>>, vector<16xf32>,
        %bitcast3A_324 = vector.bitcast %get3A_323 : vector<16xf32> to vector<16xi32>
        %shift_right_logical3A_325 = arith.constant 20 : i32
        %shift_right_logical3A_326 = vector.broadcast %shift_right_logical3A_325 : i32 to vector<16xi32>
        %shift_right_logical3A_327 = arith.shrui %bitcast3A_324, %shift_right_logical3A_326 : vector<16xi32>
        %mul3A_328 = arith.constant 16 : i32
        %mul3A_329 = vector.broadcast %mul3A_328 : i32 to vector<16xi32>
        %mul3A_330 = arith.muli %shift_right_logical3A_327, %mul3A_329 : vector<16xi32>
        %add3A_331 = arith.addi %mul3A_330, %iota3A : vector<16xi32>
        tpu.vector_store_idx %arg6[%add3A_331], %broadcast_in_dim3A_3 {add = true} : memref<32768xf32, #tpu.memory_space<vmem>>[vector<16xi32>], vector<16xf32>,
        %mul3A_332 = arith.constant 16 : i32
        %mul3A_333 = arith.muli %scan3A_92, %mul3A_332 : i32
        %add3A_334 = arith.constant 15 : i32
        %add3A_335 = arith.addi %mul3A_333, %add3A_334 : i32
        %mul3A_336 = arith.constant 16 : i32
        %mul3A_337 = arith.muli %add3A_335, %mul3A_336 : i32
        %get3A_338 = arith.index_cast %mul3A_337 : i32 to index
        %get3A_339 = tpu.vector_load %arg5[%get3A_338] {strides = array<i32>} : memref<24576xf32, #tpu.memory_space<vmem>>, vector<16xf32>,
        %bitcast3A_340 = vector.bitcast %get3A_339 : vector<16xf32> to vector<16xi32>
        %shift_right_logical3A_341 = arith.constant 20 : i32
        %shift_right_logical3A_342 = vector.broadcast %shift_right_logical3A_341 : i32 to vector<16xi32>
        %shift_right_logical3A_343 = arith.shrui %bitcast3A_340, %shift_right_logical3A_342 : vector<16xi32>
        %mul3A_344 = arith.constant 16 : i32
        %mul3A_345 = vector.broadcast %mul3A_344 : i32 to vector<16xi32>
        %mul3A_346 = arith.muli %shift_right_logical3A_343, %mul3A_345 : vector<16xi32>
        %add3A_347 = arith.addi %mul3A_346, %iota3A : vector<16xi32>
        tpu.vector_store_idx %arg6[%add3A_347], %broadcast_in_dim3A_3 {add = true} : memref<32768xf32, #tpu.memory_space<vmem>>[vector<16xi32>], vector<16xf32>,
      }
      %scan3A_25 = arith.constant 96 : i32
      %scan3A_26 = arith.constant 0.000000e+00 : f32
      %scan3A_27 = arith.constant 0.000000e+00 : f32
      %scan3A_28 = arith.constant 0 : i32
      %scan3A_29 = arith.constant 0 : i32
      %scan3A_30 = arith.constant 0 : i32
      %scan3A_31 = arith.constant 128 : i32
      %scan3A_32 = arith.addi %scan3A_30, %scan3A_31 : i32
      %scan3A_33 = arith.constant 1 : i32
      %scan3A_34:4 = scf.for %scan3A_92 = %scan3A_30 to %scan3A_32 step %scan3A_33 iter_args(%scan3A_93 = %scan3A_26, %scan3A_94 = %scan3A_27, %scan3A_95 = %scan3A_28, %scan3A_96 = %scan3A_29) -> (f32, f32, i32, i32)  : i32 {
        %sub3A_97 = arith.constant 127 : i32
        %sub3A_98 = arith.subi %sub3A_97, %scan3A_92 : i32
        %mul3A_99 = arith.constant 16 : i32
        %mul3A_100 = arith.muli %sub3A_98, %mul3A_99 : i32
        %add3A_101 = vector.broadcast %mul3A_100 : i32 to vector<16xi32>
        %add3A_102 = arith.addi %add3A_101, %iota3A : vector<16xi32>
        %mul3A_103 = arith.constant 16 : i32
        %mul3A_104 = vector.broadcast %mul3A_103 : i32 to vector<16xi32>
        %mul3A_105 = arith.muli %add3A_102, %mul3A_104 : vector<16xi32>
        %add3A_106 = arith.constant 0 : i32
        %add3A_107 = vector.broadcast %add3A_106 : i32 to vector<16xi32>
        %add3A_108 = arith.addi %mul3A_105, %add3A_107 : vector<16xi32>
        %gather3A = tpu.vector_load_idx %arg6[%add3A_108] : memref<32768xf32, #tpu.memory_space<vmem>>[vector<16xi32>], vector<16xf32>,
        %add3A_109 = arith.addf %broadcast_in_dim3A_5, %gather3A : vector<16xf32>
        %add3A_110 = vector.broadcast %mul3A_100 : i32 to vector<16xi32>
        %add3A_111 = arith.addi %add3A_110, %iota3A : vector<16xi32>
        %mul3A_112 = arith.constant 16 : i32
        %mul3A_113 = vector.broadcast %mul3A_112 : i32 to vector<16xi32>
        %mul3A_114 = arith.muli %add3A_111, %mul3A_113 : vector<16xi32>
        %add3A_115 = arith.constant 1 : i32
        %add3A_116 = vector.broadcast %add3A_115 : i32 to vector<16xi32>
        %add3A_117 = arith.addi %mul3A_114, %add3A_116 : vector<16xi32>
        %gather3A_118 = tpu.vector_load_idx %arg6[%add3A_117] : memref<32768xf32, #tpu.memory_space<vmem>>[vector<16xi32>], vector<16xf32>,
        %add3A_119 = arith.addf %add3A_109, %gather3A_118 : vector<16xf32>
        %add3A_120 = vector.broadcast %mul3A_100 : i32 to vector<16xi32>
        %add3A_121 = arith.addi %add3A_120, %iota3A : vector<16xi32>
        %mul3A_122 = arith.constant 16 : i32
        %mul3A_123 = vector.broadcast %mul3A_122 : i32 to vector<16xi32>
        %mul3A_124 = arith.muli %add3A_121, %mul3A_123 : vector<16xi32>
        %add3A_125 = arith.constant 2 : i32
        %add3A_126 = vector.broadcast %add3A_125 : i32 to vector<16xi32>
        %add3A_127 = arith.addi %mul3A_124, %add3A_126 : vector<16xi32>
        %gather3A_128 = tpu.vector_load_idx %arg6[%add3A_127] : memref<32768xf32, #tpu.memory_space<vmem>>[vector<16xi32>], vector<16xf32>,
        %add3A_129 = arith.addf %add3A_119, %gather3A_128 : vector<16xf32>
        %add3A_130 = vector.broadcast %mul3A_100 : i32 to vector<16xi32>
        %add3A_131 = arith.addi %add3A_130, %iota3A : vector<16xi32>
        %mul3A_132 = arith.constant 16 : i32
        %mul3A_133 = vector.broadcast %mul3A_132 : i32 to vector<16xi32>
        %mul3A_134 = arith.muli %add3A_131, %mul3A_133 : vector<16xi32>
        %add3A_135 = arith.constant 3 : i32
        %add3A_136 = vector.broadcast %add3A_135 : i32 to vector<16xi32>
        %add3A_137 = arith.addi %mul3A_134, %add3A_136 : vector<16xi32>
        %gather3A_138 = tpu.vector_load_idx %arg6[%add3A_137] : memref<32768xf32, #tpu.memory_space<vmem>>[vector<16xi32>], vector<16xf32>,
        %add3A_139 = arith.addf %add3A_129, %gather3A_138 : vector<16xf32>
        %add3A_140 = vector.broadcast %mul3A_100 : i32 to vector<16xi32>
        %add3A_141 = arith.addi %add3A_140, %iota3A : vector<16xi32>
        %mul3A_142 = arith.constant 16 : i32
        %mul3A_143 = vector.broadcast %mul3A_142 : i32 to vector<16xi32>
        %mul3A_144 = arith.muli %add3A_141, %mul3A_143 : vector<16xi32>
        %add3A_145 = arith.constant 4 : i32
        %add3A_146 = vector.broadcast %add3A_145 : i32 to vector<16xi32>
        %add3A_147 = arith.addi %mul3A_144, %add3A_146 : vector<16xi32>
        %gather3A_148 = tpu.vector_load_idx %arg6[%add3A_147] : memref<32768xf32, #tpu.memory_space<vmem>>[vector<16xi32>], vector<16xf32>,
        %add3A_149 = arith.addf %add3A_139, %gather3A_148 : vector<16xf32>
        %add3A_150 = vector.broadcast %mul3A_100 : i32 to vector<16xi32>
        %add3A_151 = arith.addi %add3A_150, %iota3A : vector<16xi32>
        %mul3A_152 = arith.constant 16 : i32
        %mul3A_153 = vector.broadcast %mul3A_152 : i32 to vector<16xi32>
        %mul3A_154 = arith.muli %add3A_151, %mul3A_153 : vector<16xi32>
        %add3A_155 = arith.constant 5 : i32
        %add3A_156 = vector.broadcast %add3A_155 : i32 to vector<16xi32>
        %add3A_157 = arith.addi %mul3A_154, %add3A_156 : vector<16xi32>
        %gather3A_158 = tpu.vector_load_idx %arg6[%add3A_157] : memref<32768xf32, #tpu.memory_space<vmem>>[vector<16xi32>], vector<16xf32>,
        %add3A_159 = arith.addf %add3A_149, %gather3A_158 : vector<16xf32>
        %add3A_160 = vector.broadcast %mul3A_100 : i32 to vector<16xi32>
        %add3A_161 = arith.addi %add3A_160, %iota3A : vector<16xi32>
        %mul3A_162 = arith.constant 16 : i32
        %mul3A_163 = vector.broadcast %mul3A_162 : i32 to vector<16xi32>
        %mul3A_164 = arith.muli %add3A_161, %mul3A_163 : vector<16xi32>
        %add3A_165 = arith.constant 6 : i32
        %add3A_166 = vector.broadcast %add3A_165 : i32 to vector<16xi32>
        %add3A_167 = arith.addi %mul3A_164, %add3A_166 : vector<16xi32>
        %gather3A_168 = tpu.vector_load_idx %arg6[%add3A_167] : memref<32768xf32, #tpu.memory_space<vmem>>[vector<16xi32>], vector<16xf32>,
        %add3A_169 = arith.addf %add3A_159, %gather3A_168 : vector<16xf32>
        %add3A_170 = vector.broadcast %mul3A_100 : i32 to vector<16xi32>
        %add3A_171 = arith.addi %add3A_170, %iota3A : vector<16xi32>
        %mul3A_172 = arith.constant 16 : i32
        %mul3A_173 = vector.broadcast %mul3A_172 : i32 to vector<16xi32>
        %mul3A_174 = arith.muli %add3A_171, %mul3A_173 : vector<16xi32>
        %add3A_175 = arith.constant 7 : i32
        %add3A_176 = vector.broadcast %add3A_175 : i32 to vector<16xi32>
        %add3A_177 = arith.addi %mul3A_174, %add3A_176 : vector<16xi32>
        %gather3A_178 = tpu.vector_load_idx %arg6[%add3A_177] : memref<32768xf32, #tpu.memory_space<vmem>>[vector<16xi32>], vector<16xf32>,
        %add3A_179 = arith.addf %add3A_169, %gather3A_178 : vector<16xf32>
        %add3A_180 = vector.broadcast %mul3A_100 : i32 to vector<16xi32>
        %add3A_181 = arith.addi %add3A_180, %iota3A : vector<16xi32>
        %mul3A_182 = arith.constant 16 : i32
        %mul3A_183 = vector.broadcast %mul3A_182 : i32 to vector<16xi32>
        %mul3A_184 = arith.muli %add3A_181, %mul3A_183 : vector<16xi32>
        %add3A_185 = arith.constant 8 : i32
        %add3A_186 = vector.broadcast %add3A_185 : i32 to vector<16xi32>
        %add3A_187 = arith.addi %mul3A_184, %add3A_186 : vector<16xi32>
        %gather3A_188 = tpu.vector_load_idx %arg6[%add3A_187] : memref<32768xf32, #tpu.memory_space<vmem>>[vector<16xi32>], vector<16xf32>,
        %add3A_189 = arith.addf %add3A_179, %gather3A_188 : vector<16xf32>
        %add3A_190 = vector.broadcast %mul3A_100 : i32 to vector<16xi32>
        %add3A_191 = arith.addi %add3A_190, %iota3A : vector<16xi32>
        %mul3A_192 = arith.constant 16 : i32
        %mul3A_193 = vector.broadcast %mul3A_192 : i32 to vector<16xi32>
        %mul3A_194 = arith.muli %add3A_191, %mul3A_193 : vector<16xi32>
        %add3A_195 = arith.constant 9 : i32
        %add3A_196 = vector.broadcast %add3A_195 : i32 to vector<16xi32>
        %add3A_197 = arith.addi %mul3A_194, %add3A_196 : vector<16xi32>
        %gather3A_198 = tpu.vector_load_idx %arg6[%add3A_197] : memref<32768xf32, #tpu.memory_space<vmem>>[vector<16xi32>], vector<16xf32>,
        %add3A_199 = arith.addf %add3A_189, %gather3A_198 : vector<16xf32>
        %add3A_200 = vector.broadcast %mul3A_100 : i32 to vector<16xi32>
        %add3A_201 = arith.addi %add3A_200, %iota3A : vector<16xi32>
        %mul3A_202 = arith.constant 16 : i32
        %mul3A_203 = vector.broadcast %mul3A_202 : i32 to vector<16xi32>
        %mul3A_204 = arith.muli %add3A_201, %mul3A_203 : vector<16xi32>
        %add3A_205 = arith.constant 10 : i32
        %add3A_206 = vector.broadcast %add3A_205 : i32 to vector<16xi32>
        %add3A_207 = arith.addi %mul3A_204, %add3A_206 : vector<16xi32>
        %gather3A_208 = tpu.vector_load_idx %arg6[%add3A_207] : memref<32768xf32, #tpu.memory_space<vmem>>[vector<16xi32>], vector<16xf32>,
        %add3A_209 = arith.addf %add3A_199, %gather3A_208 : vector<16xf32>
        %add3A_210 = vector.broadcast %mul3A_100 : i32 to vector<16xi32>
        %add3A_211 = arith.addi %add3A_210, %iota3A : vector<16xi32>
        %mul3A_212 = arith.constant 16 : i32
        %mul3A_213 = vector.broadcast %mul3A_212 : i32 to vector<16xi32>
        %mul3A_214 = arith.muli %add3A_211, %mul3A_213 : vector<16xi32>
        %add3A_215 = arith.constant 11 : i32
        %add3A_216 = vector.broadcast %add3A_215 : i32 to vector<16xi32>
        %add3A_217 = arith.addi %mul3A_214, %add3A_216 : vector<16xi32>
        %gather3A_218 = tpu.vector_load_idx %arg6[%add3A_217] : memref<32768xf32, #tpu.memory_space<vmem>>[vector<16xi32>], vector<16xf32>,
        %add3A_219 = arith.addf %add3A_209, %gather3A_218 : vector<16xf32>
        %add3A_220 = vector.broadcast %mul3A_100 : i32 to vector<16xi32>
        %add3A_221 = arith.addi %add3A_220, %iota3A : vector<16xi32>
        %mul3A_222 = arith.constant 16 : i32
        %mul3A_223 = vector.broadcast %mul3A_222 : i32 to vector<16xi32>
        %mul3A_224 = arith.muli %add3A_221, %mul3A_223 : vector<16xi32>
        %add3A_225 = arith.constant 12 : i32
        %add3A_226 = vector.broadcast %add3A_225 : i32 to vector<16xi32>
        %add3A_227 = arith.addi %mul3A_224, %add3A_226 : vector<16xi32>
        %gather3A_228 = tpu.vector_load_idx %arg6[%add3A_227] : memref<32768xf32, #tpu.memory_space<vmem>>[vector<16xi32>], vector<16xf32>,
        %add3A_229 = arith.addf %add3A_219, %gather3A_228 : vector<16xf32>
        %add3A_230 = vector.broadcast %mul3A_100 : i32 to vector<16xi32>
        %add3A_231 = arith.addi %add3A_230, %iota3A : vector<16xi32>
        %mul3A_232 = arith.constant 16 : i32
        %mul3A_233 = vector.broadcast %mul3A_232 : i32 to vector<16xi32>
        %mul3A_234 = arith.muli %add3A_231, %mul3A_233 : vector<16xi32>
        %add3A_235 = arith.constant 13 : i32
        %add3A_236 = vector.broadcast %add3A_235 : i32 to vector<16xi32>
        %add3A_237 = arith.addi %mul3A_234, %add3A_236 : vector<16xi32>
        %gather3A_238 = tpu.vector_load_idx %arg6[%add3A_237] : memref<32768xf32, #tpu.memory_space<vmem>>[vector<16xi32>], vector<16xf32>,
        %add3A_239 = arith.addf %add3A_229, %gather3A_238 : vector<16xf32>
        %add3A_240 = vector.broadcast %mul3A_100 : i32 to vector<16xi32>
        %add3A_241 = arith.addi %add3A_240, %iota3A : vector<16xi32>
        %mul3A_242 = arith.constant 16 : i32
        %mul3A_243 = vector.broadcast %mul3A_242 : i32 to vector<16xi32>
        %mul3A_244 = arith.muli %add3A_241, %mul3A_243 : vector<16xi32>
        %add3A_245 = arith.constant 14 : i32
        %add3A_246 = vector.broadcast %add3A_245 : i32 to vector<16xi32>
        %add3A_247 = arith.addi %mul3A_244, %add3A_246 : vector<16xi32>
        %gather3A_248 = tpu.vector_load_idx %arg6[%add3A_247] : memref<32768xf32, #tpu.memory_space<vmem>>[vector<16xi32>], vector<16xf32>,
        %add3A_249 = arith.addf %add3A_239, %gather3A_248 : vector<16xf32>
        %add3A_250 = vector.broadcast %mul3A_100 : i32 to vector<16xi32>
        %add3A_251 = arith.addi %add3A_250, %iota3A : vector<16xi32>
        %mul3A_252 = arith.constant 16 : i32
        %mul3A_253 = vector.broadcast %mul3A_252 : i32 to vector<16xi32>
        %mul3A_254 = arith.muli %add3A_251, %mul3A_253 : vector<16xi32>
        %add3A_255 = arith.constant 15 : i32
        %add3A_256 = vector.broadcast %add3A_255 : i32 to vector<16xi32>
        %add3A_257 = arith.addi %mul3A_254, %add3A_256 : vector<16xi32>
        %gather3A_258 = tpu.vector_load_idx %arg6[%add3A_257] : memref<32768xf32, #tpu.memory_space<vmem>>[vector<16xi32>], vector<16xf32>,
        %add3A_259 = arith.addf %add3A_249, %gather3A_258 : vector<16xf32>
        %rev3A = arith.constant 15 : i32
        %rev3A_260 = vector.broadcast %rev3A : i32 to vector<16xi32>
        %rev3A_261 = tpu.iota {dimensions = array<i32: 0>} : vector<16xi32>
        %rev3A_262 = arith.subi %rev3A_260, %rev3A_261 : vector<16xi32>
        %rev3A_263 = tpu.dynamic_gather %add3A_259[%rev3A_262] in [0] : vector<16xf32>, vector<16xi32> -> vector<16xf32>
        %broadcast_in_dim3A_264 = arith.constant true
        %broadcast_in_dim3A_265 = vector.broadcast %broadcast_in_dim3A_264 : i1 to vector<16xi1>
        %masked_cumsum3A = tpu.scan <sum>, %rev3A_263 masked %broadcast_in_dim3A_265 : vector<16xf32>, vector<16xi1> -> vector<16xf32>
        %add3A_266 = vector.broadcast %scan3A_93 : f32 to vector<16xf32>
        %add3A_267 = arith.addf %add3A_266, %masked_cumsum3A : vector<16xf32>
        %ge3A = vector.broadcast %min3A_14 : f32 to vector<16xf32>
        %ge3A_268 = arith.cmpf oge, %add3A_267, %ge3A : vector<16xf32>
        %all_reduce_population_count3A = tpu.all_reduce %ge3A_268 {dim = 0 : i64, kind = #tpu.reduction_kind<sum>} : vector<16xi1> -> vector<16xi32>
        %slice3A_269 = vector.extract_strided_slice %all_reduce_population_count3A {offsets = [0], sizes = [1], strides = [1]} : vector<16xi32> to vector<1xi32>
        %squeeze3A_270 = vector.extract %slice3A_269[0] : i32 from vector<1xi32>
        %eq3A_271 = arith.constant 0 : i32
        %eq3A_272 = arith.cmpi eq, %scan3A_96, %eq3A_271 : i32
        %gt3A = arith.constant 0 : i32
        %gt3A_273 = arith.cmpi sgt, %squeeze3A_270, %gt3A : i32
        %and3A = arith.andi %eq3A_272, %gt3A_273 : i1
        %all_reduce_ffs3A = tpu.all_reduce %ge3A_268 {dim = 0 : i64, kind = #tpu.reduction_kind<find_first_set>} : vector<16xi1> -> vector<16xi32>
        %slice3A_274 = vector.extract_strided_slice %all_reduce_ffs3A {offsets = [0], sizes = [1], strides = [1]} : vector<16xi32> to vector<1xi32>
        %squeeze3A_275 = vector.extract %slice3A_274[0] : i32 from vector<1xi32>
        %eq3A_276 = vector.broadcast %squeeze3A_275 : i32 to vector<16xi32>
        %eq3A_277 = arith.cmpi eq, %iota3A, %eq3A_276 : vector<16xi32>
        %sub3A_278 = arith.subf %masked_cumsum3A, %rev3A_263 : vector<16xf32>
        %jit3A_279 = arith.constant 0.000000e+00 : f32
        %broadcast_in_dim3A_280 = vector.broadcast %jit3A_279 : f32 to vector<16xf32>
        %select_n3A_281 = arith.select %eq3A_277, %sub3A_278, %broadcast_in_dim3A_280 : vector<16xi1>, vector<16xf32>
        %reduce_sum3A_282 = arith.constant true
        %reduce_sum3A_283 = vector.broadcast %reduce_sum3A_282 : i1 to vector<16xi1>
        %reduce_sum3A_284 = tpu.scan <sum>, %select_n3A_281 masked %reduce_sum3A_283 : vector<16xf32>, vector<16xi1> -> vector<16xf32>
        %reduce_sum3A_285 = vector.extract %reduce_sum3A_284[15] : f32 from vector<16xf32>
        %add3A_286 = arith.constant 15 : i32
        %add3A_287 = arith.addi %mul3A_100, %add3A_286 : i32
        %sub3A_288 = arith.subi %add3A_287, %squeeze3A_275 : i32
        %select_n3A_289 = arith.select %and3A, %sub3A_288, %scan3A_95 : i32
        %add3A_290 = arith.addf %scan3A_93, %reduce_sum3A_285 : f32
        %select_n3A_291 = arith.select %and3A, %add3A_290, %scan3A_94 : f32
        %jit3A_292 = arith.constant 1 : i32
        %select_n3A_293 = arith.select %and3A, %jit3A_292, %scan3A_96 : i32
        %slice3A_294 = vector.extract_strided_slice %masked_cumsum3A {offsets = [15], sizes = [1], strides = [1]} : vector<16xf32> to vector<1xf32>
        %squeeze3A_295 = vector.extract %slice3A_294[0] : f32 from vector<1xf32>
        %add3A_296 = arith.addf %scan3A_93, %squeeze3A_295 : f32
        scf.yield %add3A_296, %select_n3A_291, %select_n3A_289, %select_n3A_293 : f32, f32, i32, i32
      }
      %scan3A_35 = arith.constant 128 : i32
      %scan3A_36 = arith.constant 0 : i32
      %scan3A_37 = arith.constant 0 : i32
      %scan3A_38 = arith.constant 96 : i32
      %scan3A_39 = arith.addi %scan3A_37, %scan3A_38 : i32
      %scan3A_40 = arith.constant 1 : i32
      %scan3A_41:2 = scf.for %scan3A_92 = %scan3A_37 to %scan3A_39 step %scan3A_40 iter_args(%scan3A_93 = %scan3A_36, %scan3A_94 = %broadcast_in_dim3A_5) -> (i32, vector<16xf32>)  : i32 {
        %mul3A_95 = arith.constant 16 : i32
        %mul3A_96 = arith.muli %scan3A_92, %mul3A_95 : i32
        %add3A_97 = arith.constant 0 : i32
        %add3A_98 = arith.addi %mul3A_96, %add3A_97 : i32
        %mul3A_99 = arith.constant 16 : i32
        %mul3A_100 = arith.muli %add3A_98, %mul3A_99 : i32
        %get3A_101 = arith.index_cast %mul3A_100 : i32 to index
        %get3A_102 = tpu.vector_load %arg5[%get3A_101] {strides = array<i32>} : memref<24576xf32, #tpu.memory_space<vmem>>, vector<16xf32>,
        %bitcast3A_103 = vector.bitcast %get3A_102 : vector<16xf32> to vector<16xi32>
        %shift_right_logical3A = arith.constant 20 : i32
        %shift_right_logical3A_104 = vector.broadcast %shift_right_logical3A : i32 to vector<16xi32>
        %shift_right_logical3A_105 = arith.shrui %bitcast3A_103, %shift_right_logical3A_104 : vector<16xi32>
        %gt3A = vector.broadcast %scan3A_34#2 : i32 to vector<16xi32>
        %gt3A_106 = arith.cmpi sgt, %shift_right_logical3A_105, %gt3A : vector<16xi32>
        %jit3A_107 = arith.constant 0.000000e+00 : f32
        %broadcast_in_dim3A_108 = vector.broadcast %jit3A_107 : f32 to vector<16xf32>
        %select_n3A_109 = arith.select %gt3A_106, %get3A_102, %broadcast_in_dim3A_108 : vector<16xi1>, vector<16xf32>
        %add3A_110 = arith.addf %scan3A_94, %select_n3A_109 : vector<16xf32>
        %eq3A_111 = vector.broadcast %scan3A_34#2 : i32 to vector<16xi32>
        %eq3A_112 = arith.cmpi eq, %shift_right_logical3A_105, %eq3A_111 : vector<16xi32>
        %swap3A_113 = arith.index_cast %scan3A_93 : i32 to index
        %swap3A_114 = tpu.vector_load %arg7[%swap3A_113] masked %eq3A_112 {strides = array<i32>} : memref<24592xf32, #tpu.memory_space<vmem>>, vector<16xf32>, vector<16xi1>
        tpu.vector_store %arg7[%swap3A_113], %get3A_102 masked %eq3A_112 {strides = array<i32>} : memref<24592xf32, #tpu.memory_space<vmem>>, vector<16xf32>, vector<16xi1>
        %all_reduce_population_count3A = tpu.all_reduce %eq3A_112 {dim = 0 : i64, kind = #tpu.reduction_kind<sum>} : vector<16xi1> -> vector<16xi32>
        %slice3A_115 = vector.extract_strided_slice %all_reduce_population_count3A {offsets = [0], sizes = [1], strides = [1]} : vector<16xi32> to vector<1xi32>
        %squeeze3A_116 = vector.extract %slice3A_115[0] : i32 from vector<1xi32>
        %add3A_117 = arith.addi %scan3A_93, %squeeze3A_116 : i32
        %mul3A_118 = arith.constant 16 : i32
        %mul3A_119 = arith.muli %scan3A_92, %mul3A_118 : i32
        %add3A_120 = arith.constant 1 : i32
        %add3A_121 = arith.addi %mul3A_119, %add3A_120 : i32
        %mul3A_122 = arith.constant 16 : i32
        %mul3A_123 = arith.muli %add3A_121, %mul3A_122 : i32
        %get3A_124 = arith.index_cast %mul3A_123 : i32 to index
        %get3A_125 = tpu.vector_load %arg5[%get3A_124] {strides = array<i32>} : memref<24576xf32, #tpu.memory_space<vmem>>, vector<16xf32>,
        %bitcast3A_126 = vector.bitcast %get3A_125 : vector<16xf32> to vector<16xi32>
        %shift_right_logical3A_127 = arith.constant 20 : i32
        %shift_right_logical3A_128 = vector.broadcast %shift_right_logical3A_127 : i32 to vector<16xi32>
        %shift_right_logical3A_129 = arith.shrui %bitcast3A_126, %shift_right_logical3A_128 : vector<16xi32>
        %gt3A_130 = vector.broadcast %scan3A_34#2 : i32 to vector<16xi32>
        %gt3A_131 = arith.cmpi sgt, %shift_right_logical3A_129, %gt3A_130 : vector<16xi32>
        %jit3A_132 = arith.constant 0.000000e+00 : f32
        %broadcast_in_dim3A_133 = vector.broadcast %jit3A_132 : f32 to vector<16xf32>
        %select_n3A_134 = arith.select %gt3A_131, %get3A_125, %broadcast_in_dim3A_133 : vector<16xi1>, vector<16xf32>
        %add3A_135 = arith.addf %add3A_110, %select_n3A_134 : vector<16xf32>
        %eq3A_136 = vector.broadcast %scan3A_34#2 : i32 to vector<16xi32>
        %eq3A_137 = arith.cmpi eq, %shift_right_logical3A_129, %eq3A_136 : vector<16xi32>
        %swap3A_138 = arith.index_cast %add3A_117 : i32 to index
        %swap3A_139 = tpu.vector_load %arg7[%swap3A_138] masked %eq3A_137 {strides = array<i32>} : memref<24592xf32, #tpu.memory_space<vmem>>, vector<16xf32>, vector<16xi1>
        tpu.vector_store %arg7[%swap3A_138], %get3A_125 masked %eq3A_137 {strides = array<i32>} : memref<24592xf32, #tpu.memory_space<vmem>>, vector<16xf32>, vector<16xi1>
        %all_reduce_population_count3A_140 = tpu.all_reduce %eq3A_137 {dim = 0 : i64, kind = #tpu.reduction_kind<sum>} : vector<16xi1> -> vector<16xi32>
        %slice3A_141 = vector.extract_strided_slice %all_reduce_population_count3A_140 {offsets = [0], sizes = [1], strides = [1]} : vector<16xi32> to vector<1xi32>
        %squeeze3A_142 = vector.extract %slice3A_141[0] : i32 from vector<1xi32>
        %add3A_143 = arith.addi %add3A_117, %squeeze3A_142 : i32
        %mul3A_144 = arith.constant 16 : i32
        %mul3A_145 = arith.muli %scan3A_92, %mul3A_144 : i32
        %add3A_146 = arith.constant 2 : i32
        %add3A_147 = arith.addi %mul3A_145, %add3A_146 : i32
        %mul3A_148 = arith.constant 16 : i32
        %mul3A_149 = arith.muli %add3A_147, %mul3A_148 : i32
        %get3A_150 = arith.index_cast %mul3A_149 : i32 to index
        %get3A_151 = tpu.vector_load %arg5[%get3A_150] {strides = array<i32>} : memref<24576xf32, #tpu.memory_space<vmem>>, vector<16xf32>,
        %bitcast3A_152 = vector.bitcast %get3A_151 : vector<16xf32> to vector<16xi32>
        %shift_right_logical3A_153 = arith.constant 20 : i32
        %shift_right_logical3A_154 = vector.broadcast %shift_right_logical3A_153 : i32 to vector<16xi32>
        %shift_right_logical3A_155 = arith.shrui %bitcast3A_152, %shift_right_logical3A_154 : vector<16xi32>
        %gt3A_156 = vector.broadcast %scan3A_34#2 : i32 to vector<16xi32>
        %gt3A_157 = arith.cmpi sgt, %shift_right_logical3A_155, %gt3A_156 : vector<16xi32>
        %jit3A_158 = arith.constant 0.000000e+00 : f32
        %broadcast_in_dim3A_159 = vector.broadcast %jit3A_158 : f32 to vector<16xf32>
        %select_n3A_160 = arith.select %gt3A_157, %get3A_151, %broadcast_in_dim3A_159 : vector<16xi1>, vector<16xf32>
        %add3A_161 = arith.addf %add3A_135, %select_n3A_160 : vector<16xf32>
        %eq3A_162 = vector.broadcast %scan3A_34#2 : i32 to vector<16xi32>
        %eq3A_163 = arith.cmpi eq, %shift_right_logical3A_155, %eq3A_162 : vector<16xi32>
        %swap3A_164 = arith.index_cast %add3A_143 : i32 to index
        %swap3A_165 = tpu.vector_load %arg7[%swap3A_164] masked %eq3A_163 {strides = array<i32>} : memref<24592xf32, #tpu.memory_space<vmem>>, vector<16xf32>, vector<16xi1>
        tpu.vector_store %arg7[%swap3A_164], %get3A_151 masked %eq3A_163 {strides = array<i32>} : memref<24592xf32, #tpu.memory_space<vmem>>, vector<16xf32>, vector<16xi1>
        %all_reduce_population_count3A_166 = tpu.all_reduce %eq3A_163 {dim = 0 : i64, kind = #tpu.reduction_kind<sum>} : vector<16xi1> -> vector<16xi32>
        %slice3A_167 = vector.extract_strided_slice %all_reduce_population_count3A_166 {offsets = [0], sizes = [1], strides = [1]} : vector<16xi32> to vector<1xi32>
        %squeeze3A_168 = vector.extract %slice3A_167[0] : i32 from vector<1xi32>
        %add3A_169 = arith.addi %add3A_143, %squeeze3A_168 : i32
        %mul3A_170 = arith.constant 16 : i32
        %mul3A_171 = arith.muli %scan3A_92, %mul3A_170 : i32
        %add3A_172 = arith.constant 3 : i32
        %add3A_173 = arith.addi %mul3A_171, %add3A_172 : i32
        %mul3A_174 = arith.constant 16 : i32
        %mul3A_175 = arith.muli %add3A_173, %mul3A_174 : i32
        %get3A_176 = arith.index_cast %mul3A_175 : i32 to index
        %get3A_177 = tpu.vector_load %arg5[%get3A_176] {strides = array<i32>} : memref<24576xf32, #tpu.memory_space<vmem>>, vector<16xf32>,
        %bitcast3A_178 = vector.bitcast %get3A_177 : vector<16xf32> to vector<16xi32>
        %shift_right_logical3A_179 = arith.constant 20 : i32
        %shift_right_logical3A_180 = vector.broadcast %shift_right_logical3A_179 : i32 to vector<16xi32>
        %shift_right_logical3A_181 = arith.shrui %bitcast3A_178, %shift_right_logical3A_180 : vector<16xi32>
        %gt3A_182 = vector.broadcast %scan3A_34#2 : i32 to vector<16xi32>
        %gt3A_183 = arith.cmpi sgt, %shift_right_logical3A_181, %gt3A_182 : vector<16xi32>
        %jit3A_184 = arith.constant 0.000000e+00 : f32
        %broadcast_in_dim3A_185 = vector.broadcast %jit3A_184 : f32 to vector<16xf32>
        %select_n3A_186 = arith.select %gt3A_183, %get3A_177, %broadcast_in_dim3A_185 : vector<16xi1>, vector<16xf32>
        %add3A_187 = arith.addf %add3A_161, %select_n3A_186 : vector<16xf32>
        %eq3A_188 = vector.broadcast %scan3A_34#2 : i32 to vector<16xi32>
        %eq3A_189 = arith.cmpi eq, %shift_right_logical3A_181, %eq3A_188 : vector<16xi32>
        %swap3A_190 = arith.index_cast %add3A_169 : i32 to index
        %swap3A_191 = tpu.vector_load %arg7[%swap3A_190] masked %eq3A_189 {strides = array<i32>} : memref<24592xf32, #tpu.memory_space<vmem>>, vector<16xf32>, vector<16xi1>
        tpu.vector_store %arg7[%swap3A_190], %get3A_177 masked %eq3A_189 {strides = array<i32>} : memref<24592xf32, #tpu.memory_space<vmem>>, vector<16xf32>, vector<16xi1>
        %all_reduce_population_count3A_192 = tpu.all_reduce %eq3A_189 {dim = 0 : i64, kind = #tpu.reduction_kind<sum>} : vector<16xi1> -> vector<16xi32>
        %slice3A_193 = vector.extract_strided_slice %all_reduce_population_count3A_192 {offsets = [0], sizes = [1], strides = [1]} : vector<16xi32> to vector<1xi32>
        %squeeze3A_194 = vector.extract %slice3A_193[0] : i32 from vector<1xi32>
        %add3A_195 = arith.addi %add3A_169, %squeeze3A_194 : i32
        %mul3A_196 = arith.constant 16 : i32
        %mul3A_197 = arith.muli %scan3A_92, %mul3A_196 : i32
        %add3A_198 = arith.constant 4 : i32
        %add3A_199 = arith.addi %mul3A_197, %add3A_198 : i32
        %mul3A_200 = arith.constant 16 : i32
        %mul3A_201 = arith.muli %add3A_199, %mul3A_200 : i32
        %get3A_202 = arith.index_cast %mul3A_201 : i32 to index
        %get3A_203 = tpu.vector_load %arg5[%get3A_202] {strides = array<i32>} : memref<24576xf32, #tpu.memory_space<vmem>>, vector<16xf32>,
        %bitcast3A_204 = vector.bitcast %get3A_203 : vector<16xf32> to vector<16xi32>
        %shift_right_logical3A_205 = arith.constant 20 : i32
        %shift_right_logical3A_206 = vector.broadcast %shift_right_logical3A_205 : i32 to vector<16xi32>
        %shift_right_logical3A_207 = arith.shrui %bitcast3A_204, %shift_right_logical3A_206 : vector<16xi32>
        %gt3A_208 = vector.broadcast %scan3A_34#2 : i32 to vector<16xi32>
        %gt3A_209 = arith.cmpi sgt, %shift_right_logical3A_207, %gt3A_208 : vector<16xi32>
        %jit3A_210 = arith.constant 0.000000e+00 : f32
        %broadcast_in_dim3A_211 = vector.broadcast %jit3A_210 : f32 to vector<16xf32>
        %select_n3A_212 = arith.select %gt3A_209, %get3A_203, %broadcast_in_dim3A_211 : vector<16xi1>, vector<16xf32>
        %add3A_213 = arith.addf %add3A_187, %select_n3A_212 : vector<16xf32>
        %eq3A_214 = vector.broadcast %scan3A_34#2 : i32 to vector<16xi32>
        %eq3A_215 = arith.cmpi eq, %shift_right_logical3A_207, %eq3A_214 : vector<16xi32>
        %swap3A_216 = arith.index_cast %add3A_195 : i32 to index
        %swap3A_217 = tpu.vector_load %arg7[%swap3A_216] masked %eq3A_215 {strides = array<i32>} : memref<24592xf32, #tpu.memory_space<vmem>>, vector<16xf32>, vector<16xi1>
        tpu.vector_store %arg7[%swap3A_216], %get3A_203 masked %eq3A_215 {strides = array<i32>} : memref<24592xf32, #tpu.memory_space<vmem>>, vector<16xf32>, vector<16xi1>
        %all_reduce_population_count3A_218 = tpu.all_reduce %eq3A_215 {dim = 0 : i64, kind = #tpu.reduction_kind<sum>} : vector<16xi1> -> vector<16xi32>
        %slice3A_219 = vector.extract_strided_slice %all_reduce_population_count3A_218 {offsets = [0], sizes = [1], strides = [1]} : vector<16xi32> to vector<1xi32>
        %squeeze3A_220 = vector.extract %slice3A_219[0] : i32 from vector<1xi32>
        %add3A_221 = arith.addi %add3A_195, %squeeze3A_220 : i32
        %mul3A_222 = arith.constant 16 : i32
        %mul3A_223 = arith.muli %scan3A_92, %mul3A_222 : i32
        %add3A_224 = arith.constant 5 : i32
        %add3A_225 = arith.addi %mul3A_223, %add3A_224 : i32
        %mul3A_226 = arith.constant 16 : i32
        %mul3A_227 = arith.muli %add3A_225, %mul3A_226 : i32
        %get3A_228 = arith.index_cast %mul3A_227 : i32 to index
        %get3A_229 = tpu.vector_load %arg5[%get3A_228] {strides = array<i32>} : memref<24576xf32, #tpu.memory_space<vmem>>, vector<16xf32>,
        %bitcast3A_230 = vector.bitcast %get3A_229 : vector<16xf32> to vector<16xi32>
        %shift_right_logical3A_231 = arith.constant 20 : i32
        %shift_right_logical3A_232 = vector.broadcast %shift_right_logical3A_231 : i32 to vector<16xi32>
        %shift_right_logical3A_233 = arith.shrui %bitcast3A_230, %shift_right_logical3A_232 : vector<16xi32>
        %gt3A_234 = vector.broadcast %scan3A_34#2 : i32 to vector<16xi32>
        %gt3A_235 = arith.cmpi sgt, %shift_right_logical3A_233, %gt3A_234 : vector<16xi32>
        %jit3A_236 = arith.constant 0.000000e+00 : f32
        %broadcast_in_dim3A_237 = vector.broadcast %jit3A_236 : f32 to vector<16xf32>
        %select_n3A_238 = arith.select %gt3A_235, %get3A_229, %broadcast_in_dim3A_237 : vector<16xi1>, vector<16xf32>
        %add3A_239 = arith.addf %add3A_213, %select_n3A_238 : vector<16xf32>
        %eq3A_240 = vector.broadcast %scan3A_34#2 : i32 to vector<16xi32>
        %eq3A_241 = arith.cmpi eq, %shift_right_logical3A_233, %eq3A_240 : vector<16xi32>
        %swap3A_242 = arith.index_cast %add3A_221 : i32 to index
        %swap3A_243 = tpu.vector_load %arg7[%swap3A_242] masked %eq3A_241 {strides = array<i32>} : memref<24592xf32, #tpu.memory_space<vmem>>, vector<16xf32>, vector<16xi1>
        tpu.vector_store %arg7[%swap3A_242], %get3A_229 masked %eq3A_241 {strides = array<i32>} : memref<24592xf32, #tpu.memory_space<vmem>>, vector<16xf32>, vector<16xi1>
        %all_reduce_population_count3A_244 = tpu.all_reduce %eq3A_241 {dim = 0 : i64, kind = #tpu.reduction_kind<sum>} : vector<16xi1> -> vector<16xi32>
        %slice3A_245 = vector.extract_strided_slice %all_reduce_population_count3A_244 {offsets = [0], sizes = [1], strides = [1]} : vector<16xi32> to vector<1xi32>
        %squeeze3A_246 = vector.extract %slice3A_245[0] : i32 from vector<1xi32>
        %add3A_247 = arith.addi %add3A_221, %squeeze3A_246 : i32
        %mul3A_248 = arith.constant 16 : i32
        %mul3A_249 = arith.muli %scan3A_92, %mul3A_248 : i32
        %add3A_250 = arith.constant 6 : i32
        %add3A_251 = arith.addi %mul3A_249, %add3A_250 : i32
        %mul3A_252 = arith.constant 16 : i32
        %mul3A_253 = arith.muli %add3A_251, %mul3A_252 : i32
        %get3A_254 = arith.index_cast %mul3A_253 : i32 to index
        %get3A_255 = tpu.vector_load %arg5[%get3A_254] {strides = array<i32>} : memref<24576xf32, #tpu.memory_space<vmem>>, vector<16xf32>,
        %bitcast3A_256 = vector.bitcast %get3A_255 : vector<16xf32> to vector<16xi32>
        %shift_right_logical3A_257 = arith.constant 20 : i32
        %shift_right_logical3A_258 = vector.broadcast %shift_right_logical3A_257 : i32 to vector<16xi32>
        %shift_right_logical3A_259 = arith.shrui %bitcast3A_256, %shift_right_logical3A_258 : vector<16xi32>
        %gt3A_260 = vector.broadcast %scan3A_34#2 : i32 to vector<16xi32>
        %gt3A_261 = arith.cmpi sgt, %shift_right_logical3A_259, %gt3A_260 : vector<16xi32>
        %jit3A_262 = arith.constant 0.000000e+00 : f32
        %broadcast_in_dim3A_263 = vector.broadcast %jit3A_262 : f32 to vector<16xf32>
        %select_n3A_264 = arith.select %gt3A_261, %get3A_255, %broadcast_in_dim3A_263 : vector<16xi1>, vector<16xf32>
        %add3A_265 = arith.addf %add3A_239, %select_n3A_264 : vector<16xf32>
        %eq3A_266 = vector.broadcast %scan3A_34#2 : i32 to vector<16xi32>
        %eq3A_267 = arith.cmpi eq, %shift_right_logical3A_259, %eq3A_266 : vector<16xi32>
        %swap3A_268 = arith.index_cast %add3A_247 : i32 to index
        %swap3A_269 = tpu.vector_load %arg7[%swap3A_268] masked %eq3A_267 {strides = array<i32>} : memref<24592xf32, #tpu.memory_space<vmem>>, vector<16xf32>, vector<16xi1>
        tpu.vector_store %arg7[%swap3A_268], %get3A_255 masked %eq3A_267 {strides = array<i32>} : memref<24592xf32, #tpu.memory_space<vmem>>, vector<16xf32>, vector<16xi1>
        %all_reduce_population_count3A_270 = tpu.all_reduce %eq3A_267 {dim = 0 : i64, kind = #tpu.reduction_kind<sum>} : vector<16xi1> -> vector<16xi32>
        %slice3A_271 = vector.extract_strided_slice %all_reduce_population_count3A_270 {offsets = [0], sizes = [1], strides = [1]} : vector<16xi32> to vector<1xi32>
        %squeeze3A_272 = vector.extract %slice3A_271[0] : i32 from vector<1xi32>
        %add3A_273 = arith.addi %add3A_247, %squeeze3A_272 : i32
        %mul3A_274 = arith.constant 16 : i32
        %mul3A_275 = arith.muli %scan3A_92, %mul3A_274 : i32
        %add3A_276 = arith.constant 7 : i32
        %add3A_277 = arith.addi %mul3A_275, %add3A_276 : i32
        %mul3A_278 = arith.constant 16 : i32
        %mul3A_279 = arith.muli %add3A_277, %mul3A_278 : i32
        %get3A_280 = arith.index_cast %mul3A_279 : i32 to index
        %get3A_281 = tpu.vector_load %arg5[%get3A_280] {strides = array<i32>} : memref<24576xf32, #tpu.memory_space<vmem>>, vector<16xf32>,
        %bitcast3A_282 = vector.bitcast %get3A_281 : vector<16xf32> to vector<16xi32>
        %shift_right_logical3A_283 = arith.constant 20 : i32
        %shift_right_logical3A_284 = vector.broadcast %shift_right_logical3A_283 : i32 to vector<16xi32>
        %shift_right_logical3A_285 = arith.shrui %bitcast3A_282, %shift_right_logical3A_284 : vector<16xi32>
        %gt3A_286 = vector.broadcast %scan3A_34#2 : i32 to vector<16xi32>
        %gt3A_287 = arith.cmpi sgt, %shift_right_logical3A_285, %gt3A_286 : vector<16xi32>
        %jit3A_288 = arith.constant 0.000000e+00 : f32
        %broadcast_in_dim3A_289 = vector.broadcast %jit3A_288 : f32 to vector<16xf32>
        %select_n3A_290 = arith.select %gt3A_287, %get3A_281, %broadcast_in_dim3A_289 : vector<16xi1>, vector<16xf32>
        %add3A_291 = arith.addf %add3A_265, %select_n3A_290 : vector<16xf32>
        %eq3A_292 = vector.broadcast %scan3A_34#2 : i32 to vector<16xi32>
        %eq3A_293 = arith.cmpi eq, %shift_right_logical3A_285, %eq3A_292 : vector<16xi32>
        %swap3A_294 = arith.index_cast %add3A_273 : i32 to index
        %swap3A_295 = tpu.vector_load %arg7[%swap3A_294] masked %eq3A_293 {strides = array<i32>} : memref<24592xf32, #tpu.memory_space<vmem>>, vector<16xf32>, vector<16xi1>
        tpu.vector_store %arg7[%swap3A_294], %get3A_281 masked %eq3A_293 {strides = array<i32>} : memref<24592xf32, #tpu.memory_space<vmem>>, vector<16xf32>, vector<16xi1>
        %all_reduce_population_count3A_296 = tpu.all_reduce %eq3A_293 {dim = 0 : i64, kind = #tpu.reduction_kind<sum>} : vector<16xi1> -> vector<16xi32>
        %slice3A_297 = vector.extract_strided_slice %all_reduce_population_count3A_296 {offsets = [0], sizes = [1], strides = [1]} : vector<16xi32> to vector<1xi32>
        %squeeze3A_298 = vector.extract %slice3A_297[0] : i32 from vector<1xi32>
        %add3A_299 = arith.addi %add3A_273, %squeeze3A_298 : i32
        %mul3A_300 = arith.constant 16 : i32
        %mul3A_301 = arith.muli %scan3A_92, %mul3A_300 : i32
        %add3A_302 = arith.constant 8 : i32
        %add3A_303 = arith.addi %mul3A_301, %add3A_302 : i32
        %mul3A_304 = arith.constant 16 : i32
        %mul3A_305 = arith.muli %add3A_303, %mul3A_304 : i32
        %get3A_306 = arith.index_cast %mul3A_305 : i32 to index
        %get3A_307 = tpu.vector_load %arg5[%get3A_306] {strides = array<i32>} : memref<24576xf32, #tpu.memory_space<vmem>>, vector<16xf32>,
        %bitcast3A_308 = vector.bitcast %get3A_307 : vector<16xf32> to vector<16xi32>
        %shift_right_logical3A_309 = arith.constant 20 : i32
        %shift_right_logical3A_310 = vector.broadcast %shift_right_logical3A_309 : i32 to vector<16xi32>
        %shift_right_logical3A_311 = arith.shrui %bitcast3A_308, %shift_right_logical3A_310 : vector<16xi32>
        %gt3A_312 = vector.broadcast %scan3A_34#2 : i32 to vector<16xi32>
        %gt3A_313 = arith.cmpi sgt, %shift_right_logical3A_311, %gt3A_312 : vector<16xi32>
        %jit3A_314 = arith.constant 0.000000e+00 : f32
        %broadcast_in_dim3A_315 = vector.broadcast %jit3A_314 : f32 to vector<16xf32>
        %select_n3A_316 = arith.select %gt3A_313, %get3A_307, %broadcast_in_dim3A_315 : vector<16xi1>, vector<16xf32>
        %add3A_317 = arith.addf %add3A_291, %select_n3A_316 : vector<16xf32>
        %eq3A_318 = vector.broadcast %scan3A_34#2 : i32 to vector<16xi32>
        %eq3A_319 = arith.cmpi eq, %shift_right_logical3A_311, %eq3A_318 : vector<16xi32>
        %swap3A_320 = arith.index_cast %add3A_299 : i32 to index
        %swap3A_321 = tpu.vector_load %arg7[%swap3A_320] masked %eq3A_319 {strides = array<i32>} : memref<24592xf32, #tpu.memory_space<vmem>>, vector<16xf32>, vector<16xi1>
        tpu.vector_store %arg7[%swap3A_320], %get3A_307 masked %eq3A_319 {strides = array<i32>} : memref<24592xf32, #tpu.memory_space<vmem>>, vector<16xf32>, vector<16xi1>
        %all_reduce_population_count3A_322 = tpu.all_reduce %eq3A_319 {dim = 0 : i64, kind = #tpu.reduction_kind<sum>} : vector<16xi1> -> vector<16xi32>
        %slice3A_323 = vector.extract_strided_slice %all_reduce_population_count3A_322 {offsets = [0], sizes = [1], strides = [1]} : vector<16xi32> to vector<1xi32>
        %squeeze3A_324 = vector.extract %slice3A_323[0] : i32 from vector<1xi32>
        %add3A_325 = arith.addi %add3A_299, %squeeze3A_324 : i32
        %mul3A_326 = arith.constant 16 : i32
        %mul3A_327 = arith.muli %scan3A_92, %mul3A_326 : i32
        %add3A_328 = arith.constant 9 : i32
        %add3A_329 = arith.addi %mul3A_327, %add3A_328 : i32
        %mul3A_330 = arith.constant 16 : i32
        %mul3A_331 = arith.muli %add3A_329, %mul3A_330 : i32
        %get3A_332 = arith.index_cast %mul3A_331 : i32 to index
        %get3A_333 = tpu.vector_load %arg5[%get3A_332] {strides = array<i32>} : memref<24576xf32, #tpu.memory_space<vmem>>, vector<16xf32>,
        %bitcast3A_334 = vector.bitcast %get3A_333 : vector<16xf32> to vector<16xi32>
        %shift_right_logical3A_335 = arith.constant 20 : i32
        %shift_right_logical3A_336 = vector.broadcast %shift_right_logical3A_335 : i32 to vector<16xi32>
        %shift_right_logical3A_337 = arith.shrui %bitcast3A_334, %shift_right_logical3A_336 : vector<16xi32>
        %gt3A_338 = vector.broadcast %scan3A_34#2 : i32 to vector<16xi32>
        %gt3A_339 = arith.cmpi sgt, %shift_right_logical3A_337, %gt3A_338 : vector<16xi32>
        %jit3A_340 = arith.constant 0.000000e+00 : f32
        %broadcast_in_dim3A_341 = vector.broadcast %jit3A_340 : f32 to vector<16xf32>
        %select_n3A_342 = arith.select %gt3A_339, %get3A_333, %broadcast_in_dim3A_341 : vector<16xi1>, vector<16xf32>
        %add3A_343 = arith.addf %add3A_317, %select_n3A_342 : vector<16xf32>
        %eq3A_344 = vector.broadcast %scan3A_34#2 : i32 to vector<16xi32>
        %eq3A_345 = arith.cmpi eq, %shift_right_logical3A_337, %eq3A_344 : vector<16xi32>
        %swap3A_346 = arith.index_cast %add3A_325 : i32 to index
        %swap3A_347 = tpu.vector_load %arg7[%swap3A_346] masked %eq3A_345 {strides = array<i32>} : memref<24592xf32, #tpu.memory_space<vmem>>, vector<16xf32>, vector<16xi1>
        tpu.vector_store %arg7[%swap3A_346], %get3A_333 masked %eq3A_345 {strides = array<i32>} : memref<24592xf32, #tpu.memory_space<vmem>>, vector<16xf32>, vector<16xi1>
        %all_reduce_population_count3A_348 = tpu.all_reduce %eq3A_345 {dim = 0 : i64, kind = #tpu.reduction_kind<sum>} : vector<16xi1> -> vector<16xi32>
        %slice3A_349 = vector.extract_strided_slice %all_reduce_population_count3A_348 {offsets = [0], sizes = [1], strides = [1]} : vector<16xi32> to vector<1xi32>
        %squeeze3A_350 = vector.extract %slice3A_349[0] : i32 from vector<1xi32>
        %add3A_351 = arith.addi %add3A_325, %squeeze3A_350 : i32
        %mul3A_352 = arith.constant 16 : i32
        %mul3A_353 = arith.muli %scan3A_92, %mul3A_352 : i32
        %add3A_354 = arith.constant 10 : i32
        %add3A_355 = arith.addi %mul3A_353, %add3A_354 : i32
        %mul3A_356 = arith.constant 16 : i32
        %mul3A_357 = arith.muli %add3A_355, %mul3A_356 : i32
        %get3A_358 = arith.index_cast %mul3A_357 : i32 to index
        %get3A_359 = tpu.vector_load %arg5[%get3A_358] {strides = array<i32>} : memref<24576xf32, #tpu.memory_space<vmem>>, vector<16xf32>,
        %bitcast3A_360 = vector.bitcast %get3A_359 : vector<16xf32> to vector<16xi32>
        %shift_right_logical3A_361 = arith.constant 20 : i32
        %shift_right_logical3A_362 = vector.broadcast %shift_right_logical3A_361 : i32 to vector<16xi32>
        %shift_right_logical3A_363 = arith.shrui %bitcast3A_360, %shift_right_logical3A_362 : vector<16xi32>
        %gt3A_364 = vector.broadcast %scan3A_34#2 : i32 to vector<16xi32>
        %gt3A_365 = arith.cmpi sgt, %shift_right_logical3A_363, %gt3A_364 : vector<16xi32>
        %jit3A_366 = arith.constant 0.000000e+00 : f32
        %broadcast_in_dim3A_367 = vector.broadcast %jit3A_366 : f32 to vector<16xf32>
        %select_n3A_368 = arith.select %gt3A_365, %get3A_359, %broadcast_in_dim3A_367 : vector<16xi1>, vector<16xf32>
        %add3A_369 = arith.addf %add3A_343, %select_n3A_368 : vector<16xf32>
        %eq3A_370 = vector.broadcast %scan3A_34#2 : i32 to vector<16xi32>
        %eq3A_371 = arith.cmpi eq, %shift_right_logical3A_363, %eq3A_370 : vector<16xi32>
        %swap3A_372 = arith.index_cast %add3A_351 : i32 to index
        %swap3A_373 = tpu.vector_load %arg7[%swap3A_372] masked %eq3A_371 {strides = array<i32>} : memref<24592xf32, #tpu.memory_space<vmem>>, vector<16xf32>, vector<16xi1>
        tpu.vector_store %arg7[%swap3A_372], %get3A_359 masked %eq3A_371 {strides = array<i32>} : memref<24592xf32, #tpu.memory_space<vmem>>, vector<16xf32>, vector<16xi1>
        %all_reduce_population_count3A_374 = tpu.all_reduce %eq3A_371 {dim = 0 : i64, kind = #tpu.reduction_kind<sum>} : vector<16xi1> -> vector<16xi32>
        %slice3A_375 = vector.extract_strided_slice %all_reduce_population_count3A_374 {offsets = [0], sizes = [1], strides = [1]} : vector<16xi32> to vector<1xi32>
        %squeeze3A_376 = vector.extract %slice3A_375[0] : i32 from vector<1xi32>
        %add3A_377 = arith.addi %add3A_351, %squeeze3A_376 : i32
        %mul3A_378 = arith.constant 16 : i32
        %mul3A_379 = arith.muli %scan3A_92, %mul3A_378 : i32
        %add3A_380 = arith.constant 11 : i32
        %add3A_381 = arith.addi %mul3A_379, %add3A_380 : i32
        %mul3A_382 = arith.constant 16 : i32
        %mul3A_383 = arith.muli %add3A_381, %mul3A_382 : i32
        %get3A_384 = arith.index_cast %mul3A_383 : i32 to index
        %get3A_385 = tpu.vector_load %arg5[%get3A_384] {strides = array<i32>} : memref<24576xf32, #tpu.memory_space<vmem>>, vector<16xf32>,
        %bitcast3A_386 = vector.bitcast %get3A_385 : vector<16xf32> to vector<16xi32>
        %shift_right_logical3A_387 = arith.constant 20 : i32
        %shift_right_logical3A_388 = vector.broadcast %shift_right_logical3A_387 : i32 to vector<16xi32>
        %shift_right_logical3A_389 = arith.shrui %bitcast3A_386, %shift_right_logical3A_388 : vector<16xi32>
        %gt3A_390 = vector.broadcast %scan3A_34#2 : i32 to vector<16xi32>
        %gt3A_391 = arith.cmpi sgt, %shift_right_logical3A_389, %gt3A_390 : vector<16xi32>
        %jit3A_392 = arith.constant 0.000000e+00 : f32
        %broadcast_in_dim3A_393 = vector.broadcast %jit3A_392 : f32 to vector<16xf32>
        %select_n3A_394 = arith.select %gt3A_391, %get3A_385, %broadcast_in_dim3A_393 : vector<16xi1>, vector<16xf32>
        %add3A_395 = arith.addf %add3A_369, %select_n3A_394 : vector<16xf32>
        %eq3A_396 = vector.broadcast %scan3A_34#2 : i32 to vector<16xi32>
        %eq3A_397 = arith.cmpi eq, %shift_right_logical3A_389, %eq3A_396 : vector<16xi32>
        %swap3A_398 = arith.index_cast %add3A_377 : i32 to index
        %swap3A_399 = tpu.vector_load %arg7[%swap3A_398] masked %eq3A_397 {strides = array<i32>} : memref<24592xf32, #tpu.memory_space<vmem>>, vector<16xf32>, vector<16xi1>
        tpu.vector_store %arg7[%swap3A_398], %get3A_385 masked %eq3A_397 {strides = array<i32>} : memref<24592xf32, #tpu.memory_space<vmem>>, vector<16xf32>, vector<16xi1>
        %all_reduce_population_count3A_400 = tpu.all_reduce %eq3A_397 {dim = 0 : i64, kind = #tpu.reduction_kind<sum>} : vector<16xi1> -> vector<16xi32>
        %slice3A_401 = vector.extract_strided_slice %all_reduce_population_count3A_400 {offsets = [0], sizes = [1], strides = [1]} : vector<16xi32> to vector<1xi32>
        %squeeze3A_402 = vector.extract %slice3A_401[0] : i32 from vector<1xi32>
        %add3A_403 = arith.addi %add3A_377, %squeeze3A_402 : i32
        %mul3A_404 = arith.constant 16 : i32
        %mul3A_405 = arith.muli %scan3A_92, %mul3A_404 : i32
        %add3A_406 = arith.constant 12 : i32
        %add3A_407 = arith.addi %mul3A_405, %add3A_406 : i32
        %mul3A_408 = arith.constant 16 : i32
        %mul3A_409 = arith.muli %add3A_407, %mul3A_408 : i32
        %get3A_410 = arith.index_cast %mul3A_409 : i32 to index
        %get3A_411 = tpu.vector_load %arg5[%get3A_410] {strides = array<i32>} : memref<24576xf32, #tpu.memory_space<vmem>>, vector<16xf32>,
        %bitcast3A_412 = vector.bitcast %get3A_411 : vector<16xf32> to vector<16xi32>
        %shift_right_logical3A_413 = arith.constant 20 : i32
        %shift_right_logical3A_414 = vector.broadcast %shift_right_logical3A_413 : i32 to vector<16xi32>
        %shift_right_logical3A_415 = arith.shrui %bitcast3A_412, %shift_right_logical3A_414 : vector<16xi32>
        %gt3A_416 = vector.broadcast %scan3A_34#2 : i32 to vector<16xi32>
        %gt3A_417 = arith.cmpi sgt, %shift_right_logical3A_415, %gt3A_416 : vector<16xi32>
        %jit3A_418 = arith.constant 0.000000e+00 : f32
        %broadcast_in_dim3A_419 = vector.broadcast %jit3A_418 : f32 to vector<16xf32>
        %select_n3A_420 = arith.select %gt3A_417, %get3A_411, %broadcast_in_dim3A_419 : vector<16xi1>, vector<16xf32>
        %add3A_421 = arith.addf %add3A_395, %select_n3A_420 : vector<16xf32>
        %eq3A_422 = vector.broadcast %scan3A_34#2 : i32 to vector<16xi32>
        %eq3A_423 = arith.cmpi eq, %shift_right_logical3A_415, %eq3A_422 : vector<16xi32>
        %swap3A_424 = arith.index_cast %add3A_403 : i32 to index
        %swap3A_425 = tpu.vector_load %arg7[%swap3A_424] masked %eq3A_423 {strides = array<i32>} : memref<24592xf32, #tpu.memory_space<vmem>>, vector<16xf32>, vector<16xi1>
        tpu.vector_store %arg7[%swap3A_424], %get3A_411 masked %eq3A_423 {strides = array<i32>} : memref<24592xf32, #tpu.memory_space<vmem>>, vector<16xf32>, vector<16xi1>
        %all_reduce_population_count3A_426 = tpu.all_reduce %eq3A_423 {dim = 0 : i64, kind = #tpu.reduction_kind<sum>} : vector<16xi1> -> vector<16xi32>
        %slice3A_427 = vector.extract_strided_slice %all_reduce_population_count3A_426 {offsets = [0], sizes = [1], strides = [1]} : vector<16xi32> to vector<1xi32>
        %squeeze3A_428 = vector.extract %slice3A_427[0] : i32 from vector<1xi32>
        %add3A_429 = arith.addi %add3A_403, %squeeze3A_428 : i32
        %mul3A_430 = arith.constant 16 : i32
        %mul3A_431 = arith.muli %scan3A_92, %mul3A_430 : i32
        %add3A_432 = arith.constant 13 : i32
        %add3A_433 = arith.addi %mul3A_431, %add3A_432 : i32
        %mul3A_434 = arith.constant 16 : i32
        %mul3A_435 = arith.muli %add3A_433, %mul3A_434 : i32
        %get3A_436 = arith.index_cast %mul3A_435 : i32 to index
        %get3A_437 = tpu.vector_load %arg5[%get3A_436] {strides = array<i32>} : memref<24576xf32, #tpu.memory_space<vmem>>, vector<16xf32>,
        %bitcast3A_438 = vector.bitcast %get3A_437 : vector<16xf32> to vector<16xi32>
        %shift_right_logical3A_439 = arith.constant 20 : i32
        %shift_right_logical3A_440 = vector.broadcast %shift_right_logical3A_439 : i32 to vector<16xi32>
        %shift_right_logical3A_441 = arith.shrui %bitcast3A_438, %shift_right_logical3A_440 : vector<16xi32>
        %gt3A_442 = vector.broadcast %scan3A_34#2 : i32 to vector<16xi32>
        %gt3A_443 = arith.cmpi sgt, %shift_right_logical3A_441, %gt3A_442 : vector<16xi32>
        %jit3A_444 = arith.constant 0.000000e+00 : f32
        %broadcast_in_dim3A_445 = vector.broadcast %jit3A_444 : f32 to vector<16xf32>
        %select_n3A_446 = arith.select %gt3A_443, %get3A_437, %broadcast_in_dim3A_445 : vector<16xi1>, vector<16xf32>
        %add3A_447 = arith.addf %add3A_421, %select_n3A_446 : vector<16xf32>
        %eq3A_448 = vector.broadcast %scan3A_34#2 : i32 to vector<16xi32>
        %eq3A_449 = arith.cmpi eq, %shift_right_logical3A_441, %eq3A_448 : vector<16xi32>
        %swap3A_450 = arith.index_cast %add3A_429 : i32 to index
        %swap3A_451 = tpu.vector_load %arg7[%swap3A_450] masked %eq3A_449 {strides = array<i32>} : memref<24592xf32, #tpu.memory_space<vmem>>, vector<16xf32>, vector<16xi1>
        tpu.vector_store %arg7[%swap3A_450], %get3A_437 masked %eq3A_449 {strides = array<i32>} : memref<24592xf32, #tpu.memory_space<vmem>>, vector<16xf32>, vector<16xi1>
        %all_reduce_population_count3A_452 = tpu.all_reduce %eq3A_449 {dim = 0 : i64, kind = #tpu.reduction_kind<sum>} : vector<16xi1> -> vector<16xi32>
        %slice3A_453 = vector.extract_strided_slice %all_reduce_population_count3A_452 {offsets = [0], sizes = [1], strides = [1]} : vector<16xi32> to vector<1xi32>
        %squeeze3A_454 = vector.extract %slice3A_453[0] : i32 from vector<1xi32>
        %add3A_455 = arith.addi %add3A_429, %squeeze3A_454 : i32
        %mul3A_456 = arith.constant 16 : i32
        %mul3A_457 = arith.muli %scan3A_92, %mul3A_456 : i32
        %add3A_458 = arith.constant 14 : i32
        %add3A_459 = arith.addi %mul3A_457, %add3A_458 : i32
        %mul3A_460 = arith.constant 16 : i32
        %mul3A_461 = arith.muli %add3A_459, %mul3A_460 : i32
        %get3A_462 = arith.index_cast %mul3A_461 : i32 to index
        %get3A_463 = tpu.vector_load %arg5[%get3A_462] {strides = array<i32>} : memref<24576xf32, #tpu.memory_space<vmem>>, vector<16xf32>,
        %bitcast3A_464 = vector.bitcast %get3A_463 : vector<16xf32> to vector<16xi32>
        %shift_right_logical3A_465 = arith.constant 20 : i32
        %shift_right_logical3A_466 = vector.broadcast %shift_right_logical3A_465 : i32 to vector<16xi32>
        %shift_right_logical3A_467 = arith.shrui %bitcast3A_464, %shift_right_logical3A_466 : vector<16xi32>
        %gt3A_468 = vector.broadcast %scan3A_34#2 : i32 to vector<16xi32>
        %gt3A_469 = arith.cmpi sgt, %shift_right_logical3A_467, %gt3A_468 : vector<16xi32>
        %jit3A_470 = arith.constant 0.000000e+00 : f32
        %broadcast_in_dim3A_471 = vector.broadcast %jit3A_470 : f32 to vector<16xf32>
        %select_n3A_472 = arith.select %gt3A_469, %get3A_463, %broadcast_in_dim3A_471 : vector<16xi1>, vector<16xf32>
        %add3A_473 = arith.addf %add3A_447, %select_n3A_472 : vector<16xf32>
        %eq3A_474 = vector.broadcast %scan3A_34#2 : i32 to vector<16xi32>
        %eq3A_475 = arith.cmpi eq, %shift_right_logical3A_467, %eq3A_474 : vector<16xi32>
        %swap3A_476 = arith.index_cast %add3A_455 : i32 to index
        %swap3A_477 = tpu.vector_load %arg7[%swap3A_476] masked %eq3A_475 {strides = array<i32>} : memref<24592xf32, #tpu.memory_space<vmem>>, vector<16xf32>, vector<16xi1>
        tpu.vector_store %arg7[%swap3A_476], %get3A_463 masked %eq3A_475 {strides = array<i32>} : memref<24592xf32, #tpu.memory_space<vmem>>, vector<16xf32>, vector<16xi1>
        %all_reduce_population_count3A_478 = tpu.all_reduce %eq3A_475 {dim = 0 : i64, kind = #tpu.reduction_kind<sum>} : vector<16xi1> -> vector<16xi32>
        %slice3A_479 = vector.extract_strided_slice %all_reduce_population_count3A_478 {offsets = [0], sizes = [1], strides = [1]} : vector<16xi32> to vector<1xi32>
        %squeeze3A_480 = vector.extract %slice3A_479[0] : i32 from vector<1xi32>
        %add3A_481 = arith.addi %add3A_455, %squeeze3A_480 : i32
        %mul3A_482 = arith.constant 16 : i32
        %mul3A_483 = arith.muli %scan3A_92, %mul3A_482 : i32
        %add3A_484 = arith.constant 15 : i32
        %add3A_485 = arith.addi %mul3A_483, %add3A_484 : i32
        %mul3A_486 = arith.constant 16 : i32
        %mul3A_487 = arith.muli %add3A_485, %mul3A_486 : i32
        %get3A_488 = arith.index_cast %mul3A_487 : i32 to index
        %get3A_489 = tpu.vector_load %arg5[%get3A_488] {strides = array<i32>} : memref<24576xf32, #tpu.memory_space<vmem>>, vector<16xf32>,
        %bitcast3A_490 = vector.bitcast %get3A_489 : vector<16xf32> to vector<16xi32>
        %shift_right_logical3A_491 = arith.constant 20 : i32
        %shift_right_logical3A_492 = vector.broadcast %shift_right_logical3A_491 : i32 to vector<16xi32>
        %shift_right_logical3A_493 = arith.shrui %bitcast3A_490, %shift_right_logical3A_492 : vector<16xi32>
        %gt3A_494 = vector.broadcast %scan3A_34#2 : i32 to vector<16xi32>
        %gt3A_495 = arith.cmpi sgt, %shift_right_logical3A_493, %gt3A_494 : vector<16xi32>
        %jit3A_496 = arith.constant 0.000000e+00 : f32
        %broadcast_in_dim3A_497 = vector.broadcast %jit3A_496 : f32 to vector<16xf32>
        %select_n3A_498 = arith.select %gt3A_495, %get3A_489, %broadcast_in_dim3A_497 : vector<16xi1>, vector<16xf32>
        %add3A_499 = arith.addf %add3A_473, %select_n3A_498 : vector<16xf32>
        %eq3A_500 = vector.broadcast %scan3A_34#2 : i32 to vector<16xi32>
        %eq3A_501 = arith.cmpi eq, %shift_right_logical3A_493, %eq3A_500 : vector<16xi32>
        %swap3A_502 = arith.index_cast %add3A_481 : i32 to index
        %swap3A_503 = tpu.vector_load %arg7[%swap3A_502] masked %eq3A_501 {strides = array<i32>} : memref<24592xf32, #tpu.memory_space<vmem>>, vector<16xf32>, vector<16xi1>
        tpu.vector_store %arg7[%swap3A_502], %get3A_489 masked %eq3A_501 {strides = array<i32>} : memref<24592xf32, #tpu.memory_space<vmem>>, vector<16xf32>, vector<16xi1>
        %all_reduce_population_count3A_504 = tpu.all_reduce %eq3A_501 {dim = 0 : i64, kind = #tpu.reduction_kind<sum>} : vector<16xi1> -> vector<16xi32>
        %slice3A_505 = vector.extract_strided_slice %all_reduce_population_count3A_504 {offsets = [0], sizes = [1], strides = [1]} : vector<16xi32> to vector<1xi32>
        %squeeze3A_506 = vector.extract %slice3A_505[0] : i32 from vector<1xi32>
        %add3A_507 = arith.addi %add3A_481, %squeeze3A_506 : i32
        scf.yield %add3A_507, %add3A_499 : i32, vector<16xf32>
      }
      %scan3A_42 = arith.constant 96 : i32
      %reduce_sum3A_43 = arith.constant true
      %reduce_sum3A_44 = vector.broadcast %reduce_sum3A_43 : i1 to vector<16xi1>
      %reduce_sum3A_45 = tpu.scan <sum>, %scan3A_41#1 masked %reduce_sum3A_44 : vector<16xf32>, vector<16xi1> -> vector<16xf32>
      %reduce_sum3A_46 = vector.extract %reduce_sum3A_45[15] : f32 from vector<16xf32>
      %sub3A = arith.subf %min3A_14, %scan3A_34#1 : f32
      %shift_left3A = arith.constant 20 : i32
      %shift_left3A_47 = arith.shli %scan3A_34#2, %shift_left3A : i32
      %add3A_48 = arith.constant 1 : i32
      %add3A_49 = arith.addi %scan3A_34#2, %add3A_48 : i32
      %shift_left3A_50 = arith.constant 20 : i32
      %shift_left3A_51 = arith.shli %add3A_49, %shift_left3A_50 : i32
      %sub3A_52 = arith.constant 1 : i32
      %sub3A_53 = arith.subi %shift_left3A_51, %sub3A_52 : i32
      %scan3A_54 = arith.constant 0 : i32
      %scan3A_55 = arith.constant 21 : i32
      %scan3A_56 = arith.addi %scan3A_54, %scan3A_55 : i32
      %scan3A_57 = arith.constant 1 : i32
      %scan3A_58:2 = scf.for %scan3A_92 = %scan3A_54 to %scan3A_56 step %scan3A_57 iter_args(%scan3A_93 = %shift_left3A_47, %scan3A_94 = %sub3A_53) -> (i32, i32)  : i32 {
        %sub3A_95 = arith.subi %scan3A_94, %scan3A_93 : i32
        %add3A_96 = arith.constant 1 : i32
        %add3A_97 = arith.addi %sub3A_95, %add3A_96 : i32
        %shift_right_logical3A = arith.constant 1 : i32
        %shift_right_logical3A_98 = arith.shrui %add3A_97, %shift_right_logical3A : i32
        %add3A_99 = arith.addi %scan3A_93, %shift_right_logical3A_98 : i32
        %broadcast_in_dim3A_100 = arith.constant 0 : i32
        %broadcast_in_dim3A_101 = vector.broadcast %broadcast_in_dim3A_100 : i32 to vector<16xi32>
        %add3A_102 = vector.broadcast %add3A_99 : i32 to vector<16xi32>
        %add3A_103 = arith.addi %broadcast_in_dim3A_101, %add3A_102 : vector<16xi32>
        %bitcast3A_104 = vector.bitcast %add3A_103 : vector<16xi32> to vector<16xf32>
        %add3A_105 = arith.constant 255 : i32
        %add3A_106 = arith.addi %scan3A_41#0, %add3A_105 : i32
        %div3A_107 = arith.constant 256 : i32
        %div3A_108 = arith.divsi %add3A_106, %div3A_107 : i32
        %while3A_109 = arith.constant 0 : i32
        %while3A_110 = arith.subi %div3A_108, %while3A_109 : i32
        %while3A_111 = arith.addi %while3A_109, %while3A_110 : i32
        %while3A_112 = arith.constant 1 : i32
        %while3A_113 = arith.divsi %while3A_110, %while3A_112 : i32
        %while3A_114 = arith.muli %while3A_113, %while3A_112 : i32
        %while3A_115 = arith.addi %while3A_109, %while3A_114 : i32
        %while3A_116 = arith.constant 1 : i32
        %while3A_117 = scf.for %while3A_128 = %while3A_109 to %while3A_115 step %while3A_116 iter_args(%while3A_129 = %broadcast_in_dim3A_5) -> (vector<16xf32>)  : i32 {
          %mul3A_130 = arith.constant 16 : i32
          %mul3A_131 = arith.muli %while3A_128, %mul3A_130 : i32
          %add3A_132 = arith.constant 0 : i32
          %add3A_133 = arith.addi %mul3A_131, %add3A_132 : i32
          %mul3A_134 = arith.constant 16 : i32
          %mul3A_135 = arith.muli %add3A_133, %mul3A_134 : i32
          %get3A_136 = arith.index_cast %mul3A_135 : i32 to index
          %get3A_137 = tpu.vector_load %arg7[%get3A_136] {strides = array<i32>} : memref<24592xf32, #tpu.memory_space<vmem>>, vector<16xf32>,
          %mul3A_138 = arith.constant 16 : i32
          %mul3A_139 = arith.muli %while3A_128, %mul3A_138 : i32
          %add3A_140 = arith.constant 0 : i32
          %add3A_141 = arith.addi %mul3A_139, %add3A_140 : i32
          %mul3A_142 = arith.constant 16 : i32
          %mul3A_143 = arith.muli %add3A_141, %mul3A_142 : i32
          %add3A_144 = vector.broadcast %mul3A_143 : i32 to vector<16xi32>
          %add3A_145 = arith.addi %add3A_144, %iota3A : vector<16xi32>
          %lt3A_146 = vector.broadcast %scan3A_41#0 : i32 to vector<16xi32>
          %lt3A_147 = arith.cmpi slt, %add3A_145, %lt3A_146 : vector<16xi32>
          %ge3A_148 = arith.cmpf oge, %get3A_137, %bitcast3A_104 : vector<16xf32>
          %and3A = arith.andi %lt3A_147, %ge3A_148 : vector<16xi1>
          %jit3A_149 = arith.constant 1.000000e+00 : f32
          %jit3A_150 = arith.constant 0.000000e+00 : f32
          %broadcast_in_dim3A_151 = vector.broadcast %jit3A_149 : f32 to vector<16xf32>
          %broadcast_in_dim3A_152 = vector.broadcast %jit3A_150 : f32 to vector<16xf32>
          %select_n3A_153 = arith.select %and3A, %broadcast_in_dim3A_151, %broadcast_in_dim3A_152 : vector<16xi1>, vector<16xf32>
          %add3A_154 = arith.addf %while3A_129, %select_n3A_153 : vector<16xf32>
          %mul3A_155 = arith.constant 16 : i32
          %mul3A_156 = arith.muli %while3A_128, %mul3A_155 : i32
          %add3A_157 = arith.constant 1 : i32
          %add3A_158 = arith.addi %mul3A_156, %add3A_157 : i32
          %mul3A_159 = arith.constant 16 : i32
          %mul3A_160 = arith.muli %add3A_158, %mul3A_159 : i32
          %get3A_161 = arith.index_cast %mul3A_160 : i32 to index
          %get3A_162 = tpu.vector_load %arg7[%get3A_161] {strides = array<i32>} : memref<24592xf32, #tpu.memory_space<vmem>>, vector<16xf32>,
          %mul3A_163 = arith.constant 16 : i32
          %mul3A_164 = arith.muli %while3A_128, %mul3A_163 : i32
          %add3A_165 = arith.constant 1 : i32
          %add3A_166 = arith.addi %mul3A_164, %add3A_165 : i32
          %mul3A_167 = arith.constant 16 : i32
          %mul3A_168 = arith.muli %add3A_166, %mul3A_167 : i32
          %add3A_169 = vector.broadcast %mul3A_168 : i32 to vector<16xi32>
          %add3A_170 = arith.addi %add3A_169, %iota3A : vector<16xi32>
          %lt3A_171 = vector.broadcast %scan3A_41#0 : i32 to vector<16xi32>
          %lt3A_172 = arith.cmpi slt, %add3A_170, %lt3A_171 : vector<16xi32>
          %ge3A_173 = arith.cmpf oge, %get3A_162, %bitcast3A_104 : vector<16xf32>
          %and3A_174 = arith.andi %lt3A_172, %ge3A_173 : vector<16xi1>
          %jit3A_175 = arith.constant 1.000000e+00 : f32
          %jit3A_176 = arith.constant 0.000000e+00 : f32
          %broadcast_in_dim3A_177 = vector.broadcast %jit3A_175 : f32 to vector<16xf32>
          %broadcast_in_dim3A_178 = vector.broadcast %jit3A_176 : f32 to vector<16xf32>
          %select_n3A_179 = arith.select %and3A_174, %broadcast_in_dim3A_177, %broadcast_in_dim3A_178 : vector<16xi1>, vector<16xf32>
          %add3A_180 = arith.addf %add3A_154, %select_n3A_179 : vector<16xf32>
          %mul3A_181 = arith.constant 16 : i32
          %mul3A_182 = arith.muli %while3A_128, %mul3A_181 : i32
          %add3A_183 = arith.constant 2 : i32
          %add3A_184 = arith.addi %mul3A_182, %add3A_183 : i32
          %mul3A_185 = arith.constant 16 : i32
          %mul3A_186 = arith.muli %add3A_184, %mul3A_185 : i32
          %get3A_187 = arith.index_cast %mul3A_186 : i32 to index
          %get3A_188 = tpu.vector_load %arg7[%get3A_187] {strides = array<i32>} : memref<24592xf32, #tpu.memory_space<vmem>>, vector<16xf32>,
          %mul3A_189 = arith.constant 16 : i32
          %mul3A_190 = arith.muli %while3A_128, %mul3A_189 : i32
          %add3A_191 = arith.constant 2 : i32
          %add3A_192 = arith.addi %mul3A_190, %add3A_191 : i32
          %mul3A_193 = arith.constant 16 : i32
          %mul3A_194 = arith.muli %add3A_192, %mul3A_193 : i32
          %add3A_195 = vector.broadcast %mul3A_194 : i32 to vector<16xi32>
          %add3A_196 = arith.addi %add3A_195, %iota3A : vector<16xi32>
          %lt3A_197 = vector.broadcast %scan3A_41#0 : i32 to vector<16xi32>
          %lt3A_198 = arith.cmpi slt, %add3A_196, %lt3A_197 : vector<16xi32>
          %ge3A_199 = arith.cmpf oge, %get3A_188, %bitcast3A_104 : vector<16xf32>
          %and3A_200 = arith.andi %lt3A_198, %ge3A_199 : vector<16xi1>
          %jit3A_201 = arith.constant 1.000000e+00 : f32
          %jit3A_202 = arith.constant 0.000000e+00 : f32
          %broadcast_in_dim3A_203 = vector.broadcast %jit3A_201 : f32 to vector<16xf32>
          %broadcast_in_dim3A_204 = vector.broadcast %jit3A_202 : f32 to vector<16xf32>
          %select_n3A_205 = arith.select %and3A_200, %broadcast_in_dim3A_203, %broadcast_in_dim3A_204 : vector<16xi1>, vector<16xf32>
          %add3A_206 = arith.addf %add3A_180, %select_n3A_205 : vector<16xf32>
          %mul3A_207 = arith.constant 16 : i32
          %mul3A_208 = arith.muli %while3A_128, %mul3A_207 : i32
          %add3A_209 = arith.constant 3 : i32
          %add3A_210 = arith.addi %mul3A_208, %add3A_209 : i32
          %mul3A_211 = arith.constant 16 : i32
          %mul3A_212 = arith.muli %add3A_210, %mul3A_211 : i32
          %get3A_213 = arith.index_cast %mul3A_212 : i32 to index
          %get3A_214 = tpu.vector_load %arg7[%get3A_213] {strides = array<i32>} : memref<24592xf32, #tpu.memory_space<vmem>>, vector<16xf32>,
          %mul3A_215 = arith.constant 16 : i32
          %mul3A_216 = arith.muli %while3A_128, %mul3A_215 : i32
          %add3A_217 = arith.constant 3 : i32
          %add3A_218 = arith.addi %mul3A_216, %add3A_217 : i32
          %mul3A_219 = arith.constant 16 : i32
          %mul3A_220 = arith.muli %add3A_218, %mul3A_219 : i32
          %add3A_221 = vector.broadcast %mul3A_220 : i32 to vector<16xi32>
          %add3A_222 = arith.addi %add3A_221, %iota3A : vector<16xi32>
          %lt3A_223 = vector.broadcast %scan3A_41#0 : i32 to vector<16xi32>
          %lt3A_224 = arith.cmpi slt, %add3A_222, %lt3A_223 : vector<16xi32>
          %ge3A_225 = arith.cmpf oge, %get3A_214, %bitcast3A_104 : vector<16xf32>
          %and3A_226 = arith.andi %lt3A_224, %ge3A_225 : vector<16xi1>
          %jit3A_227 = arith.constant 1.000000e+00 : f32
          %jit3A_228 = arith.constant 0.000000e+00 : f32
          %broadcast_in_dim3A_229 = vector.broadcast %jit3A_227 : f32 to vector<16xf32>
          %broadcast_in_dim3A_230 = vector.broadcast %jit3A_228 : f32 to vector<16xf32>
          %select_n3A_231 = arith.select %and3A_226, %broadcast_in_dim3A_229, %broadcast_in_dim3A_230 : vector<16xi1>, vector<16xf32>
          %add3A_232 = arith.addf %add3A_206, %select_n3A_231 : vector<16xf32>
          %mul3A_233 = arith.constant 16 : i32
          %mul3A_234 = arith.muli %while3A_128, %mul3A_233 : i32
          %add3A_235 = arith.constant 4 : i32
          %add3A_236 = arith.addi %mul3A_234, %add3A_235 : i32
          %mul3A_237 = arith.constant 16 : i32
          %mul3A_238 = arith.muli %add3A_236, %mul3A_237 : i32
          %get3A_239 = arith.index_cast %mul3A_238 : i32 to index
          %get3A_240 = tpu.vector_load %arg7[%get3A_239] {strides = array<i32>} : memref<24592xf32, #tpu.memory_space<vmem>>, vector<16xf32>,
          %mul3A_241 = arith.constant 16 : i32
          %mul3A_242 = arith.muli %while3A_128, %mul3A_241 : i32
          %add3A_243 = arith.constant 4 : i32
          %add3A_244 = arith.addi %mul3A_242, %add3A_243 : i32
          %mul3A_245 = arith.constant 16 : i32
          %mul3A_246 = arith.muli %add3A_244, %mul3A_245 : i32
          %add3A_247 = vector.broadcast %mul3A_246 : i32 to vector<16xi32>
          %add3A_248 = arith.addi %add3A_247, %iota3A : vector<16xi32>
          %lt3A_249 = vector.broadcast %scan3A_41#0 : i32 to vector<16xi32>
          %lt3A_250 = arith.cmpi slt, %add3A_248, %lt3A_249 : vector<16xi32>
          %ge3A_251 = arith.cmpf oge, %get3A_240, %bitcast3A_104 : vector<16xf32>
          %and3A_252 = arith.andi %lt3A_250, %ge3A_251 : vector<16xi1>
          %jit3A_253 = arith.constant 1.000000e+00 : f32
          %jit3A_254 = arith.constant 0.000000e+00 : f32
          %broadcast_in_dim3A_255 = vector.broadcast %jit3A_253 : f32 to vector<16xf32>
          %broadcast_in_dim3A_256 = vector.broadcast %jit3A_254 : f32 to vector<16xf32>
          %select_n3A_257 = arith.select %and3A_252, %broadcast_in_dim3A_255, %broadcast_in_dim3A_256 : vector<16xi1>, vector<16xf32>
          %add3A_258 = arith.addf %add3A_232, %select_n3A_257 : vector<16xf32>
          %mul3A_259 = arith.constant 16 : i32
          %mul3A_260 = arith.muli %while3A_128, %mul3A_259 : i32
          %add3A_261 = arith.constant 5 : i32
          %add3A_262 = arith.addi %mul3A_260, %add3A_261 : i32
          %mul3A_263 = arith.constant 16 : i32
          %mul3A_264 = arith.muli %add3A_262, %mul3A_263 : i32
          %get3A_265 = arith.index_cast %mul3A_264 : i32 to index
          %get3A_266 = tpu.vector_load %arg7[%get3A_265] {strides = array<i32>} : memref<24592xf32, #tpu.memory_space<vmem>>, vector<16xf32>,
          %mul3A_267 = arith.constant 16 : i32
          %mul3A_268 = arith.muli %while3A_128, %mul3A_267 : i32
          %add3A_269 = arith.constant 5 : i32
          %add3A_270 = arith.addi %mul3A_268, %add3A_269 : i32
          %mul3A_271 = arith.constant 16 : i32
          %mul3A_272 = arith.muli %add3A_270, %mul3A_271 : i32
          %add3A_273 = vector.broadcast %mul3A_272 : i32 to vector<16xi32>
          %add3A_274 = arith.addi %add3A_273, %iota3A : vector<16xi32>
          %lt3A_275 = vector.broadcast %scan3A_41#0 : i32 to vector<16xi32>
          %lt3A_276 = arith.cmpi slt, %add3A_274, %lt3A_275 : vector<16xi32>
          %ge3A_277 = arith.cmpf oge, %get3A_266, %bitcast3A_104 : vector<16xf32>
          %and3A_278 = arith.andi %lt3A_276, %ge3A_277 : vector<16xi1>
          %jit3A_279 = arith.constant 1.000000e+00 : f32
          %jit3A_280 = arith.constant 0.000000e+00 : f32
          %broadcast_in_dim3A_281 = vector.broadcast %jit3A_279 : f32 to vector<16xf32>
          %broadcast_in_dim3A_282 = vector.broadcast %jit3A_280 : f32 to vector<16xf32>
          %select_n3A_283 = arith.select %and3A_278, %broadcast_in_dim3A_281, %broadcast_in_dim3A_282 : vector<16xi1>, vector<16xf32>
          %add3A_284 = arith.addf %add3A_258, %select_n3A_283 : vector<16xf32>
          %mul3A_285 = arith.constant 16 : i32
          %mul3A_286 = arith.muli %while3A_128, %mul3A_285 : i32
          %add3A_287 = arith.constant 6 : i32
          %add3A_288 = arith.addi %mul3A_286, %add3A_287 : i32
          %mul3A_289 = arith.constant 16 : i32
          %mul3A_290 = arith.muli %add3A_288, %mul3A_289 : i32
          %get3A_291 = arith.index_cast %mul3A_290 : i32 to index
          %get3A_292 = tpu.vector_load %arg7[%get3A_291] {strides = array<i32>} : memref<24592xf32, #tpu.memory_space<vmem>>, vector<16xf32>,
          %mul3A_293 = arith.constant 16 : i32
          %mul3A_294 = arith.muli %while3A_128, %mul3A_293 : i32
          %add3A_295 = arith.constant 6 : i32
          %add3A_296 = arith.addi %mul3A_294, %add3A_295 : i32
          %mul3A_297 = arith.constant 16 : i32
          %mul3A_298 = arith.muli %add3A_296, %mul3A_297 : i32
          %add3A_299 = vector.broadcast %mul3A_298 : i32 to vector<16xi32>
          %add3A_300 = arith.addi %add3A_299, %iota3A : vector<16xi32>
          %lt3A_301 = vector.broadcast %scan3A_41#0 : i32 to vector<16xi32>
          %lt3A_302 = arith.cmpi slt, %add3A_300, %lt3A_301 : vector<16xi32>
          %ge3A_303 = arith.cmpf oge, %get3A_292, %bitcast3A_104 : vector<16xf32>
          %and3A_304 = arith.andi %lt3A_302, %ge3A_303 : vector<16xi1>
          %jit3A_305 = arith.constant 1.000000e+00 : f32
          %jit3A_306 = arith.constant 0.000000e+00 : f32
          %broadcast_in_dim3A_307 = vector.broadcast %jit3A_305 : f32 to vector<16xf32>
          %broadcast_in_dim3A_308 = vector.broadcast %jit3A_306 : f32 to vector<16xf32>
          %select_n3A_309 = arith.select %and3A_304, %broadcast_in_dim3A_307, %broadcast_in_dim3A_308 : vector<16xi1>, vector<16xf32>
          %add3A_310 = arith.addf %add3A_284, %select_n3A_309 : vector<16xf32>
          %mul3A_311 = arith.constant 16 : i32
          %mul3A_312 = arith.muli %while3A_128, %mul3A_311 : i32
          %add3A_313 = arith.constant 7 : i32
          %add3A_314 = arith.addi %mul3A_312, %add3A_313 : i32
          %mul3A_315 = arith.constant 16 : i32
          %mul3A_316 = arith.muli %add3A_314, %mul3A_315 : i32
          %get3A_317 = arith.index_cast %mul3A_316 : i32 to index
          %get3A_318 = tpu.vector_load %arg7[%get3A_317] {strides = array<i32>} : memref<24592xf32, #tpu.memory_space<vmem>>, vector<16xf32>,
          %mul3A_319 = arith.constant 16 : i32
          %mul3A_320 = arith.muli %while3A_128, %mul3A_319 : i32
          %add3A_321 = arith.constant 7 : i32
          %add3A_322 = arith.addi %mul3A_320, %add3A_321 : i32
          %mul3A_323 = arith.constant 16 : i32
          %mul3A_324 = arith.muli %add3A_322, %mul3A_323 : i32
          %add3A_325 = vector.broadcast %mul3A_324 : i32 to vector<16xi32>
          %add3A_326 = arith.addi %add3A_325, %iota3A : vector<16xi32>
          %lt3A_327 = vector.broadcast %scan3A_41#0 : i32 to vector<16xi32>
          %lt3A_328 = arith.cmpi slt, %add3A_326, %lt3A_327 : vector<16xi32>
          %ge3A_329 = arith.cmpf oge, %get3A_318, %bitcast3A_104 : vector<16xf32>
          %and3A_330 = arith.andi %lt3A_328, %ge3A_329 : vector<16xi1>
          %jit3A_331 = arith.constant 1.000000e+00 : f32
          %jit3A_332 = arith.constant 0.000000e+00 : f32
          %broadcast_in_dim3A_333 = vector.broadcast %jit3A_331 : f32 to vector<16xf32>
          %broadcast_in_dim3A_334 = vector.broadcast %jit3A_332 : f32 to vector<16xf32>
          %select_n3A_335 = arith.select %and3A_330, %broadcast_in_dim3A_333, %broadcast_in_dim3A_334 : vector<16xi1>, vector<16xf32>
          %add3A_336 = arith.addf %add3A_310, %select_n3A_335 : vector<16xf32>
          %mul3A_337 = arith.constant 16 : i32
          %mul3A_338 = arith.muli %while3A_128, %mul3A_337 : i32
          %add3A_339 = arith.constant 8 : i32
          %add3A_340 = arith.addi %mul3A_338, %add3A_339 : i32
          %mul3A_341 = arith.constant 16 : i32
          %mul3A_342 = arith.muli %add3A_340, %mul3A_341 : i32
          %get3A_343 = arith.index_cast %mul3A_342 : i32 to index
          %get3A_344 = tpu.vector_load %arg7[%get3A_343] {strides = array<i32>} : memref<24592xf32, #tpu.memory_space<vmem>>, vector<16xf32>,
          %mul3A_345 = arith.constant 16 : i32
          %mul3A_346 = arith.muli %while3A_128, %mul3A_345 : i32
          %add3A_347 = arith.constant 8 : i32
          %add3A_348 = arith.addi %mul3A_346, %add3A_347 : i32
          %mul3A_349 = arith.constant 16 : i32
          %mul3A_350 = arith.muli %add3A_348, %mul3A_349 : i32
          %add3A_351 = vector.broadcast %mul3A_350 : i32 to vector<16xi32>
          %add3A_352 = arith.addi %add3A_351, %iota3A : vector<16xi32>
          %lt3A_353 = vector.broadcast %scan3A_41#0 : i32 to vector<16xi32>
          %lt3A_354 = arith.cmpi slt, %add3A_352, %lt3A_353 : vector<16xi32>
          %ge3A_355 = arith.cmpf oge, %get3A_344, %bitcast3A_104 : vector<16xf32>
          %and3A_356 = arith.andi %lt3A_354, %ge3A_355 : vector<16xi1>
          %jit3A_357 = arith.constant 1.000000e+00 : f32
          %jit3A_358 = arith.constant 0.000000e+00 : f32
          %broadcast_in_dim3A_359 = vector.broadcast %jit3A_357 : f32 to vector<16xf32>
          %broadcast_in_dim3A_360 = vector.broadcast %jit3A_358 : f32 to vector<16xf32>
          %select_n3A_361 = arith.select %and3A_356, %broadcast_in_dim3A_359, %broadcast_in_dim3A_360 : vector<16xi1>, vector<16xf32>
          %add3A_362 = arith.addf %add3A_336, %select_n3A_361 : vector<16xf32>
          %mul3A_363 = arith.constant 16 : i32
          %mul3A_364 = arith.muli %while3A_128, %mul3A_363 : i32
          %add3A_365 = arith.constant 9 : i32
          %add3A_366 = arith.addi %mul3A_364, %add3A_365 : i32
          %mul3A_367 = arith.constant 16 : i32
          %mul3A_368 = arith.muli %add3A_366, %mul3A_367 : i32
          %get3A_369 = arith.index_cast %mul3A_368 : i32 to index
          %get3A_370 = tpu.vector_load %arg7[%get3A_369] {strides = array<i32>} : memref<24592xf32, #tpu.memory_space<vmem>>, vector<16xf32>,
          %mul3A_371 = arith.constant 16 : i32
          %mul3A_372 = arith.muli %while3A_128, %mul3A_371 : i32
          %add3A_373 = arith.constant 9 : i32
          %add3A_374 = arith.addi %mul3A_372, %add3A_373 : i32
          %mul3A_375 = arith.constant 16 : i32
          %mul3A_376 = arith.muli %add3A_374, %mul3A_375 : i32
          %add3A_377 = vector.broadcast %mul3A_376 : i32 to vector<16xi32>
          %add3A_378 = arith.addi %add3A_377, %iota3A : vector<16xi32>
          %lt3A_379 = vector.broadcast %scan3A_41#0 : i32 to vector<16xi32>
          %lt3A_380 = arith.cmpi slt, %add3A_378, %lt3A_379 : vector<16xi32>
          %ge3A_381 = arith.cmpf oge, %get3A_370, %bitcast3A_104 : vector<16xf32>
          %and3A_382 = arith.andi %lt3A_380, %ge3A_381 : vector<16xi1>
          %jit3A_383 = arith.constant 1.000000e+00 : f32
          %jit3A_384 = arith.constant 0.000000e+00 : f32
          %broadcast_in_dim3A_385 = vector.broadcast %jit3A_383 : f32 to vector<16xf32>
          %broadcast_in_dim3A_386 = vector.broadcast %jit3A_384 : f32 to vector<16xf32>
          %select_n3A_387 = arith.select %and3A_382, %broadcast_in_dim3A_385, %broadcast_in_dim3A_386 : vector<16xi1>, vector<16xf32>
          %add3A_388 = arith.addf %add3A_362, %select_n3A_387 : vector<16xf32>
          %mul3A_389 = arith.constant 16 : i32
          %mul3A_390 = arith.muli %while3A_128, %mul3A_389 : i32
          %add3A_391 = arith.constant 10 : i32
          %add3A_392 = arith.addi %mul3A_390, %add3A_391 : i32
          %mul3A_393 = arith.constant 16 : i32
          %mul3A_394 = arith.muli %add3A_392, %mul3A_393 : i32
          %get3A_395 = arith.index_cast %mul3A_394 : i32 to index
          %get3A_396 = tpu.vector_load %arg7[%get3A_395] {strides = array<i32>} : memref<24592xf32, #tpu.memory_space<vmem>>, vector<16xf32>,
          %mul3A_397 = arith.constant 16 : i32
          %mul3A_398 = arith.muli %while3A_128, %mul3A_397 : i32
          %add3A_399 = arith.constant 10 : i32
          %add3A_400 = arith.addi %mul3A_398, %add3A_399 : i32
          %mul3A_401 = arith.constant 16 : i32
          %mul3A_402 = arith.muli %add3A_400, %mul3A_401 : i32
          %add3A_403 = vector.broadcast %mul3A_402 : i32 to vector<16xi32>
          %add3A_404 = arith.addi %add3A_403, %iota3A : vector<16xi32>
          %lt3A_405 = vector.broadcast %scan3A_41#0 : i32 to vector<16xi32>
          %lt3A_406 = arith.cmpi slt, %add3A_404, %lt3A_405 : vector<16xi32>
          %ge3A_407 = arith.cmpf oge, %get3A_396, %bitcast3A_104 : vector<16xf32>
          %and3A_408 = arith.andi %lt3A_406, %ge3A_407 : vector<16xi1>
          %jit3A_409 = arith.constant 1.000000e+00 : f32
          %jit3A_410 = arith.constant 0.000000e+00 : f32
          %broadcast_in_dim3A_411 = vector.broadcast %jit3A_409 : f32 to vector<16xf32>
          %broadcast_in_dim3A_412 = vector.broadcast %jit3A_410 : f32 to vector<16xf32>
          %select_n3A_413 = arith.select %and3A_408, %broadcast_in_dim3A_411, %broadcast_in_dim3A_412 : vector<16xi1>, vector<16xf32>
          %add3A_414 = arith.addf %add3A_388, %select_n3A_413 : vector<16xf32>
          %mul3A_415 = arith.constant 16 : i32
          %mul3A_416 = arith.muli %while3A_128, %mul3A_415 : i32
          %add3A_417 = arith.constant 11 : i32
          %add3A_418 = arith.addi %mul3A_416, %add3A_417 : i32
          %mul3A_419 = arith.constant 16 : i32
          %mul3A_420 = arith.muli %add3A_418, %mul3A_419 : i32
          %get3A_421 = arith.index_cast %mul3A_420 : i32 to index
          %get3A_422 = tpu.vector_load %arg7[%get3A_421] {strides = array<i32>} : memref<24592xf32, #tpu.memory_space<vmem>>, vector<16xf32>,
          %mul3A_423 = arith.constant 16 : i32
          %mul3A_424 = arith.muli %while3A_128, %mul3A_423 : i32
          %add3A_425 = arith.constant 11 : i32
          %add3A_426 = arith.addi %mul3A_424, %add3A_425 : i32
          %mul3A_427 = arith.constant 16 : i32
          %mul3A_428 = arith.muli %add3A_426, %mul3A_427 : i32
          %add3A_429 = vector.broadcast %mul3A_428 : i32 to vector<16xi32>
          %add3A_430 = arith.addi %add3A_429, %iota3A : vector<16xi32>
          %lt3A_431 = vector.broadcast %scan3A_41#0 : i32 to vector<16xi32>
          %lt3A_432 = arith.cmpi slt, %add3A_430, %lt3A_431 : vector<16xi32>
          %ge3A_433 = arith.cmpf oge, %get3A_422, %bitcast3A_104 : vector<16xf32>
          %and3A_434 = arith.andi %lt3A_432, %ge3A_433 : vector<16xi1>
          %jit3A_435 = arith.constant 1.000000e+00 : f32
          %jit3A_436 = arith.constant 0.000000e+00 : f32
          %broadcast_in_dim3A_437 = vector.broadcast %jit3A_435 : f32 to vector<16xf32>
          %broadcast_in_dim3A_438 = vector.broadcast %jit3A_436 : f32 to vector<16xf32>
          %select_n3A_439 = arith.select %and3A_434, %broadcast_in_dim3A_437, %broadcast_in_dim3A_438 : vector<16xi1>, vector<16xf32>
          %add3A_440 = arith.addf %add3A_414, %select_n3A_439 : vector<16xf32>
          %mul3A_441 = arith.constant 16 : i32
          %mul3A_442 = arith.muli %while3A_128, %mul3A_441 : i32
          %add3A_443 = arith.constant 12 : i32
          %add3A_444 = arith.addi %mul3A_442, %add3A_443 : i32
          %mul3A_445 = arith.constant 16 : i32
          %mul3A_446 = arith.muli %add3A_444, %mul3A_445 : i32
          %get3A_447 = arith.index_cast %mul3A_446 : i32 to index
          %get3A_448 = tpu.vector_load %arg7[%get3A_447] {strides = array<i32>} : memref<24592xf32, #tpu.memory_space<vmem>>, vector<16xf32>,
          %mul3A_449 = arith.constant 16 : i32
          %mul3A_450 = arith.muli %while3A_128, %mul3A_449 : i32
          %add3A_451 = arith.constant 12 : i32
          %add3A_452 = arith.addi %mul3A_450, %add3A_451 : i32
          %mul3A_453 = arith.constant 16 : i32
          %mul3A_454 = arith.muli %add3A_452, %mul3A_453 : i32
          %add3A_455 = vector.broadcast %mul3A_454 : i32 to vector<16xi32>
          %add3A_456 = arith.addi %add3A_455, %iota3A : vector<16xi32>
          %lt3A_457 = vector.broadcast %scan3A_41#0 : i32 to vector<16xi32>
          %lt3A_458 = arith.cmpi slt, %add3A_456, %lt3A_457 : vector<16xi32>
          %ge3A_459 = arith.cmpf oge, %get3A_448, %bitcast3A_104 : vector<16xf32>
          %and3A_460 = arith.andi %lt3A_458, %ge3A_459 : vector<16xi1>
          %jit3A_461 = arith.constant 1.000000e+00 : f32
          %jit3A_462 = arith.constant 0.000000e+00 : f32
          %broadcast_in_dim3A_463 = vector.broadcast %jit3A_461 : f32 to vector<16xf32>
          %broadcast_in_dim3A_464 = vector.broadcast %jit3A_462 : f32 to vector<16xf32>
          %select_n3A_465 = arith.select %and3A_460, %broadcast_in_dim3A_463, %broadcast_in_dim3A_464 : vector<16xi1>, vector<16xf32>
          %add3A_466 = arith.addf %add3A_440, %select_n3A_465 : vector<16xf32>
          %mul3A_467 = arith.constant 16 : i32
          %mul3A_468 = arith.muli %while3A_128, %mul3A_467 : i32
          %add3A_469 = arith.constant 13 : i32
          %add3A_470 = arith.addi %mul3A_468, %add3A_469 : i32
          %mul3A_471 = arith.constant 16 : i32
          %mul3A_472 = arith.muli %add3A_470, %mul3A_471 : i32
          %get3A_473 = arith.index_cast %mul3A_472 : i32 to index
          %get3A_474 = tpu.vector_load %arg7[%get3A_473] {strides = array<i32>} : memref<24592xf32, #tpu.memory_space<vmem>>, vector<16xf32>,
          %mul3A_475 = arith.constant 16 : i32
          %mul3A_476 = arith.muli %while3A_128, %mul3A_475 : i32
          %add3A_477 = arith.constant 13 : i32
          %add3A_478 = arith.addi %mul3A_476, %add3A_477 : i32
          %mul3A_479 = arith.constant 16 : i32
          %mul3A_480 = arith.muli %add3A_478, %mul3A_479 : i32
          %add3A_481 = vector.broadcast %mul3A_480 : i32 to vector<16xi32>
          %add3A_482 = arith.addi %add3A_481, %iota3A : vector<16xi32>
          %lt3A_483 = vector.broadcast %scan3A_41#0 : i32 to vector<16xi32>
          %lt3A_484 = arith.cmpi slt, %add3A_482, %lt3A_483 : vector<16xi32>
          %ge3A_485 = arith.cmpf oge, %get3A_474, %bitcast3A_104 : vector<16xf32>
          %and3A_486 = arith.andi %lt3A_484, %ge3A_485 : vector<16xi1>
          %jit3A_487 = arith.constant 1.000000e+00 : f32
          %jit3A_488 = arith.constant 0.000000e+00 : f32
          %broadcast_in_dim3A_489 = vector.broadcast %jit3A_487 : f32 to vector<16xf32>
          %broadcast_in_dim3A_490 = vector.broadcast %jit3A_488 : f32 to vector<16xf32>
          %select_n3A_491 = arith.select %and3A_486, %broadcast_in_dim3A_489, %broadcast_in_dim3A_490 : vector<16xi1>, vector<16xf32>
          %add3A_492 = arith.addf %add3A_466, %select_n3A_491 : vector<16xf32>
          %mul3A_493 = arith.constant 16 : i32
          %mul3A_494 = arith.muli %while3A_128, %mul3A_493 : i32
          %add3A_495 = arith.constant 14 : i32
          %add3A_496 = arith.addi %mul3A_494, %add3A_495 : i32
          %mul3A_497 = arith.constant 16 : i32
          %mul3A_498 = arith.muli %add3A_496, %mul3A_497 : i32
          %get3A_499 = arith.index_cast %mul3A_498 : i32 to index
          %get3A_500 = tpu.vector_load %arg7[%get3A_499] {strides = array<i32>} : memref<24592xf32, #tpu.memory_space<vmem>>, vector<16xf32>,
          %mul3A_501 = arith.constant 16 : i32
          %mul3A_502 = arith.muli %while3A_128, %mul3A_501 : i32
          %add3A_503 = arith.constant 14 : i32
          %add3A_504 = arith.addi %mul3A_502, %add3A_503 : i32
          %mul3A_505 = arith.constant 16 : i32
          %mul3A_506 = arith.muli %add3A_504, %mul3A_505 : i32
          %add3A_507 = vector.broadcast %mul3A_506 : i32 to vector<16xi32>
          %add3A_508 = arith.addi %add3A_507, %iota3A : vector<16xi32>
          %lt3A_509 = vector.broadcast %scan3A_41#0 : i32 to vector<16xi32>
          %lt3A_510 = arith.cmpi slt, %add3A_508, %lt3A_509 : vector<16xi32>
          %ge3A_511 = arith.cmpf oge, %get3A_500, %bitcast3A_104 : vector<16xf32>
          %and3A_512 = arith.andi %lt3A_510, %ge3A_511 : vector<16xi1>
          %jit3A_513 = arith.constant 1.000000e+00 : f32
          %jit3A_514 = arith.constant 0.000000e+00 : f32
          %broadcast_in_dim3A_515 = vector.broadcast %jit3A_513 : f32 to vector<16xf32>
          %broadcast_in_dim3A_516 = vector.broadcast %jit3A_514 : f32 to vector<16xf32>
          %select_n3A_517 = arith.select %and3A_512, %broadcast_in_dim3A_515, %broadcast_in_dim3A_516 : vector<16xi1>, vector<16xf32>
          %add3A_518 = arith.addf %add3A_492, %select_n3A_517 : vector<16xf32>
          %mul3A_519 = arith.constant 16 : i32
          %mul3A_520 = arith.muli %while3A_128, %mul3A_519 : i32
          %add3A_521 = arith.constant 15 : i32
          %add3A_522 = arith.addi %mul3A_520, %add3A_521 : i32
          %mul3A_523 = arith.constant 16 : i32
          %mul3A_524 = arith.muli %add3A_522, %mul3A_523 : i32
          %get3A_525 = arith.index_cast %mul3A_524 : i32 to index
          %get3A_526 = tpu.vector_load %arg7[%get3A_525] {strides = array<i32>} : memref<24592xf32, #tpu.memory_space<vmem>>, vector<16xf32>,
          %mul3A_527 = arith.constant 16 : i32
          %mul3A_528 = arith.muli %while3A_128, %mul3A_527 : i32
          %add3A_529 = arith.constant 15 : i32
          %add3A_530 = arith.addi %mul3A_528, %add3A_529 : i32
          %mul3A_531 = arith.constant 16 : i32
          %mul3A_532 = arith.muli %add3A_530, %mul3A_531 : i32
          %add3A_533 = vector.broadcast %mul3A_532 : i32 to vector<16xi32>
          %add3A_534 = arith.addi %add3A_533, %iota3A : vector<16xi32>
          %lt3A_535 = vector.broadcast %scan3A_41#0 : i32 to vector<16xi32>
          %lt3A_536 = arith.cmpi slt, %add3A_534, %lt3A_535 : vector<16xi32>
          %ge3A_537 = arith.cmpf oge, %get3A_526, %bitcast3A_104 : vector<16xf32>
          %and3A_538 = arith.andi %lt3A_536, %ge3A_537 : vector<16xi1>
          %jit3A_539 = arith.constant 1.000000e+00 : f32
          %jit3A_540 = arith.constant 0.000000e+00 : f32
          %broadcast_in_dim3A_541 = vector.broadcast %jit3A_539 : f32 to vector<16xf32>
          %broadcast_in_dim3A_542 = vector.broadcast %jit3A_540 : f32 to vector<16xf32>
          %select_n3A_543 = arith.select %and3A_538, %broadcast_in_dim3A_541, %broadcast_in_dim3A_542 : vector<16xi1>, vector<16xf32>
          %add3A_544 = arith.addf %add3A_518, %select_n3A_543 : vector<16xf32>
          scf.yield %add3A_544 : vector<16xf32>
        }
        %while3A_118 = arith.constant 1 : i32
        %while3A_119 = scf.for %while3A_128 = %while3A_115 to %while3A_111 step %while3A_118 iter_args(%while3A_129 = %while3A_117) -> (vector<16xf32>)  : i32 {
          %mul3A_130 = arith.constant 16 : i32
          %mul3A_131 = arith.muli %while3A_128, %mul3A_130 : i32
          %add3A_132 = arith.constant 0 : i32
          %add3A_133 = arith.addi %mul3A_131, %add3A_132 : i32
          %mul3A_134 = arith.constant 16 : i32
          %mul3A_135 = arith.muli %add3A_133, %mul3A_134 : i32
          %get3A_136 = arith.index_cast %mul3A_135 : i32 to index
          %get3A_137 = tpu.vector_load %arg7[%get3A_136] {strides = array<i32>} : memref<24592xf32, #tpu.memory_space<vmem>>, vector<16xf32>,
          %mul3A_138 = arith.constant 16 : i32
          %mul3A_139 = arith.muli %while3A_128, %mul3A_138 : i32
          %add3A_140 = arith.constant 0 : i32
          %add3A_141 = arith.addi %mul3A_139, %add3A_140 : i32
          %mul3A_142 = arith.constant 16 : i32
          %mul3A_143 = arith.muli %add3A_141, %mul3A_142 : i32
          %add3A_144 = vector.broadcast %mul3A_143 : i32 to vector<16xi32>
          %add3A_145 = arith.addi %add3A_144, %iota3A : vector<16xi32>
          %lt3A_146 = vector.broadcast %scan3A_41#0 : i32 to vector<16xi32>
          %lt3A_147 = arith.cmpi slt, %add3A_145, %lt3A_146 : vector<16xi32>
          %ge3A_148 = arith.cmpf oge, %get3A_137, %bitcast3A_104 : vector<16xf32>
          %and3A = arith.andi %lt3A_147, %ge3A_148 : vector<16xi1>
          %jit3A_149 = arith.constant 1.000000e+00 : f32
          %jit3A_150 = arith.constant 0.000000e+00 : f32
          %broadcast_in_dim3A_151 = vector.broadcast %jit3A_149 : f32 to vector<16xf32>
          %broadcast_in_dim3A_152 = vector.broadcast %jit3A_150 : f32 to vector<16xf32>
          %select_n3A_153 = arith.select %and3A, %broadcast_in_dim3A_151, %broadcast_in_dim3A_152 : vector<16xi1>, vector<16xf32>
          %add3A_154 = arith.addf %while3A_129, %select_n3A_153 : vector<16xf32>
          %mul3A_155 = arith.constant 16 : i32
          %mul3A_156 = arith.muli %while3A_128, %mul3A_155 : i32
          %add3A_157 = arith.constant 1 : i32
          %add3A_158 = arith.addi %mul3A_156, %add3A_157 : i32
          %mul3A_159 = arith.constant 16 : i32
          %mul3A_160 = arith.muli %add3A_158, %mul3A_159 : i32
          %get3A_161 = arith.index_cast %mul3A_160 : i32 to index
          %get3A_162 = tpu.vector_load %arg7[%get3A_161] {strides = array<i32>} : memref<24592xf32, #tpu.memory_space<vmem>>, vector<16xf32>,
          %mul3A_163 = arith.constant 16 : i32
          %mul3A_164 = arith.muli %while3A_128, %mul3A_163 : i32
          %add3A_165 = arith.constant 1 : i32
          %add3A_166 = arith.addi %mul3A_164, %add3A_165 : i32
          %mul3A_167 = arith.constant 16 : i32
          %mul3A_168 = arith.muli %add3A_166, %mul3A_167 : i32
          %add3A_169 = vector.broadcast %mul3A_168 : i32 to vector<16xi32>
          %add3A_170 = arith.addi %add3A_169, %iota3A : vector<16xi32>
          %lt3A_171 = vector.broadcast %scan3A_41#0 : i32 to vector<16xi32>
          %lt3A_172 = arith.cmpi slt, %add3A_170, %lt3A_171 : vector<16xi32>
          %ge3A_173 = arith.cmpf oge, %get3A_162, %bitcast3A_104 : vector<16xf32>
          %and3A_174 = arith.andi %lt3A_172, %ge3A_173 : vector<16xi1>
          %jit3A_175 = arith.constant 1.000000e+00 : f32
          %jit3A_176 = arith.constant 0.000000e+00 : f32
          %broadcast_in_dim3A_177 = vector.broadcast %jit3A_175 : f32 to vector<16xf32>
          %broadcast_in_dim3A_178 = vector.broadcast %jit3A_176 : f32 to vector<16xf32>
          %select_n3A_179 = arith.select %and3A_174, %broadcast_in_dim3A_177, %broadcast_in_dim3A_178 : vector<16xi1>, vector<16xf32>
          %add3A_180 = arith.addf %add3A_154, %select_n3A_179 : vector<16xf32>
          %mul3A_181 = arith.constant 16 : i32
          %mul3A_182 = arith.muli %while3A_128, %mul3A_181 : i32
          %add3A_183 = arith.constant 2 : i32
          %add3A_184 = arith.addi %mul3A_182, %add3A_183 : i32
          %mul3A_185 = arith.constant 16 : i32
          %mul3A_186 = arith.muli %add3A_184, %mul3A_185 : i32
          %get3A_187 = arith.index_cast %mul3A_186 : i32 to index
          %get3A_188 = tpu.vector_load %arg7[%get3A_187] {strides = array<i32>} : memref<24592xf32, #tpu.memory_space<vmem>>, vector<16xf32>,
          %mul3A_189 = arith.constant 16 : i32
          %mul3A_190 = arith.muli %while3A_128, %mul3A_189 : i32
          %add3A_191 = arith.constant 2 : i32
          %add3A_192 = arith.addi %mul3A_190, %add3A_191 : i32
          %mul3A_193 = arith.constant 16 : i32
          %mul3A_194 = arith.muli %add3A_192, %mul3A_193 : i32
          %add3A_195 = vector.broadcast %mul3A_194 : i32 to vector<16xi32>
          %add3A_196 = arith.addi %add3A_195, %iota3A : vector<16xi32>
          %lt3A_197 = vector.broadcast %scan3A_41#0 : i32 to vector<16xi32>
          %lt3A_198 = arith.cmpi slt, %add3A_196, %lt3A_197 : vector<16xi32>
          %ge3A_199 = arith.cmpf oge, %get3A_188, %bitcast3A_104 : vector<16xf32>
          %and3A_200 = arith.andi %lt3A_198, %ge3A_199 : vector<16xi1>
          %jit3A_201 = arith.constant 1.000000e+00 : f32
          %jit3A_202 = arith.constant 0.000000e+00 : f32
          %broadcast_in_dim3A_203 = vector.broadcast %jit3A_201 : f32 to vector<16xf32>
          %broadcast_in_dim3A_204 = vector.broadcast %jit3A_202 : f32 to vector<16xf32>
          %select_n3A_205 = arith.select %and3A_200, %broadcast_in_dim3A_203, %broadcast_in_dim3A_204 : vector<16xi1>, vector<16xf32>
          %add3A_206 = arith.addf %add3A_180, %select_n3A_205 : vector<16xf32>
          %mul3A_207 = arith.constant 16 : i32
          %mul3A_208 = arith.muli %while3A_128, %mul3A_207 : i32
          %add3A_209 = arith.constant 3 : i32
          %add3A_210 = arith.addi %mul3A_208, %add3A_209 : i32
          %mul3A_211 = arith.constant 16 : i32
          %mul3A_212 = arith.muli %add3A_210, %mul3A_211 : i32
          %get3A_213 = arith.index_cast %mul3A_212 : i32 to index
          %get3A_214 = tpu.vector_load %arg7[%get3A_213] {strides = array<i32>} : memref<24592xf32, #tpu.memory_space<vmem>>, vector<16xf32>,
          %mul3A_215 = arith.constant 16 : i32
          %mul3A_216 = arith.muli %while3A_128, %mul3A_215 : i32
          %add3A_217 = arith.constant 3 : i32
          %add3A_218 = arith.addi %mul3A_216, %add3A_217 : i32
          %mul3A_219 = arith.constant 16 : i32
          %mul3A_220 = arith.muli %add3A_218, %mul3A_219 : i32
          %add3A_221 = vector.broadcast %mul3A_220 : i32 to vector<16xi32>
          %add3A_222 = arith.addi %add3A_221, %iota3A : vector<16xi32>
          %lt3A_223 = vector.broadcast %scan3A_41#0 : i32 to vector<16xi32>
          %lt3A_224 = arith.cmpi slt, %add3A_222, %lt3A_223 : vector<16xi32>
          %ge3A_225 = arith.cmpf oge, %get3A_214, %bitcast3A_104 : vector<16xf32>
          %and3A_226 = arith.andi %lt3A_224, %ge3A_225 : vector<16xi1>
          %jit3A_227 = arith.constant 1.000000e+00 : f32
          %jit3A_228 = arith.constant 0.000000e+00 : f32
          %broadcast_in_dim3A_229 = vector.broadcast %jit3A_227 : f32 to vector<16xf32>
          %broadcast_in_dim3A_230 = vector.broadcast %jit3A_228 : f32 to vector<16xf32>
          %select_n3A_231 = arith.select %and3A_226, %broadcast_in_dim3A_229, %broadcast_in_dim3A_230 : vector<16xi1>, vector<16xf32>
          %add3A_232 = arith.addf %add3A_206, %select_n3A_231 : vector<16xf32>
          %mul3A_233 = arith.constant 16 : i32
          %mul3A_234 = arith.muli %while3A_128, %mul3A_233 : i32
          %add3A_235 = arith.constant 4 : i32
          %add3A_236 = arith.addi %mul3A_234, %add3A_235 : i32
          %mul3A_237 = arith.constant 16 : i32
          %mul3A_238 = arith.muli %add3A_236, %mul3A_237 : i32
          %get3A_239 = arith.index_cast %mul3A_238 : i32 to index
          %get3A_240 = tpu.vector_load %arg7[%get3A_239] {strides = array<i32>} : memref<24592xf32, #tpu.memory_space<vmem>>, vector<16xf32>,
          %mul3A_241 = arith.constant 16 : i32
          %mul3A_242 = arith.muli %while3A_128, %mul3A_241 : i32
          %add3A_243 = arith.constant 4 : i32
          %add3A_244 = arith.addi %mul3A_242, %add3A_243 : i32
          %mul3A_245 = arith.constant 16 : i32
          %mul3A_246 = arith.muli %add3A_244, %mul3A_245 : i32
          %add3A_247 = vector.broadcast %mul3A_246 : i32 to vector<16xi32>
          %add3A_248 = arith.addi %add3A_247, %iota3A : vector<16xi32>
          %lt3A_249 = vector.broadcast %scan3A_41#0 : i32 to vector<16xi32>
          %lt3A_250 = arith.cmpi slt, %add3A_248, %lt3A_249 : vector<16xi32>
          %ge3A_251 = arith.cmpf oge, %get3A_240, %bitcast3A_104 : vector<16xf32>
          %and3A_252 = arith.andi %lt3A_250, %ge3A_251 : vector<16xi1>
          %jit3A_253 = arith.constant 1.000000e+00 : f32
          %jit3A_254 = arith.constant 0.000000e+00 : f32
          %broadcast_in_dim3A_255 = vector.broadcast %jit3A_253 : f32 to vector<16xf32>
          %broadcast_in_dim3A_256 = vector.broadcast %jit3A_254 : f32 to vector<16xf32>
          %select_n3A_257 = arith.select %and3A_252, %broadcast_in_dim3A_255, %broadcast_in_dim3A_256 : vector<16xi1>, vector<16xf32>
          %add3A_258 = arith.addf %add3A_232, %select_n3A_257 : vector<16xf32>
          %mul3A_259 = arith.constant 16 : i32
          %mul3A_260 = arith.muli %while3A_128, %mul3A_259 : i32
          %add3A_261 = arith.constant 5 : i32
          %add3A_262 = arith.addi %mul3A_260, %add3A_261 : i32
          %mul3A_263 = arith.constant 16 : i32
          %mul3A_264 = arith.muli %add3A_262, %mul3A_263 : i32
          %get3A_265 = arith.index_cast %mul3A_264 : i32 to index
          %get3A_266 = tpu.vector_load %arg7[%get3A_265] {strides = array<i32>} : memref<24592xf32, #tpu.memory_space<vmem>>, vector<16xf32>,
          %mul3A_267 = arith.constant 16 : i32
          %mul3A_268 = arith.muli %while3A_128, %mul3A_267 : i32
          %add3A_269 = arith.constant 5 : i32
          %add3A_270 = arith.addi %mul3A_268, %add3A_269 : i32
          %mul3A_271 = arith.constant 16 : i32
          %mul3A_272 = arith.muli %add3A_270, %mul3A_271 : i32
          %add3A_273 = vector.broadcast %mul3A_272 : i32 to vector<16xi32>
          %add3A_274 = arith.addi %add3A_273, %iota3A : vector<16xi32>
          %lt3A_275 = vector.broadcast %scan3A_41#0 : i32 to vector<16xi32>
          %lt3A_276 = arith.cmpi slt, %add3A_274, %lt3A_275 : vector<16xi32>
          %ge3A_277 = arith.cmpf oge, %get3A_266, %bitcast3A_104 : vector<16xf32>
          %and3A_278 = arith.andi %lt3A_276, %ge3A_277 : vector<16xi1>
          %jit3A_279 = arith.constant 1.000000e+00 : f32
          %jit3A_280 = arith.constant 0.000000e+00 : f32
          %broadcast_in_dim3A_281 = vector.broadcast %jit3A_279 : f32 to vector<16xf32>
          %broadcast_in_dim3A_282 = vector.broadcast %jit3A_280 : f32 to vector<16xf32>
          %select_n3A_283 = arith.select %and3A_278, %broadcast_in_dim3A_281, %broadcast_in_dim3A_282 : vector<16xi1>, vector<16xf32>
          %add3A_284 = arith.addf %add3A_258, %select_n3A_283 : vector<16xf32>
          %mul3A_285 = arith.constant 16 : i32
          %mul3A_286 = arith.muli %while3A_128, %mul3A_285 : i32
          %add3A_287 = arith.constant 6 : i32
          %add3A_288 = arith.addi %mul3A_286, %add3A_287 : i32
          %mul3A_289 = arith.constant 16 : i32
          %mul3A_290 = arith.muli %add3A_288, %mul3A_289 : i32
          %get3A_291 = arith.index_cast %mul3A_290 : i32 to index
          %get3A_292 = tpu.vector_load %arg7[%get3A_291] {strides = array<i32>} : memref<24592xf32, #tpu.memory_space<vmem>>, vector<16xf32>,
          %mul3A_293 = arith.constant 16 : i32
          %mul3A_294 = arith.muli %while3A_128, %mul3A_293 : i32
          %add3A_295 = arith.constant 6 : i32
          %add3A_296 = arith.addi %mul3A_294, %add3A_295 : i32
          %mul3A_297 = arith.constant 16 : i32
          %mul3A_298 = arith.muli %add3A_296, %mul3A_297 : i32
          %add3A_299 = vector.broadcast %mul3A_298 : i32 to vector<16xi32>
          %add3A_300 = arith.addi %add3A_299, %iota3A : vector<16xi32>
          %lt3A_301 = vector.broadcast %scan3A_41#0 : i32 to vector<16xi32>
          %lt3A_302 = arith.cmpi slt, %add3A_300, %lt3A_301 : vector<16xi32>
          %ge3A_303 = arith.cmpf oge, %get3A_292, %bitcast3A_104 : vector<16xf32>
          %and3A_304 = arith.andi %lt3A_302, %ge3A_303 : vector<16xi1>
          %jit3A_305 = arith.constant 1.000000e+00 : f32
          %jit3A_306 = arith.constant 0.000000e+00 : f32
          %broadcast_in_dim3A_307 = vector.broadcast %jit3A_305 : f32 to vector<16xf32>
          %broadcast_in_dim3A_308 = vector.broadcast %jit3A_306 : f32 to vector<16xf32>
          %select_n3A_309 = arith.select %and3A_304, %broadcast_in_dim3A_307, %broadcast_in_dim3A_308 : vector<16xi1>, vector<16xf32>
          %add3A_310 = arith.addf %add3A_284, %select_n3A_309 : vector<16xf32>
          %mul3A_311 = arith.constant 16 : i32
          %mul3A_312 = arith.muli %while3A_128, %mul3A_311 : i32
          %add3A_313 = arith.constant 7 : i32
          %add3A_314 = arith.addi %mul3A_312, %add3A_313 : i32
          %mul3A_315 = arith.constant 16 : i32
          %mul3A_316 = arith.muli %add3A_314, %mul3A_315 : i32
          %get3A_317 = arith.index_cast %mul3A_316 : i32 to index
          %get3A_318 = tpu.vector_load %arg7[%get3A_317] {strides = array<i32>} : memref<24592xf32, #tpu.memory_space<vmem>>, vector<16xf32>,
          %mul3A_319 = arith.constant 16 : i32
          %mul3A_320 = arith.muli %while3A_128, %mul3A_319 : i32
          %add3A_321 = arith.constant 7 : i32
          %add3A_322 = arith.addi %mul3A_320, %add3A_321 : i32
          %mul3A_323 = arith.constant 16 : i32
          %mul3A_324 = arith.muli %add3A_322, %mul3A_323 : i32
          %add3A_325 = vector.broadcast %mul3A_324 : i32 to vector<16xi32>
          %add3A_326 = arith.addi %add3A_325, %iota3A : vector<16xi32>
          %lt3A_327 = vector.broadcast %scan3A_41#0 : i32 to vector<16xi32>
          %lt3A_328 = arith.cmpi slt, %add3A_326, %lt3A_327 : vector<16xi32>
          %ge3A_329 = arith.cmpf oge, %get3A_318, %bitcast3A_104 : vector<16xf32>
          %and3A_330 = arith.andi %lt3A_328, %ge3A_329 : vector<16xi1>
          %jit3A_331 = arith.constant 1.000000e+00 : f32
          %jit3A_332 = arith.constant 0.000000e+00 : f32
          %broadcast_in_dim3A_333 = vector.broadcast %jit3A_331 : f32 to vector<16xf32>
          %broadcast_in_dim3A_334 = vector.broadcast %jit3A_332 : f32 to vector<16xf32>
          %select_n3A_335 = arith.select %and3A_330, %broadcast_in_dim3A_333, %broadcast_in_dim3A_334 : vector<16xi1>, vector<16xf32>
          %add3A_336 = arith.addf %add3A_310, %select_n3A_335 : vector<16xf32>
          %mul3A_337 = arith.constant 16 : i32
          %mul3A_338 = arith.muli %while3A_128, %mul3A_337 : i32
          %add3A_339 = arith.constant 8 : i32
          %add3A_340 = arith.addi %mul3A_338, %add3A_339 : i32
          %mul3A_341 = arith.constant 16 : i32
          %mul3A_342 = arith.muli %add3A_340, %mul3A_341 : i32
          %get3A_343 = arith.index_cast %mul3A_342 : i32 to index
          %get3A_344 = tpu.vector_load %arg7[%get3A_343] {strides = array<i32>} : memref<24592xf32, #tpu.memory_space<vmem>>, vector<16xf32>,
          %mul3A_345 = arith.constant 16 : i32
          %mul3A_346 = arith.muli %while3A_128, %mul3A_345 : i32
          %add3A_347 = arith.constant 8 : i32
          %add3A_348 = arith.addi %mul3A_346, %add3A_347 : i32
          %mul3A_349 = arith.constant 16 : i32
          %mul3A_350 = arith.muli %add3A_348, %mul3A_349 : i32
          %add3A_351 = vector.broadcast %mul3A_350 : i32 to vector<16xi32>
          %add3A_352 = arith.addi %add3A_351, %iota3A : vector<16xi32>
          %lt3A_353 = vector.broadcast %scan3A_41#0 : i32 to vector<16xi32>
          %lt3A_354 = arith.cmpi slt, %add3A_352, %lt3A_353 : vector<16xi32>
          %ge3A_355 = arith.cmpf oge, %get3A_344, %bitcast3A_104 : vector<16xf32>
          %and3A_356 = arith.andi %lt3A_354, %ge3A_355 : vector<16xi1>
          %jit3A_357 = arith.constant 1.000000e+00 : f32
          %jit3A_358 = arith.constant 0.000000e+00 : f32
          %broadcast_in_dim3A_359 = vector.broadcast %jit3A_357 : f32 to vector<16xf32>
          %broadcast_in_dim3A_360 = vector.broadcast %jit3A_358 : f32 to vector<16xf32>
          %select_n3A_361 = arith.select %and3A_356, %broadcast_in_dim3A_359, %broadcast_in_dim3A_360 : vector<16xi1>, vector<16xf32>
          %add3A_362 = arith.addf %add3A_336, %select_n3A_361 : vector<16xf32>
          %mul3A_363 = arith.constant 16 : i32
          %mul3A_364 = arith.muli %while3A_128, %mul3A_363 : i32
          %add3A_365 = arith.constant 9 : i32
          %add3A_366 = arith.addi %mul3A_364, %add3A_365 : i32
          %mul3A_367 = arith.constant 16 : i32
          %mul3A_368 = arith.muli %add3A_366, %mul3A_367 : i32
          %get3A_369 = arith.index_cast %mul3A_368 : i32 to index
          %get3A_370 = tpu.vector_load %arg7[%get3A_369] {strides = array<i32>} : memref<24592xf32, #tpu.memory_space<vmem>>, vector<16xf32>,
          %mul3A_371 = arith.constant 16 : i32
          %mul3A_372 = arith.muli %while3A_128, %mul3A_371 : i32
          %add3A_373 = arith.constant 9 : i32
          %add3A_374 = arith.addi %mul3A_372, %add3A_373 : i32
          %mul3A_375 = arith.constant 16 : i32
          %mul3A_376 = arith.muli %add3A_374, %mul3A_375 : i32
          %add3A_377 = vector.broadcast %mul3A_376 : i32 to vector<16xi32>
          %add3A_378 = arith.addi %add3A_377, %iota3A : vector<16xi32>
          %lt3A_379 = vector.broadcast %scan3A_41#0 : i32 to vector<16xi32>
          %lt3A_380 = arith.cmpi slt, %add3A_378, %lt3A_379 : vector<16xi32>
          %ge3A_381 = arith.cmpf oge, %get3A_370, %bitcast3A_104 : vector<16xf32>
          %and3A_382 = arith.andi %lt3A_380, %ge3A_381 : vector<16xi1>
          %jit3A_383 = arith.constant 1.000000e+00 : f32
          %jit3A_384 = arith.constant 0.000000e+00 : f32
          %broadcast_in_dim3A_385 = vector.broadcast %jit3A_383 : f32 to vector<16xf32>
          %broadcast_in_dim3A_386 = vector.broadcast %jit3A_384 : f32 to vector<16xf32>
          %select_n3A_387 = arith.select %and3A_382, %broadcast_in_dim3A_385, %broadcast_in_dim3A_386 : vector<16xi1>, vector<16xf32>
          %add3A_388 = arith.addf %add3A_362, %select_n3A_387 : vector<16xf32>
          %mul3A_389 = arith.constant 16 : i32
          %mul3A_390 = arith.muli %while3A_128, %mul3A_389 : i32
          %add3A_391 = arith.constant 10 : i32
          %add3A_392 = arith.addi %mul3A_390, %add3A_391 : i32
          %mul3A_393 = arith.constant 16 : i32
          %mul3A_394 = arith.muli %add3A_392, %mul3A_393 : i32
          %get3A_395 = arith.index_cast %mul3A_394 : i32 to index
          %get3A_396 = tpu.vector_load %arg7[%get3A_395] {strides = array<i32>} : memref<24592xf32, #tpu.memory_space<vmem>>, vector<16xf32>,
          %mul3A_397 = arith.constant 16 : i32
          %mul3A_398 = arith.muli %while3A_128, %mul3A_397 : i32
          %add3A_399 = arith.constant 10 : i32
          %add3A_400 = arith.addi %mul3A_398, %add3A_399 : i32
          %mul3A_401 = arith.constant 16 : i32
          %mul3A_402 = arith.muli %add3A_400, %mul3A_401 : i32
          %add3A_403 = vector.broadcast %mul3A_402 : i32 to vector<16xi32>
          %add3A_404 = arith.addi %add3A_403, %iota3A : vector<16xi32>
          %lt3A_405 = vector.broadcast %scan3A_41#0 : i32 to vector<16xi32>
          %lt3A_406 = arith.cmpi slt, %add3A_404, %lt3A_405 : vector<16xi32>
          %ge3A_407 = arith.cmpf oge, %get3A_396, %bitcast3A_104 : vector<16xf32>
          %and3A_408 = arith.andi %lt3A_406, %ge3A_407 : vector<16xi1>
          %jit3A_409 = arith.constant 1.000000e+00 : f32
          %jit3A_410 = arith.constant 0.000000e+00 : f32
          %broadcast_in_dim3A_411 = vector.broadcast %jit3A_409 : f32 to vector<16xf32>
          %broadcast_in_dim3A_412 = vector.broadcast %jit3A_410 : f32 to vector<16xf32>
          %select_n3A_413 = arith.select %and3A_408, %broadcast_in_dim3A_411, %broadcast_in_dim3A_412 : vector<16xi1>, vector<16xf32>
          %add3A_414 = arith.addf %add3A_388, %select_n3A_413 : vector<16xf32>
          %mul3A_415 = arith.constant 16 : i32
          %mul3A_416 = arith.muli %while3A_128, %mul3A_415 : i32
          %add3A_417 = arith.constant 11 : i32
          %add3A_418 = arith.addi %mul3A_416, %add3A_417 : i32
          %mul3A_419 = arith.constant 16 : i32
          %mul3A_420 = arith.muli %add3A_418, %mul3A_419 : i32
          %get3A_421 = arith.index_cast %mul3A_420 : i32 to index
          %get3A_422 = tpu.vector_load %arg7[%get3A_421] {strides = array<i32>} : memref<24592xf32, #tpu.memory_space<vmem>>, vector<16xf32>,
          %mul3A_423 = arith.constant 16 : i32
          %mul3A_424 = arith.muli %while3A_128, %mul3A_423 : i32
          %add3A_425 = arith.constant 11 : i32
          %add3A_426 = arith.addi %mul3A_424, %add3A_425 : i32
          %mul3A_427 = arith.constant 16 : i32
          %mul3A_428 = arith.muli %add3A_426, %mul3A_427 : i32
          %add3A_429 = vector.broadcast %mul3A_428 : i32 to vector<16xi32>
          %add3A_430 = arith.addi %add3A_429, %iota3A : vector<16xi32>
          %lt3A_431 = vector.broadcast %scan3A_41#0 : i32 to vector<16xi32>
          %lt3A_432 = arith.cmpi slt, %add3A_430, %lt3A_431 : vector<16xi32>
          %ge3A_433 = arith.cmpf oge, %get3A_422, %bitcast3A_104 : vector<16xf32>
          %and3A_434 = arith.andi %lt3A_432, %ge3A_433 : vector<16xi1>
          %jit3A_435 = arith.constant 1.000000e+00 : f32
          %jit3A_436 = arith.constant 0.000000e+00 : f32
          %broadcast_in_dim3A_437 = vector.broadcast %jit3A_435 : f32 to vector<16xf32>
          %broadcast_in_dim3A_438 = vector.broadcast %jit3A_436 : f32 to vector<16xf32>
          %select_n3A_439 = arith.select %and3A_434, %broadcast_in_dim3A_437, %broadcast_in_dim3A_438 : vector<16xi1>, vector<16xf32>
          %add3A_440 = arith.addf %add3A_414, %select_n3A_439 : vector<16xf32>
          %mul3A_441 = arith.constant 16 : i32
          %mul3A_442 = arith.muli %while3A_128, %mul3A_441 : i32
          %add3A_443 = arith.constant 12 : i32
          %add3A_444 = arith.addi %mul3A_442, %add3A_443 : i32
          %mul3A_445 = arith.constant 16 : i32
          %mul3A_446 = arith.muli %add3A_444, %mul3A_445 : i32
          %get3A_447 = arith.index_cast %mul3A_446 : i32 to index
          %get3A_448 = tpu.vector_load %arg7[%get3A_447] {strides = array<i32>} : memref<24592xf32, #tpu.memory_space<vmem>>, vector<16xf32>,
          %mul3A_449 = arith.constant 16 : i32
          %mul3A_450 = arith.muli %while3A_128, %mul3A_449 : i32
          %add3A_451 = arith.constant 12 : i32
          %add3A_452 = arith.addi %mul3A_450, %add3A_451 : i32
          %mul3A_453 = arith.constant 16 : i32
          %mul3A_454 = arith.muli %add3A_452, %mul3A_453 : i32
          %add3A_455 = vector.broadcast %mul3A_454 : i32 to vector<16xi32>
          %add3A_456 = arith.addi %add3A_455, %iota3A : vector<16xi32>
          %lt3A_457 = vector.broadcast %scan3A_41#0 : i32 to vector<16xi32>
          %lt3A_458 = arith.cmpi slt, %add3A_456, %lt3A_457 : vector<16xi32>
          %ge3A_459 = arith.cmpf oge, %get3A_448, %bitcast3A_104 : vector<16xf32>
          %and3A_460 = arith.andi %lt3A_458, %ge3A_459 : vector<16xi1>
          %jit3A_461 = arith.constant 1.000000e+00 : f32
          %jit3A_462 = arith.constant 0.000000e+00 : f32
          %broadcast_in_dim3A_463 = vector.broadcast %jit3A_461 : f32 to vector<16xf32>
          %broadcast_in_dim3A_464 = vector.broadcast %jit3A_462 : f32 to vector<16xf32>
          %select_n3A_465 = arith.select %and3A_460, %broadcast_in_dim3A_463, %broadcast_in_dim3A_464 : vector<16xi1>, vector<16xf32>
          %add3A_466 = arith.addf %add3A_440, %select_n3A_465 : vector<16xf32>
          %mul3A_467 = arith.constant 16 : i32
          %mul3A_468 = arith.muli %while3A_128, %mul3A_467 : i32
          %add3A_469 = arith.constant 13 : i32
          %add3A_470 = arith.addi %mul3A_468, %add3A_469 : i32
          %mul3A_471 = arith.constant 16 : i32
          %mul3A_472 = arith.muli %add3A_470, %mul3A_471 : i32
          %get3A_473 = arith.index_cast %mul3A_472 : i32 to index
          %get3A_474 = tpu.vector_load %arg7[%get3A_473] {strides = array<i32>} : memref<24592xf32, #tpu.memory_space<vmem>>, vector<16xf32>,
          %mul3A_475 = arith.constant 16 : i32
          %mul3A_476 = arith.muli %while3A_128, %mul3A_475 : i32
          %add3A_477 = arith.constant 13 : i32
          %add3A_478 = arith.addi %mul3A_476, %add3A_477 : i32
          %mul3A_479 = arith.constant 16 : i32
          %mul3A_480 = arith.muli %add3A_478, %mul3A_479 : i32
          %add3A_481 = vector.broadcast %mul3A_480 : i32 to vector<16xi32>
          %add3A_482 = arith.addi %add3A_481, %iota3A : vector<16xi32>
          %lt3A_483 = vector.broadcast %scan3A_41#0 : i32 to vector<16xi32>
          %lt3A_484 = arith.cmpi slt, %add3A_482, %lt3A_483 : vector<16xi32>
          %ge3A_485 = arith.cmpf oge, %get3A_474, %bitcast3A_104 : vector<16xf32>
          %and3A_486 = arith.andi %lt3A_484, %ge3A_485 : vector<16xi1>
          %jit3A_487 = arith.constant 1.000000e+00 : f32
          %jit3A_488 = arith.constant 0.000000e+00 : f32
          %broadcast_in_dim3A_489 = vector.broadcast %jit3A_487 : f32 to vector<16xf32>
          %broadcast_in_dim3A_490 = vector.broadcast %jit3A_488 : f32 to vector<16xf32>
          %select_n3A_491 = arith.select %and3A_486, %broadcast_in_dim3A_489, %broadcast_in_dim3A_490 : vector<16xi1>, vector<16xf32>
          %add3A_492 = arith.addf %add3A_466, %select_n3A_491 : vector<16xf32>
          %mul3A_493 = arith.constant 16 : i32
          %mul3A_494 = arith.muli %while3A_128, %mul3A_493 : i32
          %add3A_495 = arith.constant 14 : i32
          %add3A_496 = arith.addi %mul3A_494, %add3A_495 : i32
          %mul3A_497 = arith.constant 16 : i32
          %mul3A_498 = arith.muli %add3A_496, %mul3A_497 : i32
          %get3A_499 = arith.index_cast %mul3A_498 : i32 to index
          %get3A_500 = tpu.vector_load %arg7[%get3A_499] {strides = array<i32>} : memref<24592xf32, #tpu.memory_space<vmem>>, vector<16xf32>,
          %mul3A_501 = arith.constant 16 : i32
          %mul3A_502 = arith.muli %while3A_128, %mul3A_501 : i32
          %add3A_503 = arith.constant 14 : i32
          %add3A_504 = arith.addi %mul3A_502, %add3A_503 : i32
          %mul3A_505 = arith.constant 16 : i32
          %mul3A_506 = arith.muli %add3A_504, %mul3A_505 : i32
          %add3A_507 = vector.broadcast %mul3A_506 : i32 to vector<16xi32>
          %add3A_508 = arith.addi %add3A_507, %iota3A : vector<16xi32>
          %lt3A_509 = vector.broadcast %scan3A_41#0 : i32 to vector<16xi32>
          %lt3A_510 = arith.cmpi slt, %add3A_508, %lt3A_509 : vector<16xi32>
          %ge3A_511 = arith.cmpf oge, %get3A_500, %bitcast3A_104 : vector<16xf32>
          %and3A_512 = arith.andi %lt3A_510, %ge3A_511 : vector<16xi1>
          %jit3A_513 = arith.constant 1.000000e+00 : f32
          %jit3A_514 = arith.constant 0.000000e+00 : f32
          %broadcast_in_dim3A_515 = vector.broadcast %jit3A_513 : f32 to vector<16xf32>
          %broadcast_in_dim3A_516 = vector.broadcast %jit3A_514 : f32 to vector<16xf32>
          %select_n3A_517 = arith.select %and3A_512, %broadcast_in_dim3A_515, %broadcast_in_dim3A_516 : vector<16xi1>, vector<16xf32>
          %add3A_518 = arith.addf %add3A_492, %select_n3A_517 : vector<16xf32>
          %mul3A_519 = arith.constant 16 : i32
          %mul3A_520 = arith.muli %while3A_128, %mul3A_519 : i32
          %add3A_521 = arith.constant 15 : i32
          %add3A_522 = arith.addi %mul3A_520, %add3A_521 : i32
          %mul3A_523 = arith.constant 16 : i32
          %mul3A_524 = arith.muli %add3A_522, %mul3A_523 : i32
          %get3A_525 = arith.index_cast %mul3A_524 : i32 to index
          %get3A_526 = tpu.vector_load %arg7[%get3A_525] {strides = array<i32>} : memref<24592xf32, #tpu.memory_space<vmem>>, vector<16xf32>,
          %mul3A_527 = arith.constant 16 : i32
          %mul3A_528 = arith.muli %while3A_128, %mul3A_527 : i32
          %add3A_529 = arith.constant 15 : i32
          %add3A_530 = arith.addi %mul3A_528, %add3A_529 : i32
          %mul3A_531 = arith.constant 16 : i32
          %mul3A_532 = arith.muli %add3A_530, %mul3A_531 : i32
          %add3A_533 = vector.broadcast %mul3A_532 : i32 to vector<16xi32>
          %add3A_534 = arith.addi %add3A_533, %iota3A : vector<16xi32>
          %lt3A_535 = vector.broadcast %scan3A_41#0 : i32 to vector<16xi32>
          %lt3A_536 = arith.cmpi slt, %add3A_534, %lt3A_535 : vector<16xi32>
          %ge3A_537 = arith.cmpf oge, %get3A_526, %bitcast3A_104 : vector<16xf32>
          %and3A_538 = arith.andi %lt3A_536, %ge3A_537 : vector<16xi1>
          %jit3A_539 = arith.constant 1.000000e+00 : f32
          %jit3A_540 = arith.constant 0.000000e+00 : f32
          %broadcast_in_dim3A_541 = vector.broadcast %jit3A_539 : f32 to vector<16xf32>
          %broadcast_in_dim3A_542 = vector.broadcast %jit3A_540 : f32 to vector<16xf32>
          %select_n3A_543 = arith.select %and3A_538, %broadcast_in_dim3A_541, %broadcast_in_dim3A_542 : vector<16xi1>, vector<16xf32>
          %add3A_544 = arith.addf %add3A_518, %select_n3A_543 : vector<16xf32>
          scf.yield %add3A_544 : vector<16xf32>
        }
        %reduce_sum3A_120 = arith.constant true
        %reduce_sum3A_121 = vector.broadcast %reduce_sum3A_120 : i1 to vector<16xi1>
        %reduce_sum3A_122 = tpu.scan <sum>, %while3A_119 masked %reduce_sum3A_121 : vector<16xf32>, vector<16xi1> -> vector<16xf32>
        %reduce_sum3A_123 = vector.extract %reduce_sum3A_122[15] : f32 from vector<16xf32>
        %ge3A = arith.cmpf oge, %reduce_sum3A_123, %sub3A : f32
        %select_n3A_124 = arith.select %ge3A, %add3A_99, %scan3A_93 : i32
        %sub3A_125 = arith.constant 1 : i32
        %sub3A_126 = arith.subi %add3A_99, %sub3A_125 : i32
        %select_n3A_127 = arith.select %ge3A, %scan3A_94, %sub3A_126 : i32
        scf.yield %select_n3A_124, %select_n3A_127 : i32, i32
      }
      %scan3A_59 = arith.constant 21 : i32
      %broadcast_in_dim3A_60 = arith.constant 0 : i32
      %broadcast_in_dim3A_61 = vector.broadcast %broadcast_in_dim3A_60 : i32 to vector<16xi32>
      %add3A_62 = vector.broadcast %scan3A_58#0 : i32 to vector<16xi32>
      %add3A_63 = arith.addi %broadcast_in_dim3A_61, %add3A_62 : vector<16xi32>
      %bitcast3A = vector.bitcast %add3A_63 : vector<16xi32> to vector<16xf32>
      %add3A_64 = arith.constant 255 : i32
      %add3A_65 = arith.addi %scan3A_41#0, %add3A_64 : i32
      %div3A = arith.constant 256 : i32
      %div3A_66 = arith.divsi %add3A_65, %div3A : i32
      %while3A = arith.constant 0 : i32
      %while3A_67 = arith.subi %div3A_66, %while3A : i32
      %while3A_68 = arith.addi %while3A, %while3A_67 : i32
      %while3A_69 = arith.constant 1 : i32
      %while3A_70 = arith.divsi %while3A_67, %while3A_69 : i32
      %while3A_71 = arith.muli %while3A_70, %while3A_69 : i32
      %while3A_72 = arith.addi %while3A, %while3A_71 : i32
      %while3A_73 = arith.constant 1 : i32
      %while3A_74:2 = scf.for %while3A_92 = %while3A to %while3A_72 step %while3A_73 iter_args(%while3A_93 = %broadcast_in_dim3A_5, %while3A_94 = %broadcast_in_dim3A_5) -> (vector<16xf32>, vector<16xf32>)  : i32 {
        %mul3A_95 = arith.constant 16 : i32
        %mul3A_96 = arith.muli %while3A_92, %mul3A_95 : i32
        %add3A_97 = arith.constant 0 : i32
        %add3A_98 = arith.addi %mul3A_96, %add3A_97 : i32
        %mul3A_99 = arith.constant 16 : i32
        %mul3A_100 = arith.muli %add3A_98, %mul3A_99 : i32
        %get3A_101 = arith.index_cast %mul3A_100 : i32 to index
        %get3A_102 = tpu.vector_load %arg7[%get3A_101] {strides = array<i32>} : memref<24592xf32, #tpu.memory_space<vmem>>, vector<16xf32>,
        %mul3A_103 = arith.constant 16 : i32
        %mul3A_104 = arith.muli %while3A_92, %mul3A_103 : i32
        %add3A_105 = arith.constant 0 : i32
        %add3A_106 = arith.addi %mul3A_104, %add3A_105 : i32
        %mul3A_107 = arith.constant 16 : i32
        %mul3A_108 = arith.muli %add3A_106, %mul3A_107 : i32
        %add3A_109 = vector.broadcast %mul3A_108 : i32 to vector<16xi32>
        %add3A_110 = arith.addi %add3A_109, %iota3A : vector<16xi32>
        %lt3A_111 = vector.broadcast %scan3A_41#0 : i32 to vector<16xi32>
        %lt3A_112 = arith.cmpi slt, %add3A_110, %lt3A_111 : vector<16xi32>
        %gt3A = arith.cmpf ogt, %get3A_102, %bitcast3A : vector<16xf32>
        %and3A = arith.andi %lt3A_112, %gt3A : vector<16xi1>
        %jit3A_113 = arith.constant 0.000000e+00 : f32
        %broadcast_in_dim3A_114 = vector.broadcast %jit3A_113 : f32 to vector<16xf32>
        %select_n3A_115 = arith.select %and3A, %get3A_102, %broadcast_in_dim3A_114 : vector<16xi1>, vector<16xf32>
        %add3A_116 = arith.addf %while3A_93, %select_n3A_115 : vector<16xf32>
        %jit3A_117 = arith.constant 1.000000e+00 : f32
        %jit3A_118 = arith.constant 0.000000e+00 : f32
        %broadcast_in_dim3A_119 = vector.broadcast %jit3A_117 : f32 to vector<16xf32>
        %broadcast_in_dim3A_120 = vector.broadcast %jit3A_118 : f32 to vector<16xf32>
        %select_n3A_121 = arith.select %and3A, %broadcast_in_dim3A_119, %broadcast_in_dim3A_120 : vector<16xi1>, vector<16xf32>
        %add3A_122 = arith.addf %while3A_94, %select_n3A_121 : vector<16xf32>
        %mul3A_123 = arith.constant 16 : i32
        %mul3A_124 = arith.muli %while3A_92, %mul3A_123 : i32
        %add3A_125 = arith.constant 1 : i32
        %add3A_126 = arith.addi %mul3A_124, %add3A_125 : i32
        %mul3A_127 = arith.constant 16 : i32
        %mul3A_128 = arith.muli %add3A_126, %mul3A_127 : i32
        %get3A_129 = arith.index_cast %mul3A_128 : i32 to index
        %get3A_130 = tpu.vector_load %arg7[%get3A_129] {strides = array<i32>} : memref<24592xf32, #tpu.memory_space<vmem>>, vector<16xf32>,
        %mul3A_131 = arith.constant 16 : i32
        %mul3A_132 = arith.muli %while3A_92, %mul3A_131 : i32
        %add3A_133 = arith.constant 1 : i32
        %add3A_134 = arith.addi %mul3A_132, %add3A_133 : i32
        %mul3A_135 = arith.constant 16 : i32
        %mul3A_136 = arith.muli %add3A_134, %mul3A_135 : i32
        %add3A_137 = vector.broadcast %mul3A_136 : i32 to vector<16xi32>
        %add3A_138 = arith.addi %add3A_137, %iota3A : vector<16xi32>
        %lt3A_139 = vector.broadcast %scan3A_41#0 : i32 to vector<16xi32>
        %lt3A_140 = arith.cmpi slt, %add3A_138, %lt3A_139 : vector<16xi32>
        %gt3A_141 = arith.cmpf ogt, %get3A_130, %bitcast3A : vector<16xf32>
        %and3A_142 = arith.andi %lt3A_140, %gt3A_141 : vector<16xi1>
        %jit3A_143 = arith.constant 0.000000e+00 : f32
        %broadcast_in_dim3A_144 = vector.broadcast %jit3A_143 : f32 to vector<16xf32>
        %select_n3A_145 = arith.select %and3A_142, %get3A_130, %broadcast_in_dim3A_144 : vector<16xi1>, vector<16xf32>
        %add3A_146 = arith.addf %add3A_116, %select_n3A_145 : vector<16xf32>
        %jit3A_147 = arith.constant 1.000000e+00 : f32
        %jit3A_148 = arith.constant 0.000000e+00 : f32
        %broadcast_in_dim3A_149 = vector.broadcast %jit3A_147 : f32 to vector<16xf32>
        %broadcast_in_dim3A_150 = vector.broadcast %jit3A_148 : f32 to vector<16xf32>
        %select_n3A_151 = arith.select %and3A_142, %broadcast_in_dim3A_149, %broadcast_in_dim3A_150 : vector<16xi1>, vector<16xf32>
        %add3A_152 = arith.addf %add3A_122, %select_n3A_151 : vector<16xf32>
        %mul3A_153 = arith.constant 16 : i32
        %mul3A_154 = arith.muli %while3A_92, %mul3A_153 : i32
        %add3A_155 = arith.constant 2 : i32
        %add3A_156 = arith.addi %mul3A_154, %add3A_155 : i32
        %mul3A_157 = arith.constant 16 : i32
        %mul3A_158 = arith.muli %add3A_156, %mul3A_157 : i32
        %get3A_159 = arith.index_cast %mul3A_158 : i32 to index
        %get3A_160 = tpu.vector_load %arg7[%get3A_159] {strides = array<i32>} : memref<24592xf32, #tpu.memory_space<vmem>>, vector<16xf32>,
        %mul3A_161 = arith.constant 16 : i32
        %mul3A_162 = arith.muli %while3A_92, %mul3A_161 : i32
        %add3A_163 = arith.constant 2 : i32
        %add3A_164 = arith.addi %mul3A_162, %add3A_163 : i32
        %mul3A_165 = arith.constant 16 : i32
        %mul3A_166 = arith.muli %add3A_164, %mul3A_165 : i32
        %add3A_167 = vector.broadcast %mul3A_166 : i32 to vector<16xi32>
        %add3A_168 = arith.addi %add3A_167, %iota3A : vector<16xi32>
        %lt3A_169 = vector.broadcast %scan3A_41#0 : i32 to vector<16xi32>
        %lt3A_170 = arith.cmpi slt, %add3A_168, %lt3A_169 : vector<16xi32>
        %gt3A_171 = arith.cmpf ogt, %get3A_160, %bitcast3A : vector<16xf32>
        %and3A_172 = arith.andi %lt3A_170, %gt3A_171 : vector<16xi1>
        %jit3A_173 = arith.constant 0.000000e+00 : f32
        %broadcast_in_dim3A_174 = vector.broadcast %jit3A_173 : f32 to vector<16xf32>
        %select_n3A_175 = arith.select %and3A_172, %get3A_160, %broadcast_in_dim3A_174 : vector<16xi1>, vector<16xf32>
        %add3A_176 = arith.addf %add3A_146, %select_n3A_175 : vector<16xf32>
        %jit3A_177 = arith.constant 1.000000e+00 : f32
        %jit3A_178 = arith.constant 0.000000e+00 : f32
        %broadcast_in_dim3A_179 = vector.broadcast %jit3A_177 : f32 to vector<16xf32>
        %broadcast_in_dim3A_180 = vector.broadcast %jit3A_178 : f32 to vector<16xf32>
        %select_n3A_181 = arith.select %and3A_172, %broadcast_in_dim3A_179, %broadcast_in_dim3A_180 : vector<16xi1>, vector<16xf32>
        %add3A_182 = arith.addf %add3A_152, %select_n3A_181 : vector<16xf32>
        %mul3A_183 = arith.constant 16 : i32
        %mul3A_184 = arith.muli %while3A_92, %mul3A_183 : i32
        %add3A_185 = arith.constant 3 : i32
        %add3A_186 = arith.addi %mul3A_184, %add3A_185 : i32
        %mul3A_187 = arith.constant 16 : i32
        %mul3A_188 = arith.muli %add3A_186, %mul3A_187 : i32
        %get3A_189 = arith.index_cast %mul3A_188 : i32 to index
        %get3A_190 = tpu.vector_load %arg7[%get3A_189] {strides = array<i32>} : memref<24592xf32, #tpu.memory_space<vmem>>, vector<16xf32>,
        %mul3A_191 = arith.constant 16 : i32
        %mul3A_192 = arith.muli %while3A_92, %mul3A_191 : i32
        %add3A_193 = arith.constant 3 : i32
        %add3A_194 = arith.addi %mul3A_192, %add3A_193 : i32
        %mul3A_195 = arith.constant 16 : i32
        %mul3A_196 = arith.muli %add3A_194, %mul3A_195 : i32
        %add3A_197 = vector.broadcast %mul3A_196 : i32 to vector<16xi32>
        %add3A_198 = arith.addi %add3A_197, %iota3A : vector<16xi32>
        %lt3A_199 = vector.broadcast %scan3A_41#0 : i32 to vector<16xi32>
        %lt3A_200 = arith.cmpi slt, %add3A_198, %lt3A_199 : vector<16xi32>
        %gt3A_201 = arith.cmpf ogt, %get3A_190, %bitcast3A : vector<16xf32>
        %and3A_202 = arith.andi %lt3A_200, %gt3A_201 : vector<16xi1>
        %jit3A_203 = arith.constant 0.000000e+00 : f32
        %broadcast_in_dim3A_204 = vector.broadcast %jit3A_203 : f32 to vector<16xf32>
        %select_n3A_205 = arith.select %and3A_202, %get3A_190, %broadcast_in_dim3A_204 : vector<16xi1>, vector<16xf32>
        %add3A_206 = arith.addf %add3A_176, %select_n3A_205 : vector<16xf32>
        %jit3A_207 = arith.constant 1.000000e+00 : f32
        %jit3A_208 = arith.constant 0.000000e+00 : f32
        %broadcast_in_dim3A_209 = vector.broadcast %jit3A_207 : f32 to vector<16xf32>
        %broadcast_in_dim3A_210 = vector.broadcast %jit3A_208 : f32 to vector<16xf32>
        %select_n3A_211 = arith.select %and3A_202, %broadcast_in_dim3A_209, %broadcast_in_dim3A_210 : vector<16xi1>, vector<16xf32>
        %add3A_212 = arith.addf %add3A_182, %select_n3A_211 : vector<16xf32>
        %mul3A_213 = arith.constant 16 : i32
        %mul3A_214 = arith.muli %while3A_92, %mul3A_213 : i32
        %add3A_215 = arith.constant 4 : i32
        %add3A_216 = arith.addi %mul3A_214, %add3A_215 : i32
        %mul3A_217 = arith.constant 16 : i32
        %mul3A_218 = arith.muli %add3A_216, %mul3A_217 : i32
        %get3A_219 = arith.index_cast %mul3A_218 : i32 to index
        %get3A_220 = tpu.vector_load %arg7[%get3A_219] {strides = array<i32>} : memref<24592xf32, #tpu.memory_space<vmem>>, vector<16xf32>,
        %mul3A_221 = arith.constant 16 : i32
        %mul3A_222 = arith.muli %while3A_92, %mul3A_221 : i32
        %add3A_223 = arith.constant 4 : i32
        %add3A_224 = arith.addi %mul3A_222, %add3A_223 : i32
        %mul3A_225 = arith.constant 16 : i32
        %mul3A_226 = arith.muli %add3A_224, %mul3A_225 : i32
        %add3A_227 = vector.broadcast %mul3A_226 : i32 to vector<16xi32>
        %add3A_228 = arith.addi %add3A_227, %iota3A : vector<16xi32>
        %lt3A_229 = vector.broadcast %scan3A_41#0 : i32 to vector<16xi32>
        %lt3A_230 = arith.cmpi slt, %add3A_228, %lt3A_229 : vector<16xi32>
        %gt3A_231 = arith.cmpf ogt, %get3A_220, %bitcast3A : vector<16xf32>
        %and3A_232 = arith.andi %lt3A_230, %gt3A_231 : vector<16xi1>
        %jit3A_233 = arith.constant 0.000000e+00 : f32
        %broadcast_in_dim3A_234 = vector.broadcast %jit3A_233 : f32 to vector<16xf32>
        %select_n3A_235 = arith.select %and3A_232, %get3A_220, %broadcast_in_dim3A_234 : vector<16xi1>, vector<16xf32>
        %add3A_236 = arith.addf %add3A_206, %select_n3A_235 : vector<16xf32>
        %jit3A_237 = arith.constant 1.000000e+00 : f32
        %jit3A_238 = arith.constant 0.000000e+00 : f32
        %broadcast_in_dim3A_239 = vector.broadcast %jit3A_237 : f32 to vector<16xf32>
        %broadcast_in_dim3A_240 = vector.broadcast %jit3A_238 : f32 to vector<16xf32>
        %select_n3A_241 = arith.select %and3A_232, %broadcast_in_dim3A_239, %broadcast_in_dim3A_240 : vector<16xi1>, vector<16xf32>
        %add3A_242 = arith.addf %add3A_212, %select_n3A_241 : vector<16xf32>
        %mul3A_243 = arith.constant 16 : i32
        %mul3A_244 = arith.muli %while3A_92, %mul3A_243 : i32
        %add3A_245 = arith.constant 5 : i32
        %add3A_246 = arith.addi %mul3A_244, %add3A_245 : i32
        %mul3A_247 = arith.constant 16 : i32
        %mul3A_248 = arith.muli %add3A_246, %mul3A_247 : i32
        %get3A_249 = arith.index_cast %mul3A_248 : i32 to index
        %get3A_250 = tpu.vector_load %arg7[%get3A_249] {strides = array<i32>} : memref<24592xf32, #tpu.memory_space<vmem>>, vector<16xf32>,
        %mul3A_251 = arith.constant 16 : i32
        %mul3A_252 = arith.muli %while3A_92, %mul3A_251 : i32
        %add3A_253 = arith.constant 5 : i32
        %add3A_254 = arith.addi %mul3A_252, %add3A_253 : i32
        %mul3A_255 = arith.constant 16 : i32
        %mul3A_256 = arith.muli %add3A_254, %mul3A_255 : i32
        %add3A_257 = vector.broadcast %mul3A_256 : i32 to vector<16xi32>
        %add3A_258 = arith.addi %add3A_257, %iota3A : vector<16xi32>
        %lt3A_259 = vector.broadcast %scan3A_41#0 : i32 to vector<16xi32>
        %lt3A_260 = arith.cmpi slt, %add3A_258, %lt3A_259 : vector<16xi32>
        %gt3A_261 = arith.cmpf ogt, %get3A_250, %bitcast3A : vector<16xf32>
        %and3A_262 = arith.andi %lt3A_260, %gt3A_261 : vector<16xi1>
        %jit3A_263 = arith.constant 0.000000e+00 : f32
        %broadcast_in_dim3A_264 = vector.broadcast %jit3A_263 : f32 to vector<16xf32>
        %select_n3A_265 = arith.select %and3A_262, %get3A_250, %broadcast_in_dim3A_264 : vector<16xi1>, vector<16xf32>
        %add3A_266 = arith.addf %add3A_236, %select_n3A_265 : vector<16xf32>
        %jit3A_267 = arith.constant 1.000000e+00 : f32
        %jit3A_268 = arith.constant 0.000000e+00 : f32
        %broadcast_in_dim3A_269 = vector.broadcast %jit3A_267 : f32 to vector<16xf32>
        %broadcast_in_dim3A_270 = vector.broadcast %jit3A_268 : f32 to vector<16xf32>
        %select_n3A_271 = arith.select %and3A_262, %broadcast_in_dim3A_269, %broadcast_in_dim3A_270 : vector<16xi1>, vector<16xf32>
        %add3A_272 = arith.addf %add3A_242, %select_n3A_271 : vector<16xf32>
        %mul3A_273 = arith.constant 16 : i32
        %mul3A_274 = arith.muli %while3A_92, %mul3A_273 : i32
        %add3A_275 = arith.constant 6 : i32
        %add3A_276 = arith.addi %mul3A_274, %add3A_275 : i32
        %mul3A_277 = arith.constant 16 : i32
        %mul3A_278 = arith.muli %add3A_276, %mul3A_277 : i32
        %get3A_279 = arith.index_cast %mul3A_278 : i32 to index
        %get3A_280 = tpu.vector_load %arg7[%get3A_279] {strides = array<i32>} : memref<24592xf32, #tpu.memory_space<vmem>>, vector<16xf32>,
        %mul3A_281 = arith.constant 16 : i32
        %mul3A_282 = arith.muli %while3A_92, %mul3A_281 : i32
        %add3A_283 = arith.constant 6 : i32
        %add3A_284 = arith.addi %mul3A_282, %add3A_283 : i32
        %mul3A_285 = arith.constant 16 : i32
        %mul3A_286 = arith.muli %add3A_284, %mul3A_285 : i32
        %add3A_287 = vector.broadcast %mul3A_286 : i32 to vector<16xi32>
        %add3A_288 = arith.addi %add3A_287, %iota3A : vector<16xi32>
        %lt3A_289 = vector.broadcast %scan3A_41#0 : i32 to vector<16xi32>
        %lt3A_290 = arith.cmpi slt, %add3A_288, %lt3A_289 : vector<16xi32>
        %gt3A_291 = arith.cmpf ogt, %get3A_280, %bitcast3A : vector<16xf32>
        %and3A_292 = arith.andi %lt3A_290, %gt3A_291 : vector<16xi1>
        %jit3A_293 = arith.constant 0.000000e+00 : f32
        %broadcast_in_dim3A_294 = vector.broadcast %jit3A_293 : f32 to vector<16xf32>
        %select_n3A_295 = arith.select %and3A_292, %get3A_280, %broadcast_in_dim3A_294 : vector<16xi1>, vector<16xf32>
        %add3A_296 = arith.addf %add3A_266, %select_n3A_295 : vector<16xf32>
        %jit3A_297 = arith.constant 1.000000e+00 : f32
        %jit3A_298 = arith.constant 0.000000e+00 : f32
        %broadcast_in_dim3A_299 = vector.broadcast %jit3A_297 : f32 to vector<16xf32>
        %broadcast_in_dim3A_300 = vector.broadcast %jit3A_298 : f32 to vector<16xf32>
        %select_n3A_301 = arith.select %and3A_292, %broadcast_in_dim3A_299, %broadcast_in_dim3A_300 : vector<16xi1>, vector<16xf32>
        %add3A_302 = arith.addf %add3A_272, %select_n3A_301 : vector<16xf32>
        %mul3A_303 = arith.constant 16 : i32
        %mul3A_304 = arith.muli %while3A_92, %mul3A_303 : i32
        %add3A_305 = arith.constant 7 : i32
        %add3A_306 = arith.addi %mul3A_304, %add3A_305 : i32
        %mul3A_307 = arith.constant 16 : i32
        %mul3A_308 = arith.muli %add3A_306, %mul3A_307 : i32
        %get3A_309 = arith.index_cast %mul3A_308 : i32 to index
        %get3A_310 = tpu.vector_load %arg7[%get3A_309] {strides = array<i32>} : memref<24592xf32, #tpu.memory_space<vmem>>, vector<16xf32>,
        %mul3A_311 = arith.constant 16 : i32
        %mul3A_312 = arith.muli %while3A_92, %mul3A_311 : i32
        %add3A_313 = arith.constant 7 : i32
        %add3A_314 = arith.addi %mul3A_312, %add3A_313 : i32
        %mul3A_315 = arith.constant 16 : i32
        %mul3A_316 = arith.muli %add3A_314, %mul3A_315 : i32
        %add3A_317 = vector.broadcast %mul3A_316 : i32 to vector<16xi32>
        %add3A_318 = arith.addi %add3A_317, %iota3A : vector<16xi32>
        %lt3A_319 = vector.broadcast %scan3A_41#0 : i32 to vector<16xi32>
        %lt3A_320 = arith.cmpi slt, %add3A_318, %lt3A_319 : vector<16xi32>
        %gt3A_321 = arith.cmpf ogt, %get3A_310, %bitcast3A : vector<16xf32>
        %and3A_322 = arith.andi %lt3A_320, %gt3A_321 : vector<16xi1>
        %jit3A_323 = arith.constant 0.000000e+00 : f32
        %broadcast_in_dim3A_324 = vector.broadcast %jit3A_323 : f32 to vector<16xf32>
        %select_n3A_325 = arith.select %and3A_322, %get3A_310, %broadcast_in_dim3A_324 : vector<16xi1>, vector<16xf32>
        %add3A_326 = arith.addf %add3A_296, %select_n3A_325 : vector<16xf32>
        %jit3A_327 = arith.constant 1.000000e+00 : f32
        %jit3A_328 = arith.constant 0.000000e+00 : f32
        %broadcast_in_dim3A_329 = vector.broadcast %jit3A_327 : f32 to vector<16xf32>
        %broadcast_in_dim3A_330 = vector.broadcast %jit3A_328 : f32 to vector<16xf32>
        %select_n3A_331 = arith.select %and3A_322, %broadcast_in_dim3A_329, %broadcast_in_dim3A_330 : vector<16xi1>, vector<16xf32>
        %add3A_332 = arith.addf %add3A_302, %select_n3A_331 : vector<16xf32>
        %mul3A_333 = arith.constant 16 : i32
        %mul3A_334 = arith.muli %while3A_92, %mul3A_333 : i32
        %add3A_335 = arith.constant 8 : i32
        %add3A_336 = arith.addi %mul3A_334, %add3A_335 : i32
        %mul3A_337 = arith.constant 16 : i32
        %mul3A_338 = arith.muli %add3A_336, %mul3A_337 : i32
        %get3A_339 = arith.index_cast %mul3A_338 : i32 to index
        %get3A_340 = tpu.vector_load %arg7[%get3A_339] {strides = array<i32>} : memref<24592xf32, #tpu.memory_space<vmem>>, vector<16xf32>,
        %mul3A_341 = arith.constant 16 : i32
        %mul3A_342 = arith.muli %while3A_92, %mul3A_341 : i32
        %add3A_343 = arith.constant 8 : i32
        %add3A_344 = arith.addi %mul3A_342, %add3A_343 : i32
        %mul3A_345 = arith.constant 16 : i32
        %mul3A_346 = arith.muli %add3A_344, %mul3A_345 : i32
        %add3A_347 = vector.broadcast %mul3A_346 : i32 to vector<16xi32>
        %add3A_348 = arith.addi %add3A_347, %iota3A : vector<16xi32>
        %lt3A_349 = vector.broadcast %scan3A_41#0 : i32 to vector<16xi32>
        %lt3A_350 = arith.cmpi slt, %add3A_348, %lt3A_349 : vector<16xi32>
        %gt3A_351 = arith.cmpf ogt, %get3A_340, %bitcast3A : vector<16xf32>
        %and3A_352 = arith.andi %lt3A_350, %gt3A_351 : vector<16xi1>
        %jit3A_353 = arith.constant 0.000000e+00 : f32
        %broadcast_in_dim3A_354 = vector.broadcast %jit3A_353 : f32 to vector<16xf32>
        %select_n3A_355 = arith.select %and3A_352, %get3A_340, %broadcast_in_dim3A_354 : vector<16xi1>, vector<16xf32>
        %add3A_356 = arith.addf %add3A_326, %select_n3A_355 : vector<16xf32>
        %jit3A_357 = arith.constant 1.000000e+00 : f32
        %jit3A_358 = arith.constant 0.000000e+00 : f32
        %broadcast_in_dim3A_359 = vector.broadcast %jit3A_357 : f32 to vector<16xf32>
        %broadcast_in_dim3A_360 = vector.broadcast %jit3A_358 : f32 to vector<16xf32>
        %select_n3A_361 = arith.select %and3A_352, %broadcast_in_dim3A_359, %broadcast_in_dim3A_360 : vector<16xi1>, vector<16xf32>
        %add3A_362 = arith.addf %add3A_332, %select_n3A_361 : vector<16xf32>
        %mul3A_363 = arith.constant 16 : i32
        %mul3A_364 = arith.muli %while3A_92, %mul3A_363 : i32
        %add3A_365 = arith.constant 9 : i32
        %add3A_366 = arith.addi %mul3A_364, %add3A_365 : i32
        %mul3A_367 = arith.constant 16 : i32
        %mul3A_368 = arith.muli %add3A_366, %mul3A_367 : i32
        %get3A_369 = arith.index_cast %mul3A_368 : i32 to index
        %get3A_370 = tpu.vector_load %arg7[%get3A_369] {strides = array<i32>} : memref<24592xf32, #tpu.memory_space<vmem>>, vector<16xf32>,
        %mul3A_371 = arith.constant 16 : i32
        %mul3A_372 = arith.muli %while3A_92, %mul3A_371 : i32
        %add3A_373 = arith.constant 9 : i32
        %add3A_374 = arith.addi %mul3A_372, %add3A_373 : i32
        %mul3A_375 = arith.constant 16 : i32
        %mul3A_376 = arith.muli %add3A_374, %mul3A_375 : i32
        %add3A_377 = vector.broadcast %mul3A_376 : i32 to vector<16xi32>
        %add3A_378 = arith.addi %add3A_377, %iota3A : vector<16xi32>
        %lt3A_379 = vector.broadcast %scan3A_41#0 : i32 to vector<16xi32>
        %lt3A_380 = arith.cmpi slt, %add3A_378, %lt3A_379 : vector<16xi32>
        %gt3A_381 = arith.cmpf ogt, %get3A_370, %bitcast3A : vector<16xf32>
        %and3A_382 = arith.andi %lt3A_380, %gt3A_381 : vector<16xi1>
        %jit3A_383 = arith.constant 0.000000e+00 : f32
        %broadcast_in_dim3A_384 = vector.broadcast %jit3A_383 : f32 to vector<16xf32>
        %select_n3A_385 = arith.select %and3A_382, %get3A_370, %broadcast_in_dim3A_384 : vector<16xi1>, vector<16xf32>
        %add3A_386 = arith.addf %add3A_356, %select_n3A_385 : vector<16xf32>
        %jit3A_387 = arith.constant 1.000000e+00 : f32
        %jit3A_388 = arith.constant 0.000000e+00 : f32
        %broadcast_in_dim3A_389 = vector.broadcast %jit3A_387 : f32 to vector<16xf32>
        %broadcast_in_dim3A_390 = vector.broadcast %jit3A_388 : f32 to vector<16xf32>
        %select_n3A_391 = arith.select %and3A_382, %broadcast_in_dim3A_389, %broadcast_in_dim3A_390 : vector<16xi1>, vector<16xf32>
        %add3A_392 = arith.addf %add3A_362, %select_n3A_391 : vector<16xf32>
        %mul3A_393 = arith.constant 16 : i32
        %mul3A_394 = arith.muli %while3A_92, %mul3A_393 : i32
        %add3A_395 = arith.constant 10 : i32
        %add3A_396 = arith.addi %mul3A_394, %add3A_395 : i32
        %mul3A_397 = arith.constant 16 : i32
        %mul3A_398 = arith.muli %add3A_396, %mul3A_397 : i32
        %get3A_399 = arith.index_cast %mul3A_398 : i32 to index
        %get3A_400 = tpu.vector_load %arg7[%get3A_399] {strides = array<i32>} : memref<24592xf32, #tpu.memory_space<vmem>>, vector<16xf32>,
        %mul3A_401 = arith.constant 16 : i32
        %mul3A_402 = arith.muli %while3A_92, %mul3A_401 : i32
        %add3A_403 = arith.constant 10 : i32
        %add3A_404 = arith.addi %mul3A_402, %add3A_403 : i32
        %mul3A_405 = arith.constant 16 : i32
        %mul3A_406 = arith.muli %add3A_404, %mul3A_405 : i32
        %add3A_407 = vector.broadcast %mul3A_406 : i32 to vector<16xi32>
        %add3A_408 = arith.addi %add3A_407, %iota3A : vector<16xi32>
        %lt3A_409 = vector.broadcast %scan3A_41#0 : i32 to vector<16xi32>
        %lt3A_410 = arith.cmpi slt, %add3A_408, %lt3A_409 : vector<16xi32>
        %gt3A_411 = arith.cmpf ogt, %get3A_400, %bitcast3A : vector<16xf32>
        %and3A_412 = arith.andi %lt3A_410, %gt3A_411 : vector<16xi1>
        %jit3A_413 = arith.constant 0.000000e+00 : f32
        %broadcast_in_dim3A_414 = vector.broadcast %jit3A_413 : f32 to vector<16xf32>
        %select_n3A_415 = arith.select %and3A_412, %get3A_400, %broadcast_in_dim3A_414 : vector<16xi1>, vector<16xf32>
        %add3A_416 = arith.addf %add3A_386, %select_n3A_415 : vector<16xf32>
        %jit3A_417 = arith.constant 1.000000e+00 : f32
        %jit3A_418 = arith.constant 0.000000e+00 : f32
        %broadcast_in_dim3A_419 = vector.broadcast %jit3A_417 : f32 to vector<16xf32>
        %broadcast_in_dim3A_420 = vector.broadcast %jit3A_418 : f32 to vector<16xf32>
        %select_n3A_421 = arith.select %and3A_412, %broadcast_in_dim3A_419, %broadcast_in_dim3A_420 : vector<16xi1>, vector<16xf32>
        %add3A_422 = arith.addf %add3A_392, %select_n3A_421 : vector<16xf32>
        %mul3A_423 = arith.constant 16 : i32
        %mul3A_424 = arith.muli %while3A_92, %mul3A_423 : i32
        %add3A_425 = arith.constant 11 : i32
        %add3A_426 = arith.addi %mul3A_424, %add3A_425 : i32
        %mul3A_427 = arith.constant 16 : i32
        %mul3A_428 = arith.muli %add3A_426, %mul3A_427 : i32
        %get3A_429 = arith.index_cast %mul3A_428 : i32 to index
        %get3A_430 = tpu.vector_load %arg7[%get3A_429] {strides = array<i32>} : memref<24592xf32, #tpu.memory_space<vmem>>, vector<16xf32>,
        %mul3A_431 = arith.constant 16 : i32
        %mul3A_432 = arith.muli %while3A_92, %mul3A_431 : i32
        %add3A_433 = arith.constant 11 : i32
        %add3A_434 = arith.addi %mul3A_432, %add3A_433 : i32
        %mul3A_435 = arith.constant 16 : i32
        %mul3A_436 = arith.muli %add3A_434, %mul3A_435 : i32
        %add3A_437 = vector.broadcast %mul3A_436 : i32 to vector<16xi32>
        %add3A_438 = arith.addi %add3A_437, %iota3A : vector<16xi32>
        %lt3A_439 = vector.broadcast %scan3A_41#0 : i32 to vector<16xi32>
        %lt3A_440 = arith.cmpi slt, %add3A_438, %lt3A_439 : vector<16xi32>
        %gt3A_441 = arith.cmpf ogt, %get3A_430, %bitcast3A : vector<16xf32>
        %and3A_442 = arith.andi %lt3A_440, %gt3A_441 : vector<16xi1>
        %jit3A_443 = arith.constant 0.000000e+00 : f32
        %broadcast_in_dim3A_444 = vector.broadcast %jit3A_443 : f32 to vector<16xf32>
        %select_n3A_445 = arith.select %and3A_442, %get3A_430, %broadcast_in_dim3A_444 : vector<16xi1>, vector<16xf32>
        %add3A_446 = arith.addf %add3A_416, %select_n3A_445 : vector<16xf32>
        %jit3A_447 = arith.constant 1.000000e+00 : f32
        %jit3A_448 = arith.constant 0.000000e+00 : f32
        %broadcast_in_dim3A_449 = vector.broadcast %jit3A_447 : f32 to vector<16xf32>
        %broadcast_in_dim3A_450 = vector.broadcast %jit3A_448 : f32 to vector<16xf32>
        %select_n3A_451 = arith.select %and3A_442, %broadcast_in_dim3A_449, %broadcast_in_dim3A_450 : vector<16xi1>, vector<16xf32>
        %add3A_452 = arith.addf %add3A_422, %select_n3A_451 : vector<16xf32>
        %mul3A_453 = arith.constant 16 : i32
        %mul3A_454 = arith.muli %while3A_92, %mul3A_453 : i32
        %add3A_455 = arith.constant 12 : i32
        %add3A_456 = arith.addi %mul3A_454, %add3A_455 : i32
        %mul3A_457 = arith.constant 16 : i32
        %mul3A_458 = arith.muli %add3A_456, %mul3A_457 : i32
        %get3A_459 = arith.index_cast %mul3A_458 : i32 to index
        %get3A_460 = tpu.vector_load %arg7[%get3A_459] {strides = array<i32>} : memref<24592xf32, #tpu.memory_space<vmem>>, vector<16xf32>,
        %mul3A_461 = arith.constant 16 : i32
        %mul3A_462 = arith.muli %while3A_92, %mul3A_461 : i32
        %add3A_463 = arith.constant 12 : i32
        %add3A_464 = arith.addi %mul3A_462, %add3A_463 : i32
        %mul3A_465 = arith.constant 16 : i32
        %mul3A_466 = arith.muli %add3A_464, %mul3A_465 : i32
        %add3A_467 = vector.broadcast %mul3A_466 : i32 to vector<16xi32>
        %add3A_468 = arith.addi %add3A_467, %iota3A : vector<16xi32>
        %lt3A_469 = vector.broadcast %scan3A_41#0 : i32 to vector<16xi32>
        %lt3A_470 = arith.cmpi slt, %add3A_468, %lt3A_469 : vector<16xi32>
        %gt3A_471 = arith.cmpf ogt, %get3A_460, %bitcast3A : vector<16xf32>
        %and3A_472 = arith.andi %lt3A_470, %gt3A_471 : vector<16xi1>
        %jit3A_473 = arith.constant 0.000000e+00 : f32
        %broadcast_in_dim3A_474 = vector.broadcast %jit3A_473 : f32 to vector<16xf32>
        %select_n3A_475 = arith.select %and3A_472, %get3A_460, %broadcast_in_dim3A_474 : vector<16xi1>, vector<16xf32>
        %add3A_476 = arith.addf %add3A_446, %select_n3A_475 : vector<16xf32>
        %jit3A_477 = arith.constant 1.000000e+00 : f32
        %jit3A_478 = arith.constant 0.000000e+00 : f32
        %broadcast_in_dim3A_479 = vector.broadcast %jit3A_477 : f32 to vector<16xf32>
        %broadcast_in_dim3A_480 = vector.broadcast %jit3A_478 : f32 to vector<16xf32>
        %select_n3A_481 = arith.select %and3A_472, %broadcast_in_dim3A_479, %broadcast_in_dim3A_480 : vector<16xi1>, vector<16xf32>
        %add3A_482 = arith.addf %add3A_452, %select_n3A_481 : vector<16xf32>
        %mul3A_483 = arith.constant 16 : i32
        %mul3A_484 = arith.muli %while3A_92, %mul3A_483 : i32
        %add3A_485 = arith.constant 13 : i32
        %add3A_486 = arith.addi %mul3A_484, %add3A_485 : i32
        %mul3A_487 = arith.constant 16 : i32
        %mul3A_488 = arith.muli %add3A_486, %mul3A_487 : i32
        %get3A_489 = arith.index_cast %mul3A_488 : i32 to index
        %get3A_490 = tpu.vector_load %arg7[%get3A_489] {strides = array<i32>} : memref<24592xf32, #tpu.memory_space<vmem>>, vector<16xf32>,
        %mul3A_491 = arith.constant 16 : i32
        %mul3A_492 = arith.muli %while3A_92, %mul3A_491 : i32
        %add3A_493 = arith.constant 13 : i32
        %add3A_494 = arith.addi %mul3A_492, %add3A_493 : i32
        %mul3A_495 = arith.constant 16 : i32
        %mul3A_496 = arith.muli %add3A_494, %mul3A_495 : i32
        %add3A_497 = vector.broadcast %mul3A_496 : i32 to vector<16xi32>
        %add3A_498 = arith.addi %add3A_497, %iota3A : vector<16xi32>
        %lt3A_499 = vector.broadcast %scan3A_41#0 : i32 to vector<16xi32>
        %lt3A_500 = arith.cmpi slt, %add3A_498, %lt3A_499 : vector<16xi32>
        %gt3A_501 = arith.cmpf ogt, %get3A_490, %bitcast3A : vector<16xf32>
        %and3A_502 = arith.andi %lt3A_500, %gt3A_501 : vector<16xi1>
        %jit3A_503 = arith.constant 0.000000e+00 : f32
        %broadcast_in_dim3A_504 = vector.broadcast %jit3A_503 : f32 to vector<16xf32>
        %select_n3A_505 = arith.select %and3A_502, %get3A_490, %broadcast_in_dim3A_504 : vector<16xi1>, vector<16xf32>
        %add3A_506 = arith.addf %add3A_476, %select_n3A_505 : vector<16xf32>
        %jit3A_507 = arith.constant 1.000000e+00 : f32
        %jit3A_508 = arith.constant 0.000000e+00 : f32
        %broadcast_in_dim3A_509 = vector.broadcast %jit3A_507 : f32 to vector<16xf32>
        %broadcast_in_dim3A_510 = vector.broadcast %jit3A_508 : f32 to vector<16xf32>
        %select_n3A_511 = arith.select %and3A_502, %broadcast_in_dim3A_509, %broadcast_in_dim3A_510 : vector<16xi1>, vector<16xf32>
        %add3A_512 = arith.addf %add3A_482, %select_n3A_511 : vector<16xf32>
        %mul3A_513 = arith.constant 16 : i32
        %mul3A_514 = arith.muli %while3A_92, %mul3A_513 : i32
        %add3A_515 = arith.constant 14 : i32
        %add3A_516 = arith.addi %mul3A_514, %add3A_515 : i32
        %mul3A_517 = arith.constant 16 : i32
        %mul3A_518 = arith.muli %add3A_516, %mul3A_517 : i32
        %get3A_519 = arith.index_cast %mul3A_518 : i32 to index
        %get3A_520 = tpu.vector_load %arg7[%get3A_519] {strides = array<i32>} : memref<24592xf32, #tpu.memory_space<vmem>>, vector<16xf32>,
        %mul3A_521 = arith.constant 16 : i32
        %mul3A_522 = arith.muli %while3A_92, %mul3A_521 : i32
        %add3A_523 = arith.constant 14 : i32
        %add3A_524 = arith.addi %mul3A_522, %add3A_523 : i32
        %mul3A_525 = arith.constant 16 : i32
        %mul3A_526 = arith.muli %add3A_524, %mul3A_525 : i32
        %add3A_527 = vector.broadcast %mul3A_526 : i32 to vector<16xi32>
        %add3A_528 = arith.addi %add3A_527, %iota3A : vector<16xi32>
        %lt3A_529 = vector.broadcast %scan3A_41#0 : i32 to vector<16xi32>
        %lt3A_530 = arith.cmpi slt, %add3A_528, %lt3A_529 : vector<16xi32>
        %gt3A_531 = arith.cmpf ogt, %get3A_520, %bitcast3A : vector<16xf32>
        %and3A_532 = arith.andi %lt3A_530, %gt3A_531 : vector<16xi1>
        %jit3A_533 = arith.constant 0.000000e+00 : f32
        %broadcast_in_dim3A_534 = vector.broadcast %jit3A_533 : f32 to vector<16xf32>
        %select_n3A_535 = arith.select %and3A_532, %get3A_520, %broadcast_in_dim3A_534 : vector<16xi1>, vector<16xf32>
        %add3A_536 = arith.addf %add3A_506, %select_n3A_535 : vector<16xf32>
        %jit3A_537 = arith.constant 1.000000e+00 : f32
        %jit3A_538 = arith.constant 0.000000e+00 : f32
        %broadcast_in_dim3A_539 = vector.broadcast %jit3A_537 : f32 to vector<16xf32>
        %broadcast_in_dim3A_540 = vector.broadcast %jit3A_538 : f32 to vector<16xf32>
        %select_n3A_541 = arith.select %and3A_532, %broadcast_in_dim3A_539, %broadcast_in_dim3A_540 : vector<16xi1>, vector<16xf32>
        %add3A_542 = arith.addf %add3A_512, %select_n3A_541 : vector<16xf32>
        %mul3A_543 = arith.constant 16 : i32
        %mul3A_544 = arith.muli %while3A_92, %mul3A_543 : i32
        %add3A_545 = arith.constant 15 : i32
        %add3A_546 = arith.addi %mul3A_544, %add3A_545 : i32
        %mul3A_547 = arith.constant 16 : i32
        %mul3A_548 = arith.muli %add3A_546, %mul3A_547 : i32
        %get3A_549 = arith.index_cast %mul3A_548 : i32 to index
        %get3A_550 = tpu.vector_load %arg7[%get3A_549] {strides = array<i32>} : memref<24592xf32, #tpu.memory_space<vmem>>, vector<16xf32>,
        %mul3A_551 = arith.constant 16 : i32
        %mul3A_552 = arith.muli %while3A_92, %mul3A_551 : i32
        %add3A_553 = arith.constant 15 : i32
        %add3A_554 = arith.addi %mul3A_552, %add3A_553 : i32
        %mul3A_555 = arith.constant 16 : i32
        %mul3A_556 = arith.muli %add3A_554, %mul3A_555 : i32
        %add3A_557 = vector.broadcast %mul3A_556 : i32 to vector<16xi32>
        %add3A_558 = arith.addi %add3A_557, %iota3A : vector<16xi32>
        %lt3A_559 = vector.broadcast %scan3A_41#0 : i32 to vector<16xi32>
        %lt3A_560 = arith.cmpi slt, %add3A_558, %lt3A_559 : vector<16xi32>
        %gt3A_561 = arith.cmpf ogt, %get3A_550, %bitcast3A : vector<16xf32>
        %and3A_562 = arith.andi %lt3A_560, %gt3A_561 : vector<16xi1>
        %jit3A_563 = arith.constant 0.000000e+00 : f32
        %broadcast_in_dim3A_564 = vector.broadcast %jit3A_563 : f32 to vector<16xf32>
        %select_n3A_565 = arith.select %and3A_562, %get3A_550, %broadcast_in_dim3A_564 : vector<16xi1>, vector<16xf32>
        %add3A_566 = arith.addf %add3A_536, %select_n3A_565 : vector<16xf32>
        %jit3A_567 = arith.constant 1.000000e+00 : f32
        %jit3A_568 = arith.constant 0.000000e+00 : f32
        %broadcast_in_dim3A_569 = vector.broadcast %jit3A_567 : f32 to vector<16xf32>
        %broadcast_in_dim3A_570 = vector.broadcast %jit3A_568 : f32 to vector<16xf32>
        %select_n3A_571 = arith.select %and3A_562, %broadcast_in_dim3A_569, %broadcast_in_dim3A_570 : vector<16xi1>, vector<16xf32>
        %add3A_572 = arith.addf %add3A_542, %select_n3A_571 : vector<16xf32>
        scf.yield %add3A_566, %add3A_572 : vector<16xf32>, vector<16xf32>
      }
      %while3A_75 = arith.constant 1 : i32
      %while3A_76:2 = scf.for %while3A_92 = %while3A_72 to %while3A_68 step %while3A_75 iter_args(%while3A_93 = %while3A_74#0, %while3A_94 = %while3A_74#1) -> (vector<16xf32>, vector<16xf32>)  : i32 {
        %mul3A_95 = arith.constant 16 : i32
        %mul3A_96 = arith.muli %while3A_92, %mul3A_95 : i32
        %add3A_97 = arith.constant 0 : i32
        %add3A_98 = arith.addi %mul3A_96, %add3A_97 : i32
        %mul3A_99 = arith.constant 16 : i32
        %mul3A_100 = arith.muli %add3A_98, %mul3A_99 : i32
        %get3A_101 = arith.index_cast %mul3A_100 : i32 to index
        %get3A_102 = tpu.vector_load %arg7[%get3A_101] {strides = array<i32>} : memref<24592xf32, #tpu.memory_space<vmem>>, vector<16xf32>,
        %mul3A_103 = arith.constant 16 : i32
        %mul3A_104 = arith.muli %while3A_92, %mul3A_103 : i32
        %add3A_105 = arith.constant 0 : i32
        %add3A_106 = arith.addi %mul3A_104, %add3A_105 : i32
        %mul3A_107 = arith.constant 16 : i32
        %mul3A_108 = arith.muli %add3A_106, %mul3A_107 : i32
        %add3A_109 = vector.broadcast %mul3A_108 : i32 to vector<16xi32>
        %add3A_110 = arith.addi %add3A_109, %iota3A : vector<16xi32>
        %lt3A_111 = vector.broadcast %scan3A_41#0 : i32 to vector<16xi32>
        %lt3A_112 = arith.cmpi slt, %add3A_110, %lt3A_111 : vector<16xi32>
        %gt3A = arith.cmpf ogt, %get3A_102, %bitcast3A : vector<16xf32>
        %and3A = arith.andi %lt3A_112, %gt3A : vector<16xi1>
        %jit3A_113 = arith.constant 0.000000e+00 : f32
        %broadcast_in_dim3A_114 = vector.broadcast %jit3A_113 : f32 to vector<16xf32>
        %select_n3A_115 = arith.select %and3A, %get3A_102, %broadcast_in_dim3A_114 : vector<16xi1>, vector<16xf32>
        %add3A_116 = arith.addf %while3A_93, %select_n3A_115 : vector<16xf32>
        %jit3A_117 = arith.constant 1.000000e+00 : f32
        %jit3A_118 = arith.constant 0.000000e+00 : f32
        %broadcast_in_dim3A_119 = vector.broadcast %jit3A_117 : f32 to vector<16xf32>
        %broadcast_in_dim3A_120 = vector.broadcast %jit3A_118 : f32 to vector<16xf32>
        %select_n3A_121 = arith.select %and3A, %broadcast_in_dim3A_119, %broadcast_in_dim3A_120 : vector<16xi1>, vector<16xf32>
        %add3A_122 = arith.addf %while3A_94, %select_n3A_121 : vector<16xf32>
        %mul3A_123 = arith.constant 16 : i32
        %mul3A_124 = arith.muli %while3A_92, %mul3A_123 : i32
        %add3A_125 = arith.constant 1 : i32
        %add3A_126 = arith.addi %mul3A_124, %add3A_125 : i32
        %mul3A_127 = arith.constant 16 : i32
        %mul3A_128 = arith.muli %add3A_126, %mul3A_127 : i32
        %get3A_129 = arith.index_cast %mul3A_128 : i32 to index
        %get3A_130 = tpu.vector_load %arg7[%get3A_129] {strides = array<i32>} : memref<24592xf32, #tpu.memory_space<vmem>>, vector<16xf32>,
        %mul3A_131 = arith.constant 16 : i32
        %mul3A_132 = arith.muli %while3A_92, %mul3A_131 : i32
        %add3A_133 = arith.constant 1 : i32
        %add3A_134 = arith.addi %mul3A_132, %add3A_133 : i32
        %mul3A_135 = arith.constant 16 : i32
        %mul3A_136 = arith.muli %add3A_134, %mul3A_135 : i32
        %add3A_137 = vector.broadcast %mul3A_136 : i32 to vector<16xi32>
        %add3A_138 = arith.addi %add3A_137, %iota3A : vector<16xi32>
        %lt3A_139 = vector.broadcast %scan3A_41#0 : i32 to vector<16xi32>
        %lt3A_140 = arith.cmpi slt, %add3A_138, %lt3A_139 : vector<16xi32>
        %gt3A_141 = arith.cmpf ogt, %get3A_130, %bitcast3A : vector<16xf32>
        %and3A_142 = arith.andi %lt3A_140, %gt3A_141 : vector<16xi1>
        %jit3A_143 = arith.constant 0.000000e+00 : f32
        %broadcast_in_dim3A_144 = vector.broadcast %jit3A_143 : f32 to vector<16xf32>
        %select_n3A_145 = arith.select %and3A_142, %get3A_130, %broadcast_in_dim3A_144 : vector<16xi1>, vector<16xf32>
        %add3A_146 = arith.addf %add3A_116, %select_n3A_145 : vector<16xf32>
        %jit3A_147 = arith.constant 1.000000e+00 : f32
        %jit3A_148 = arith.constant 0.000000e+00 : f32
        %broadcast_in_dim3A_149 = vector.broadcast %jit3A_147 : f32 to vector<16xf32>
        %broadcast_in_dim3A_150 = vector.broadcast %jit3A_148 : f32 to vector<16xf32>
        %select_n3A_151 = arith.select %and3A_142, %broadcast_in_dim3A_149, %broadcast_in_dim3A_150 : vector<16xi1>, vector<16xf32>
        %add3A_152 = arith.addf %add3A_122, %select_n3A_151 : vector<16xf32>
        %mul3A_153 = arith.constant 16 : i32
        %mul3A_154 = arith.muli %while3A_92, %mul3A_153 : i32
        %add3A_155 = arith.constant 2 : i32
        %add3A_156 = arith.addi %mul3A_154, %add3A_155 : i32
        %mul3A_157 = arith.constant 16 : i32
        %mul3A_158 = arith.muli %add3A_156, %mul3A_157 : i32
        %get3A_159 = arith.index_cast %mul3A_158 : i32 to index
        %get3A_160 = tpu.vector_load %arg7[%get3A_159] {strides = array<i32>} : memref<24592xf32, #tpu.memory_space<vmem>>, vector<16xf32>,
        %mul3A_161 = arith.constant 16 : i32
        %mul3A_162 = arith.muli %while3A_92, %mul3A_161 : i32
        %add3A_163 = arith.constant 2 : i32
        %add3A_164 = arith.addi %mul3A_162, %add3A_163 : i32
        %mul3A_165 = arith.constant 16 : i32
        %mul3A_166 = arith.muli %add3A_164, %mul3A_165 : i32
        %add3A_167 = vector.broadcast %mul3A_166 : i32 to vector<16xi32>
        %add3A_168 = arith.addi %add3A_167, %iota3A : vector<16xi32>
        %lt3A_169 = vector.broadcast %scan3A_41#0 : i32 to vector<16xi32>
        %lt3A_170 = arith.cmpi slt, %add3A_168, %lt3A_169 : vector<16xi32>
        %gt3A_171 = arith.cmpf ogt, %get3A_160, %bitcast3A : vector<16xf32>
        %and3A_172 = arith.andi %lt3A_170, %gt3A_171 : vector<16xi1>
        %jit3A_173 = arith.constant 0.000000e+00 : f32
        %broadcast_in_dim3A_174 = vector.broadcast %jit3A_173 : f32 to vector<16xf32>
        %select_n3A_175 = arith.select %and3A_172, %get3A_160, %broadcast_in_dim3A_174 : vector<16xi1>, vector<16xf32>
        %add3A_176 = arith.addf %add3A_146, %select_n3A_175 : vector<16xf32>
        %jit3A_177 = arith.constant 1.000000e+00 : f32
        %jit3A_178 = arith.constant 0.000000e+00 : f32
        %broadcast_in_dim3A_179 = vector.broadcast %jit3A_177 : f32 to vector<16xf32>
        %broadcast_in_dim3A_180 = vector.broadcast %jit3A_178 : f32 to vector<16xf32>
        %select_n3A_181 = arith.select %and3A_172, %broadcast_in_dim3A_179, %broadcast_in_dim3A_180 : vector<16xi1>, vector<16xf32>
        %add3A_182 = arith.addf %add3A_152, %select_n3A_181 : vector<16xf32>
        %mul3A_183 = arith.constant 16 : i32
        %mul3A_184 = arith.muli %while3A_92, %mul3A_183 : i32
        %add3A_185 = arith.constant 3 : i32
        %add3A_186 = arith.addi %mul3A_184, %add3A_185 : i32
        %mul3A_187 = arith.constant 16 : i32
        %mul3A_188 = arith.muli %add3A_186, %mul3A_187 : i32
        %get3A_189 = arith.index_cast %mul3A_188 : i32 to index
        %get3A_190 = tpu.vector_load %arg7[%get3A_189] {strides = array<i32>} : memref<24592xf32, #tpu.memory_space<vmem>>, vector<16xf32>,
        %mul3A_191 = arith.constant 16 : i32
        %mul3A_192 = arith.muli %while3A_92, %mul3A_191 : i32
        %add3A_193 = arith.constant 3 : i32
        %add3A_194 = arith.addi %mul3A_192, %add3A_193 : i32
        %mul3A_195 = arith.constant 16 : i32
        %mul3A_196 = arith.muli %add3A_194, %mul3A_195 : i32
        %add3A_197 = vector.broadcast %mul3A_196 : i32 to vector<16xi32>
        %add3A_198 = arith.addi %add3A_197, %iota3A : vector<16xi32>
        %lt3A_199 = vector.broadcast %scan3A_41#0 : i32 to vector<16xi32>
        %lt3A_200 = arith.cmpi slt, %add3A_198, %lt3A_199 : vector<16xi32>
        %gt3A_201 = arith.cmpf ogt, %get3A_190, %bitcast3A : vector<16xf32>
        %and3A_202 = arith.andi %lt3A_200, %gt3A_201 : vector<16xi1>
        %jit3A_203 = arith.constant 0.000000e+00 : f32
        %broadcast_in_dim3A_204 = vector.broadcast %jit3A_203 : f32 to vector<16xf32>
        %select_n3A_205 = arith.select %and3A_202, %get3A_190, %broadcast_in_dim3A_204 : vector<16xi1>, vector<16xf32>
        %add3A_206 = arith.addf %add3A_176, %select_n3A_205 : vector<16xf32>
        %jit3A_207 = arith.constant 1.000000e+00 : f32
        %jit3A_208 = arith.constant 0.000000e+00 : f32
        %broadcast_in_dim3A_209 = vector.broadcast %jit3A_207 : f32 to vector<16xf32>
        %broadcast_in_dim3A_210 = vector.broadcast %jit3A_208 : f32 to vector<16xf32>
        %select_n3A_211 = arith.select %and3A_202, %broadcast_in_dim3A_209, %broadcast_in_dim3A_210 : vector<16xi1>, vector<16xf32>
        %add3A_212 = arith.addf %add3A_182, %select_n3A_211 : vector<16xf32>
        %mul3A_213 = arith.constant 16 : i32
        %mul3A_214 = arith.muli %while3A_92, %mul3A_213 : i32
        %add3A_215 = arith.constant 4 : i32
        %add3A_216 = arith.addi %mul3A_214, %add3A_215 : i32
        %mul3A_217 = arith.constant 16 : i32
        %mul3A_218 = arith.muli %add3A_216, %mul3A_217 : i32
        %get3A_219 = arith.index_cast %mul3A_218 : i32 to index
        %get3A_220 = tpu.vector_load %arg7[%get3A_219] {strides = array<i32>} : memref<24592xf32, #tpu.memory_space<vmem>>, vector<16xf32>,
        %mul3A_221 = arith.constant 16 : i32
        %mul3A_222 = arith.muli %while3A_92, %mul3A_221 : i32
        %add3A_223 = arith.constant 4 : i32
        %add3A_224 = arith.addi %mul3A_222, %add3A_223 : i32
        %mul3A_225 = arith.constant 16 : i32
        %mul3A_226 = arith.muli %add3A_224, %mul3A_225 : i32
        %add3A_227 = vector.broadcast %mul3A_226 : i32 to vector<16xi32>
        %add3A_228 = arith.addi %add3A_227, %iota3A : vector<16xi32>
        %lt3A_229 = vector.broadcast %scan3A_41#0 : i32 to vector<16xi32>
        %lt3A_230 = arith.cmpi slt, %add3A_228, %lt3A_229 : vector<16xi32>
        %gt3A_231 = arith.cmpf ogt, %get3A_220, %bitcast3A : vector<16xf32>
        %and3A_232 = arith.andi %lt3A_230, %gt3A_231 : vector<16xi1>
        %jit3A_233 = arith.constant 0.000000e+00 : f32
        %broadcast_in_dim3A_234 = vector.broadcast %jit3A_233 : f32 to vector<16xf32>
        %select_n3A_235 = arith.select %and3A_232, %get3A_220, %broadcast_in_dim3A_234 : vector<16xi1>, vector<16xf32>
        %add3A_236 = arith.addf %add3A_206, %select_n3A_235 : vector<16xf32>
        %jit3A_237 = arith.constant 1.000000e+00 : f32
        %jit3A_238 = arith.constant 0.000000e+00 : f32
        %broadcast_in_dim3A_239 = vector.broadcast %jit3A_237 : f32 to vector<16xf32>
        %broadcast_in_dim3A_240 = vector.broadcast %jit3A_238 : f32 to vector<16xf32>
        %select_n3A_241 = arith.select %and3A_232, %broadcast_in_dim3A_239, %broadcast_in_dim3A_240 : vector<16xi1>, vector<16xf32>
        %add3A_242 = arith.addf %add3A_212, %select_n3A_241 : vector<16xf32>
        %mul3A_243 = arith.constant 16 : i32
        %mul3A_244 = arith.muli %while3A_92, %mul3A_243 : i32
        %add3A_245 = arith.constant 5 : i32
        %add3A_246 = arith.addi %mul3A_244, %add3A_245 : i32
        %mul3A_247 = arith.constant 16 : i32
        %mul3A_248 = arith.muli %add3A_246, %mul3A_247 : i32
        %get3A_249 = arith.index_cast %mul3A_248 : i32 to index
        %get3A_250 = tpu.vector_load %arg7[%get3A_249] {strides = array<i32>} : memref<24592xf32, #tpu.memory_space<vmem>>, vector<16xf32>,
        %mul3A_251 = arith.constant 16 : i32
        %mul3A_252 = arith.muli %while3A_92, %mul3A_251 : i32
        %add3A_253 = arith.constant 5 : i32
        %add3A_254 = arith.addi %mul3A_252, %add3A_253 : i32
        %mul3A_255 = arith.constant 16 : i32
        %mul3A_256 = arith.muli %add3A_254, %mul3A_255 : i32
        %add3A_257 = vector.broadcast %mul3A_256 : i32 to vector<16xi32>
        %add3A_258 = arith.addi %add3A_257, %iota3A : vector<16xi32>
        %lt3A_259 = vector.broadcast %scan3A_41#0 : i32 to vector<16xi32>
        %lt3A_260 = arith.cmpi slt, %add3A_258, %lt3A_259 : vector<16xi32>
        %gt3A_261 = arith.cmpf ogt, %get3A_250, %bitcast3A : vector<16xf32>
        %and3A_262 = arith.andi %lt3A_260, %gt3A_261 : vector<16xi1>
        %jit3A_263 = arith.constant 0.000000e+00 : f32
        %broadcast_in_dim3A_264 = vector.broadcast %jit3A_263 : f32 to vector<16xf32>
        %select_n3A_265 = arith.select %and3A_262, %get3A_250, %broadcast_in_dim3A_264 : vector<16xi1>, vector<16xf32>
        %add3A_266 = arith.addf %add3A_236, %select_n3A_265 : vector<16xf32>
        %jit3A_267 = arith.constant 1.000000e+00 : f32
        %jit3A_268 = arith.constant 0.000000e+00 : f32
        %broadcast_in_dim3A_269 = vector.broadcast %jit3A_267 : f32 to vector<16xf32>
        %broadcast_in_dim3A_270 = vector.broadcast %jit3A_268 : f32 to vector<16xf32>
        %select_n3A_271 = arith.select %and3A_262, %broadcast_in_dim3A_269, %broadcast_in_dim3A_270 : vector<16xi1>, vector<16xf32>
        %add3A_272 = arith.addf %add3A_242, %select_n3A_271 : vector<16xf32>
        %mul3A_273 = arith.constant 16 : i32
        %mul3A_274 = arith.muli %while3A_92, %mul3A_273 : i32
        %add3A_275 = arith.constant 6 : i32
        %add3A_276 = arith.addi %mul3A_274, %add3A_275 : i32
        %mul3A_277 = arith.constant 16 : i32
        %mul3A_278 = arith.muli %add3A_276, %mul3A_277 : i32
        %get3A_279 = arith.index_cast %mul3A_278 : i32 to index
        %get3A_280 = tpu.vector_load %arg7[%get3A_279] {strides = array<i32>} : memref<24592xf32, #tpu.memory_space<vmem>>, vector<16xf32>,
        %mul3A_281 = arith.constant 16 : i32
        %mul3A_282 = arith.muli %while3A_92, %mul3A_281 : i32
        %add3A_283 = arith.constant 6 : i32
        %add3A_284 = arith.addi %mul3A_282, %add3A_283 : i32
        %mul3A_285 = arith.constant 16 : i32
        %mul3A_286 = arith.muli %add3A_284, %mul3A_285 : i32
        %add3A_287 = vector.broadcast %mul3A_286 : i32 to vector<16xi32>
        %add3A_288 = arith.addi %add3A_287, %iota3A : vector<16xi32>
        %lt3A_289 = vector.broadcast %scan3A_41#0 : i32 to vector<16xi32>
        %lt3A_290 = arith.cmpi slt, %add3A_288, %lt3A_289 : vector<16xi32>
        %gt3A_291 = arith.cmpf ogt, %get3A_280, %bitcast3A : vector<16xf32>
        %and3A_292 = arith.andi %lt3A_290, %gt3A_291 : vector<16xi1>
        %jit3A_293 = arith.constant 0.000000e+00 : f32
        %broadcast_in_dim3A_294 = vector.broadcast %jit3A_293 : f32 to vector<16xf32>
        %select_n3A_295 = arith.select %and3A_292, %get3A_280, %broadcast_in_dim3A_294 : vector<16xi1>, vector<16xf32>
        %add3A_296 = arith.addf %add3A_266, %select_n3A_295 : vector<16xf32>
        %jit3A_297 = arith.constant 1.000000e+00 : f32
        %jit3A_298 = arith.constant 0.000000e+00 : f32
        %broadcast_in_dim3A_299 = vector.broadcast %jit3A_297 : f32 to vector<16xf32>
        %broadcast_in_dim3A_300 = vector.broadcast %jit3A_298 : f32 to vector<16xf32>
        %select_n3A_301 = arith.select %and3A_292, %broadcast_in_dim3A_299, %broadcast_in_dim3A_300 : vector<16xi1>, vector<16xf32>
        %add3A_302 = arith.addf %add3A_272, %select_n3A_301 : vector<16xf32>
        %mul3A_303 = arith.constant 16 : i32
        %mul3A_304 = arith.muli %while3A_92, %mul3A_303 : i32
        %add3A_305 = arith.constant 7 : i32
        %add3A_306 = arith.addi %mul3A_304, %add3A_305 : i32
        %mul3A_307 = arith.constant 16 : i32
        %mul3A_308 = arith.muli %add3A_306, %mul3A_307 : i32
        %get3A_309 = arith.index_cast %mul3A_308 : i32 to index
        %get3A_310 = tpu.vector_load %arg7[%get3A_309] {strides = array<i32>} : memref<24592xf32, #tpu.memory_space<vmem>>, vector<16xf32>,
        %mul3A_311 = arith.constant 16 : i32
        %mul3A_312 = arith.muli %while3A_92, %mul3A_311 : i32
        %add3A_313 = arith.constant 7 : i32
        %add3A_314 = arith.addi %mul3A_312, %add3A_313 : i32
        %mul3A_315 = arith.constant 16 : i32
        %mul3A_316 = arith.muli %add3A_314, %mul3A_315 : i32
        %add3A_317 = vector.broadcast %mul3A_316 : i32 to vector<16xi32>
        %add3A_318 = arith.addi %add3A_317, %iota3A : vector<16xi32>
        %lt3A_319 = vector.broadcast %scan3A_41#0 : i32 to vector<16xi32>
        %lt3A_320 = arith.cmpi slt, %add3A_318, %lt3A_319 : vector<16xi32>
        %gt3A_321 = arith.cmpf ogt, %get3A_310, %bitcast3A : vector<16xf32>
        %and3A_322 = arith.andi %lt3A_320, %gt3A_321 : vector<16xi1>
        %jit3A_323 = arith.constant 0.000000e+00 : f32
        %broadcast_in_dim3A_324 = vector.broadcast %jit3A_323 : f32 to vector<16xf32>
        %select_n3A_325 = arith.select %and3A_322, %get3A_310, %broadcast_in_dim3A_324 : vector<16xi1>, vector<16xf32>
        %add3A_326 = arith.addf %add3A_296, %select_n3A_325 : vector<16xf32>
        %jit3A_327 = arith.constant 1.000000e+00 : f32
        %jit3A_328 = arith.constant 0.000000e+00 : f32
        %broadcast_in_dim3A_329 = vector.broadcast %jit3A_327 : f32 to vector<16xf32>
        %broadcast_in_dim3A_330 = vector.broadcast %jit3A_328 : f32 to vector<16xf32>
        %select_n3A_331 = arith.select %and3A_322, %broadcast_in_dim3A_329, %broadcast_in_dim3A_330 : vector<16xi1>, vector<16xf32>
        %add3A_332 = arith.addf %add3A_302, %select_n3A_331 : vector<16xf32>
        %mul3A_333 = arith.constant 16 : i32
        %mul3A_334 = arith.muli %while3A_92, %mul3A_333 : i32
        %add3A_335 = arith.constant 8 : i32
        %add3A_336 = arith.addi %mul3A_334, %add3A_335 : i32
        %mul3A_337 = arith.constant 16 : i32
        %mul3A_338 = arith.muli %add3A_336, %mul3A_337 : i32
        %get3A_339 = arith.index_cast %mul3A_338 : i32 to index
        %get3A_340 = tpu.vector_load %arg7[%get3A_339] {strides = array<i32>} : memref<24592xf32, #tpu.memory_space<vmem>>, vector<16xf32>,
        %mul3A_341 = arith.constant 16 : i32
        %mul3A_342 = arith.muli %while3A_92, %mul3A_341 : i32
        %add3A_343 = arith.constant 8 : i32
        %add3A_344 = arith.addi %mul3A_342, %add3A_343 : i32
        %mul3A_345 = arith.constant 16 : i32
        %mul3A_346 = arith.muli %add3A_344, %mul3A_345 : i32
        %add3A_347 = vector.broadcast %mul3A_346 : i32 to vector<16xi32>
        %add3A_348 = arith.addi %add3A_347, %iota3A : vector<16xi32>
        %lt3A_349 = vector.broadcast %scan3A_41#0 : i32 to vector<16xi32>
        %lt3A_350 = arith.cmpi slt, %add3A_348, %lt3A_349 : vector<16xi32>
        %gt3A_351 = arith.cmpf ogt, %get3A_340, %bitcast3A : vector<16xf32>
        %and3A_352 = arith.andi %lt3A_350, %gt3A_351 : vector<16xi1>
        %jit3A_353 = arith.constant 0.000000e+00 : f32
        %broadcast_in_dim3A_354 = vector.broadcast %jit3A_353 : f32 to vector<16xf32>
        %select_n3A_355 = arith.select %and3A_352, %get3A_340, %broadcast_in_dim3A_354 : vector<16xi1>, vector<16xf32>
        %add3A_356 = arith.addf %add3A_326, %select_n3A_355 : vector<16xf32>
        %jit3A_357 = arith.constant 1.000000e+00 : f32
        %jit3A_358 = arith.constant 0.000000e+00 : f32
        %broadcast_in_dim3A_359 = vector.broadcast %jit3A_357 : f32 to vector<16xf32>
        %broadcast_in_dim3A_360 = vector.broadcast %jit3A_358 : f32 to vector<16xf32>
        %select_n3A_361 = arith.select %and3A_352, %broadcast_in_dim3A_359, %broadcast_in_dim3A_360 : vector<16xi1>, vector<16xf32>
        %add3A_362 = arith.addf %add3A_332, %select_n3A_361 : vector<16xf32>
        %mul3A_363 = arith.constant 16 : i32
        %mul3A_364 = arith.muli %while3A_92, %mul3A_363 : i32
        %add3A_365 = arith.constant 9 : i32
        %add3A_366 = arith.addi %mul3A_364, %add3A_365 : i32
        %mul3A_367 = arith.constant 16 : i32
        %mul3A_368 = arith.muli %add3A_366, %mul3A_367 : i32
        %get3A_369 = arith.index_cast %mul3A_368 : i32 to index
        %get3A_370 = tpu.vector_load %arg7[%get3A_369] {strides = array<i32>} : memref<24592xf32, #tpu.memory_space<vmem>>, vector<16xf32>,
        %mul3A_371 = arith.constant 16 : i32
        %mul3A_372 = arith.muli %while3A_92, %mul3A_371 : i32
        %add3A_373 = arith.constant 9 : i32
        %add3A_374 = arith.addi %mul3A_372, %add3A_373 : i32
        %mul3A_375 = arith.constant 16 : i32
        %mul3A_376 = arith.muli %add3A_374, %mul3A_375 : i32
        %add3A_377 = vector.broadcast %mul3A_376 : i32 to vector<16xi32>
        %add3A_378 = arith.addi %add3A_377, %iota3A : vector<16xi32>
        %lt3A_379 = vector.broadcast %scan3A_41#0 : i32 to vector<16xi32>
        %lt3A_380 = arith.cmpi slt, %add3A_378, %lt3A_379 : vector<16xi32>
        %gt3A_381 = arith.cmpf ogt, %get3A_370, %bitcast3A : vector<16xf32>
        %and3A_382 = arith.andi %lt3A_380, %gt3A_381 : vector<16xi1>
        %jit3A_383 = arith.constant 0.000000e+00 : f32
        %broadcast_in_dim3A_384 = vector.broadcast %jit3A_383 : f32 to vector<16xf32>
        %select_n3A_385 = arith.select %and3A_382, %get3A_370, %broadcast_in_dim3A_384 : vector<16xi1>, vector<16xf32>
        %add3A_386 = arith.addf %add3A_356, %select_n3A_385 : vector<16xf32>
        %jit3A_387 = arith.constant 1.000000e+00 : f32
        %jit3A_388 = arith.constant 0.000000e+00 : f32
        %broadcast_in_dim3A_389 = vector.broadcast %jit3A_387 : f32 to vector<16xf32>
        %broadcast_in_dim3A_390 = vector.broadcast %jit3A_388 : f32 to vector<16xf32>
        %select_n3A_391 = arith.select %and3A_382, %broadcast_in_dim3A_389, %broadcast_in_dim3A_390 : vector<16xi1>, vector<16xf32>
        %add3A_392 = arith.addf %add3A_362, %select_n3A_391 : vector<16xf32>
        %mul3A_393 = arith.constant 16 : i32
        %mul3A_394 = arith.muli %while3A_92, %mul3A_393 : i32
        %add3A_395 = arith.constant 10 : i32
        %add3A_396 = arith.addi %mul3A_394, %add3A_395 : i32
        %mul3A_397 = arith.constant 16 : i32
        %mul3A_398 = arith.muli %add3A_396, %mul3A_397 : i32
        %get3A_399 = arith.index_cast %mul3A_398 : i32 to index
        %get3A_400 = tpu.vector_load %arg7[%get3A_399] {strides = array<i32>} : memref<24592xf32, #tpu.memory_space<vmem>>, vector<16xf32>,
        %mul3A_401 = arith.constant 16 : i32
        %mul3A_402 = arith.muli %while3A_92, %mul3A_401 : i32
        %add3A_403 = arith.constant 10 : i32
        %add3A_404 = arith.addi %mul3A_402, %add3A_403 : i32
        %mul3A_405 = arith.constant 16 : i32
        %mul3A_406 = arith.muli %add3A_404, %mul3A_405 : i32
        %add3A_407 = vector.broadcast %mul3A_406 : i32 to vector<16xi32>
        %add3A_408 = arith.addi %add3A_407, %iota3A : vector<16xi32>
        %lt3A_409 = vector.broadcast %scan3A_41#0 : i32 to vector<16xi32>
        %lt3A_410 = arith.cmpi slt, %add3A_408, %lt3A_409 : vector<16xi32>
        %gt3A_411 = arith.cmpf ogt, %get3A_400, %bitcast3A : vector<16xf32>
        %and3A_412 = arith.andi %lt3A_410, %gt3A_411 : vector<16xi1>
        %jit3A_413 = arith.constant 0.000000e+00 : f32
        %broadcast_in_dim3A_414 = vector.broadcast %jit3A_413 : f32 to vector<16xf32>
        %select_n3A_415 = arith.select %and3A_412, %get3A_400, %broadcast_in_dim3A_414 : vector<16xi1>, vector<16xf32>
        %add3A_416 = arith.addf %add3A_386, %select_n3A_415 : vector<16xf32>
        %jit3A_417 = arith.constant 1.000000e+00 : f32
        %jit3A_418 = arith.constant 0.000000e+00 : f32
        %broadcast_in_dim3A_419 = vector.broadcast %jit3A_417 : f32 to vector<16xf32>
        %broadcast_in_dim3A_420 = vector.broadcast %jit3A_418 : f32 to vector<16xf32>
        %select_n3A_421 = arith.select %and3A_412, %broadcast_in_dim3A_419, %broadcast_in_dim3A_420 : vector<16xi1>, vector<16xf32>
        %add3A_422 = arith.addf %add3A_392, %select_n3A_421 : vector<16xf32>
        %mul3A_423 = arith.constant 16 : i32
        %mul3A_424 = arith.muli %while3A_92, %mul3A_423 : i32
        %add3A_425 = arith.constant 11 : i32
        %add3A_426 = arith.addi %mul3A_424, %add3A_425 : i32
        %mul3A_427 = arith.constant 16 : i32
        %mul3A_428 = arith.muli %add3A_426, %mul3A_427 : i32
        %get3A_429 = arith.index_cast %mul3A_428 : i32 to index
        %get3A_430 = tpu.vector_load %arg7[%get3A_429] {strides = array<i32>} : memref<24592xf32, #tpu.memory_space<vmem>>, vector<16xf32>,
        %mul3A_431 = arith.constant 16 : i32
        %mul3A_432 = arith.muli %while3A_92, %mul3A_431 : i32
        %add3A_433 = arith.constant 11 : i32
        %add3A_434 = arith.addi %mul3A_432, %add3A_433 : i32
        %mul3A_435 = arith.constant 16 : i32
        %mul3A_436 = arith.muli %add3A_434, %mul3A_435 : i32
        %add3A_437 = vector.broadcast %mul3A_436 : i32 to vector<16xi32>
        %add3A_438 = arith.addi %add3A_437, %iota3A : vector<16xi32>
        %lt3A_439 = vector.broadcast %scan3A_41#0 : i32 to vector<16xi32>
        %lt3A_440 = arith.cmpi slt, %add3A_438, %lt3A_439 : vector<16xi32>
        %gt3A_441 = arith.cmpf ogt, %get3A_430, %bitcast3A : vector<16xf32>
        %and3A_442 = arith.andi %lt3A_440, %gt3A_441 : vector<16xi1>
        %jit3A_443 = arith.constant 0.000000e+00 : f32
        %broadcast_in_dim3A_444 = vector.broadcast %jit3A_443 : f32 to vector<16xf32>
        %select_n3A_445 = arith.select %and3A_442, %get3A_430, %broadcast_in_dim3A_444 : vector<16xi1>, vector<16xf32>
        %add3A_446 = arith.addf %add3A_416, %select_n3A_445 : vector<16xf32>
        %jit3A_447 = arith.constant 1.000000e+00 : f32
        %jit3A_448 = arith.constant 0.000000e+00 : f32
        %broadcast_in_dim3A_449 = vector.broadcast %jit3A_447 : f32 to vector<16xf32>
        %broadcast_in_dim3A_450 = vector.broadcast %jit3A_448 : f32 to vector<16xf32>
        %select_n3A_451 = arith.select %and3A_442, %broadcast_in_dim3A_449, %broadcast_in_dim3A_450 : vector<16xi1>, vector<16xf32>
        %add3A_452 = arith.addf %add3A_422, %select_n3A_451 : vector<16xf32>
        %mul3A_453 = arith.constant 16 : i32
        %mul3A_454 = arith.muli %while3A_92, %mul3A_453 : i32
        %add3A_455 = arith.constant 12 : i32
        %add3A_456 = arith.addi %mul3A_454, %add3A_455 : i32
        %mul3A_457 = arith.constant 16 : i32
        %mul3A_458 = arith.muli %add3A_456, %mul3A_457 : i32
        %get3A_459 = arith.index_cast %mul3A_458 : i32 to index
        %get3A_460 = tpu.vector_load %arg7[%get3A_459] {strides = array<i32>} : memref<24592xf32, #tpu.memory_space<vmem>>, vector<16xf32>,
        %mul3A_461 = arith.constant 16 : i32
        %mul3A_462 = arith.muli %while3A_92, %mul3A_461 : i32
        %add3A_463 = arith.constant 12 : i32
        %add3A_464 = arith.addi %mul3A_462, %add3A_463 : i32
        %mul3A_465 = arith.constant 16 : i32
        %mul3A_466 = arith.muli %add3A_464, %mul3A_465 : i32
        %add3A_467 = vector.broadcast %mul3A_466 : i32 to vector<16xi32>
        %add3A_468 = arith.addi %add3A_467, %iota3A : vector<16xi32>
        %lt3A_469 = vector.broadcast %scan3A_41#0 : i32 to vector<16xi32>
        %lt3A_470 = arith.cmpi slt, %add3A_468, %lt3A_469 : vector<16xi32>
        %gt3A_471 = arith.cmpf ogt, %get3A_460, %bitcast3A : vector<16xf32>
        %and3A_472 = arith.andi %lt3A_470, %gt3A_471 : vector<16xi1>
        %jit3A_473 = arith.constant 0.000000e+00 : f32
        %broadcast_in_dim3A_474 = vector.broadcast %jit3A_473 : f32 to vector<16xf32>
        %select_n3A_475 = arith.select %and3A_472, %get3A_460, %broadcast_in_dim3A_474 : vector<16xi1>, vector<16xf32>
        %add3A_476 = arith.addf %add3A_446, %select_n3A_475 : vector<16xf32>
        %jit3A_477 = arith.constant 1.000000e+00 : f32
        %jit3A_478 = arith.constant 0.000000e+00 : f32
        %broadcast_in_dim3A_479 = vector.broadcast %jit3A_477 : f32 to vector<16xf32>
        %broadcast_in_dim3A_480 = vector.broadcast %jit3A_478 : f32 to vector<16xf32>
        %select_n3A_481 = arith.select %and3A_472, %broadcast_in_dim3A_479, %broadcast_in_dim3A_480 : vector<16xi1>, vector<16xf32>
        %add3A_482 = arith.addf %add3A_452, %select_n3A_481 : vector<16xf32>
        %mul3A_483 = arith.constant 16 : i32
        %mul3A_484 = arith.muli %while3A_92, %mul3A_483 : i32
        %add3A_485 = arith.constant 13 : i32
        %add3A_486 = arith.addi %mul3A_484, %add3A_485 : i32
        %mul3A_487 = arith.constant 16 : i32
        %mul3A_488 = arith.muli %add3A_486, %mul3A_487 : i32
        %get3A_489 = arith.index_cast %mul3A_488 : i32 to index
        %get3A_490 = tpu.vector_load %arg7[%get3A_489] {strides = array<i32>} : memref<24592xf32, #tpu.memory_space<vmem>>, vector<16xf32>,
        %mul3A_491 = arith.constant 16 : i32
        %mul3A_492 = arith.muli %while3A_92, %mul3A_491 : i32
        %add3A_493 = arith.constant 13 : i32
        %add3A_494 = arith.addi %mul3A_492, %add3A_493 : i32
        %mul3A_495 = arith.constant 16 : i32
        %mul3A_496 = arith.muli %add3A_494, %mul3A_495 : i32
        %add3A_497 = vector.broadcast %mul3A_496 : i32 to vector<16xi32>
        %add3A_498 = arith.addi %add3A_497, %iota3A : vector<16xi32>
        %lt3A_499 = vector.broadcast %scan3A_41#0 : i32 to vector<16xi32>
        %lt3A_500 = arith.cmpi slt, %add3A_498, %lt3A_499 : vector<16xi32>
        %gt3A_501 = arith.cmpf ogt, %get3A_490, %bitcast3A : vector<16xf32>
        %and3A_502 = arith.andi %lt3A_500, %gt3A_501 : vector<16xi1>
        %jit3A_503 = arith.constant 0.000000e+00 : f32
        %broadcast_in_dim3A_504 = vector.broadcast %jit3A_503 : f32 to vector<16xf32>
        %select_n3A_505 = arith.select %and3A_502, %get3A_490, %broadcast_in_dim3A_504 : vector<16xi1>, vector<16xf32>
        %add3A_506 = arith.addf %add3A_476, %select_n3A_505 : vector<16xf32>
        %jit3A_507 = arith.constant 1.000000e+00 : f32
        %jit3A_508 = arith.constant 0.000000e+00 : f32
        %broadcast_in_dim3A_509 = vector.broadcast %jit3A_507 : f32 to vector<16xf32>
        %broadcast_in_dim3A_510 = vector.broadcast %jit3A_508 : f32 to vector<16xf32>
        %select_n3A_511 = arith.select %and3A_502, %broadcast_in_dim3A_509, %broadcast_in_dim3A_510 : vector<16xi1>, vector<16xf32>
        %add3A_512 = arith.addf %add3A_482, %select_n3A_511 : vector<16xf32>
        %mul3A_513 = arith.constant 16 : i32
        %mul3A_514 = arith.muli %while3A_92, %mul3A_513 : i32
        %add3A_515 = arith.constant 14 : i32
        %add3A_516 = arith.addi %mul3A_514, %add3A_515 : i32
        %mul3A_517 = arith.constant 16 : i32
        %mul3A_518 = arith.muli %add3A_516, %mul3A_517 : i32
        %get3A_519 = arith.index_cast %mul3A_518 : i32 to index
        %get3A_520 = tpu.vector_load %arg7[%get3A_519] {strides = array<i32>} : memref<24592xf32, #tpu.memory_space<vmem>>, vector<16xf32>,
        %mul3A_521 = arith.constant 16 : i32
        %mul3A_522 = arith.muli %while3A_92, %mul3A_521 : i32
        %add3A_523 = arith.constant 14 : i32
        %add3A_524 = arith.addi %mul3A_522, %add3A_523 : i32
        %mul3A_525 = arith.constant 16 : i32
        %mul3A_526 = arith.muli %add3A_524, %mul3A_525 : i32
        %add3A_527 = vector.broadcast %mul3A_526 : i32 to vector<16xi32>
        %add3A_528 = arith.addi %add3A_527, %iota3A : vector<16xi32>
        %lt3A_529 = vector.broadcast %scan3A_41#0 : i32 to vector<16xi32>
        %lt3A_530 = arith.cmpi slt, %add3A_528, %lt3A_529 : vector<16xi32>
        %gt3A_531 = arith.cmpf ogt, %get3A_520, %bitcast3A : vector<16xf32>
        %and3A_532 = arith.andi %lt3A_530, %gt3A_531 : vector<16xi1>
        %jit3A_533 = arith.constant 0.000000e+00 : f32
        %broadcast_in_dim3A_534 = vector.broadcast %jit3A_533 : f32 to vector<16xf32>
        %select_n3A_535 = arith.select %and3A_532, %get3A_520, %broadcast_in_dim3A_534 : vector<16xi1>, vector<16xf32>
        %add3A_536 = arith.addf %add3A_506, %select_n3A_535 : vector<16xf32>
        %jit3A_537 = arith.constant 1.000000e+00 : f32
        %jit3A_538 = arith.constant 0.000000e+00 : f32
        %broadcast_in_dim3A_539 = vector.broadcast %jit3A_537 : f32 to vector<16xf32>
        %broadcast_in_dim3A_540 = vector.broadcast %jit3A_538 : f32 to vector<16xf32>
        %select_n3A_541 = arith.select %and3A_532, %broadcast_in_dim3A_539, %broadcast_in_dim3A_540 : vector<16xi1>, vector<16xf32>
        %add3A_542 = arith.addf %add3A_512, %select_n3A_541 : vector<16xf32>
        %mul3A_543 = arith.constant 16 : i32
        %mul3A_544 = arith.muli %while3A_92, %mul3A_543 : i32
        %add3A_545 = arith.constant 15 : i32
        %add3A_546 = arith.addi %mul3A_544, %add3A_545 : i32
        %mul3A_547 = arith.constant 16 : i32
        %mul3A_548 = arith.muli %add3A_546, %mul3A_547 : i32
        %get3A_549 = arith.index_cast %mul3A_548 : i32 to index
        %get3A_550 = tpu.vector_load %arg7[%get3A_549] {strides = array<i32>} : memref<24592xf32, #tpu.memory_space<vmem>>, vector<16xf32>,
        %mul3A_551 = arith.constant 16 : i32
        %mul3A_552 = arith.muli %while3A_92, %mul3A_551 : i32
        %add3A_553 = arith.constant 15 : i32
        %add3A_554 = arith.addi %mul3A_552, %add3A_553 : i32
        %mul3A_555 = arith.constant 16 : i32
        %mul3A_556 = arith.muli %add3A_554, %mul3A_555 : i32
        %add3A_557 = vector.broadcast %mul3A_556 : i32 to vector<16xi32>
        %add3A_558 = arith.addi %add3A_557, %iota3A : vector<16xi32>
        %lt3A_559 = vector.broadcast %scan3A_41#0 : i32 to vector<16xi32>
        %lt3A_560 = arith.cmpi slt, %add3A_558, %lt3A_559 : vector<16xi32>
        %gt3A_561 = arith.cmpf ogt, %get3A_550, %bitcast3A : vector<16xf32>
        %and3A_562 = arith.andi %lt3A_560, %gt3A_561 : vector<16xi1>
        %jit3A_563 = arith.constant 0.000000e+00 : f32
        %broadcast_in_dim3A_564 = vector.broadcast %jit3A_563 : f32 to vector<16xf32>
        %select_n3A_565 = arith.select %and3A_562, %get3A_550, %broadcast_in_dim3A_564 : vector<16xi1>, vector<16xf32>
        %add3A_566 = arith.addf %add3A_536, %select_n3A_565 : vector<16xf32>
        %jit3A_567 = arith.constant 1.000000e+00 : f32
        %jit3A_568 = arith.constant 0.000000e+00 : f32
        %broadcast_in_dim3A_569 = vector.broadcast %jit3A_567 : f32 to vector<16xf32>
        %broadcast_in_dim3A_570 = vector.broadcast %jit3A_568 : f32 to vector<16xf32>
        %select_n3A_571 = arith.select %and3A_562, %broadcast_in_dim3A_569, %broadcast_in_dim3A_570 : vector<16xi1>, vector<16xf32>
        %add3A_572 = arith.addf %add3A_542, %select_n3A_571 : vector<16xf32>
        scf.yield %add3A_566, %add3A_572 : vector<16xf32>, vector<16xf32>
      }
      %reduce_sum3A_77 = arith.constant true
      %reduce_sum3A_78 = vector.broadcast %reduce_sum3A_77 : i1 to vector<16xi1>
      %reduce_sum3A_79 = tpu.scan <sum>, %while3A_76#0 masked %reduce_sum3A_78 : vector<16xf32>, vector<16xi1> -> vector<16xf32>
      %reduce_sum3A_80 = vector.extract %reduce_sum3A_79[15] : f32 from vector<16xf32>
      %add3A_81 = arith.addf %reduce_sum3A_46, %reduce_sum3A_80 : f32
      %reduce_sum3A_82 = arith.constant true
      %reduce_sum3A_83 = vector.broadcast %reduce_sum3A_82 : i1 to vector<16xi1>
      %reduce_sum3A_84 = tpu.scan <sum>, %while3A_76#1 masked %reduce_sum3A_83 : vector<16xf32>, vector<16xi1> -> vector<16xf32>
      %reduce_sum3A_85 = vector.extract %reduce_sum3A_84[15] : f32 from vector<16xf32>
      %sub3A_86 = arith.subf %sub3A, %reduce_sum3A_85 : f32
      %slice3A = vector.extract_strided_slice %bitcast3A {offsets = [0], sizes = [1], strides = [1]} : vector<16xf32> to vector<1xf32>
      %squeeze3A = vector.extract %slice3A[0] : f32 from vector<1xf32>
      %mul3A_87 = arith.mulf %sub3A_86, %squeeze3A : f32
      %add3A_88 = arith.addf %add3A_81, %mul3A_87 : f32
      %add3A_89 = vector.broadcast %add3A_88 : f32 to vector<16xf32>
      %add3A_90 = arith.addf %broadcast_in_dim3A_5, %add3A_89 : vector<16xf32>
      %swap3A = arith.constant 0 : index
      %swap3A_91 = tpu.vector_load %arg9[%swap3A] {strides = array<i32>} : memref<16xf32, #tpu.memory_space<vmem>>, vector<16xf32>,
      tpu.vector_store %arg9[%swap3A], %add3A_90 {strides = array<i32>} : memref<16xf32, #tpu.memory_space<vmem>>, vector<16xf32>,
      "tpu.region"() ({
        %run_scoped3A = tpu.sem_alloc : memref<!tpu.dma_semaphore, #tpu.memory_space<semaphore_mem>>
        %dma_start3A = arith.constant 0 : i32
        %dma_start3A_92 = tpu.memref_slice %arg4[%add3A, %dma_start3A] : memref<16x16xf32, #tpu.memory_space<hbm>> -> memref<1x16xf32, #tpu.memory_space<hbm>>
        %dma_start3A_93 = tpu.memref_squeeze %dma_start3A_92 : memref<1x16xf32, #tpu.memory_space<hbm>> -> memref<16xf32, #tpu.memory_space<hbm>>
        %dma_start3A_94 = arith.constant 0 : i32
        %dma_start3A_95 = tpu.memref_slice %arg4[%add3A, %dma_start3A_94] : memref<16x16xf32, #tpu.memory_space<hbm>> -> memref<1x16xf32, #tpu.memory_space<hbm>>
        %dma_start3A_96 = tpu.memref_squeeze %dma_start3A_95 : memref<1x16xf32, #tpu.memory_space<hbm>> -> memref<16xf32, #tpu.memory_space<hbm>>
        tpu.enqueue_dma source(%arg9 : memref<16xf32, #tpu.memory_space<vmem>>) target(%dma_start3A_96 : memref<16xf32, #tpu.memory_space<hbm>>) target_semaphore(%run_scoped3A : memref<!tpu.dma_semaphore, #tpu.memory_space<semaphore_mem>>)
        %dma_wait3A = arith.constant 0 : i32
        %dma_wait3A_97 = tpu.memref_slice %arg4[%add3A, %dma_wait3A] : memref<16x16xf32, #tpu.memory_space<hbm>> -> memref<1x16xf32, #tpu.memory_space<hbm>>
        %dma_wait3A_98 = tpu.memref_squeeze %dma_wait3A_97 : memref<1x16xf32, #tpu.memory_space<hbm>> -> memref<16xf32, #tpu.memory_space<hbm>>
        %dma_wait3A_99 = arith.constant 0 : i32
        %dma_wait3A_100 = tpu.memref_slice %arg4[%add3A, %dma_wait3A_99] : memref<16x16xf32, #tpu.memory_space<hbm>> -> memref<1x16xf32, #tpu.memory_space<hbm>>
        %dma_wait3A_101 = tpu.memref_squeeze %dma_wait3A_100 : memref<1x16xf32, #tpu.memory_space<hbm>> -> memref<16xf32, #tpu.memory_space<hbm>>
        tpu.wait_dma2 semaphore(%run_scoped3A : memref<!tpu.dma_semaphore, #tpu.memory_space<semaphore_mem>>) src(%arg9 : memref<16xf32, #tpu.memory_space<vmem>>) dst(%dma_wait3A_101 : memref<16xf32, #tpu.memory_space<hbm>>)
        tpu.yield
      }) : () -> ()
    } else {
    }
    return
  }
}

module attributes {stable_mosaic.version = 14 : i64} {
  func.func @_fused_kernel(%arg0: i32, %arg1: i32, %arg2: memref<4x2048xf32, #tpu.memory_space<vmem>>, %arg3: memref<256x4xf32, #tpu.memory_space<vmem>>, %arg4: memref<256x1xf32, #tpu.memory_space<vmem>>, %arg5: memref<16x4x2048xf32, #tpu.memory_space<vmem>>, %arg6: memref<81x16x2048xf32, #tpu.memory_space<vmem>>, %arg7: memref<16x2048xf32, #tpu.memory_space<vmem>>, %arg8: memref<16x1xf32, #tpu.memory_space<vmem>>, %arg9: memref<1x1xf32, #tpu.memory_space<vmem>>, %arg10: memref<1x1xf32, #tpu.memory_space<vmem>>, %arg11: memref<256x1xf32, #tpu.memory_space<vmem>>, %arg12: memref<256x1xi32, #tpu.memory_space<vmem>>, %arg13: memref<16x24576xf32, #tpu.memory_space<vmem>>, %arg14: memref<16x24576xi32, #tpu.memory_space<vmem>>, %arg15: memref<16x1xf32, #tpu.memory_space<vmem>>, %arg16: memref<1x1xf32, #tpu.memory_space<vmem>>, %arg17: memref<1x1xf32, #tpu.memory_space<vmem>>) attributes {dimension_semantics = [#tpu.dimension_semantics<arbitrary>, #tpu.dimension_semantics<arbitrary>], iteration_bounds = array<i64: 2, 12>, scalar_prefetch = 0 : i64, scratch_operands = 7 : i64, tpu.core_type = #tpu.core_type<tc>, window_params = [{transform_indices = @transform_0, window_bounds = array<i64: 4, 2048>}, {pipeline_mode = #tpu.pipeline_mode<synchronous>, transform_indices = @transform_1, window_bounds = array<i64: 256, 4>}, {pipeline_mode = #tpu.pipeline_mode<synchronous>, transform_indices = @transform_2, window_bounds = array<i64: 256, 1>}, {transform_indices = @transform_3, window_bounds = array<i64: 16, 4, 2048>}, {transform_indices = @transform_4, window_bounds = array<i64: 81, 16, 2048>}, {transform_indices = @transform_5, window_bounds = array<i64: 16, 2048>}, {pipeline_mode = #tpu.pipeline_mode<synchronous>, transform_indices = @transform_6, window_bounds = array<i64: 16, 1>}, {pipeline_mode = #tpu.pipeline_mode<synchronous>, transform_indices = @transform_7, window_bounds = array<i64: 1, 1>}, {pipeline_mode = #tpu.pipeline_mode<synchronous>, transform_indices = @transform_8, window_bounds = array<i64: 1, 1>}]} {
    %iota3A = tpu.iota {dimensions = array<i32: 1>} : vector<1x2048xi32>
    %mul3A = arith.constant 2048 : i32
    %mul3A_0 = arith.muli %arg1, %mul3A : i32
    %add3A = vector.broadcast %mul3A_0 : i32 to vector<1x2048xi32>
    %add3A_1 = arith.addi %iota3A, %add3A : vector<1x2048xi32>
    %lt3A = arith.constant 24564 : i32
    %lt3A_2 = vector.broadcast %lt3A : i32 to vector<1x2048xi32>
    %lt3A_3 = arith.cmpi slt, %add3A_1, %lt3A_2 : vector<1x2048xi32>
    %iota3A_4 = tpu.iota {dimensions = array<i32: 0>} : vector<16x1x1xi32>
    %eq3A = arith.constant 0 : i32
    %eq3A_5 = arith.cmpi eq, %arg0, %eq3A : i32
    %eq3A_6 = arith.constant 0 : i32
    %eq3A_7 = arith.cmpi eq, %arg1, %eq3A_6 : i32
    %and3A = arith.andi %eq3A_5, %eq3A_7 : i1
    %convert_element_type3A = arith.extui %and3A : i1 to i32
    %cond3A = arith.constant 0 : i32
    %cond3A_8 = arith.cmpi ne, %convert_element_type3A, %cond3A : i32
    scf.if %cond3A_8 {
      %broadcast_in_dim3A = arith.constant -2.000000e+00 : f32
      %broadcast_in_dim3A_27 = vector.broadcast %broadcast_in_dim3A : f32 to vector<256x1xf32>
      %swap3A = arith.constant 0 : index
      %swap3A_28 = arith.constant 0 : index
      %swap3A_29 = vector.load %arg11[%swap3A, %swap3A_28] : memref<256x1xf32, #tpu.memory_space<vmem>>, vector<256x1xf32>
      tpu.vector_store %arg11[%swap3A, %swap3A_28], %broadcast_in_dim3A_27 {strides = array<i32>} : memref<256x1xf32, #tpu.memory_space<vmem>>, vector<256x1xf32>,
      %broadcast_in_dim3A_30 = arith.constant 0 : i32
      %broadcast_in_dim3A_31 = vector.broadcast %broadcast_in_dim3A_30 : i32 to vector<256x1xi32>
      %swap3A_32 = arith.constant 0 : index
      %swap3A_33 = arith.constant 0 : index
      %swap3A_34 = vector.load %arg12[%swap3A_32, %swap3A_33] : memref<256x1xi32, #tpu.memory_space<vmem>>, vector<256x1xi32>
      tpu.vector_store %arg12[%swap3A_32, %swap3A_33], %broadcast_in_dim3A_31 {strides = array<i32>} : memref<256x1xi32, #tpu.memory_space<vmem>>, vector<256x1xi32>,
      %broadcast_in_dim3A_35 = arith.constant 0.000000e+00 : f32
      %broadcast_in_dim3A_36 = vector.broadcast %broadcast_in_dim3A_35 : f32 to vector<16x1xf32>
      %swap3A_37 = arith.constant 0 : index
      %swap3A_38 = arith.constant 0 : index
      %swap3A_39 = vector.load %arg15[%swap3A_37, %swap3A_38] : memref<16x1xf32, #tpu.memory_space<vmem>>, vector<16x1xf32>
      tpu.vector_store %arg15[%swap3A_37, %swap3A_38], %broadcast_in_dim3A_36 {strides = array<i32>} : memref<16x1xf32, #tpu.memory_space<vmem>>, vector<16x1xf32>,
      %broadcast_in_dim3A_40 = arith.constant 0.000000e+00 : f32
      %broadcast_in_dim3A_41 = vector.broadcast %broadcast_in_dim3A_40 : f32 to vector<1x1xf32>
      %swap3A_42 = arith.constant 0 : index
      %swap3A_43 = arith.constant 0 : index
      %swap3A_44 = vector.load %arg16[%swap3A_42, %swap3A_43] : memref<1x1xf32, #tpu.memory_space<vmem>>, vector<1x1xf32>
      tpu.vector_store %arg16[%swap3A_42, %swap3A_43], %broadcast_in_dim3A_41 {strides = array<i32>} : memref<1x1xf32, #tpu.memory_space<vmem>>, vector<1x1xf32>,
      %broadcast_in_dim3A_45 = arith.constant 0.000000e+00 : f32
      %broadcast_in_dim3A_46 = vector.broadcast %broadcast_in_dim3A_45 : f32 to vector<1x1xf32>
      %swap3A_47 = arith.constant 0 : index
      %swap3A_48 = arith.constant 0 : index
      %swap3A_49 = vector.load %arg17[%swap3A_47, %swap3A_48] : memref<1x1xf32, #tpu.memory_space<vmem>>, vector<1x1xf32>
      tpu.vector_store %arg17[%swap3A_47, %swap3A_48], %broadcast_in_dim3A_46 {strides = array<i32>} : memref<1x1xf32, #tpu.memory_space<vmem>>, vector<1x1xf32>,
    } else {
    }
    %eq3A_9 = arith.constant 0 : i32
    %eq3A_10 = arith.cmpi eq, %arg0, %eq3A_9 : i32
    %convert_element_type3A_11 = arith.extui %eq3A_10 : i1 to i32
    %cond3A_12 = arith.constant 0 : i32
    %cond3A_13 = arith.cmpi ne, %convert_element_type3A_11, %cond3A_12 : i32
    scf.if %cond3A_13 {
      %get3A = arith.constant 0 : index
      %get3A_27 = arith.constant 0 : index
      %get3A_28 = vector.load %arg2[%get3A, %get3A_27] : memref<4x2048xf32, #tpu.memory_space<vmem>>, vector<1x2048xf32>
      %get3A_29 = arith.constant 1 : index
      %get3A_30 = arith.constant 0 : index
      %get3A_31 = vector.load %arg2[%get3A_29, %get3A_30] : memref<4x2048xf32, #tpu.memory_space<vmem>>, vector<1x2048xf32>
      %get3A_32 = arith.constant 2 : index
      %get3A_33 = arith.constant 0 : index
      %get3A_34 = vector.load %arg2[%get3A_32, %get3A_33] : memref<4x2048xf32, #tpu.memory_space<vmem>>, vector<1x2048xf32>
      %get3A_35 = arith.constant 3 : index
      %get3A_36 = arith.constant 0 : index
      %get3A_37 = vector.load %arg2[%get3A_35, %get3A_36] : memref<4x2048xf32, #tpu.memory_space<vmem>>, vector<1x2048xf32>
      %div3A = arith.constant 2.000000e+00 : f32
      %div3A_38 = vector.broadcast %div3A : f32 to vector<1x2048xf32>
      %div3A_39 = arith.divf %get3A_34, %div3A_38 : vector<1x2048xf32>
      %sub3A = arith.subf %get3A_28, %div3A_39 : vector<1x2048xf32>
      %div3A_40 = arith.constant 2.000000e+00 : f32
      %div3A_41 = vector.broadcast %div3A_40 : f32 to vector<1x2048xf32>
      %div3A_42 = arith.divf %get3A_37, %div3A_41 : vector<1x2048xf32>
      %sub3A_43 = arith.subf %get3A_31, %div3A_42 : vector<1x2048xf32>
      %div3A_44 = arith.constant 2.000000e+00 : f32
      %div3A_45 = vector.broadcast %div3A_44 : f32 to vector<1x2048xf32>
      %div3A_46 = arith.divf %get3A_34, %div3A_45 : vector<1x2048xf32>
      %add3A_47 = arith.addf %get3A_28, %div3A_46 : vector<1x2048xf32>
      %div3A_48 = arith.constant 2.000000e+00 : f32
      %div3A_49 = vector.broadcast %div3A_48 : f32 to vector<1x2048xf32>
      %div3A_50 = arith.divf %get3A_37, %div3A_49 : vector<1x2048xf32>
      %add3A_51 = arith.addf %get3A_31, %div3A_50 : vector<1x2048xf32>
      %sub3A_52 = arith.subf %add3A_47, %sub3A : vector<1x2048xf32>
      %sub3A_53 = arith.subf %add3A_51, %sub3A_43 : vector<1x2048xf32>
      %mul3A_54 = arith.mulf %sub3A_52, %sub3A_53 : vector<1x2048xf32>
      %get3A_55 = arith.constant 0 : index
      %get3A_56 = arith.constant 0 : index
      %get3A_57 = vector.load %arg3[%get3A_55, %get3A_56] : memref<256x4xf32, #tpu.memory_space<vmem>>, vector<256x1xf32>
      %get3A_58 = arith.constant 0 : index
      %get3A_59 = arith.constant 1 : index
      %get3A_60 = vector.load %arg3[%get3A_58, %get3A_59] : memref<256x4xf32, #tpu.memory_space<vmem>>, vector<256x1xf32>
      %get3A_61 = arith.constant 0 : index
      %get3A_62 = arith.constant 2 : index
      %get3A_63 = vector.load %arg3[%get3A_61, %get3A_62] : memref<256x4xf32, #tpu.memory_space<vmem>>, vector<256x1xf32>
      %get3A_64 = arith.constant 0 : index
      %get3A_65 = arith.constant 3 : index
      %get3A_66 = vector.load %arg3[%get3A_64, %get3A_65] : memref<256x4xf32, #tpu.memory_space<vmem>>, vector<256x1xf32>
      %sub3A_67 = arith.subf %get3A_63, %get3A_57 : vector<256x1xf32>
      %sub3A_68 = arith.subf %get3A_66, %get3A_60 : vector<256x1xf32>
      %mul3A_69 = arith.mulf %sub3A_67, %sub3A_68 : vector<256x1xf32>
      %min3A = vector.broadcast %get3A_63 : vector<256x1xf32> to vector<256x2048xf32>
      %min3A_70 = vector.broadcast %add3A_47 : vector<1x2048xf32> to vector<256x2048xf32>
      %min3A_71 = arith.minimumf %min3A, %min3A_70 : vector<256x2048xf32>
      %max3A = vector.broadcast %get3A_57 : vector<256x1xf32> to vector<256x2048xf32>
      %max3A_72 = vector.broadcast %sub3A : vector<1x2048xf32> to vector<256x2048xf32>
      %max3A_73 = arith.maximumf %max3A, %max3A_72 : vector<256x2048xf32>
      %sub3A_74 = arith.subf %min3A_71, %max3A_73 : vector<256x2048xf32>
      %jit3A = arith.constant 0.000000e+00 : f32
      %max3A_75 = vector.broadcast %jit3A : f32 to vector<256x2048xf32>
      %max3A_76 = arith.maximumf %max3A_75, %sub3A_74 : vector<256x2048xf32>
      %min3A_77 = vector.broadcast %get3A_66 : vector<256x1xf32> to vector<256x2048xf32>
      %min3A_78 = vector.broadcast %add3A_51 : vector<1x2048xf32> to vector<256x2048xf32>
      %min3A_79 = arith.minimumf %min3A_77, %min3A_78 : vector<256x2048xf32>
      %max3A_80 = vector.broadcast %get3A_60 : vector<256x1xf32> to vector<256x2048xf32>
      %max3A_81 = vector.broadcast %sub3A_43 : vector<1x2048xf32> to vector<256x2048xf32>
      %max3A_82 = arith.maximumf %max3A_80, %max3A_81 : vector<256x2048xf32>
      %sub3A_83 = arith.subf %min3A_79, %max3A_82 : vector<256x2048xf32>
      %jit3A_84 = arith.constant 0.000000e+00 : f32
      %max3A_85 = vector.broadcast %jit3A_84 : f32 to vector<256x2048xf32>
      %max3A_86 = arith.maximumf %max3A_85, %sub3A_83 : vector<256x2048xf32>
      %mul3A_87 = arith.mulf %max3A_76, %max3A_86 : vector<256x2048xf32>
      %add3A_88 = vector.broadcast %mul3A_69 : vector<256x1xf32> to vector<256x2048xf32>
      %add3A_89 = vector.broadcast %mul3A_54 : vector<1x2048xf32> to vector<256x2048xf32>
      %add3A_90 = arith.addf %add3A_88, %add3A_89 : vector<256x2048xf32>
      %sub3A_91 = arith.subf %add3A_90, %mul3A_87 : vector<256x2048xf32>
      %div3A_92 = arith.divf %mul3A_87, %sub3A_91 : vector<256x2048xf32>
      %jit3A_93 = arith.constant -1.000000e+00 : f32
      %broadcast_in_dim3A = vector.shape_cast %lt3A_3 : vector<1x2048xi1> to vector<1x2048xi1>
      %broadcast_in_dim3A_94 = vector.broadcast %broadcast_in_dim3A : vector<1x2048xi1> to vector<256x2048xi1>
      %broadcast_in_dim3A_95 = vector.broadcast %jit3A_93 : f32 to vector<256x2048xf32>
      %select_n3A = arith.select %broadcast_in_dim3A_94, %div3A_92, %broadcast_in_dim3A_95 : vector<256x2048xi1>, vector<256x2048xf32>
      %reduce_max3A = arith.constant dense<0xFF800000> : vector<256xf32>
      %reduce_max3A_96 = vector.multi_reduction <maximumf>, %select_n3A, %reduce_max3A [1] : vector<256x2048xf32> to vector<256xf32>
      %broadcast_in_dim3A_97 = vector.shape_cast %reduce_max3A_96 : vector<256xf32> to vector<256x1xf32>
      %iota3A_98 = tpu.iota {dimensions = array<i32: 1>} : vector<256x2048xi32>
      %eq3A_99 = vector.broadcast %broadcast_in_dim3A_97 : vector<256x1xf32> to vector<256x2048xf32>
      %eq3A_100 = arith.cmpf oeq, %select_n3A, %eq3A_99 : vector<256x2048xf32>
      %jit3A_101 = arith.constant 2048 : i32
      %broadcast_in_dim3A_102 = vector.broadcast %jit3A_101 : i32 to vector<256x2048xi32>
      %select_n3A_103 = arith.select %eq3A_100, %iota3A_98, %broadcast_in_dim3A_102 : vector<256x2048xi1>, vector<256x2048xi32>
      %reduce_min3A = arith.constant dense<2147483647> : vector<256xi32>
      %reduce_min3A_104 = vector.multi_reduction <minsi>, %select_n3A_103, %reduce_min3A [1] : vector<256x2048xi32> to vector<256xi32>
      %broadcast_in_dim3A_105 = vector.shape_cast %reduce_min3A_104 : vector<256xi32> to vector<256x1xi32>
      %get3A_106 = arith.constant 0 : index
      %get3A_107 = arith.constant 0 : index
      %get3A_108 = vector.load %arg11[%get3A_106, %get3A_107] : memref<256x1xf32, #tpu.memory_space<vmem>>, vector<256x1xf32>
      %gt3A = arith.cmpf ogt, %broadcast_in_dim3A_97, %get3A_108 : vector<256x1xf32>
      %get3A_109 = arith.constant 0 : index
      %get3A_110 = arith.constant 0 : index
      %get3A_111 = vector.load %arg11[%get3A_109, %get3A_110] : memref<256x1xf32, #tpu.memory_space<vmem>>, vector<256x1xf32>
      %select_n3A_112 = arith.select %gt3A, %broadcast_in_dim3A_97, %get3A_111 : vector<256x1xi1>, vector<256x1xf32>
      %swap3A = arith.constant 0 : index
      %swap3A_113 = arith.constant 0 : index
      %swap3A_114 = vector.load %arg11[%swap3A, %swap3A_113] : memref<256x1xf32, #tpu.memory_space<vmem>>, vector<256x1xf32>
      tpu.vector_store %arg11[%swap3A, %swap3A_113], %select_n3A_112 {strides = array<i32>} : memref<256x1xf32, #tpu.memory_space<vmem>>, vector<256x1xf32>,
      %mul3A_115 = arith.constant 2048 : i32
      %mul3A_116 = arith.muli %arg1, %mul3A_115 : i32
      %add3A_117 = vector.broadcast %mul3A_116 : i32 to vector<256x1xi32>
      %add3A_118 = arith.addi %broadcast_in_dim3A_105, %add3A_117 : vector<256x1xi32>
      %get3A_119 = arith.constant 0 : index
      %get3A_120 = arith.constant 0 : index
      %get3A_121 = vector.load %arg12[%get3A_119, %get3A_120] : memref<256x1xi32, #tpu.memory_space<vmem>>, vector<256x1xi32>
      %select_n3A_122 = arith.select %gt3A, %add3A_118, %get3A_121 : vector<256x1xi1>, vector<256x1xi32>
      %swap3A_123 = arith.constant 0 : index
      %swap3A_124 = arith.constant 0 : index
      %swap3A_125 = vector.load %arg12[%swap3A_123, %swap3A_124] : memref<256x1xi32, #tpu.memory_space<vmem>>, vector<256x1xi32>
      tpu.vector_store %arg12[%swap3A_123, %swap3A_124], %select_n3A_122 {strides = array<i32>} : memref<256x1xi32, #tpu.memory_space<vmem>>, vector<256x1xi32>,
      %reshape3A = vector.shape_cast %select_n3A : vector<256x2048xf32> to vector<16x16x2048xf32>
      %reduce_max3A_126 = arith.constant dense<0xFF800000> : vector<16x2048xf32>
      %reduce_max3A_127 = vector.multi_reduction <maximumf>, %reshape3A, %reduce_max3A_126 [0] : vector<16x16x2048xf32> to vector<16x2048xf32>
      %broadcast_in_dim3A_128 = vector.shape_cast %reduce_max3A_127 : vector<16x2048xf32> to vector<1x16x2048xf32>
      %eq3A_129 = vector.broadcast %broadcast_in_dim3A_128 : vector<1x16x2048xf32> to vector<16x16x2048xf32>
      %eq3A_130 = arith.cmpf oeq, %reshape3A, %eq3A_129 : vector<16x16x2048xf32>
      %jit3A_131 = arith.constant 16 : i32
      %broadcast_in_dim3A_132 = vector.shape_cast %iota3A_4 : vector<16x1x1xi32> to vector<16x1x1xi32>
      %broadcast_in_dim3A_133 = vector.broadcast %broadcast_in_dim3A_132 : vector<16x1x1xi32> to vector<16x16x2048xi32>
      %broadcast_in_dim3A_134 = vector.broadcast %jit3A_131 : i32 to vector<16x16x2048xi32>
      %select_n3A_135 = arith.select %eq3A_130, %broadcast_in_dim3A_133, %broadcast_in_dim3A_134 : vector<16x16x2048xi1>, vector<16x16x2048xi32>
      %reduce_min3A_136 = arith.constant dense<2147483647> : vector<16x2048xi32>
      %reduce_min3A_137 = vector.multi_reduction <minsi>, %select_n3A_135, %reduce_min3A_136 [0] : vector<16x16x2048xi32> to vector<16x2048xi32>
      %mul3A_138 = arith.constant 2048 : i32
      %mul3A_139 = arith.muli %arg1, %mul3A_138 : i32
      %swap3A_140 = arith.constant 0 : index
      %swap3A_141 = arith.index_cast %mul3A_139 : i32 to index
      %swap3A_142 = vector.load %arg13[%swap3A_140, %swap3A_141] : memref<16x24576xf32, #tpu.memory_space<vmem>>, vector<16x2048xf32>
      tpu.vector_store %arg13[%swap3A_140, %swap3A_141], %reduce_max3A_127 {strides = array<i32>} : memref<16x24576xf32, #tpu.memory_space<vmem>>, vector<16x2048xf32>,
      %mul3A_143 = arith.constant 2048 : i32
      %mul3A_144 = arith.muli %arg1, %mul3A_143 : i32
      %swap3A_145 = arith.constant 0 : index
      %swap3A_146 = arith.index_cast %mul3A_144 : i32 to index
      %swap3A_147 = vector.load %arg14[%swap3A_145, %swap3A_146] : memref<16x24576xi32, #tpu.memory_space<vmem>>, vector<16x2048xi32>
      tpu.vector_store %arg14[%swap3A_145, %swap3A_146], %reduce_min3A_137 {strides = array<i32>} : memref<16x24576xi32, #tpu.memory_space<vmem>>, vector<16x2048xi32>,
    } else {
    }
    %eq3A_14 = arith.constant 1 : i32
    %eq3A_15 = arith.cmpi eq, %arg0, %eq3A_14 : i32
    %convert_element_type3A_16 = arith.extui %eq3A_15 : i1 to i32
    %cond3A_17 = arith.constant 0 : i32
    %cond3A_18 = arith.cmpi ne, %convert_element_type3A_16, %cond3A_17 : i32
    scf.if %cond3A_18 {
      %get3A = arith.constant 0 : index
      %get3A_27 = arith.constant 0 : index
      %get3A_28 = vector.load %arg2[%get3A, %get3A_27] : memref<4x2048xf32, #tpu.memory_space<vmem>>, vector<1x2048xf32>
      %get3A_29 = arith.constant 1 : index
      %get3A_30 = arith.constant 0 : index
      %get3A_31 = vector.load %arg2[%get3A_29, %get3A_30] : memref<4x2048xf32, #tpu.memory_space<vmem>>, vector<1x2048xf32>
      %get3A_32 = arith.constant 2 : index
      %get3A_33 = arith.constant 0 : index
      %get3A_34 = vector.load %arg2[%get3A_32, %get3A_33] : memref<4x2048xf32, #tpu.memory_space<vmem>>, vector<1x2048xf32>
      %get3A_35 = arith.constant 3 : index
      %get3A_36 = arith.constant 0 : index
      %get3A_37 = vector.load %arg2[%get3A_35, %get3A_36] : memref<4x2048xf32, #tpu.memory_space<vmem>>, vector<1x2048xf32>
      %jit3A = arith.constant 1.000000e+00 : f32
      %broadcast_in_dim3A = vector.broadcast %jit3A : f32 to vector<1x2048xf32>
      %select_n3A = arith.select %lt3A_3, %get3A_34, %broadcast_in_dim3A : vector<1x2048xi1>, vector<1x2048xf32>
      %jit3A_38 = arith.constant 1.000000e+00 : f32
      %broadcast_in_dim3A_39 = vector.broadcast %jit3A_38 : f32 to vector<1x2048xf32>
      %select_n3A_40 = arith.select %lt3A_3, %get3A_37, %broadcast_in_dim3A_39 : vector<1x2048xi1>, vector<1x2048xf32>
      %mul3A_41 = arith.constant 2048 : i32
      %mul3A_42 = arith.muli %arg1, %mul3A_41 : i32
      %get3A_43 = arith.constant 0 : index
      %get3A_44 = arith.index_cast %mul3A_42 : i32 to index
      %get3A_45 = vector.load %arg13[%get3A_43, %get3A_44] : memref<16x24576xf32, #tpu.memory_space<vmem>>, vector<16x2048xf32>
      %mul3A_46 = arith.constant 2048 : i32
      %mul3A_47 = arith.muli %arg1, %mul3A_46 : i32
      %get3A_48 = arith.constant 0 : index
      %get3A_49 = arith.index_cast %mul3A_47 : i32 to index
      %get3A_50 = vector.load %arg14[%get3A_48, %get3A_49] : memref<16x24576xi32, #tpu.memory_space<vmem>>, vector<16x2048xi32>
      %get3A_51 = arith.constant 0 : index
      %get3A_52 = arith.constant 0 : index
      %get3A_53 = vector.load %arg12[%get3A_51, %get3A_52] : memref<256x1xi32, #tpu.memory_space<vmem>>, vector<256x1xi32>
      %reshape3A = vector.shape_cast %get3A_53 : vector<256x1xi32> to vector<16x16x1xi32>
      %broadcast_in_dim3A_54 = vector.shape_cast %add3A_1 : vector<1x2048xi32> to vector<1x1x2048xi32>
      %eq3A_55 = vector.broadcast %reshape3A : vector<16x16x1xi32> to vector<16x16x2048xi32>
      %eq3A_56 = vector.broadcast %broadcast_in_dim3A_54 : vector<1x1x2048xi32> to vector<16x16x2048xi32>
      %eq3A_57 = arith.cmpi eq, %eq3A_55, %eq3A_56 : vector<16x16x2048xi32>
      %jit3A_58 = arith.constant -1 : i32
      %broadcast_in_dim3A_59 = vector.shape_cast %iota3A_4 : vector<16x1x1xi32> to vector<16x1x1xi32>
      %broadcast_in_dim3A_60 = vector.broadcast %broadcast_in_dim3A_59 : vector<16x1x1xi32> to vector<16x16x2048xi32>
      %broadcast_in_dim3A_61 = vector.broadcast %jit3A_58 : i32 to vector<16x16x2048xi32>
      %select_n3A_62 = arith.select %eq3A_57, %broadcast_in_dim3A_60, %broadcast_in_dim3A_61 : vector<16x16x2048xi1>, vector<16x16x2048xi32>
      %reduce_max3A = arith.constant dense<-2147483648> : vector<16x2048xi32>
      %reduce_max3A_63 = vector.multi_reduction <maxsi>, %select_n3A_62, %reduce_max3A [0] : vector<16x16x2048xi32> to vector<16x2048xi32>
      %ge3A = arith.constant 0 : i32
      %ge3A_64 = vector.broadcast %ge3A : i32 to vector<16x2048xi32>
      %ge3A_65 = arith.cmpi sge, %reduce_max3A_63, %ge3A_64 : vector<16x2048xi32>
      %select_n3A_66 = arith.select %ge3A_65, %reduce_max3A_63, %get3A_50 : vector<16x2048xi1>, vector<16x2048xi32>
      %jit3A_67 = arith.constant 2.000000e+00 : f32
      %broadcast_in_dim3A_68 = vector.broadcast %jit3A_67 : f32 to vector<16x2048xf32>
      %select_n3A_69 = arith.select %ge3A_65, %broadcast_in_dim3A_68, %get3A_45 : vector<16x2048xi1>, vector<16x2048xf32>
      %ge3A_70 = arith.constant 5.000000e-01 : f32
      %ge3A_71 = vector.broadcast %ge3A_70 : f32 to vector<16x2048xf32>
      %ge3A_72 = arith.cmpf oge, %select_n3A_69, %ge3A_71 : vector<16x2048xf32>
      %and3A_73 = vector.broadcast %lt3A_3 : vector<1x2048xi1> to vector<16x2048xi1>
      %and3A_74 = arith.andi %ge3A_72, %and3A_73 : vector<16x2048xi1>
      %broadcast_in_dim3A_75 = vector.shape_cast %select_n3A_66 : vector<16x2048xi32> to vector<1x16x2048xi32>
      %eq3A_76 = vector.broadcast %broadcast_in_dim3A_75 : vector<1x16x2048xi32> to vector<16x16x2048xi32>
      %eq3A_77 = vector.broadcast %iota3A_4 : vector<16x1x1xi32> to vector<16x16x2048xi32>
      %eq3A_78 = arith.cmpi eq, %eq3A_76, %eq3A_77 : vector<16x16x2048xi32>
      %get3A_79 = arith.constant 0 : index
      %get3A_80 = arith.constant 0 : index
      %get3A_81 = vector.load %arg4[%get3A_79, %get3A_80] : memref<256x1xf32, #tpu.memory_space<vmem>>, vector<256x1xf32>
      %reshape3A_82 = vector.shape_cast %get3A_81 : vector<256x1xf32> to vector<16x16x1xf32>
      %jit3A_83 = arith.constant 0.000000e+00 : f32
      %broadcast_in_dim3A_84 = vector.shape_cast %reshape3A_82 : vector<16x16x1xf32> to vector<16x16x1xf32>
      %broadcast_in_dim3A_85 = vector.broadcast %broadcast_in_dim3A_84 : vector<16x16x1xf32> to vector<16x16x2048xf32>
      %broadcast_in_dim3A_86 = vector.broadcast %jit3A_83 : f32 to vector<16x16x2048xf32>
      %select_n3A_87 = arith.select %eq3A_78, %broadcast_in_dim3A_85, %broadcast_in_dim3A_86 : vector<16x16x2048xi1>, vector<16x16x2048xf32>
      %reduce_sum3A = arith.constant dense<0.000000e+00> : vector<16x2048xf32>
      %reduce_sum3A_88 = vector.multi_reduction <add>, %select_n3A_87, %reduce_sum3A [0] : vector<16x16x2048xf32> to vector<16x2048xf32>
      %convert_element_type3A_89 = arith.fptosi %reduce_sum3A_88 : vector<16x2048xf32> to vector<16x2048xi32>
      %add3A_90 = arith.constant 1 : i32
      %add3A_91 = vector.broadcast %add3A_90 : i32 to vector<16x2048xi32>
      %add3A_92 = arith.addi %convert_element_type3A_89, %add3A_91 : vector<16x2048xi32>
      %jit3A_93 = arith.constant 0 : i32
      %broadcast_in_dim3A_94 = vector.broadcast %jit3A_93 : i32 to vector<16x2048xi32>
      %select_n3A_95 = arith.select %and3A_74, %add3A_92, %broadcast_in_dim3A_94 : vector<16x2048xi1>, vector<16x2048xi32>
      %get3A_96 = arith.constant 0 : index
      %get3A_97 = arith.constant 0 : index
      %get3A_98 = vector.load %arg3[%get3A_96, %get3A_97] : memref<256x4xf32, #tpu.memory_space<vmem>>, vector<256x1xf32>
      %reshape3A_99 = vector.shape_cast %get3A_98 : vector<256x1xf32> to vector<16x16x1xf32>
      %jit3A_100 = arith.constant 0.000000e+00 : f32
      %broadcast_in_dim3A_101 = vector.shape_cast %reshape3A_99 : vector<16x16x1xf32> to vector<16x16x1xf32>
      %broadcast_in_dim3A_102 = vector.broadcast %broadcast_in_dim3A_101 : vector<16x16x1xf32> to vector<16x16x2048xf32>
      %broadcast_in_dim3A_103 = vector.broadcast %jit3A_100 : f32 to vector<16x16x2048xf32>
      %select_n3A_104 = arith.select %eq3A_78, %broadcast_in_dim3A_102, %broadcast_in_dim3A_103 : vector<16x16x2048xi1>, vector<16x16x2048xf32>
      %reduce_sum3A_105 = arith.constant dense<0.000000e+00> : vector<16x2048xf32>
      %reduce_sum3A_106 = vector.multi_reduction <add>, %select_n3A_104, %reduce_sum3A_105 [0] : vector<16x16x2048xf32> to vector<16x2048xf32>
      %get3A_107 = arith.constant 0 : index
      %get3A_108 = arith.constant 1 : index
      %get3A_109 = vector.load %arg3[%get3A_107, %get3A_108] : memref<256x4xf32, #tpu.memory_space<vmem>>, vector<256x1xf32>
      %reshape3A_110 = vector.shape_cast %get3A_109 : vector<256x1xf32> to vector<16x16x1xf32>
      %jit3A_111 = arith.constant 0.000000e+00 : f32
      %broadcast_in_dim3A_112 = vector.shape_cast %reshape3A_110 : vector<16x16x1xf32> to vector<16x16x1xf32>
      %broadcast_in_dim3A_113 = vector.broadcast %broadcast_in_dim3A_112 : vector<16x16x1xf32> to vector<16x16x2048xf32>
      %broadcast_in_dim3A_114 = vector.broadcast %jit3A_111 : f32 to vector<16x16x2048xf32>
      %select_n3A_115 = arith.select %eq3A_78, %broadcast_in_dim3A_113, %broadcast_in_dim3A_114 : vector<16x16x2048xi1>, vector<16x16x2048xf32>
      %reduce_sum3A_116 = arith.constant dense<0.000000e+00> : vector<16x2048xf32>
      %reduce_sum3A_117 = vector.multi_reduction <add>, %select_n3A_115, %reduce_sum3A_116 [0] : vector<16x16x2048xf32> to vector<16x2048xf32>
      %get3A_118 = arith.constant 0 : index
      %get3A_119 = arith.constant 2 : index
      %get3A_120 = vector.load %arg3[%get3A_118, %get3A_119] : memref<256x4xf32, #tpu.memory_space<vmem>>, vector<256x1xf32>
      %reshape3A_121 = vector.shape_cast %get3A_120 : vector<256x1xf32> to vector<16x16x1xf32>
      %jit3A_122 = arith.constant 0.000000e+00 : f32
      %broadcast_in_dim3A_123 = vector.shape_cast %reshape3A_121 : vector<16x16x1xf32> to vector<16x16x1xf32>
      %broadcast_in_dim3A_124 = vector.broadcast %broadcast_in_dim3A_123 : vector<16x16x1xf32> to vector<16x16x2048xf32>
      %broadcast_in_dim3A_125 = vector.broadcast %jit3A_122 : f32 to vector<16x16x2048xf32>
      %select_n3A_126 = arith.select %eq3A_78, %broadcast_in_dim3A_124, %broadcast_in_dim3A_125 : vector<16x16x2048xi1>, vector<16x16x2048xf32>
      %reduce_sum3A_127 = arith.constant dense<0.000000e+00> : vector<16x2048xf32>
      %reduce_sum3A_128 = vector.multi_reduction <add>, %select_n3A_126, %reduce_sum3A_127 [0] : vector<16x16x2048xf32> to vector<16x2048xf32>
      %get3A_129 = arith.constant 0 : index
      %get3A_130 = arith.constant 3 : index
      %get3A_131 = vector.load %arg3[%get3A_129, %get3A_130] : memref<256x4xf32, #tpu.memory_space<vmem>>, vector<256x1xf32>
      %reshape3A_132 = vector.shape_cast %get3A_131 : vector<256x1xf32> to vector<16x16x1xf32>
      %jit3A_133 = arith.constant 0.000000e+00 : f32
      %broadcast_in_dim3A_134 = vector.shape_cast %reshape3A_132 : vector<16x16x1xf32> to vector<16x16x1xf32>
      %broadcast_in_dim3A_135 = vector.broadcast %broadcast_in_dim3A_134 : vector<16x16x1xf32> to vector<16x16x2048xf32>
      %broadcast_in_dim3A_136 = vector.broadcast %jit3A_133 : f32 to vector<16x16x2048xf32>
      %select_n3A_137 = arith.select %eq3A_78, %broadcast_in_dim3A_135, %broadcast_in_dim3A_136 : vector<16x16x2048xi1>, vector<16x16x2048xf32>
      %reduce_sum3A_138 = arith.constant dense<0.000000e+00> : vector<16x2048xf32>
      %reduce_sum3A_139 = vector.multi_reduction <add>, %select_n3A_137, %reduce_sum3A_138 [0] : vector<16x16x2048xf32> to vector<16x2048xf32>
      %add3A_140 = arith.addf %reduce_sum3A_106, %reduce_sum3A_128 : vector<16x2048xf32>
      %div3A = arith.constant 2.000000e+00 : f32
      %div3A_141 = vector.broadcast %div3A : f32 to vector<16x2048xf32>
      %div3A_142 = arith.divf %add3A_140, %div3A_141 : vector<16x2048xf32>
      %sub3A = vector.broadcast %get3A_28 : vector<1x2048xf32> to vector<16x2048xf32>
      %sub3A_143 = arith.subf %div3A_142, %sub3A : vector<16x2048xf32>
      %mul3A_144 = arith.constant 1.000000e-01 : f32
      %mul3A_145 = vector.broadcast %mul3A_144 : f32 to vector<1x2048xf32>
      %mul3A_146 = arith.mulf %mul3A_145, %select_n3A : vector<1x2048xf32>
      %div3A_147 = vector.broadcast %mul3A_146 : vector<1x2048xf32> to vector<16x2048xf32>
      %div3A_148 = arith.divf %sub3A_143, %div3A_147 : vector<16x2048xf32>
      %add3A_149 = arith.addf %reduce_sum3A_117, %reduce_sum3A_139 : vector<16x2048xf32>
      %div3A_150 = arith.constant 2.000000e+00 : f32
      %div3A_151 = vector.broadcast %div3A_150 : f32 to vector<16x2048xf32>
      %div3A_152 = arith.divf %add3A_149, %div3A_151 : vector<16x2048xf32>
      %sub3A_153 = vector.broadcast %get3A_31 : vector<1x2048xf32> to vector<16x2048xf32>
      %sub3A_154 = arith.subf %div3A_152, %sub3A_153 : vector<16x2048xf32>
      %mul3A_155 = arith.constant 1.000000e-01 : f32
      %mul3A_156 = vector.broadcast %mul3A_155 : f32 to vector<1x2048xf32>
      %mul3A_157 = arith.mulf %mul3A_156, %select_n3A_40 : vector<1x2048xf32>
      %div3A_158 = vector.broadcast %mul3A_157 : vector<1x2048xf32> to vector<16x2048xf32>
      %div3A_159 = arith.divf %sub3A_154, %div3A_158 : vector<16x2048xf32>
      %sub3A_160 = arith.subf %reduce_sum3A_128, %reduce_sum3A_106 : vector<16x2048xf32>
      %div3A_161 = vector.broadcast %select_n3A : vector<1x2048xf32> to vector<16x2048xf32>
      %div3A_162 = arith.divf %sub3A_160, %div3A_161 : vector<16x2048xf32>
      %max3A = arith.constant 1.000000e-30 : f32
      %max3A_163 = vector.broadcast %max3A : f32 to vector<16x2048xf32>
      %max3A_164 = arith.maximumf %div3A_162, %max3A_163 : vector<16x2048xf32>
      %log3A = math.log %max3A_164 : vector<16x2048xf32>
      %div3A_165 = arith.constant 2.000000e-01 : f32
      %div3A_166 = vector.broadcast %div3A_165 : f32 to vector<16x2048xf32>
      %div3A_167 = arith.divf %log3A, %div3A_166 : vector<16x2048xf32>
      %sub3A_168 = arith.subf %reduce_sum3A_139, %reduce_sum3A_117 : vector<16x2048xf32>
      %div3A_169 = vector.broadcast %select_n3A_40 : vector<1x2048xf32> to vector<16x2048xf32>
      %div3A_170 = arith.divf %sub3A_168, %div3A_169 : vector<16x2048xf32>
      %max3A_171 = arith.constant 1.000000e-30 : f32
      %max3A_172 = vector.broadcast %max3A_171 : f32 to vector<16x2048xf32>
      %max3A_173 = arith.maximumf %div3A_170, %max3A_172 : vector<16x2048xf32>
      %log3A_174 = math.log %max3A_173 : vector<16x2048xf32>
      %div3A_175 = arith.constant 2.000000e-01 : f32
      %div3A_176 = vector.broadcast %div3A_175 : f32 to vector<16x2048xf32>
      %div3A_177 = arith.divf %log3A_174, %div3A_176 : vector<16x2048xf32>
      %broadcast_in_dim3A_178 = arith.constant 0.000000e+00 : f32
      %broadcast_in_dim3A_179 = vector.broadcast %broadcast_in_dim3A_178 : f32 to vector<16x2048xf32>
      %get3A_180 = arith.constant 0 : index
      %get3A_181 = arith.constant 0 : index
      %get3A_182 = arith.constant 0 : index
      %get3A_183 = vector.load %arg5[%get3A_180, %get3A_181, %get3A_182] : memref<16x4x2048xf32, #tpu.memory_space<vmem>>, vector<16x1x2048xf32>
      %get3A_184 = vector.shape_cast %get3A_183 : vector<16x1x2048xf32> to vector<16x2048xf32>
      %sub3A_185 = arith.subf %get3A_184, %div3A_148 : vector<16x2048xf32>
      %abs3A = math.absf %sub3A_185 : vector<16x2048xf32>
      %lt3A_186 = arith.constant 1.000000e+00 : f32
      %lt3A_187 = vector.broadcast %lt3A_186 : f32 to vector<16x2048xf32>
      %lt3A_188 = arith.cmpf olt, %abs3A, %lt3A_187 : vector<16x2048xf32>
      %mul3A_189 = arith.constant 5.000000e-01 : f32
      %mul3A_190 = vector.broadcast %mul3A_189 : f32 to vector<16x2048xf32>
      %mul3A_191 = arith.mulf %mul3A_190, %sub3A_185 : vector<16x2048xf32>
      %mul3A_192 = arith.mulf %mul3A_191, %sub3A_185 : vector<16x2048xf32>
      %sub3A_193 = arith.constant 5.000000e-01 : f32
      %sub3A_194 = vector.broadcast %sub3A_193 : f32 to vector<16x2048xf32>
      %sub3A_195 = arith.subf %abs3A, %sub3A_194 : vector<16x2048xf32>
      %select_n3A_196 = arith.select %lt3A_188, %mul3A_192, %sub3A_195 : vector<16x2048xi1>, vector<16x2048xf32>
      %add3A_197 = arith.addf %broadcast_in_dim3A_179, %select_n3A_196 : vector<16x2048xf32>
      %get3A_198 = arith.constant 0 : index
      %get3A_199 = arith.constant 1 : index
      %get3A_200 = arith.constant 0 : index
      %get3A_201 = vector.load %arg5[%get3A_198, %get3A_199, %get3A_200] : memref<16x4x2048xf32, #tpu.memory_space<vmem>>, vector<16x1x2048xf32>
      %get3A_202 = vector.shape_cast %get3A_201 : vector<16x1x2048xf32> to vector<16x2048xf32>
      %sub3A_203 = arith.subf %get3A_202, %div3A_159 : vector<16x2048xf32>
      %abs3A_204 = math.absf %sub3A_203 : vector<16x2048xf32>
      %lt3A_205 = arith.constant 1.000000e+00 : f32
      %lt3A_206 = vector.broadcast %lt3A_205 : f32 to vector<16x2048xf32>
      %lt3A_207 = arith.cmpf olt, %abs3A_204, %lt3A_206 : vector<16x2048xf32>
      %mul3A_208 = arith.constant 5.000000e-01 : f32
      %mul3A_209 = vector.broadcast %mul3A_208 : f32 to vector<16x2048xf32>
      %mul3A_210 = arith.mulf %mul3A_209, %sub3A_203 : vector<16x2048xf32>
      %mul3A_211 = arith.mulf %mul3A_210, %sub3A_203 : vector<16x2048xf32>
      %sub3A_212 = arith.constant 5.000000e-01 : f32
      %sub3A_213 = vector.broadcast %sub3A_212 : f32 to vector<16x2048xf32>
      %sub3A_214 = arith.subf %abs3A_204, %sub3A_213 : vector<16x2048xf32>
      %select_n3A_215 = arith.select %lt3A_207, %mul3A_211, %sub3A_214 : vector<16x2048xi1>, vector<16x2048xf32>
      %add3A_216 = arith.addf %add3A_197, %select_n3A_215 : vector<16x2048xf32>
      %get3A_217 = arith.constant 0 : index
      %get3A_218 = arith.constant 2 : index
      %get3A_219 = arith.constant 0 : index
      %get3A_220 = vector.load %arg5[%get3A_217, %get3A_218, %get3A_219] : memref<16x4x2048xf32, #tpu.memory_space<vmem>>, vector<16x1x2048xf32>
      %get3A_221 = vector.shape_cast %get3A_220 : vector<16x1x2048xf32> to vector<16x2048xf32>
      %sub3A_222 = arith.subf %get3A_221, %div3A_167 : vector<16x2048xf32>
      %abs3A_223 = math.absf %sub3A_222 : vector<16x2048xf32>
      %lt3A_224 = arith.constant 1.000000e+00 : f32
      %lt3A_225 = vector.broadcast %lt3A_224 : f32 to vector<16x2048xf32>
      %lt3A_226 = arith.cmpf olt, %abs3A_223, %lt3A_225 : vector<16x2048xf32>
      %mul3A_227 = arith.constant 5.000000e-01 : f32
      %mul3A_228 = vector.broadcast %mul3A_227 : f32 to vector<16x2048xf32>
      %mul3A_229 = arith.mulf %mul3A_228, %sub3A_222 : vector<16x2048xf32>
      %mul3A_230 = arith.mulf %mul3A_229, %sub3A_222 : vector<16x2048xf32>
      %sub3A_231 = arith.constant 5.000000e-01 : f32
      %sub3A_232 = vector.broadcast %sub3A_231 : f32 to vector<16x2048xf32>
      %sub3A_233 = arith.subf %abs3A_223, %sub3A_232 : vector<16x2048xf32>
      %select_n3A_234 = arith.select %lt3A_226, %mul3A_230, %sub3A_233 : vector<16x2048xi1>, vector<16x2048xf32>
      %add3A_235 = arith.addf %add3A_216, %select_n3A_234 : vector<16x2048xf32>
      %get3A_236 = arith.constant 0 : index
      %get3A_237 = arith.constant 3 : index
      %get3A_238 = arith.constant 0 : index
      %get3A_239 = vector.load %arg5[%get3A_236, %get3A_237, %get3A_238] : memref<16x4x2048xf32, #tpu.memory_space<vmem>>, vector<16x1x2048xf32>
      %get3A_240 = vector.shape_cast %get3A_239 : vector<16x1x2048xf32> to vector<16x2048xf32>
      %sub3A_241 = arith.subf %get3A_240, %div3A_177 : vector<16x2048xf32>
      %abs3A_242 = math.absf %sub3A_241 : vector<16x2048xf32>
      %lt3A_243 = arith.constant 1.000000e+00 : f32
      %lt3A_244 = vector.broadcast %lt3A_243 : f32 to vector<16x2048xf32>
      %lt3A_245 = arith.cmpf olt, %abs3A_242, %lt3A_244 : vector<16x2048xf32>
      %mul3A_246 = arith.constant 5.000000e-01 : f32
      %mul3A_247 = vector.broadcast %mul3A_246 : f32 to vector<16x2048xf32>
      %mul3A_248 = arith.mulf %mul3A_247, %sub3A_241 : vector<16x2048xf32>
      %mul3A_249 = arith.mulf %mul3A_248, %sub3A_241 : vector<16x2048xf32>
      %sub3A_250 = arith.constant 5.000000e-01 : f32
      %sub3A_251 = vector.broadcast %sub3A_250 : f32 to vector<16x2048xf32>
      %sub3A_252 = arith.subf %abs3A_242, %sub3A_251 : vector<16x2048xf32>
      %select_n3A_253 = arith.select %lt3A_245, %mul3A_249, %sub3A_252 : vector<16x2048xi1>, vector<16x2048xf32>
      %add3A_254 = arith.addf %add3A_235, %select_n3A_253 : vector<16x2048xf32>
      %broadcast_in_dim3A_255 = arith.constant 0.000000e+00 : f32
      %broadcast_in_dim3A_256 = vector.broadcast %broadcast_in_dim3A_255 : f32 to vector<16x2048xf32>
      %broadcast_in_dim3A_257 = arith.constant 0.000000e+00 : f32
      %broadcast_in_dim3A_258 = vector.broadcast %broadcast_in_dim3A_257 : f32 to vector<16x2048xf32>
      %get3A_259 = arith.constant 0 : index
      %get3A_260 = arith.constant 0 : index
      %get3A_261 = arith.constant 0 : index
      %get3A_262 = vector.load %arg6[%get3A_259, %get3A_260, %get3A_261] : memref<81x16x2048xf32, #tpu.memory_space<vmem>>, vector<1x16x2048xf32>
      %get3A_263 = vector.shape_cast %get3A_262 : vector<1x16x2048xf32> to vector<16x2048xf32>
      %exp3A = math.exp %get3A_263 : vector<16x2048xf32>
      %add3A_264 = arith.addf %broadcast_in_dim3A_256, %exp3A : vector<16x2048xf32>
      %eq3A_265 = arith.constant 0 : i32
      %eq3A_266 = vector.broadcast %eq3A_265 : i32 to vector<16x2048xi32>
      %eq3A_267 = arith.cmpi eq, %select_n3A_95, %eq3A_266 : vector<16x2048xi32>
      %jit3A_268 = arith.constant 0.000000e+00 : f32
      %broadcast_in_dim3A_269 = vector.broadcast %jit3A_268 : f32 to vector<16x2048xf32>
      %select_n3A_270 = arith.select %eq3A_267, %get3A_263, %broadcast_in_dim3A_269 : vector<16x2048xi1>, vector<16x2048xf32>
      %add3A_271 = arith.addf %broadcast_in_dim3A_258, %select_n3A_270 : vector<16x2048xf32>
      %get3A_272 = arith.constant 1 : index
      %get3A_273 = arith.constant 0 : index
      %get3A_274 = arith.constant 0 : index
      %get3A_275 = vector.load %arg6[%get3A_272, %get3A_273, %get3A_274] : memref<81x16x2048xf32, #tpu.memory_space<vmem>>, vector<1x16x2048xf32>
      %get3A_276 = vector.shape_cast %get3A_275 : vector<1x16x2048xf32> to vector<16x2048xf32>
      %exp3A_277 = math.exp %get3A_276 : vector<16x2048xf32>
      %add3A_278 = arith.addf %add3A_264, %exp3A_277 : vector<16x2048xf32>
      %eq3A_279 = arith.constant 1 : i32
      %eq3A_280 = vector.broadcast %eq3A_279 : i32 to vector<16x2048xi32>
      %eq3A_281 = arith.cmpi eq, %select_n3A_95, %eq3A_280 : vector<16x2048xi32>
      %jit3A_282 = arith.constant 0.000000e+00 : f32
      %broadcast_in_dim3A_283 = vector.broadcast %jit3A_282 : f32 to vector<16x2048xf32>
      %select_n3A_284 = arith.select %eq3A_281, %get3A_276, %broadcast_in_dim3A_283 : vector<16x2048xi1>, vector<16x2048xf32>
      %add3A_285 = arith.addf %add3A_271, %select_n3A_284 : vector<16x2048xf32>
      %get3A_286 = arith.constant 2 : index
      %get3A_287 = arith.constant 0 : index
      %get3A_288 = arith.constant 0 : index
      %get3A_289 = vector.load %arg6[%get3A_286, %get3A_287, %get3A_288] : memref<81x16x2048xf32, #tpu.memory_space<vmem>>, vector<1x16x2048xf32>
      %get3A_290 = vector.shape_cast %get3A_289 : vector<1x16x2048xf32> to vector<16x2048xf32>
      %exp3A_291 = math.exp %get3A_290 : vector<16x2048xf32>
      %add3A_292 = arith.addf %add3A_278, %exp3A_291 : vector<16x2048xf32>
      %eq3A_293 = arith.constant 2 : i32
      %eq3A_294 = vector.broadcast %eq3A_293 : i32 to vector<16x2048xi32>
      %eq3A_295 = arith.cmpi eq, %select_n3A_95, %eq3A_294 : vector<16x2048xi32>
      %jit3A_296 = arith.constant 0.000000e+00 : f32
      %broadcast_in_dim3A_297 = vector.broadcast %jit3A_296 : f32 to vector<16x2048xf32>
      %select_n3A_298 = arith.select %eq3A_295, %get3A_290, %broadcast_in_dim3A_297 : vector<16x2048xi1>, vector<16x2048xf32>
      %add3A_299 = arith.addf %add3A_285, %select_n3A_298 : vector<16x2048xf32>
      %get3A_300 = arith.constant 3 : index
      %get3A_301 = arith.constant 0 : index
      %get3A_302 = arith.constant 0 : index
      %get3A_303 = vector.load %arg6[%get3A_300, %get3A_301, %get3A_302] : memref<81x16x2048xf32, #tpu.memory_space<vmem>>, vector<1x16x2048xf32>
      %get3A_304 = vector.shape_cast %get3A_303 : vector<1x16x2048xf32> to vector<16x2048xf32>
      %exp3A_305 = math.exp %get3A_304 : vector<16x2048xf32>
      %add3A_306 = arith.addf %add3A_292, %exp3A_305 : vector<16x2048xf32>
      %eq3A_307 = arith.constant 3 : i32
      %eq3A_308 = vector.broadcast %eq3A_307 : i32 to vector<16x2048xi32>
      %eq3A_309 = arith.cmpi eq, %select_n3A_95, %eq3A_308 : vector<16x2048xi32>
      %jit3A_310 = arith.constant 0.000000e+00 : f32
      %broadcast_in_dim3A_311 = vector.broadcast %jit3A_310 : f32 to vector<16x2048xf32>
      %select_n3A_312 = arith.select %eq3A_309, %get3A_304, %broadcast_in_dim3A_311 : vector<16x2048xi1>, vector<16x2048xf32>
      %add3A_313 = arith.addf %add3A_299, %select_n3A_312 : vector<16x2048xf32>
      %get3A_314 = arith.constant 4 : index
      %get3A_315 = arith.constant 0 : index
      %get3A_316 = arith.constant 0 : index
      %get3A_317 = vector.load %arg6[%get3A_314, %get3A_315, %get3A_316] : memref<81x16x2048xf32, #tpu.memory_space<vmem>>, vector<1x16x2048xf32>
      %get3A_318 = vector.shape_cast %get3A_317 : vector<1x16x2048xf32> to vector<16x2048xf32>
      %exp3A_319 = math.exp %get3A_318 : vector<16x2048xf32>
      %add3A_320 = arith.addf %add3A_306, %exp3A_319 : vector<16x2048xf32>
      %eq3A_321 = arith.constant 4 : i32
      %eq3A_322 = vector.broadcast %eq3A_321 : i32 to vector<16x2048xi32>
      %eq3A_323 = arith.cmpi eq, %select_n3A_95, %eq3A_322 : vector<16x2048xi32>
      %jit3A_324 = arith.constant 0.000000e+00 : f32
      %broadcast_in_dim3A_325 = vector.broadcast %jit3A_324 : f32 to vector<16x2048xf32>
      %select_n3A_326 = arith.select %eq3A_323, %get3A_318, %broadcast_in_dim3A_325 : vector<16x2048xi1>, vector<16x2048xf32>
      %add3A_327 = arith.addf %add3A_313, %select_n3A_326 : vector<16x2048xf32>
      %get3A_328 = arith.constant 5 : index
      %get3A_329 = arith.constant 0 : index
      %get3A_330 = arith.constant 0 : index
      %get3A_331 = vector.load %arg6[%get3A_328, %get3A_329, %get3A_330] : memref<81x16x2048xf32, #tpu.memory_space<vmem>>, vector<1x16x2048xf32>
      %get3A_332 = vector.shape_cast %get3A_331 : vector<1x16x2048xf32> to vector<16x2048xf32>
      %exp3A_333 = math.exp %get3A_332 : vector<16x2048xf32>
      %add3A_334 = arith.addf %add3A_320, %exp3A_333 : vector<16x2048xf32>
      %eq3A_335 = arith.constant 5 : i32
      %eq3A_336 = vector.broadcast %eq3A_335 : i32 to vector<16x2048xi32>
      %eq3A_337 = arith.cmpi eq, %select_n3A_95, %eq3A_336 : vector<16x2048xi32>
      %jit3A_338 = arith.constant 0.000000e+00 : f32
      %broadcast_in_dim3A_339 = vector.broadcast %jit3A_338 : f32 to vector<16x2048xf32>
      %select_n3A_340 = arith.select %eq3A_337, %get3A_332, %broadcast_in_dim3A_339 : vector<16x2048xi1>, vector<16x2048xf32>
      %add3A_341 = arith.addf %add3A_327, %select_n3A_340 : vector<16x2048xf32>
      %get3A_342 = arith.constant 6 : index
      %get3A_343 = arith.constant 0 : index
      %get3A_344 = arith.constant 0 : index
      %get3A_345 = vector.load %arg6[%get3A_342, %get3A_343, %get3A_344] : memref<81x16x2048xf32, #tpu.memory_space<vmem>>, vector<1x16x2048xf32>
      %get3A_346 = vector.shape_cast %get3A_345 : vector<1x16x2048xf32> to vector<16x2048xf32>
      %exp3A_347 = math.exp %get3A_346 : vector<16x2048xf32>
      %add3A_348 = arith.addf %add3A_334, %exp3A_347 : vector<16x2048xf32>
      %eq3A_349 = arith.constant 6 : i32
      %eq3A_350 = vector.broadcast %eq3A_349 : i32 to vector<16x2048xi32>
      %eq3A_351 = arith.cmpi eq, %select_n3A_95, %eq3A_350 : vector<16x2048xi32>
      %jit3A_352 = arith.constant 0.000000e+00 : f32
      %broadcast_in_dim3A_353 = vector.broadcast %jit3A_352 : f32 to vector<16x2048xf32>
      %select_n3A_354 = arith.select %eq3A_351, %get3A_346, %broadcast_in_dim3A_353 : vector<16x2048xi1>, vector<16x2048xf32>
      %add3A_355 = arith.addf %add3A_341, %select_n3A_354 : vector<16x2048xf32>
      %get3A_356 = arith.constant 7 : index
      %get3A_357 = arith.constant 0 : index
      %get3A_358 = arith.constant 0 : index
      %get3A_359 = vector.load %arg6[%get3A_356, %get3A_357, %get3A_358] : memref<81x16x2048xf32, #tpu.memory_space<vmem>>, vector<1x16x2048xf32>
      %get3A_360 = vector.shape_cast %get3A_359 : vector<1x16x2048xf32> to vector<16x2048xf32>
      %exp3A_361 = math.exp %get3A_360 : vector<16x2048xf32>
      %add3A_362 = arith.addf %add3A_348, %exp3A_361 : vector<16x2048xf32>
      %eq3A_363 = arith.constant 7 : i32
      %eq3A_364 = vector.broadcast %eq3A_363 : i32 to vector<16x2048xi32>
      %eq3A_365 = arith.cmpi eq, %select_n3A_95, %eq3A_364 : vector<16x2048xi32>
      %jit3A_366 = arith.constant 0.000000e+00 : f32
      %broadcast_in_dim3A_367 = vector.broadcast %jit3A_366 : f32 to vector<16x2048xf32>
      %select_n3A_368 = arith.select %eq3A_365, %get3A_360, %broadcast_in_dim3A_367 : vector<16x2048xi1>, vector<16x2048xf32>
      %add3A_369 = arith.addf %add3A_355, %select_n3A_368 : vector<16x2048xf32>
      %get3A_370 = arith.constant 8 : index
      %get3A_371 = arith.constant 0 : index
      %get3A_372 = arith.constant 0 : index
      %get3A_373 = vector.load %arg6[%get3A_370, %get3A_371, %get3A_372] : memref<81x16x2048xf32, #tpu.memory_space<vmem>>, vector<1x16x2048xf32>
      %get3A_374 = vector.shape_cast %get3A_373 : vector<1x16x2048xf32> to vector<16x2048xf32>
      %exp3A_375 = math.exp %get3A_374 : vector<16x2048xf32>
      %add3A_376 = arith.addf %add3A_362, %exp3A_375 : vector<16x2048xf32>
      %eq3A_377 = arith.constant 8 : i32
      %eq3A_378 = vector.broadcast %eq3A_377 : i32 to vector<16x2048xi32>
      %eq3A_379 = arith.cmpi eq, %select_n3A_95, %eq3A_378 : vector<16x2048xi32>
      %jit3A_380 = arith.constant 0.000000e+00 : f32
      %broadcast_in_dim3A_381 = vector.broadcast %jit3A_380 : f32 to vector<16x2048xf32>
      %select_n3A_382 = arith.select %eq3A_379, %get3A_374, %broadcast_in_dim3A_381 : vector<16x2048xi1>, vector<16x2048xf32>
      %add3A_383 = arith.addf %add3A_369, %select_n3A_382 : vector<16x2048xf32>
      %get3A_384 = arith.constant 9 : index
      %get3A_385 = arith.constant 0 : index
      %get3A_386 = arith.constant 0 : index
      %get3A_387 = vector.load %arg6[%get3A_384, %get3A_385, %get3A_386] : memref<81x16x2048xf32, #tpu.memory_space<vmem>>, vector<1x16x2048xf32>
      %get3A_388 = vector.shape_cast %get3A_387 : vector<1x16x2048xf32> to vector<16x2048xf32>
      %exp3A_389 = math.exp %get3A_388 : vector<16x2048xf32>
      %add3A_390 = arith.addf %add3A_376, %exp3A_389 : vector<16x2048xf32>
      %eq3A_391 = arith.constant 9 : i32
      %eq3A_392 = vector.broadcast %eq3A_391 : i32 to vector<16x2048xi32>
      %eq3A_393 = arith.cmpi eq, %select_n3A_95, %eq3A_392 : vector<16x2048xi32>
      %jit3A_394 = arith.constant 0.000000e+00 : f32
      %broadcast_in_dim3A_395 = vector.broadcast %jit3A_394 : f32 to vector<16x2048xf32>
      %select_n3A_396 = arith.select %eq3A_393, %get3A_388, %broadcast_in_dim3A_395 : vector<16x2048xi1>, vector<16x2048xf32>
      %add3A_397 = arith.addf %add3A_383, %select_n3A_396 : vector<16x2048xf32>
      %get3A_398 = arith.constant 10 : index
      %get3A_399 = arith.constant 0 : index
      %get3A_400 = arith.constant 0 : index
      %get3A_401 = vector.load %arg6[%get3A_398, %get3A_399, %get3A_400] : memref<81x16x2048xf32, #tpu.memory_space<vmem>>, vector<1x16x2048xf32>
      %get3A_402 = vector.shape_cast %get3A_401 : vector<1x16x2048xf32> to vector<16x2048xf32>
      %exp3A_403 = math.exp %get3A_402 : vector<16x2048xf32>
      %add3A_404 = arith.addf %add3A_390, %exp3A_403 : vector<16x2048xf32>
      %eq3A_405 = arith.constant 10 : i32
      %eq3A_406 = vector.broadcast %eq3A_405 : i32 to vector<16x2048xi32>
      %eq3A_407 = arith.cmpi eq, %select_n3A_95, %eq3A_406 : vector<16x2048xi32>
      %jit3A_408 = arith.constant 0.000000e+00 : f32
      %broadcast_in_dim3A_409 = vector.broadcast %jit3A_408 : f32 to vector<16x2048xf32>
      %select_n3A_410 = arith.select %eq3A_407, %get3A_402, %broadcast_in_dim3A_409 : vector<16x2048xi1>, vector<16x2048xf32>
      %add3A_411 = arith.addf %add3A_397, %select_n3A_410 : vector<16x2048xf32>
      %get3A_412 = arith.constant 11 : index
      %get3A_413 = arith.constant 0 : index
      %get3A_414 = arith.constant 0 : index
      %get3A_415 = vector.load %arg6[%get3A_412, %get3A_413, %get3A_414] : memref<81x16x2048xf32, #tpu.memory_space<vmem>>, vector<1x16x2048xf32>
      %get3A_416 = vector.shape_cast %get3A_415 : vector<1x16x2048xf32> to vector<16x2048xf32>
      %exp3A_417 = math.exp %get3A_416 : vector<16x2048xf32>
      %add3A_418 = arith.addf %add3A_404, %exp3A_417 : vector<16x2048xf32>
      %eq3A_419 = arith.constant 11 : i32
      %eq3A_420 = vector.broadcast %eq3A_419 : i32 to vector<16x2048xi32>
      %eq3A_421 = arith.cmpi eq, %select_n3A_95, %eq3A_420 : vector<16x2048xi32>
      %jit3A_422 = arith.constant 0.000000e+00 : f32
      %broadcast_in_dim3A_423 = vector.broadcast %jit3A_422 : f32 to vector<16x2048xf32>
      %select_n3A_424 = arith.select %eq3A_421, %get3A_416, %broadcast_in_dim3A_423 : vector<16x2048xi1>, vector<16x2048xf32>
      %add3A_425 = arith.addf %add3A_411, %select_n3A_424 : vector<16x2048xf32>
      %get3A_426 = arith.constant 12 : index
      %get3A_427 = arith.constant 0 : index
      %get3A_428 = arith.constant 0 : index
      %get3A_429 = vector.load %arg6[%get3A_426, %get3A_427, %get3A_428] : memref<81x16x2048xf32, #tpu.memory_space<vmem>>, vector<1x16x2048xf32>
      %get3A_430 = vector.shape_cast %get3A_429 : vector<1x16x2048xf32> to vector<16x2048xf32>
      %exp3A_431 = math.exp %get3A_430 : vector<16x2048xf32>
      %add3A_432 = arith.addf %add3A_418, %exp3A_431 : vector<16x2048xf32>
      %eq3A_433 = arith.constant 12 : i32
      %eq3A_434 = vector.broadcast %eq3A_433 : i32 to vector<16x2048xi32>
      %eq3A_435 = arith.cmpi eq, %select_n3A_95, %eq3A_434 : vector<16x2048xi32>
      %jit3A_436 = arith.constant 0.000000e+00 : f32
      %broadcast_in_dim3A_437 = vector.broadcast %jit3A_436 : f32 to vector<16x2048xf32>
      %select_n3A_438 = arith.select %eq3A_435, %get3A_430, %broadcast_in_dim3A_437 : vector<16x2048xi1>, vector<16x2048xf32>
      %add3A_439 = arith.addf %add3A_425, %select_n3A_438 : vector<16x2048xf32>
      %get3A_440 = arith.constant 13 : index
      %get3A_441 = arith.constant 0 : index
      %get3A_442 = arith.constant 0 : index
      %get3A_443 = vector.load %arg6[%get3A_440, %get3A_441, %get3A_442] : memref<81x16x2048xf32, #tpu.memory_space<vmem>>, vector<1x16x2048xf32>
      %get3A_444 = vector.shape_cast %get3A_443 : vector<1x16x2048xf32> to vector<16x2048xf32>
      %exp3A_445 = math.exp %get3A_444 : vector<16x2048xf32>
      %add3A_446 = arith.addf %add3A_432, %exp3A_445 : vector<16x2048xf32>
      %eq3A_447 = arith.constant 13 : i32
      %eq3A_448 = vector.broadcast %eq3A_447 : i32 to vector<16x2048xi32>
      %eq3A_449 = arith.cmpi eq, %select_n3A_95, %eq3A_448 : vector<16x2048xi32>
      %jit3A_450 = arith.constant 0.000000e+00 : f32
      %broadcast_in_dim3A_451 = vector.broadcast %jit3A_450 : f32 to vector<16x2048xf32>
      %select_n3A_452 = arith.select %eq3A_449, %get3A_444, %broadcast_in_dim3A_451 : vector<16x2048xi1>, vector<16x2048xf32>
      %add3A_453 = arith.addf %add3A_439, %select_n3A_452 : vector<16x2048xf32>
      %get3A_454 = arith.constant 14 : index
      %get3A_455 = arith.constant 0 : index
      %get3A_456 = arith.constant 0 : index
      %get3A_457 = vector.load %arg6[%get3A_454, %get3A_455, %get3A_456] : memref<81x16x2048xf32, #tpu.memory_space<vmem>>, vector<1x16x2048xf32>
      %get3A_458 = vector.shape_cast %get3A_457 : vector<1x16x2048xf32> to vector<16x2048xf32>
      %exp3A_459 = math.exp %get3A_458 : vector<16x2048xf32>
      %add3A_460 = arith.addf %add3A_446, %exp3A_459 : vector<16x2048xf32>
      %eq3A_461 = arith.constant 14 : i32
      %eq3A_462 = vector.broadcast %eq3A_461 : i32 to vector<16x2048xi32>
      %eq3A_463 = arith.cmpi eq, %select_n3A_95, %eq3A_462 : vector<16x2048xi32>
      %jit3A_464 = arith.constant 0.000000e+00 : f32
      %broadcast_in_dim3A_465 = vector.broadcast %jit3A_464 : f32 to vector<16x2048xf32>
      %select_n3A_466 = arith.select %eq3A_463, %get3A_458, %broadcast_in_dim3A_465 : vector<16x2048xi1>, vector<16x2048xf32>
      %add3A_467 = arith.addf %add3A_453, %select_n3A_466 : vector<16x2048xf32>
      %get3A_468 = arith.constant 15 : index
      %get3A_469 = arith.constant 0 : index
      %get3A_470 = arith.constant 0 : index
      %get3A_471 = vector.load %arg6[%get3A_468, %get3A_469, %get3A_470] : memref<81x16x2048xf32, #tpu.memory_space<vmem>>, vector<1x16x2048xf32>
      %get3A_472 = vector.shape_cast %get3A_471 : vector<1x16x2048xf32> to vector<16x2048xf32>
      %exp3A_473 = math.exp %get3A_472 : vector<16x2048xf32>
      %add3A_474 = arith.addf %add3A_460, %exp3A_473 : vector<16x2048xf32>
      %eq3A_475 = arith.constant 15 : i32
      %eq3A_476 = vector.broadcast %eq3A_475 : i32 to vector<16x2048xi32>
      %eq3A_477 = arith.cmpi eq, %select_n3A_95, %eq3A_476 : vector<16x2048xi32>
      %jit3A_478 = arith.constant 0.000000e+00 : f32
      %broadcast_in_dim3A_479 = vector.broadcast %jit3A_478 : f32 to vector<16x2048xf32>
      %select_n3A_480 = arith.select %eq3A_477, %get3A_472, %broadcast_in_dim3A_479 : vector<16x2048xi1>, vector<16x2048xf32>
      %add3A_481 = arith.addf %add3A_467, %select_n3A_480 : vector<16x2048xf32>
      %get3A_482 = arith.constant 16 : index
      %get3A_483 = arith.constant 0 : index
      %get3A_484 = arith.constant 0 : index
      %get3A_485 = vector.load %arg6[%get3A_482, %get3A_483, %get3A_484] : memref<81x16x2048xf32, #tpu.memory_space<vmem>>, vector<1x16x2048xf32>
      %get3A_486 = vector.shape_cast %get3A_485 : vector<1x16x2048xf32> to vector<16x2048xf32>
      %exp3A_487 = math.exp %get3A_486 : vector<16x2048xf32>
      %add3A_488 = arith.addf %add3A_474, %exp3A_487 : vector<16x2048xf32>
      %eq3A_489 = arith.constant 16 : i32
      %eq3A_490 = vector.broadcast %eq3A_489 : i32 to vector<16x2048xi32>
      %eq3A_491 = arith.cmpi eq, %select_n3A_95, %eq3A_490 : vector<16x2048xi32>
      %jit3A_492 = arith.constant 0.000000e+00 : f32
      %broadcast_in_dim3A_493 = vector.broadcast %jit3A_492 : f32 to vector<16x2048xf32>
      %select_n3A_494 = arith.select %eq3A_491, %get3A_486, %broadcast_in_dim3A_493 : vector<16x2048xi1>, vector<16x2048xf32>
      %add3A_495 = arith.addf %add3A_481, %select_n3A_494 : vector<16x2048xf32>
      %get3A_496 = arith.constant 17 : index
      %get3A_497 = arith.constant 0 : index
      %get3A_498 = arith.constant 0 : index
      %get3A_499 = vector.load %arg6[%get3A_496, %get3A_497, %get3A_498] : memref<81x16x2048xf32, #tpu.memory_space<vmem>>, vector<1x16x2048xf32>
      %get3A_500 = vector.shape_cast %get3A_499 : vector<1x16x2048xf32> to vector<16x2048xf32>
      %exp3A_501 = math.exp %get3A_500 : vector<16x2048xf32>
      %add3A_502 = arith.addf %add3A_488, %exp3A_501 : vector<16x2048xf32>
      %eq3A_503 = arith.constant 17 : i32
      %eq3A_504 = vector.broadcast %eq3A_503 : i32 to vector<16x2048xi32>
      %eq3A_505 = arith.cmpi eq, %select_n3A_95, %eq3A_504 : vector<16x2048xi32>
      %jit3A_506 = arith.constant 0.000000e+00 : f32
      %broadcast_in_dim3A_507 = vector.broadcast %jit3A_506 : f32 to vector<16x2048xf32>
      %select_n3A_508 = arith.select %eq3A_505, %get3A_500, %broadcast_in_dim3A_507 : vector<16x2048xi1>, vector<16x2048xf32>
      %add3A_509 = arith.addf %add3A_495, %select_n3A_508 : vector<16x2048xf32>
      %get3A_510 = arith.constant 18 : index
      %get3A_511 = arith.constant 0 : index
      %get3A_512 = arith.constant 0 : index
      %get3A_513 = vector.load %arg6[%get3A_510, %get3A_511, %get3A_512] : memref<81x16x2048xf32, #tpu.memory_space<vmem>>, vector<1x16x2048xf32>
      %get3A_514 = vector.shape_cast %get3A_513 : vector<1x16x2048xf32> to vector<16x2048xf32>
      %exp3A_515 = math.exp %get3A_514 : vector<16x2048xf32>
      %add3A_516 = arith.addf %add3A_502, %exp3A_515 : vector<16x2048xf32>
      %eq3A_517 = arith.constant 18 : i32
      %eq3A_518 = vector.broadcast %eq3A_517 : i32 to vector<16x2048xi32>
      %eq3A_519 = arith.cmpi eq, %select_n3A_95, %eq3A_518 : vector<16x2048xi32>
      %jit3A_520 = arith.constant 0.000000e+00 : f32
      %broadcast_in_dim3A_521 = vector.broadcast %jit3A_520 : f32 to vector<16x2048xf32>
      %select_n3A_522 = arith.select %eq3A_519, %get3A_514, %broadcast_in_dim3A_521 : vector<16x2048xi1>, vector<16x2048xf32>
      %add3A_523 = arith.addf %add3A_509, %select_n3A_522 : vector<16x2048xf32>
      %get3A_524 = arith.constant 19 : index
      %get3A_525 = arith.constant 0 : index
      %get3A_526 = arith.constant 0 : index
      %get3A_527 = vector.load %arg6[%get3A_524, %get3A_525, %get3A_526] : memref<81x16x2048xf32, #tpu.memory_space<vmem>>, vector<1x16x2048xf32>
      %get3A_528 = vector.shape_cast %get3A_527 : vector<1x16x2048xf32> to vector<16x2048xf32>
      %exp3A_529 = math.exp %get3A_528 : vector<16x2048xf32>
      %add3A_530 = arith.addf %add3A_516, %exp3A_529 : vector<16x2048xf32>
      %eq3A_531 = arith.constant 19 : i32
      %eq3A_532 = vector.broadcast %eq3A_531 : i32 to vector<16x2048xi32>
      %eq3A_533 = arith.cmpi eq, %select_n3A_95, %eq3A_532 : vector<16x2048xi32>
      %jit3A_534 = arith.constant 0.000000e+00 : f32
      %broadcast_in_dim3A_535 = vector.broadcast %jit3A_534 : f32 to vector<16x2048xf32>
      %select_n3A_536 = arith.select %eq3A_533, %get3A_528, %broadcast_in_dim3A_535 : vector<16x2048xi1>, vector<16x2048xf32>
      %add3A_537 = arith.addf %add3A_523, %select_n3A_536 : vector<16x2048xf32>
      %get3A_538 = arith.constant 20 : index
      %get3A_539 = arith.constant 0 : index
      %get3A_540 = arith.constant 0 : index
      %get3A_541 = vector.load %arg6[%get3A_538, %get3A_539, %get3A_540] : memref<81x16x2048xf32, #tpu.memory_space<vmem>>, vector<1x16x2048xf32>
      %get3A_542 = vector.shape_cast %get3A_541 : vector<1x16x2048xf32> to vector<16x2048xf32>
      %exp3A_543 = math.exp %get3A_542 : vector<16x2048xf32>
      %add3A_544 = arith.addf %add3A_530, %exp3A_543 : vector<16x2048xf32>
      %eq3A_545 = arith.constant 20 : i32
      %eq3A_546 = vector.broadcast %eq3A_545 : i32 to vector<16x2048xi32>
      %eq3A_547 = arith.cmpi eq, %select_n3A_95, %eq3A_546 : vector<16x2048xi32>
      %jit3A_548 = arith.constant 0.000000e+00 : f32
      %broadcast_in_dim3A_549 = vector.broadcast %jit3A_548 : f32 to vector<16x2048xf32>
      %select_n3A_550 = arith.select %eq3A_547, %get3A_542, %broadcast_in_dim3A_549 : vector<16x2048xi1>, vector<16x2048xf32>
      %add3A_551 = arith.addf %add3A_537, %select_n3A_550 : vector<16x2048xf32>
      %get3A_552 = arith.constant 21 : index
      %get3A_553 = arith.constant 0 : index
      %get3A_554 = arith.constant 0 : index
      %get3A_555 = vector.load %arg6[%get3A_552, %get3A_553, %get3A_554] : memref<81x16x2048xf32, #tpu.memory_space<vmem>>, vector<1x16x2048xf32>
      %get3A_556 = vector.shape_cast %get3A_555 : vector<1x16x2048xf32> to vector<16x2048xf32>
      %exp3A_557 = math.exp %get3A_556 : vector<16x2048xf32>
      %add3A_558 = arith.addf %add3A_544, %exp3A_557 : vector<16x2048xf32>
      %eq3A_559 = arith.constant 21 : i32
      %eq3A_560 = vector.broadcast %eq3A_559 : i32 to vector<16x2048xi32>
      %eq3A_561 = arith.cmpi eq, %select_n3A_95, %eq3A_560 : vector<16x2048xi32>
      %jit3A_562 = arith.constant 0.000000e+00 : f32
      %broadcast_in_dim3A_563 = vector.broadcast %jit3A_562 : f32 to vector<16x2048xf32>
      %select_n3A_564 = arith.select %eq3A_561, %get3A_556, %broadcast_in_dim3A_563 : vector<16x2048xi1>, vector<16x2048xf32>
      %add3A_565 = arith.addf %add3A_551, %select_n3A_564 : vector<16x2048xf32>
      %get3A_566 = arith.constant 22 : index
      %get3A_567 = arith.constant 0 : index
      %get3A_568 = arith.constant 0 : index
      %get3A_569 = vector.load %arg6[%get3A_566, %get3A_567, %get3A_568] : memref<81x16x2048xf32, #tpu.memory_space<vmem>>, vector<1x16x2048xf32>
      %get3A_570 = vector.shape_cast %get3A_569 : vector<1x16x2048xf32> to vector<16x2048xf32>
      %exp3A_571 = math.exp %get3A_570 : vector<16x2048xf32>
      %add3A_572 = arith.addf %add3A_558, %exp3A_571 : vector<16x2048xf32>
      %eq3A_573 = arith.constant 22 : i32
      %eq3A_574 = vector.broadcast %eq3A_573 : i32 to vector<16x2048xi32>
      %eq3A_575 = arith.cmpi eq, %select_n3A_95, %eq3A_574 : vector<16x2048xi32>
      %jit3A_576 = arith.constant 0.000000e+00 : f32
      %broadcast_in_dim3A_577 = vector.broadcast %jit3A_576 : f32 to vector<16x2048xf32>
      %select_n3A_578 = arith.select %eq3A_575, %get3A_570, %broadcast_in_dim3A_577 : vector<16x2048xi1>, vector<16x2048xf32>
      %add3A_579 = arith.addf %add3A_565, %select_n3A_578 : vector<16x2048xf32>
      %get3A_580 = arith.constant 23 : index
      %get3A_581 = arith.constant 0 : index
      %get3A_582 = arith.constant 0 : index
      %get3A_583 = vector.load %arg6[%get3A_580, %get3A_581, %get3A_582] : memref<81x16x2048xf32, #tpu.memory_space<vmem>>, vector<1x16x2048xf32>
      %get3A_584 = vector.shape_cast %get3A_583 : vector<1x16x2048xf32> to vector<16x2048xf32>
      %exp3A_585 = math.exp %get3A_584 : vector<16x2048xf32>
      %add3A_586 = arith.addf %add3A_572, %exp3A_585 : vector<16x2048xf32>
      %eq3A_587 = arith.constant 23 : i32
      %eq3A_588 = vector.broadcast %eq3A_587 : i32 to vector<16x2048xi32>
      %eq3A_589 = arith.cmpi eq, %select_n3A_95, %eq3A_588 : vector<16x2048xi32>
      %jit3A_590 = arith.constant 0.000000e+00 : f32
      %broadcast_in_dim3A_591 = vector.broadcast %jit3A_590 : f32 to vector<16x2048xf32>
      %select_n3A_592 = arith.select %eq3A_589, %get3A_584, %broadcast_in_dim3A_591 : vector<16x2048xi1>, vector<16x2048xf32>
      %add3A_593 = arith.addf %add3A_579, %select_n3A_592 : vector<16x2048xf32>
      %get3A_594 = arith.constant 24 : index
      %get3A_595 = arith.constant 0 : index
      %get3A_596 = arith.constant 0 : index
      %get3A_597 = vector.load %arg6[%get3A_594, %get3A_595, %get3A_596] : memref<81x16x2048xf32, #tpu.memory_space<vmem>>, vector<1x16x2048xf32>
      %get3A_598 = vector.shape_cast %get3A_597 : vector<1x16x2048xf32> to vector<16x2048xf32>
      %exp3A_599 = math.exp %get3A_598 : vector<16x2048xf32>
      %add3A_600 = arith.addf %add3A_586, %exp3A_599 : vector<16x2048xf32>
      %eq3A_601 = arith.constant 24 : i32
      %eq3A_602 = vector.broadcast %eq3A_601 : i32 to vector<16x2048xi32>
      %eq3A_603 = arith.cmpi eq, %select_n3A_95, %eq3A_602 : vector<16x2048xi32>
      %jit3A_604 = arith.constant 0.000000e+00 : f32
      %broadcast_in_dim3A_605 = vector.broadcast %jit3A_604 : f32 to vector<16x2048xf32>
      %select_n3A_606 = arith.select %eq3A_603, %get3A_598, %broadcast_in_dim3A_605 : vector<16x2048xi1>, vector<16x2048xf32>
      %add3A_607 = arith.addf %add3A_593, %select_n3A_606 : vector<16x2048xf32>
      %get3A_608 = arith.constant 25 : index
      %get3A_609 = arith.constant 0 : index
      %get3A_610 = arith.constant 0 : index
      %get3A_611 = vector.load %arg6[%get3A_608, %get3A_609, %get3A_610] : memref<81x16x2048xf32, #tpu.memory_space<vmem>>, vector<1x16x2048xf32>
      %get3A_612 = vector.shape_cast %get3A_611 : vector<1x16x2048xf32> to vector<16x2048xf32>
      %exp3A_613 = math.exp %get3A_612 : vector<16x2048xf32>
      %add3A_614 = arith.addf %add3A_600, %exp3A_613 : vector<16x2048xf32>
      %eq3A_615 = arith.constant 25 : i32
      %eq3A_616 = vector.broadcast %eq3A_615 : i32 to vector<16x2048xi32>
      %eq3A_617 = arith.cmpi eq, %select_n3A_95, %eq3A_616 : vector<16x2048xi32>
      %jit3A_618 = arith.constant 0.000000e+00 : f32
      %broadcast_in_dim3A_619 = vector.broadcast %jit3A_618 : f32 to vector<16x2048xf32>
      %select_n3A_620 = arith.select %eq3A_617, %get3A_612, %broadcast_in_dim3A_619 : vector<16x2048xi1>, vector<16x2048xf32>
      %add3A_621 = arith.addf %add3A_607, %select_n3A_620 : vector<16x2048xf32>
      %get3A_622 = arith.constant 26 : index
      %get3A_623 = arith.constant 0 : index
      %get3A_624 = arith.constant 0 : index
      %get3A_625 = vector.load %arg6[%get3A_622, %get3A_623, %get3A_624] : memref<81x16x2048xf32, #tpu.memory_space<vmem>>, vector<1x16x2048xf32>
      %get3A_626 = vector.shape_cast %get3A_625 : vector<1x16x2048xf32> to vector<16x2048xf32>
      %exp3A_627 = math.exp %get3A_626 : vector<16x2048xf32>
      %add3A_628 = arith.addf %add3A_614, %exp3A_627 : vector<16x2048xf32>
      %eq3A_629 = arith.constant 26 : i32
      %eq3A_630 = vector.broadcast %eq3A_629 : i32 to vector<16x2048xi32>
      %eq3A_631 = arith.cmpi eq, %select_n3A_95, %eq3A_630 : vector<16x2048xi32>
      %jit3A_632 = arith.constant 0.000000e+00 : f32
      %broadcast_in_dim3A_633 = vector.broadcast %jit3A_632 : f32 to vector<16x2048xf32>
      %select_n3A_634 = arith.select %eq3A_631, %get3A_626, %broadcast_in_dim3A_633 : vector<16x2048xi1>, vector<16x2048xf32>
      %add3A_635 = arith.addf %add3A_621, %select_n3A_634 : vector<16x2048xf32>
      %get3A_636 = arith.constant 27 : index
      %get3A_637 = arith.constant 0 : index
      %get3A_638 = arith.constant 0 : index
      %get3A_639 = vector.load %arg6[%get3A_636, %get3A_637, %get3A_638] : memref<81x16x2048xf32, #tpu.memory_space<vmem>>, vector<1x16x2048xf32>
      %get3A_640 = vector.shape_cast %get3A_639 : vector<1x16x2048xf32> to vector<16x2048xf32>
      %exp3A_641 = math.exp %get3A_640 : vector<16x2048xf32>
      %add3A_642 = arith.addf %add3A_628, %exp3A_641 : vector<16x2048xf32>
      %eq3A_643 = arith.constant 27 : i32
      %eq3A_644 = vector.broadcast %eq3A_643 : i32 to vector<16x2048xi32>
      %eq3A_645 = arith.cmpi eq, %select_n3A_95, %eq3A_644 : vector<16x2048xi32>
      %jit3A_646 = arith.constant 0.000000e+00 : f32
      %broadcast_in_dim3A_647 = vector.broadcast %jit3A_646 : f32 to vector<16x2048xf32>
      %select_n3A_648 = arith.select %eq3A_645, %get3A_640, %broadcast_in_dim3A_647 : vector<16x2048xi1>, vector<16x2048xf32>
      %add3A_649 = arith.addf %add3A_635, %select_n3A_648 : vector<16x2048xf32>
      %get3A_650 = arith.constant 28 : index
      %get3A_651 = arith.constant 0 : index
      %get3A_652 = arith.constant 0 : index
      %get3A_653 = vector.load %arg6[%get3A_650, %get3A_651, %get3A_652] : memref<81x16x2048xf32, #tpu.memory_space<vmem>>, vector<1x16x2048xf32>
      %get3A_654 = vector.shape_cast %get3A_653 : vector<1x16x2048xf32> to vector<16x2048xf32>
      %exp3A_655 = math.exp %get3A_654 : vector<16x2048xf32>
      %add3A_656 = arith.addf %add3A_642, %exp3A_655 : vector<16x2048xf32>
      %eq3A_657 = arith.constant 28 : i32
      %eq3A_658 = vector.broadcast %eq3A_657 : i32 to vector<16x2048xi32>
      %eq3A_659 = arith.cmpi eq, %select_n3A_95, %eq3A_658 : vector<16x2048xi32>
      %jit3A_660 = arith.constant 0.000000e+00 : f32
      %broadcast_in_dim3A_661 = vector.broadcast %jit3A_660 : f32 to vector<16x2048xf32>
      %select_n3A_662 = arith.select %eq3A_659, %get3A_654, %broadcast_in_dim3A_661 : vector<16x2048xi1>, vector<16x2048xf32>
      %add3A_663 = arith.addf %add3A_649, %select_n3A_662 : vector<16x2048xf32>
      %get3A_664 = arith.constant 29 : index
      %get3A_665 = arith.constant 0 : index
      %get3A_666 = arith.constant 0 : index
      %get3A_667 = vector.load %arg6[%get3A_664, %get3A_665, %get3A_666] : memref<81x16x2048xf32, #tpu.memory_space<vmem>>, vector<1x16x2048xf32>
      %get3A_668 = vector.shape_cast %get3A_667 : vector<1x16x2048xf32> to vector<16x2048xf32>
      %exp3A_669 = math.exp %get3A_668 : vector<16x2048xf32>
      %add3A_670 = arith.addf %add3A_656, %exp3A_669 : vector<16x2048xf32>
      %eq3A_671 = arith.constant 29 : i32
      %eq3A_672 = vector.broadcast %eq3A_671 : i32 to vector<16x2048xi32>
      %eq3A_673 = arith.cmpi eq, %select_n3A_95, %eq3A_672 : vector<16x2048xi32>
      %jit3A_674 = arith.constant 0.000000e+00 : f32
      %broadcast_in_dim3A_675 = vector.broadcast %jit3A_674 : f32 to vector<16x2048xf32>
      %select_n3A_676 = arith.select %eq3A_673, %get3A_668, %broadcast_in_dim3A_675 : vector<16x2048xi1>, vector<16x2048xf32>
      %add3A_677 = arith.addf %add3A_663, %select_n3A_676 : vector<16x2048xf32>
      %get3A_678 = arith.constant 30 : index
      %get3A_679 = arith.constant 0 : index
      %get3A_680 = arith.constant 0 : index
      %get3A_681 = vector.load %arg6[%get3A_678, %get3A_679, %get3A_680] : memref<81x16x2048xf32, #tpu.memory_space<vmem>>, vector<1x16x2048xf32>
      %get3A_682 = vector.shape_cast %get3A_681 : vector<1x16x2048xf32> to vector<16x2048xf32>
      %exp3A_683 = math.exp %get3A_682 : vector<16x2048xf32>
      %add3A_684 = arith.addf %add3A_670, %exp3A_683 : vector<16x2048xf32>
      %eq3A_685 = arith.constant 30 : i32
      %eq3A_686 = vector.broadcast %eq3A_685 : i32 to vector<16x2048xi32>
      %eq3A_687 = arith.cmpi eq, %select_n3A_95, %eq3A_686 : vector<16x2048xi32>
      %jit3A_688 = arith.constant 0.000000e+00 : f32
      %broadcast_in_dim3A_689 = vector.broadcast %jit3A_688 : f32 to vector<16x2048xf32>
      %select_n3A_690 = arith.select %eq3A_687, %get3A_682, %broadcast_in_dim3A_689 : vector<16x2048xi1>, vector<16x2048xf32>
      %add3A_691 = arith.addf %add3A_677, %select_n3A_690 : vector<16x2048xf32>
      %get3A_692 = arith.constant 31 : index
      %get3A_693 = arith.constant 0 : index
      %get3A_694 = arith.constant 0 : index
      %get3A_695 = vector.load %arg6[%get3A_692, %get3A_693, %get3A_694] : memref<81x16x2048xf32, #tpu.memory_space<vmem>>, vector<1x16x2048xf32>
      %get3A_696 = vector.shape_cast %get3A_695 : vector<1x16x2048xf32> to vector<16x2048xf32>
      %exp3A_697 = math.exp %get3A_696 : vector<16x2048xf32>
      %add3A_698 = arith.addf %add3A_684, %exp3A_697 : vector<16x2048xf32>
      %eq3A_699 = arith.constant 31 : i32
      %eq3A_700 = vector.broadcast %eq3A_699 : i32 to vector<16x2048xi32>
      %eq3A_701 = arith.cmpi eq, %select_n3A_95, %eq3A_700 : vector<16x2048xi32>
      %jit3A_702 = arith.constant 0.000000e+00 : f32
      %broadcast_in_dim3A_703 = vector.broadcast %jit3A_702 : f32 to vector<16x2048xf32>
      %select_n3A_704 = arith.select %eq3A_701, %get3A_696, %broadcast_in_dim3A_703 : vector<16x2048xi1>, vector<16x2048xf32>
      %add3A_705 = arith.addf %add3A_691, %select_n3A_704 : vector<16x2048xf32>
      %get3A_706 = arith.constant 32 : index
      %get3A_707 = arith.constant 0 : index
      %get3A_708 = arith.constant 0 : index
      %get3A_709 = vector.load %arg6[%get3A_706, %get3A_707, %get3A_708] : memref<81x16x2048xf32, #tpu.memory_space<vmem>>, vector<1x16x2048xf32>
      %get3A_710 = vector.shape_cast %get3A_709 : vector<1x16x2048xf32> to vector<16x2048xf32>
      %exp3A_711 = math.exp %get3A_710 : vector<16x2048xf32>
      %add3A_712 = arith.addf %add3A_698, %exp3A_711 : vector<16x2048xf32>
      %eq3A_713 = arith.constant 32 : i32
      %eq3A_714 = vector.broadcast %eq3A_713 : i32 to vector<16x2048xi32>
      %eq3A_715 = arith.cmpi eq, %select_n3A_95, %eq3A_714 : vector<16x2048xi32>
      %jit3A_716 = arith.constant 0.000000e+00 : f32
      %broadcast_in_dim3A_717 = vector.broadcast %jit3A_716 : f32 to vector<16x2048xf32>
      %select_n3A_718 = arith.select %eq3A_715, %get3A_710, %broadcast_in_dim3A_717 : vector<16x2048xi1>, vector<16x2048xf32>
      %add3A_719 = arith.addf %add3A_705, %select_n3A_718 : vector<16x2048xf32>
      %get3A_720 = arith.constant 33 : index
      %get3A_721 = arith.constant 0 : index
      %get3A_722 = arith.constant 0 : index
      %get3A_723 = vector.load %arg6[%get3A_720, %get3A_721, %get3A_722] : memref<81x16x2048xf32, #tpu.memory_space<vmem>>, vector<1x16x2048xf32>
      %get3A_724 = vector.shape_cast %get3A_723 : vector<1x16x2048xf32> to vector<16x2048xf32>
      %exp3A_725 = math.exp %get3A_724 : vector<16x2048xf32>
      %add3A_726 = arith.addf %add3A_712, %exp3A_725 : vector<16x2048xf32>
      %eq3A_727 = arith.constant 33 : i32
      %eq3A_728 = vector.broadcast %eq3A_727 : i32 to vector<16x2048xi32>
      %eq3A_729 = arith.cmpi eq, %select_n3A_95, %eq3A_728 : vector<16x2048xi32>
      %jit3A_730 = arith.constant 0.000000e+00 : f32
      %broadcast_in_dim3A_731 = vector.broadcast %jit3A_730 : f32 to vector<16x2048xf32>
      %select_n3A_732 = arith.select %eq3A_729, %get3A_724, %broadcast_in_dim3A_731 : vector<16x2048xi1>, vector<16x2048xf32>
      %add3A_733 = arith.addf %add3A_719, %select_n3A_732 : vector<16x2048xf32>
      %get3A_734 = arith.constant 34 : index
      %get3A_735 = arith.constant 0 : index
      %get3A_736 = arith.constant 0 : index
      %get3A_737 = vector.load %arg6[%get3A_734, %get3A_735, %get3A_736] : memref<81x16x2048xf32, #tpu.memory_space<vmem>>, vector<1x16x2048xf32>
      %get3A_738 = vector.shape_cast %get3A_737 : vector<1x16x2048xf32> to vector<16x2048xf32>
      %exp3A_739 = math.exp %get3A_738 : vector<16x2048xf32>
      %add3A_740 = arith.addf %add3A_726, %exp3A_739 : vector<16x2048xf32>
      %eq3A_741 = arith.constant 34 : i32
      %eq3A_742 = vector.broadcast %eq3A_741 : i32 to vector<16x2048xi32>
      %eq3A_743 = arith.cmpi eq, %select_n3A_95, %eq3A_742 : vector<16x2048xi32>
      %jit3A_744 = arith.constant 0.000000e+00 : f32
      %broadcast_in_dim3A_745 = vector.broadcast %jit3A_744 : f32 to vector<16x2048xf32>
      %select_n3A_746 = arith.select %eq3A_743, %get3A_738, %broadcast_in_dim3A_745 : vector<16x2048xi1>, vector<16x2048xf32>
      %add3A_747 = arith.addf %add3A_733, %select_n3A_746 : vector<16x2048xf32>
      %get3A_748 = arith.constant 35 : index
      %get3A_749 = arith.constant 0 : index
      %get3A_750 = arith.constant 0 : index
      %get3A_751 = vector.load %arg6[%get3A_748, %get3A_749, %get3A_750] : memref<81x16x2048xf32, #tpu.memory_space<vmem>>, vector<1x16x2048xf32>
      %get3A_752 = vector.shape_cast %get3A_751 : vector<1x16x2048xf32> to vector<16x2048xf32>
      %exp3A_753 = math.exp %get3A_752 : vector<16x2048xf32>
      %add3A_754 = arith.addf %add3A_740, %exp3A_753 : vector<16x2048xf32>
      %eq3A_755 = arith.constant 35 : i32
      %eq3A_756 = vector.broadcast %eq3A_755 : i32 to vector<16x2048xi32>
      %eq3A_757 = arith.cmpi eq, %select_n3A_95, %eq3A_756 : vector<16x2048xi32>
      %jit3A_758 = arith.constant 0.000000e+00 : f32
      %broadcast_in_dim3A_759 = vector.broadcast %jit3A_758 : f32 to vector<16x2048xf32>
      %select_n3A_760 = arith.select %eq3A_757, %get3A_752, %broadcast_in_dim3A_759 : vector<16x2048xi1>, vector<16x2048xf32>
      %add3A_761 = arith.addf %add3A_747, %select_n3A_760 : vector<16x2048xf32>
      %get3A_762 = arith.constant 36 : index
      %get3A_763 = arith.constant 0 : index
      %get3A_764 = arith.constant 0 : index
      %get3A_765 = vector.load %arg6[%get3A_762, %get3A_763, %get3A_764] : memref<81x16x2048xf32, #tpu.memory_space<vmem>>, vector<1x16x2048xf32>
      %get3A_766 = vector.shape_cast %get3A_765 : vector<1x16x2048xf32> to vector<16x2048xf32>
      %exp3A_767 = math.exp %get3A_766 : vector<16x2048xf32>
      %add3A_768 = arith.addf %add3A_754, %exp3A_767 : vector<16x2048xf32>
      %eq3A_769 = arith.constant 36 : i32
      %eq3A_770 = vector.broadcast %eq3A_769 : i32 to vector<16x2048xi32>
      %eq3A_771 = arith.cmpi eq, %select_n3A_95, %eq3A_770 : vector<16x2048xi32>
      %jit3A_772 = arith.constant 0.000000e+00 : f32
      %broadcast_in_dim3A_773 = vector.broadcast %jit3A_772 : f32 to vector<16x2048xf32>
      %select_n3A_774 = arith.select %eq3A_771, %get3A_766, %broadcast_in_dim3A_773 : vector<16x2048xi1>, vector<16x2048xf32>
      %add3A_775 = arith.addf %add3A_761, %select_n3A_774 : vector<16x2048xf32>
      %get3A_776 = arith.constant 37 : index
      %get3A_777 = arith.constant 0 : index
      %get3A_778 = arith.constant 0 : index
      %get3A_779 = vector.load %arg6[%get3A_776, %get3A_777, %get3A_778] : memref<81x16x2048xf32, #tpu.memory_space<vmem>>, vector<1x16x2048xf32>
      %get3A_780 = vector.shape_cast %get3A_779 : vector<1x16x2048xf32> to vector<16x2048xf32>
      %exp3A_781 = math.exp %get3A_780 : vector<16x2048xf32>
      %add3A_782 = arith.addf %add3A_768, %exp3A_781 : vector<16x2048xf32>
      %eq3A_783 = arith.constant 37 : i32
      %eq3A_784 = vector.broadcast %eq3A_783 : i32 to vector<16x2048xi32>
      %eq3A_785 = arith.cmpi eq, %select_n3A_95, %eq3A_784 : vector<16x2048xi32>
      %jit3A_786 = arith.constant 0.000000e+00 : f32
      %broadcast_in_dim3A_787 = vector.broadcast %jit3A_786 : f32 to vector<16x2048xf32>
      %select_n3A_788 = arith.select %eq3A_785, %get3A_780, %broadcast_in_dim3A_787 : vector<16x2048xi1>, vector<16x2048xf32>
      %add3A_789 = arith.addf %add3A_775, %select_n3A_788 : vector<16x2048xf32>
      %get3A_790 = arith.constant 38 : index
      %get3A_791 = arith.constant 0 : index
      %get3A_792 = arith.constant 0 : index
      %get3A_793 = vector.load %arg6[%get3A_790, %get3A_791, %get3A_792] : memref<81x16x2048xf32, #tpu.memory_space<vmem>>, vector<1x16x2048xf32>
      %get3A_794 = vector.shape_cast %get3A_793 : vector<1x16x2048xf32> to vector<16x2048xf32>
      %exp3A_795 = math.exp %get3A_794 : vector<16x2048xf32>
      %add3A_796 = arith.addf %add3A_782, %exp3A_795 : vector<16x2048xf32>
      %eq3A_797 = arith.constant 38 : i32
      %eq3A_798 = vector.broadcast %eq3A_797 : i32 to vector<16x2048xi32>
      %eq3A_799 = arith.cmpi eq, %select_n3A_95, %eq3A_798 : vector<16x2048xi32>
      %jit3A_800 = arith.constant 0.000000e+00 : f32
      %broadcast_in_dim3A_801 = vector.broadcast %jit3A_800 : f32 to vector<16x2048xf32>
      %select_n3A_802 = arith.select %eq3A_799, %get3A_794, %broadcast_in_dim3A_801 : vector<16x2048xi1>, vector<16x2048xf32>
      %add3A_803 = arith.addf %add3A_789, %select_n3A_802 : vector<16x2048xf32>
      %get3A_804 = arith.constant 39 : index
      %get3A_805 = arith.constant 0 : index
      %get3A_806 = arith.constant 0 : index
      %get3A_807 = vector.load %arg6[%get3A_804, %get3A_805, %get3A_806] : memref<81x16x2048xf32, #tpu.memory_space<vmem>>, vector<1x16x2048xf32>
      %get3A_808 = vector.shape_cast %get3A_807 : vector<1x16x2048xf32> to vector<16x2048xf32>
      %exp3A_809 = math.exp %get3A_808 : vector<16x2048xf32>
      %add3A_810 = arith.addf %add3A_796, %exp3A_809 : vector<16x2048xf32>
      %eq3A_811 = arith.constant 39 : i32
      %eq3A_812 = vector.broadcast %eq3A_811 : i32 to vector<16x2048xi32>
      %eq3A_813 = arith.cmpi eq, %select_n3A_95, %eq3A_812 : vector<16x2048xi32>
      %jit3A_814 = arith.constant 0.000000e+00 : f32
      %broadcast_in_dim3A_815 = vector.broadcast %jit3A_814 : f32 to vector<16x2048xf32>
      %select_n3A_816 = arith.select %eq3A_813, %get3A_808, %broadcast_in_dim3A_815 : vector<16x2048xi1>, vector<16x2048xf32>
      %add3A_817 = arith.addf %add3A_803, %select_n3A_816 : vector<16x2048xf32>
      %get3A_818 = arith.constant 40 : index
      %get3A_819 = arith.constant 0 : index
      %get3A_820 = arith.constant 0 : index
      %get3A_821 = vector.load %arg6[%get3A_818, %get3A_819, %get3A_820] : memref<81x16x2048xf32, #tpu.memory_space<vmem>>, vector<1x16x2048xf32>
      %get3A_822 = vector.shape_cast %get3A_821 : vector<1x16x2048xf32> to vector<16x2048xf32>
      %exp3A_823 = math.exp %get3A_822 : vector<16x2048xf32>
      %add3A_824 = arith.addf %add3A_810, %exp3A_823 : vector<16x2048xf32>
      %eq3A_825 = arith.constant 40 : i32
      %eq3A_826 = vector.broadcast %eq3A_825 : i32 to vector<16x2048xi32>
      %eq3A_827 = arith.cmpi eq, %select_n3A_95, %eq3A_826 : vector<16x2048xi32>
      %jit3A_828 = arith.constant 0.000000e+00 : f32
      %broadcast_in_dim3A_829 = vector.broadcast %jit3A_828 : f32 to vector<16x2048xf32>
      %select_n3A_830 = arith.select %eq3A_827, %get3A_822, %broadcast_in_dim3A_829 : vector<16x2048xi1>, vector<16x2048xf32>
      %add3A_831 = arith.addf %add3A_817, %select_n3A_830 : vector<16x2048xf32>
      %get3A_832 = arith.constant 41 : index
      %get3A_833 = arith.constant 0 : index
      %get3A_834 = arith.constant 0 : index
      %get3A_835 = vector.load %arg6[%get3A_832, %get3A_833, %get3A_834] : memref<81x16x2048xf32, #tpu.memory_space<vmem>>, vector<1x16x2048xf32>
      %get3A_836 = vector.shape_cast %get3A_835 : vector<1x16x2048xf32> to vector<16x2048xf32>
      %exp3A_837 = math.exp %get3A_836 : vector<16x2048xf32>
      %add3A_838 = arith.addf %add3A_824, %exp3A_837 : vector<16x2048xf32>
      %eq3A_839 = arith.constant 41 : i32
      %eq3A_840 = vector.broadcast %eq3A_839 : i32 to vector<16x2048xi32>
      %eq3A_841 = arith.cmpi eq, %select_n3A_95, %eq3A_840 : vector<16x2048xi32>
      %jit3A_842 = arith.constant 0.000000e+00 : f32
      %broadcast_in_dim3A_843 = vector.broadcast %jit3A_842 : f32 to vector<16x2048xf32>
      %select_n3A_844 = arith.select %eq3A_841, %get3A_836, %broadcast_in_dim3A_843 : vector<16x2048xi1>, vector<16x2048xf32>
      %add3A_845 = arith.addf %add3A_831, %select_n3A_844 : vector<16x2048xf32>
      %get3A_846 = arith.constant 42 : index
      %get3A_847 = arith.constant 0 : index
      %get3A_848 = arith.constant 0 : index
      %get3A_849 = vector.load %arg6[%get3A_846, %get3A_847, %get3A_848] : memref<81x16x2048xf32, #tpu.memory_space<vmem>>, vector<1x16x2048xf32>
      %get3A_850 = vector.shape_cast %get3A_849 : vector<1x16x2048xf32> to vector<16x2048xf32>
      %exp3A_851 = math.exp %get3A_850 : vector<16x2048xf32>
      %add3A_852 = arith.addf %add3A_838, %exp3A_851 : vector<16x2048xf32>
      %eq3A_853 = arith.constant 42 : i32
      %eq3A_854 = vector.broadcast %eq3A_853 : i32 to vector<16x2048xi32>
      %eq3A_855 = arith.cmpi eq, %select_n3A_95, %eq3A_854 : vector<16x2048xi32>
      %jit3A_856 = arith.constant 0.000000e+00 : f32
      %broadcast_in_dim3A_857 = vector.broadcast %jit3A_856 : f32 to vector<16x2048xf32>
      %select_n3A_858 = arith.select %eq3A_855, %get3A_850, %broadcast_in_dim3A_857 : vector<16x2048xi1>, vector<16x2048xf32>
      %add3A_859 = arith.addf %add3A_845, %select_n3A_858 : vector<16x2048xf32>
      %get3A_860 = arith.constant 43 : index
      %get3A_861 = arith.constant 0 : index
      %get3A_862 = arith.constant 0 : index
      %get3A_863 = vector.load %arg6[%get3A_860, %get3A_861, %get3A_862] : memref<81x16x2048xf32, #tpu.memory_space<vmem>>, vector<1x16x2048xf32>
      %get3A_864 = vector.shape_cast %get3A_863 : vector<1x16x2048xf32> to vector<16x2048xf32>
      %exp3A_865 = math.exp %get3A_864 : vector<16x2048xf32>
      %add3A_866 = arith.addf %add3A_852, %exp3A_865 : vector<16x2048xf32>
      %eq3A_867 = arith.constant 43 : i32
      %eq3A_868 = vector.broadcast %eq3A_867 : i32 to vector<16x2048xi32>
      %eq3A_869 = arith.cmpi eq, %select_n3A_95, %eq3A_868 : vector<16x2048xi32>
      %jit3A_870 = arith.constant 0.000000e+00 : f32
      %broadcast_in_dim3A_871 = vector.broadcast %jit3A_870 : f32 to vector<16x2048xf32>
      %select_n3A_872 = arith.select %eq3A_869, %get3A_864, %broadcast_in_dim3A_871 : vector<16x2048xi1>, vector<16x2048xf32>
      %add3A_873 = arith.addf %add3A_859, %select_n3A_872 : vector<16x2048xf32>
      %get3A_874 = arith.constant 44 : index
      %get3A_875 = arith.constant 0 : index
      %get3A_876 = arith.constant 0 : index
      %get3A_877 = vector.load %arg6[%get3A_874, %get3A_875, %get3A_876] : memref<81x16x2048xf32, #tpu.memory_space<vmem>>, vector<1x16x2048xf32>
      %get3A_878 = vector.shape_cast %get3A_877 : vector<1x16x2048xf32> to vector<16x2048xf32>
      %exp3A_879 = math.exp %get3A_878 : vector<16x2048xf32>
      %add3A_880 = arith.addf %add3A_866, %exp3A_879 : vector<16x2048xf32>
      %eq3A_881 = arith.constant 44 : i32
      %eq3A_882 = vector.broadcast %eq3A_881 : i32 to vector<16x2048xi32>
      %eq3A_883 = arith.cmpi eq, %select_n3A_95, %eq3A_882 : vector<16x2048xi32>
      %jit3A_884 = arith.constant 0.000000e+00 : f32
      %broadcast_in_dim3A_885 = vector.broadcast %jit3A_884 : f32 to vector<16x2048xf32>
      %select_n3A_886 = arith.select %eq3A_883, %get3A_878, %broadcast_in_dim3A_885 : vector<16x2048xi1>, vector<16x2048xf32>
      %add3A_887 = arith.addf %add3A_873, %select_n3A_886 : vector<16x2048xf32>
      %get3A_888 = arith.constant 45 : index
      %get3A_889 = arith.constant 0 : index
      %get3A_890 = arith.constant 0 : index
      %get3A_891 = vector.load %arg6[%get3A_888, %get3A_889, %get3A_890] : memref<81x16x2048xf32, #tpu.memory_space<vmem>>, vector<1x16x2048xf32>
      %get3A_892 = vector.shape_cast %get3A_891 : vector<1x16x2048xf32> to vector<16x2048xf32>
      %exp3A_893 = math.exp %get3A_892 : vector<16x2048xf32>
      %add3A_894 = arith.addf %add3A_880, %exp3A_893 : vector<16x2048xf32>
      %eq3A_895 = arith.constant 45 : i32
      %eq3A_896 = vector.broadcast %eq3A_895 : i32 to vector<16x2048xi32>
      %eq3A_897 = arith.cmpi eq, %select_n3A_95, %eq3A_896 : vector<16x2048xi32>
      %jit3A_898 = arith.constant 0.000000e+00 : f32
      %broadcast_in_dim3A_899 = vector.broadcast %jit3A_898 : f32 to vector<16x2048xf32>
      %select_n3A_900 = arith.select %eq3A_897, %get3A_892, %broadcast_in_dim3A_899 : vector<16x2048xi1>, vector<16x2048xf32>
      %add3A_901 = arith.addf %add3A_887, %select_n3A_900 : vector<16x2048xf32>
      %get3A_902 = arith.constant 46 : index
      %get3A_903 = arith.constant 0 : index
      %get3A_904 = arith.constant 0 : index
      %get3A_905 = vector.load %arg6[%get3A_902, %get3A_903, %get3A_904] : memref<81x16x2048xf32, #tpu.memory_space<vmem>>, vector<1x16x2048xf32>
      %get3A_906 = vector.shape_cast %get3A_905 : vector<1x16x2048xf32> to vector<16x2048xf32>
      %exp3A_907 = math.exp %get3A_906 : vector<16x2048xf32>
      %add3A_908 = arith.addf %add3A_894, %exp3A_907 : vector<16x2048xf32>
      %eq3A_909 = arith.constant 46 : i32
      %eq3A_910 = vector.broadcast %eq3A_909 : i32 to vector<16x2048xi32>
      %eq3A_911 = arith.cmpi eq, %select_n3A_95, %eq3A_910 : vector<16x2048xi32>
      %jit3A_912 = arith.constant 0.000000e+00 : f32
      %broadcast_in_dim3A_913 = vector.broadcast %jit3A_912 : f32 to vector<16x2048xf32>
      %select_n3A_914 = arith.select %eq3A_911, %get3A_906, %broadcast_in_dim3A_913 : vector<16x2048xi1>, vector<16x2048xf32>
      %add3A_915 = arith.addf %add3A_901, %select_n3A_914 : vector<16x2048xf32>
      %get3A_916 = arith.constant 47 : index
      %get3A_917 = arith.constant 0 : index
      %get3A_918 = arith.constant 0 : index
      %get3A_919 = vector.load %arg6[%get3A_916, %get3A_917, %get3A_918] : memref<81x16x2048xf32, #tpu.memory_space<vmem>>, vector<1x16x2048xf32>
      %get3A_920 = vector.shape_cast %get3A_919 : vector<1x16x2048xf32> to vector<16x2048xf32>
      %exp3A_921 = math.exp %get3A_920 : vector<16x2048xf32>
      %add3A_922 = arith.addf %add3A_908, %exp3A_921 : vector<16x2048xf32>
      %eq3A_923 = arith.constant 47 : i32
      %eq3A_924 = vector.broadcast %eq3A_923 : i32 to vector<16x2048xi32>
      %eq3A_925 = arith.cmpi eq, %select_n3A_95, %eq3A_924 : vector<16x2048xi32>
      %jit3A_926 = arith.constant 0.000000e+00 : f32
      %broadcast_in_dim3A_927 = vector.broadcast %jit3A_926 : f32 to vector<16x2048xf32>
      %select_n3A_928 = arith.select %eq3A_925, %get3A_920, %broadcast_in_dim3A_927 : vector<16x2048xi1>, vector<16x2048xf32>
      %add3A_929 = arith.addf %add3A_915, %select_n3A_928 : vector<16x2048xf32>
      %get3A_930 = arith.constant 48 : index
      %get3A_931 = arith.constant 0 : index
      %get3A_932 = arith.constant 0 : index
      %get3A_933 = vector.load %arg6[%get3A_930, %get3A_931, %get3A_932] : memref<81x16x2048xf32, #tpu.memory_space<vmem>>, vector<1x16x2048xf32>
      %get3A_934 = vector.shape_cast %get3A_933 : vector<1x16x2048xf32> to vector<16x2048xf32>
      %exp3A_935 = math.exp %get3A_934 : vector<16x2048xf32>
      %add3A_936 = arith.addf %add3A_922, %exp3A_935 : vector<16x2048xf32>
      %eq3A_937 = arith.constant 48 : i32
      %eq3A_938 = vector.broadcast %eq3A_937 : i32 to vector<16x2048xi32>
      %eq3A_939 = arith.cmpi eq, %select_n3A_95, %eq3A_938 : vector<16x2048xi32>
      %jit3A_940 = arith.constant 0.000000e+00 : f32
      %broadcast_in_dim3A_941 = vector.broadcast %jit3A_940 : f32 to vector<16x2048xf32>
      %select_n3A_942 = arith.select %eq3A_939, %get3A_934, %broadcast_in_dim3A_941 : vector<16x2048xi1>, vector<16x2048xf32>
      %add3A_943 = arith.addf %add3A_929, %select_n3A_942 : vector<16x2048xf32>
      %get3A_944 = arith.constant 49 : index
      %get3A_945 = arith.constant 0 : index
      %get3A_946 = arith.constant 0 : index
      %get3A_947 = vector.load %arg6[%get3A_944, %get3A_945, %get3A_946] : memref<81x16x2048xf32, #tpu.memory_space<vmem>>, vector<1x16x2048xf32>
      %get3A_948 = vector.shape_cast %get3A_947 : vector<1x16x2048xf32> to vector<16x2048xf32>
      %exp3A_949 = math.exp %get3A_948 : vector<16x2048xf32>
      %add3A_950 = arith.addf %add3A_936, %exp3A_949 : vector<16x2048xf32>
      %eq3A_951 = arith.constant 49 : i32
      %eq3A_952 = vector.broadcast %eq3A_951 : i32 to vector<16x2048xi32>
      %eq3A_953 = arith.cmpi eq, %select_n3A_95, %eq3A_952 : vector<16x2048xi32>
      %jit3A_954 = arith.constant 0.000000e+00 : f32
      %broadcast_in_dim3A_955 = vector.broadcast %jit3A_954 : f32 to vector<16x2048xf32>
      %select_n3A_956 = arith.select %eq3A_953, %get3A_948, %broadcast_in_dim3A_955 : vector<16x2048xi1>, vector<16x2048xf32>
      %add3A_957 = arith.addf %add3A_943, %select_n3A_956 : vector<16x2048xf32>
      %get3A_958 = arith.constant 50 : index
      %get3A_959 = arith.constant 0 : index
      %get3A_960 = arith.constant 0 : index
      %get3A_961 = vector.load %arg6[%get3A_958, %get3A_959, %get3A_960] : memref<81x16x2048xf32, #tpu.memory_space<vmem>>, vector<1x16x2048xf32>
      %get3A_962 = vector.shape_cast %get3A_961 : vector<1x16x2048xf32> to vector<16x2048xf32>
      %exp3A_963 = math.exp %get3A_962 : vector<16x2048xf32>
      %add3A_964 = arith.addf %add3A_950, %exp3A_963 : vector<16x2048xf32>
      %eq3A_965 = arith.constant 50 : i32
      %eq3A_966 = vector.broadcast %eq3A_965 : i32 to vector<16x2048xi32>
      %eq3A_967 = arith.cmpi eq, %select_n3A_95, %eq3A_966 : vector<16x2048xi32>
      %jit3A_968 = arith.constant 0.000000e+00 : f32
      %broadcast_in_dim3A_969 = vector.broadcast %jit3A_968 : f32 to vector<16x2048xf32>
      %select_n3A_970 = arith.select %eq3A_967, %get3A_962, %broadcast_in_dim3A_969 : vector<16x2048xi1>, vector<16x2048xf32>
      %add3A_971 = arith.addf %add3A_957, %select_n3A_970 : vector<16x2048xf32>
      %get3A_972 = arith.constant 51 : index
      %get3A_973 = arith.constant 0 : index
      %get3A_974 = arith.constant 0 : index
      %get3A_975 = vector.load %arg6[%get3A_972, %get3A_973, %get3A_974] : memref<81x16x2048xf32, #tpu.memory_space<vmem>>, vector<1x16x2048xf32>
      %get3A_976 = vector.shape_cast %get3A_975 : vector<1x16x2048xf32> to vector<16x2048xf32>
      %exp3A_977 = math.exp %get3A_976 : vector<16x2048xf32>
      %add3A_978 = arith.addf %add3A_964, %exp3A_977 : vector<16x2048xf32>
      %eq3A_979 = arith.constant 51 : i32
      %eq3A_980 = vector.broadcast %eq3A_979 : i32 to vector<16x2048xi32>
      %eq3A_981 = arith.cmpi eq, %select_n3A_95, %eq3A_980 : vector<16x2048xi32>
      %jit3A_982 = arith.constant 0.000000e+00 : f32
      %broadcast_in_dim3A_983 = vector.broadcast %jit3A_982 : f32 to vector<16x2048xf32>
      %select_n3A_984 = arith.select %eq3A_981, %get3A_976, %broadcast_in_dim3A_983 : vector<16x2048xi1>, vector<16x2048xf32>
      %add3A_985 = arith.addf %add3A_971, %select_n3A_984 : vector<16x2048xf32>
      %get3A_986 = arith.constant 52 : index
      %get3A_987 = arith.constant 0 : index
      %get3A_988 = arith.constant 0 : index
      %get3A_989 = vector.load %arg6[%get3A_986, %get3A_987, %get3A_988] : memref<81x16x2048xf32, #tpu.memory_space<vmem>>, vector<1x16x2048xf32>
      %get3A_990 = vector.shape_cast %get3A_989 : vector<1x16x2048xf32> to vector<16x2048xf32>
      %exp3A_991 = math.exp %get3A_990 : vector<16x2048xf32>
      %add3A_992 = arith.addf %add3A_978, %exp3A_991 : vector<16x2048xf32>
      %eq3A_993 = arith.constant 52 : i32
      %eq3A_994 = vector.broadcast %eq3A_993 : i32 to vector<16x2048xi32>
      %eq3A_995 = arith.cmpi eq, %select_n3A_95, %eq3A_994 : vector<16x2048xi32>
      %jit3A_996 = arith.constant 0.000000e+00 : f32
      %broadcast_in_dim3A_997 = vector.broadcast %jit3A_996 : f32 to vector<16x2048xf32>
      %select_n3A_998 = arith.select %eq3A_995, %get3A_990, %broadcast_in_dim3A_997 : vector<16x2048xi1>, vector<16x2048xf32>
      %add3A_999 = arith.addf %add3A_985, %select_n3A_998 : vector<16x2048xf32>
      %get3A_1000 = arith.constant 53 : index
      %get3A_1001 = arith.constant 0 : index
      %get3A_1002 = arith.constant 0 : index
      %get3A_1003 = vector.load %arg6[%get3A_1000, %get3A_1001, %get3A_1002] : memref<81x16x2048xf32, #tpu.memory_space<vmem>>, vector<1x16x2048xf32>
      %get3A_1004 = vector.shape_cast %get3A_1003 : vector<1x16x2048xf32> to vector<16x2048xf32>
      %exp3A_1005 = math.exp %get3A_1004 : vector<16x2048xf32>
      %add3A_1006 = arith.addf %add3A_992, %exp3A_1005 : vector<16x2048xf32>
      %eq3A_1007 = arith.constant 53 : i32
      %eq3A_1008 = vector.broadcast %eq3A_1007 : i32 to vector<16x2048xi32>
      %eq3A_1009 = arith.cmpi eq, %select_n3A_95, %eq3A_1008 : vector<16x2048xi32>
      %jit3A_1010 = arith.constant 0.000000e+00 : f32
      %broadcast_in_dim3A_1011 = vector.broadcast %jit3A_1010 : f32 to vector<16x2048xf32>
      %select_n3A_1012 = arith.select %eq3A_1009, %get3A_1004, %broadcast_in_dim3A_1011 : vector<16x2048xi1>, vector<16x2048xf32>
      %add3A_1013 = arith.addf %add3A_999, %select_n3A_1012 : vector<16x2048xf32>
      %get3A_1014 = arith.constant 54 : index
      %get3A_1015 = arith.constant 0 : index
      %get3A_1016 = arith.constant 0 : index
      %get3A_1017 = vector.load %arg6[%get3A_1014, %get3A_1015, %get3A_1016] : memref<81x16x2048xf32, #tpu.memory_space<vmem>>, vector<1x16x2048xf32>
      %get3A_1018 = vector.shape_cast %get3A_1017 : vector<1x16x2048xf32> to vector<16x2048xf32>
      %exp3A_1019 = math.exp %get3A_1018 : vector<16x2048xf32>
      %add3A_1020 = arith.addf %add3A_1006, %exp3A_1019 : vector<16x2048xf32>
      %eq3A_1021 = arith.constant 54 : i32
      %eq3A_1022 = vector.broadcast %eq3A_1021 : i32 to vector<16x2048xi32>
      %eq3A_1023 = arith.cmpi eq, %select_n3A_95, %eq3A_1022 : vector<16x2048xi32>
      %jit3A_1024 = arith.constant 0.000000e+00 : f32
      %broadcast_in_dim3A_1025 = vector.broadcast %jit3A_1024 : f32 to vector<16x2048xf32>
      %select_n3A_1026 = arith.select %eq3A_1023, %get3A_1018, %broadcast_in_dim3A_1025 : vector<16x2048xi1>, vector<16x2048xf32>
      %add3A_1027 = arith.addf %add3A_1013, %select_n3A_1026 : vector<16x2048xf32>
      %get3A_1028 = arith.constant 55 : index
      %get3A_1029 = arith.constant 0 : index
      %get3A_1030 = arith.constant 0 : index
      %get3A_1031 = vector.load %arg6[%get3A_1028, %get3A_1029, %get3A_1030] : memref<81x16x2048xf32, #tpu.memory_space<vmem>>, vector<1x16x2048xf32>
      %get3A_1032 = vector.shape_cast %get3A_1031 : vector<1x16x2048xf32> to vector<16x2048xf32>
      %exp3A_1033 = math.exp %get3A_1032 : vector<16x2048xf32>
      %add3A_1034 = arith.addf %add3A_1020, %exp3A_1033 : vector<16x2048xf32>
      %eq3A_1035 = arith.constant 55 : i32
      %eq3A_1036 = vector.broadcast %eq3A_1035 : i32 to vector<16x2048xi32>
      %eq3A_1037 = arith.cmpi eq, %select_n3A_95, %eq3A_1036 : vector<16x2048xi32>
      %jit3A_1038 = arith.constant 0.000000e+00 : f32
      %broadcast_in_dim3A_1039 = vector.broadcast %jit3A_1038 : f32 to vector<16x2048xf32>
      %select_n3A_1040 = arith.select %eq3A_1037, %get3A_1032, %broadcast_in_dim3A_1039 : vector<16x2048xi1>, vector<16x2048xf32>
      %add3A_1041 = arith.addf %add3A_1027, %select_n3A_1040 : vector<16x2048xf32>
      %get3A_1042 = arith.constant 56 : index
      %get3A_1043 = arith.constant 0 : index
      %get3A_1044 = arith.constant 0 : index
      %get3A_1045 = vector.load %arg6[%get3A_1042, %get3A_1043, %get3A_1044] : memref<81x16x2048xf32, #tpu.memory_space<vmem>>, vector<1x16x2048xf32>
      %get3A_1046 = vector.shape_cast %get3A_1045 : vector<1x16x2048xf32> to vector<16x2048xf32>
      %exp3A_1047 = math.exp %get3A_1046 : vector<16x2048xf32>
      %add3A_1048 = arith.addf %add3A_1034, %exp3A_1047 : vector<16x2048xf32>
      %eq3A_1049 = arith.constant 56 : i32
      %eq3A_1050 = vector.broadcast %eq3A_1049 : i32 to vector<16x2048xi32>
      %eq3A_1051 = arith.cmpi eq, %select_n3A_95, %eq3A_1050 : vector<16x2048xi32>
      %jit3A_1052 = arith.constant 0.000000e+00 : f32
      %broadcast_in_dim3A_1053 = vector.broadcast %jit3A_1052 : f32 to vector<16x2048xf32>
      %select_n3A_1054 = arith.select %eq3A_1051, %get3A_1046, %broadcast_in_dim3A_1053 : vector<16x2048xi1>, vector<16x2048xf32>
      %add3A_1055 = arith.addf %add3A_1041, %select_n3A_1054 : vector<16x2048xf32>
      %get3A_1056 = arith.constant 57 : index
      %get3A_1057 = arith.constant 0 : index
      %get3A_1058 = arith.constant 0 : index
      %get3A_1059 = vector.load %arg6[%get3A_1056, %get3A_1057, %get3A_1058] : memref<81x16x2048xf32, #tpu.memory_space<vmem>>, vector<1x16x2048xf32>
      %get3A_1060 = vector.shape_cast %get3A_1059 : vector<1x16x2048xf32> to vector<16x2048xf32>
      %exp3A_1061 = math.exp %get3A_1060 : vector<16x2048xf32>
      %add3A_1062 = arith.addf %add3A_1048, %exp3A_1061 : vector<16x2048xf32>
      %eq3A_1063 = arith.constant 57 : i32
      %eq3A_1064 = vector.broadcast %eq3A_1063 : i32 to vector<16x2048xi32>
      %eq3A_1065 = arith.cmpi eq, %select_n3A_95, %eq3A_1064 : vector<16x2048xi32>
      %jit3A_1066 = arith.constant 0.000000e+00 : f32
      %broadcast_in_dim3A_1067 = vector.broadcast %jit3A_1066 : f32 to vector<16x2048xf32>
      %select_n3A_1068 = arith.select %eq3A_1065, %get3A_1060, %broadcast_in_dim3A_1067 : vector<16x2048xi1>, vector<16x2048xf32>
      %add3A_1069 = arith.addf %add3A_1055, %select_n3A_1068 : vector<16x2048xf32>
      %get3A_1070 = arith.constant 58 : index
      %get3A_1071 = arith.constant 0 : index
      %get3A_1072 = arith.constant 0 : index
      %get3A_1073 = vector.load %arg6[%get3A_1070, %get3A_1071, %get3A_1072] : memref<81x16x2048xf32, #tpu.memory_space<vmem>>, vector<1x16x2048xf32>
      %get3A_1074 = vector.shape_cast %get3A_1073 : vector<1x16x2048xf32> to vector<16x2048xf32>
      %exp3A_1075 = math.exp %get3A_1074 : vector<16x2048xf32>
      %add3A_1076 = arith.addf %add3A_1062, %exp3A_1075 : vector<16x2048xf32>
      %eq3A_1077 = arith.constant 58 : i32
      %eq3A_1078 = vector.broadcast %eq3A_1077 : i32 to vector<16x2048xi32>
      %eq3A_1079 = arith.cmpi eq, %select_n3A_95, %eq3A_1078 : vector<16x2048xi32>
      %jit3A_1080 = arith.constant 0.000000e+00 : f32
      %broadcast_in_dim3A_1081 = vector.broadcast %jit3A_1080 : f32 to vector<16x2048xf32>
      %select_n3A_1082 = arith.select %eq3A_1079, %get3A_1074, %broadcast_in_dim3A_1081 : vector<16x2048xi1>, vector<16x2048xf32>
      %add3A_1083 = arith.addf %add3A_1069, %select_n3A_1082 : vector<16x2048xf32>
      %get3A_1084 = arith.constant 59 : index
      %get3A_1085 = arith.constant 0 : index
      %get3A_1086 = arith.constant 0 : index
      %get3A_1087 = vector.load %arg6[%get3A_1084, %get3A_1085, %get3A_1086] : memref<81x16x2048xf32, #tpu.memory_space<vmem>>, vector<1x16x2048xf32>
      %get3A_1088 = vector.shape_cast %get3A_1087 : vector<1x16x2048xf32> to vector<16x2048xf32>
      %exp3A_1089 = math.exp %get3A_1088 : vector<16x2048xf32>
      %add3A_1090 = arith.addf %add3A_1076, %exp3A_1089 : vector<16x2048xf32>
      %eq3A_1091 = arith.constant 59 : i32
      %eq3A_1092 = vector.broadcast %eq3A_1091 : i32 to vector<16x2048xi32>
      %eq3A_1093 = arith.cmpi eq, %select_n3A_95, %eq3A_1092 : vector<16x2048xi32>
      %jit3A_1094 = arith.constant 0.000000e+00 : f32
      %broadcast_in_dim3A_1095 = vector.broadcast %jit3A_1094 : f32 to vector<16x2048xf32>
      %select_n3A_1096 = arith.select %eq3A_1093, %get3A_1088, %broadcast_in_dim3A_1095 : vector<16x2048xi1>, vector<16x2048xf32>
      %add3A_1097 = arith.addf %add3A_1083, %select_n3A_1096 : vector<16x2048xf32>
      %get3A_1098 = arith.constant 60 : index
      %get3A_1099 = arith.constant 0 : index
      %get3A_1100 = arith.constant 0 : index
      %get3A_1101 = vector.load %arg6[%get3A_1098, %get3A_1099, %get3A_1100] : memref<81x16x2048xf32, #tpu.memory_space<vmem>>, vector<1x16x2048xf32>
      %get3A_1102 = vector.shape_cast %get3A_1101 : vector<1x16x2048xf32> to vector<16x2048xf32>
      %exp3A_1103 = math.exp %get3A_1102 : vector<16x2048xf32>
      %add3A_1104 = arith.addf %add3A_1090, %exp3A_1103 : vector<16x2048xf32>
      %eq3A_1105 = arith.constant 60 : i32
      %eq3A_1106 = vector.broadcast %eq3A_1105 : i32 to vector<16x2048xi32>
      %eq3A_1107 = arith.cmpi eq, %select_n3A_95, %eq3A_1106 : vector<16x2048xi32>
      %jit3A_1108 = arith.constant 0.000000e+00 : f32
      %broadcast_in_dim3A_1109 = vector.broadcast %jit3A_1108 : f32 to vector<16x2048xf32>
      %select_n3A_1110 = arith.select %eq3A_1107, %get3A_1102, %broadcast_in_dim3A_1109 : vector<16x2048xi1>, vector<16x2048xf32>
      %add3A_1111 = arith.addf %add3A_1097, %select_n3A_1110 : vector<16x2048xf32>
      %get3A_1112 = arith.constant 61 : index
      %get3A_1113 = arith.constant 0 : index
      %get3A_1114 = arith.constant 0 : index
      %get3A_1115 = vector.load %arg6[%get3A_1112, %get3A_1113, %get3A_1114] : memref<81x16x2048xf32, #tpu.memory_space<vmem>>, vector<1x16x2048xf32>
      %get3A_1116 = vector.shape_cast %get3A_1115 : vector<1x16x2048xf32> to vector<16x2048xf32>
      %exp3A_1117 = math.exp %get3A_1116 : vector<16x2048xf32>
      %add3A_1118 = arith.addf %add3A_1104, %exp3A_1117 : vector<16x2048xf32>
      %eq3A_1119 = arith.constant 61 : i32
      %eq3A_1120 = vector.broadcast %eq3A_1119 : i32 to vector<16x2048xi32>
      %eq3A_1121 = arith.cmpi eq, %select_n3A_95, %eq3A_1120 : vector<16x2048xi32>
      %jit3A_1122 = arith.constant 0.000000e+00 : f32
      %broadcast_in_dim3A_1123 = vector.broadcast %jit3A_1122 : f32 to vector<16x2048xf32>
      %select_n3A_1124 = arith.select %eq3A_1121, %get3A_1116, %broadcast_in_dim3A_1123 : vector<16x2048xi1>, vector<16x2048xf32>
      %add3A_1125 = arith.addf %add3A_1111, %select_n3A_1124 : vector<16x2048xf32>
      %get3A_1126 = arith.constant 62 : index
      %get3A_1127 = arith.constant 0 : index
      %get3A_1128 = arith.constant 0 : index
      %get3A_1129 = vector.load %arg6[%get3A_1126, %get3A_1127, %get3A_1128] : memref<81x16x2048xf32, #tpu.memory_space<vmem>>, vector<1x16x2048xf32>
      %get3A_1130 = vector.shape_cast %get3A_1129 : vector<1x16x2048xf32> to vector<16x2048xf32>
      %exp3A_1131 = math.exp %get3A_1130 : vector<16x2048xf32>
      %add3A_1132 = arith.addf %add3A_1118, %exp3A_1131 : vector<16x2048xf32>
      %eq3A_1133 = arith.constant 62 : i32
      %eq3A_1134 = vector.broadcast %eq3A_1133 : i32 to vector<16x2048xi32>
      %eq3A_1135 = arith.cmpi eq, %select_n3A_95, %eq3A_1134 : vector<16x2048xi32>
      %jit3A_1136 = arith.constant 0.000000e+00 : f32
      %broadcast_in_dim3A_1137 = vector.broadcast %jit3A_1136 : f32 to vector<16x2048xf32>
      %select_n3A_1138 = arith.select %eq3A_1135, %get3A_1130, %broadcast_in_dim3A_1137 : vector<16x2048xi1>, vector<16x2048xf32>
      %add3A_1139 = arith.addf %add3A_1125, %select_n3A_1138 : vector<16x2048xf32>
      %get3A_1140 = arith.constant 63 : index
      %get3A_1141 = arith.constant 0 : index
      %get3A_1142 = arith.constant 0 : index
      %get3A_1143 = vector.load %arg6[%get3A_1140, %get3A_1141, %get3A_1142] : memref<81x16x2048xf32, #tpu.memory_space<vmem>>, vector<1x16x2048xf32>
      %get3A_1144 = vector.shape_cast %get3A_1143 : vector<1x16x2048xf32> to vector<16x2048xf32>
      %exp3A_1145 = math.exp %get3A_1144 : vector<16x2048xf32>
      %add3A_1146 = arith.addf %add3A_1132, %exp3A_1145 : vector<16x2048xf32>
      %eq3A_1147 = arith.constant 63 : i32
      %eq3A_1148 = vector.broadcast %eq3A_1147 : i32 to vector<16x2048xi32>
      %eq3A_1149 = arith.cmpi eq, %select_n3A_95, %eq3A_1148 : vector<16x2048xi32>
      %jit3A_1150 = arith.constant 0.000000e+00 : f32
      %broadcast_in_dim3A_1151 = vector.broadcast %jit3A_1150 : f32 to vector<16x2048xf32>
      %select_n3A_1152 = arith.select %eq3A_1149, %get3A_1144, %broadcast_in_dim3A_1151 : vector<16x2048xi1>, vector<16x2048xf32>
      %add3A_1153 = arith.addf %add3A_1139, %select_n3A_1152 : vector<16x2048xf32>
      %get3A_1154 = arith.constant 64 : index
      %get3A_1155 = arith.constant 0 : index
      %get3A_1156 = arith.constant 0 : index
      %get3A_1157 = vector.load %arg6[%get3A_1154, %get3A_1155, %get3A_1156] : memref<81x16x2048xf32, #tpu.memory_space<vmem>>, vector<1x16x2048xf32>
      %get3A_1158 = vector.shape_cast %get3A_1157 : vector<1x16x2048xf32> to vector<16x2048xf32>
      %exp3A_1159 = math.exp %get3A_1158 : vector<16x2048xf32>
      %add3A_1160 = arith.addf %add3A_1146, %exp3A_1159 : vector<16x2048xf32>
      %eq3A_1161 = arith.constant 64 : i32
      %eq3A_1162 = vector.broadcast %eq3A_1161 : i32 to vector<16x2048xi32>
      %eq3A_1163 = arith.cmpi eq, %select_n3A_95, %eq3A_1162 : vector<16x2048xi32>
      %jit3A_1164 = arith.constant 0.000000e+00 : f32
      %broadcast_in_dim3A_1165 = vector.broadcast %jit3A_1164 : f32 to vector<16x2048xf32>
      %select_n3A_1166 = arith.select %eq3A_1163, %get3A_1158, %broadcast_in_dim3A_1165 : vector<16x2048xi1>, vector<16x2048xf32>
      %add3A_1167 = arith.addf %add3A_1153, %select_n3A_1166 : vector<16x2048xf32>
      %get3A_1168 = arith.constant 65 : index
      %get3A_1169 = arith.constant 0 : index
      %get3A_1170 = arith.constant 0 : index
      %get3A_1171 = vector.load %arg6[%get3A_1168, %get3A_1169, %get3A_1170] : memref<81x16x2048xf32, #tpu.memory_space<vmem>>, vector<1x16x2048xf32>
      %get3A_1172 = vector.shape_cast %get3A_1171 : vector<1x16x2048xf32> to vector<16x2048xf32>
      %exp3A_1173 = math.exp %get3A_1172 : vector<16x2048xf32>
      %add3A_1174 = arith.addf %add3A_1160, %exp3A_1173 : vector<16x2048xf32>
      %eq3A_1175 = arith.constant 65 : i32
      %eq3A_1176 = vector.broadcast %eq3A_1175 : i32 to vector<16x2048xi32>
      %eq3A_1177 = arith.cmpi eq, %select_n3A_95, %eq3A_1176 : vector<16x2048xi32>
      %jit3A_1178 = arith.constant 0.000000e+00 : f32
      %broadcast_in_dim3A_1179 = vector.broadcast %jit3A_1178 : f32 to vector<16x2048xf32>
      %select_n3A_1180 = arith.select %eq3A_1177, %get3A_1172, %broadcast_in_dim3A_1179 : vector<16x2048xi1>, vector<16x2048xf32>
      %add3A_1181 = arith.addf %add3A_1167, %select_n3A_1180 : vector<16x2048xf32>
      %get3A_1182 = arith.constant 66 : index
      %get3A_1183 = arith.constant 0 : index
      %get3A_1184 = arith.constant 0 : index
      %get3A_1185 = vector.load %arg6[%get3A_1182, %get3A_1183, %get3A_1184] : memref<81x16x2048xf32, #tpu.memory_space<vmem>>, vector<1x16x2048xf32>
      %get3A_1186 = vector.shape_cast %get3A_1185 : vector<1x16x2048xf32> to vector<16x2048xf32>
      %exp3A_1187 = math.exp %get3A_1186 : vector<16x2048xf32>
      %add3A_1188 = arith.addf %add3A_1174, %exp3A_1187 : vector<16x2048xf32>
      %eq3A_1189 = arith.constant 66 : i32
      %eq3A_1190 = vector.broadcast %eq3A_1189 : i32 to vector<16x2048xi32>
      %eq3A_1191 = arith.cmpi eq, %select_n3A_95, %eq3A_1190 : vector<16x2048xi32>
      %jit3A_1192 = arith.constant 0.000000e+00 : f32
      %broadcast_in_dim3A_1193 = vector.broadcast %jit3A_1192 : f32 to vector<16x2048xf32>
      %select_n3A_1194 = arith.select %eq3A_1191, %get3A_1186, %broadcast_in_dim3A_1193 : vector<16x2048xi1>, vector<16x2048xf32>
      %add3A_1195 = arith.addf %add3A_1181, %select_n3A_1194 : vector<16x2048xf32>
      %get3A_1196 = arith.constant 67 : index
      %get3A_1197 = arith.constant 0 : index
      %get3A_1198 = arith.constant 0 : index
      %get3A_1199 = vector.load %arg6[%get3A_1196, %get3A_1197, %get3A_1198] : memref<81x16x2048xf32, #tpu.memory_space<vmem>>, vector<1x16x2048xf32>
      %get3A_1200 = vector.shape_cast %get3A_1199 : vector<1x16x2048xf32> to vector<16x2048xf32>
      %exp3A_1201 = math.exp %get3A_1200 : vector<16x2048xf32>
      %add3A_1202 = arith.addf %add3A_1188, %exp3A_1201 : vector<16x2048xf32>
      %eq3A_1203 = arith.constant 67 : i32
      %eq3A_1204 = vector.broadcast %eq3A_1203 : i32 to vector<16x2048xi32>
      %eq3A_1205 = arith.cmpi eq, %select_n3A_95, %eq3A_1204 : vector<16x2048xi32>
      %jit3A_1206 = arith.constant 0.000000e+00 : f32
      %broadcast_in_dim3A_1207 = vector.broadcast %jit3A_1206 : f32 to vector<16x2048xf32>
      %select_n3A_1208 = arith.select %eq3A_1205, %get3A_1200, %broadcast_in_dim3A_1207 : vector<16x2048xi1>, vector<16x2048xf32>
      %add3A_1209 = arith.addf %add3A_1195, %select_n3A_1208 : vector<16x2048xf32>
      %get3A_1210 = arith.constant 68 : index
      %get3A_1211 = arith.constant 0 : index
      %get3A_1212 = arith.constant 0 : index
      %get3A_1213 = vector.load %arg6[%get3A_1210, %get3A_1211, %get3A_1212] : memref<81x16x2048xf32, #tpu.memory_space<vmem>>, vector<1x16x2048xf32>
      %get3A_1214 = vector.shape_cast %get3A_1213 : vector<1x16x2048xf32> to vector<16x2048xf32>
      %exp3A_1215 = math.exp %get3A_1214 : vector<16x2048xf32>
      %add3A_1216 = arith.addf %add3A_1202, %exp3A_1215 : vector<16x2048xf32>
      %eq3A_1217 = arith.constant 68 : i32
      %eq3A_1218 = vector.broadcast %eq3A_1217 : i32 to vector<16x2048xi32>
      %eq3A_1219 = arith.cmpi eq, %select_n3A_95, %eq3A_1218 : vector<16x2048xi32>
      %jit3A_1220 = arith.constant 0.000000e+00 : f32
      %broadcast_in_dim3A_1221 = vector.broadcast %jit3A_1220 : f32 to vector<16x2048xf32>
      %select_n3A_1222 = arith.select %eq3A_1219, %get3A_1214, %broadcast_in_dim3A_1221 : vector<16x2048xi1>, vector<16x2048xf32>
      %add3A_1223 = arith.addf %add3A_1209, %select_n3A_1222 : vector<16x2048xf32>
      %get3A_1224 = arith.constant 69 : index
      %get3A_1225 = arith.constant 0 : index
      %get3A_1226 = arith.constant 0 : index
      %get3A_1227 = vector.load %arg6[%get3A_1224, %get3A_1225, %get3A_1226] : memref<81x16x2048xf32, #tpu.memory_space<vmem>>, vector<1x16x2048xf32>
      %get3A_1228 = vector.shape_cast %get3A_1227 : vector<1x16x2048xf32> to vector<16x2048xf32>
      %exp3A_1229 = math.exp %get3A_1228 : vector<16x2048xf32>
      %add3A_1230 = arith.addf %add3A_1216, %exp3A_1229 : vector<16x2048xf32>
      %eq3A_1231 = arith.constant 69 : i32
      %eq3A_1232 = vector.broadcast %eq3A_1231 : i32 to vector<16x2048xi32>
      %eq3A_1233 = arith.cmpi eq, %select_n3A_95, %eq3A_1232 : vector<16x2048xi32>
      %jit3A_1234 = arith.constant 0.000000e+00 : f32
      %broadcast_in_dim3A_1235 = vector.broadcast %jit3A_1234 : f32 to vector<16x2048xf32>
      %select_n3A_1236 = arith.select %eq3A_1233, %get3A_1228, %broadcast_in_dim3A_1235 : vector<16x2048xi1>, vector<16x2048xf32>
      %add3A_1237 = arith.addf %add3A_1223, %select_n3A_1236 : vector<16x2048xf32>
      %get3A_1238 = arith.constant 70 : index
      %get3A_1239 = arith.constant 0 : index
      %get3A_1240 = arith.constant 0 : index
      %get3A_1241 = vector.load %arg6[%get3A_1238, %get3A_1239, %get3A_1240] : memref<81x16x2048xf32, #tpu.memory_space<vmem>>, vector<1x16x2048xf32>
      %get3A_1242 = vector.shape_cast %get3A_1241 : vector<1x16x2048xf32> to vector<16x2048xf32>
      %exp3A_1243 = math.exp %get3A_1242 : vector<16x2048xf32>
      %add3A_1244 = arith.addf %add3A_1230, %exp3A_1243 : vector<16x2048xf32>
      %eq3A_1245 = arith.constant 70 : i32
      %eq3A_1246 = vector.broadcast %eq3A_1245 : i32 to vector<16x2048xi32>
      %eq3A_1247 = arith.cmpi eq, %select_n3A_95, %eq3A_1246 : vector<16x2048xi32>
      %jit3A_1248 = arith.constant 0.000000e+00 : f32
      %broadcast_in_dim3A_1249 = vector.broadcast %jit3A_1248 : f32 to vector<16x2048xf32>
      %select_n3A_1250 = arith.select %eq3A_1247, %get3A_1242, %broadcast_in_dim3A_1249 : vector<16x2048xi1>, vector<16x2048xf32>
      %add3A_1251 = arith.addf %add3A_1237, %select_n3A_1250 : vector<16x2048xf32>
      %get3A_1252 = arith.constant 71 : index
      %get3A_1253 = arith.constant 0 : index
      %get3A_1254 = arith.constant 0 : index
      %get3A_1255 = vector.load %arg6[%get3A_1252, %get3A_1253, %get3A_1254] : memref<81x16x2048xf32, #tpu.memory_space<vmem>>, vector<1x16x2048xf32>
      %get3A_1256 = vector.shape_cast %get3A_1255 : vector<1x16x2048xf32> to vector<16x2048xf32>
      %exp3A_1257 = math.exp %get3A_1256 : vector<16x2048xf32>
      %add3A_1258 = arith.addf %add3A_1244, %exp3A_1257 : vector<16x2048xf32>
      %eq3A_1259 = arith.constant 71 : i32
      %eq3A_1260 = vector.broadcast %eq3A_1259 : i32 to vector<16x2048xi32>
      %eq3A_1261 = arith.cmpi eq, %select_n3A_95, %eq3A_1260 : vector<16x2048xi32>
      %jit3A_1262 = arith.constant 0.000000e+00 : f32
      %broadcast_in_dim3A_1263 = vector.broadcast %jit3A_1262 : f32 to vector<16x2048xf32>
      %select_n3A_1264 = arith.select %eq3A_1261, %get3A_1256, %broadcast_in_dim3A_1263 : vector<16x2048xi1>, vector<16x2048xf32>
      %add3A_1265 = arith.addf %add3A_1251, %select_n3A_1264 : vector<16x2048xf32>
      %get3A_1266 = arith.constant 72 : index
      %get3A_1267 = arith.constant 0 : index
      %get3A_1268 = arith.constant 0 : index
      %get3A_1269 = vector.load %arg6[%get3A_1266, %get3A_1267, %get3A_1268] : memref<81x16x2048xf32, #tpu.memory_space<vmem>>, vector<1x16x2048xf32>
      %get3A_1270 = vector.shape_cast %get3A_1269 : vector<1x16x2048xf32> to vector<16x2048xf32>
      %exp3A_1271 = math.exp %get3A_1270 : vector<16x2048xf32>
      %add3A_1272 = arith.addf %add3A_1258, %exp3A_1271 : vector<16x2048xf32>
      %eq3A_1273 = arith.constant 72 : i32
      %eq3A_1274 = vector.broadcast %eq3A_1273 : i32 to vector<16x2048xi32>
      %eq3A_1275 = arith.cmpi eq, %select_n3A_95, %eq3A_1274 : vector<16x2048xi32>
      %jit3A_1276 = arith.constant 0.000000e+00 : f32
      %broadcast_in_dim3A_1277 = vector.broadcast %jit3A_1276 : f32 to vector<16x2048xf32>
      %select_n3A_1278 = arith.select %eq3A_1275, %get3A_1270, %broadcast_in_dim3A_1277 : vector<16x2048xi1>, vector<16x2048xf32>
      %add3A_1279 = arith.addf %add3A_1265, %select_n3A_1278 : vector<16x2048xf32>
      %get3A_1280 = arith.constant 73 : index
      %get3A_1281 = arith.constant 0 : index
      %get3A_1282 = arith.constant 0 : index
      %get3A_1283 = vector.load %arg6[%get3A_1280, %get3A_1281, %get3A_1282] : memref<81x16x2048xf32, #tpu.memory_space<vmem>>, vector<1x16x2048xf32>
      %get3A_1284 = vector.shape_cast %get3A_1283 : vector<1x16x2048xf32> to vector<16x2048xf32>
      %exp3A_1285 = math.exp %get3A_1284 : vector<16x2048xf32>
      %add3A_1286 = arith.addf %add3A_1272, %exp3A_1285 : vector<16x2048xf32>
      %eq3A_1287 = arith.constant 73 : i32
      %eq3A_1288 = vector.broadcast %eq3A_1287 : i32 to vector<16x2048xi32>
      %eq3A_1289 = arith.cmpi eq, %select_n3A_95, %eq3A_1288 : vector<16x2048xi32>
      %jit3A_1290 = arith.constant 0.000000e+00 : f32
      %broadcast_in_dim3A_1291 = vector.broadcast %jit3A_1290 : f32 to vector<16x2048xf32>
      %select_n3A_1292 = arith.select %eq3A_1289, %get3A_1284, %broadcast_in_dim3A_1291 : vector<16x2048xi1>, vector<16x2048xf32>
      %add3A_1293 = arith.addf %add3A_1279, %select_n3A_1292 : vector<16x2048xf32>
      %get3A_1294 = arith.constant 74 : index
      %get3A_1295 = arith.constant 0 : index
      %get3A_1296 = arith.constant 0 : index
      %get3A_1297 = vector.load %arg6[%get3A_1294, %get3A_1295, %get3A_1296] : memref<81x16x2048xf32, #tpu.memory_space<vmem>>, vector<1x16x2048xf32>
      %get3A_1298 = vector.shape_cast %get3A_1297 : vector<1x16x2048xf32> to vector<16x2048xf32>
      %exp3A_1299 = math.exp %get3A_1298 : vector<16x2048xf32>
      %add3A_1300 = arith.addf %add3A_1286, %exp3A_1299 : vector<16x2048xf32>
      %eq3A_1301 = arith.constant 74 : i32
      %eq3A_1302 = vector.broadcast %eq3A_1301 : i32 to vector<16x2048xi32>
      %eq3A_1303 = arith.cmpi eq, %select_n3A_95, %eq3A_1302 : vector<16x2048xi32>
      %jit3A_1304 = arith.constant 0.000000e+00 : f32
      %broadcast_in_dim3A_1305 = vector.broadcast %jit3A_1304 : f32 to vector<16x2048xf32>
      %select_n3A_1306 = arith.select %eq3A_1303, %get3A_1298, %broadcast_in_dim3A_1305 : vector<16x2048xi1>, vector<16x2048xf32>
      %add3A_1307 = arith.addf %add3A_1293, %select_n3A_1306 : vector<16x2048xf32>
      %get3A_1308 = arith.constant 75 : index
      %get3A_1309 = arith.constant 0 : index
      %get3A_1310 = arith.constant 0 : index
      %get3A_1311 = vector.load %arg6[%get3A_1308, %get3A_1309, %get3A_1310] : memref<81x16x2048xf32, #tpu.memory_space<vmem>>, vector<1x16x2048xf32>
      %get3A_1312 = vector.shape_cast %get3A_1311 : vector<1x16x2048xf32> to vector<16x2048xf32>
      %exp3A_1313 = math.exp %get3A_1312 : vector<16x2048xf32>
      %add3A_1314 = arith.addf %add3A_1300, %exp3A_1313 : vector<16x2048xf32>
      %eq3A_1315 = arith.constant 75 : i32
      %eq3A_1316 = vector.broadcast %eq3A_1315 : i32 to vector<16x2048xi32>
      %eq3A_1317 = arith.cmpi eq, %select_n3A_95, %eq3A_1316 : vector<16x2048xi32>
      %jit3A_1318 = arith.constant 0.000000e+00 : f32
      %broadcast_in_dim3A_1319 = vector.broadcast %jit3A_1318 : f32 to vector<16x2048xf32>
      %select_n3A_1320 = arith.select %eq3A_1317, %get3A_1312, %broadcast_in_dim3A_1319 : vector<16x2048xi1>, vector<16x2048xf32>
      %add3A_1321 = arith.addf %add3A_1307, %select_n3A_1320 : vector<16x2048xf32>
      %get3A_1322 = arith.constant 76 : index
      %get3A_1323 = arith.constant 0 : index
      %get3A_1324 = arith.constant 0 : index
      %get3A_1325 = vector.load %arg6[%get3A_1322, %get3A_1323, %get3A_1324] : memref<81x16x2048xf32, #tpu.memory_space<vmem>>, vector<1x16x2048xf32>
      %get3A_1326 = vector.shape_cast %get3A_1325 : vector<1x16x2048xf32> to vector<16x2048xf32>
      %exp3A_1327 = math.exp %get3A_1326 : vector<16x2048xf32>
      %add3A_1328 = arith.addf %add3A_1314, %exp3A_1327 : vector<16x2048xf32>
      %eq3A_1329 = arith.constant 76 : i32
      %eq3A_1330 = vector.broadcast %eq3A_1329 : i32 to vector<16x2048xi32>
      %eq3A_1331 = arith.cmpi eq, %select_n3A_95, %eq3A_1330 : vector<16x2048xi32>
      %jit3A_1332 = arith.constant 0.000000e+00 : f32
      %broadcast_in_dim3A_1333 = vector.broadcast %jit3A_1332 : f32 to vector<16x2048xf32>
      %select_n3A_1334 = arith.select %eq3A_1331, %get3A_1326, %broadcast_in_dim3A_1333 : vector<16x2048xi1>, vector<16x2048xf32>
      %add3A_1335 = arith.addf %add3A_1321, %select_n3A_1334 : vector<16x2048xf32>
      %get3A_1336 = arith.constant 77 : index
      %get3A_1337 = arith.constant 0 : index
      %get3A_1338 = arith.constant 0 : index
      %get3A_1339 = vector.load %arg6[%get3A_1336, %get3A_1337, %get3A_1338] : memref<81x16x2048xf32, #tpu.memory_space<vmem>>, vector<1x16x2048xf32>
      %get3A_1340 = vector.shape_cast %get3A_1339 : vector<1x16x2048xf32> to vector<16x2048xf32>
      %exp3A_1341 = math.exp %get3A_1340 : vector<16x2048xf32>
      %add3A_1342 = arith.addf %add3A_1328, %exp3A_1341 : vector<16x2048xf32>
      %eq3A_1343 = arith.constant 77 : i32
      %eq3A_1344 = vector.broadcast %eq3A_1343 : i32 to vector<16x2048xi32>
      %eq3A_1345 = arith.cmpi eq, %select_n3A_95, %eq3A_1344 : vector<16x2048xi32>
      %jit3A_1346 = arith.constant 0.000000e+00 : f32
      %broadcast_in_dim3A_1347 = vector.broadcast %jit3A_1346 : f32 to vector<16x2048xf32>
      %select_n3A_1348 = arith.select %eq3A_1345, %get3A_1340, %broadcast_in_dim3A_1347 : vector<16x2048xi1>, vector<16x2048xf32>
      %add3A_1349 = arith.addf %add3A_1335, %select_n3A_1348 : vector<16x2048xf32>
      %get3A_1350 = arith.constant 78 : index
      %get3A_1351 = arith.constant 0 : index
      %get3A_1352 = arith.constant 0 : index
      %get3A_1353 = vector.load %arg6[%get3A_1350, %get3A_1351, %get3A_1352] : memref<81x16x2048xf32, #tpu.memory_space<vmem>>, vector<1x16x2048xf32>
      %get3A_1354 = vector.shape_cast %get3A_1353 : vector<1x16x2048xf32> to vector<16x2048xf32>
      %exp3A_1355 = math.exp %get3A_1354 : vector<16x2048xf32>
      %add3A_1356 = arith.addf %add3A_1342, %exp3A_1355 : vector<16x2048xf32>
      %eq3A_1357 = arith.constant 78 : i32
      %eq3A_1358 = vector.broadcast %eq3A_1357 : i32 to vector<16x2048xi32>
      %eq3A_1359 = arith.cmpi eq, %select_n3A_95, %eq3A_1358 : vector<16x2048xi32>
      %jit3A_1360 = arith.constant 0.000000e+00 : f32
      %broadcast_in_dim3A_1361 = vector.broadcast %jit3A_1360 : f32 to vector<16x2048xf32>
      %select_n3A_1362 = arith.select %eq3A_1359, %get3A_1354, %broadcast_in_dim3A_1361 : vector<16x2048xi1>, vector<16x2048xf32>
      %add3A_1363 = arith.addf %add3A_1349, %select_n3A_1362 : vector<16x2048xf32>
      %get3A_1364 = arith.constant 79 : index
      %get3A_1365 = arith.constant 0 : index
      %get3A_1366 = arith.constant 0 : index
      %get3A_1367 = vector.load %arg6[%get3A_1364, %get3A_1365, %get3A_1366] : memref<81x16x2048xf32, #tpu.memory_space<vmem>>, vector<1x16x2048xf32>
      %get3A_1368 = vector.shape_cast %get3A_1367 : vector<1x16x2048xf32> to vector<16x2048xf32>
      %exp3A_1369 = math.exp %get3A_1368 : vector<16x2048xf32>
      %add3A_1370 = arith.addf %add3A_1356, %exp3A_1369 : vector<16x2048xf32>
      %eq3A_1371 = arith.constant 79 : i32
      %eq3A_1372 = vector.broadcast %eq3A_1371 : i32 to vector<16x2048xi32>
      %eq3A_1373 = arith.cmpi eq, %select_n3A_95, %eq3A_1372 : vector<16x2048xi32>
      %jit3A_1374 = arith.constant 0.000000e+00 : f32
      %broadcast_in_dim3A_1375 = vector.broadcast %jit3A_1374 : f32 to vector<16x2048xf32>
      %select_n3A_1376 = arith.select %eq3A_1373, %get3A_1368, %broadcast_in_dim3A_1375 : vector<16x2048xi1>, vector<16x2048xf32>
      %add3A_1377 = arith.addf %add3A_1363, %select_n3A_1376 : vector<16x2048xf32>
      %get3A_1378 = arith.constant 80 : index
      %get3A_1379 = arith.constant 0 : index
      %get3A_1380 = arith.constant 0 : index
      %get3A_1381 = vector.load %arg6[%get3A_1378, %get3A_1379, %get3A_1380] : memref<81x16x2048xf32, #tpu.memory_space<vmem>>, vector<1x16x2048xf32>
      %get3A_1382 = vector.shape_cast %get3A_1381 : vector<1x16x2048xf32> to vector<16x2048xf32>
      %exp3A_1383 = math.exp %get3A_1382 : vector<16x2048xf32>
      %add3A_1384 = arith.addf %add3A_1370, %exp3A_1383 : vector<16x2048xf32>
      %eq3A_1385 = arith.constant 80 : i32
      %eq3A_1386 = vector.broadcast %eq3A_1385 : i32 to vector<16x2048xi32>
      %eq3A_1387 = arith.cmpi eq, %select_n3A_95, %eq3A_1386 : vector<16x2048xi32>
      %jit3A_1388 = arith.constant 0.000000e+00 : f32
      %broadcast_in_dim3A_1389 = vector.broadcast %jit3A_1388 : f32 to vector<16x2048xf32>
      %select_n3A_1390 = arith.select %eq3A_1387, %get3A_1382, %broadcast_in_dim3A_1389 : vector<16x2048xi1>, vector<16x2048xf32>
      %add3A_1391 = arith.addf %add3A_1377, %select_n3A_1390 : vector<16x2048xf32>
      %log3A_1392 = math.log %add3A_1384 : vector<16x2048xf32>
      %sub3A_1393 = arith.subf %log3A_1392, %add3A_1391 : vector<16x2048xf32>
      %not3A = arith.constant dense<true> : vector<1x2048xi1>
      %not3A_1394 = arith.xori %lt3A_3, %not3A : vector<1x2048xi1>
      %or3A = vector.broadcast %not3A_1394 : vector<1x2048xi1> to vector<16x2048xi1>
      %or3A_1395 = arith.ori %and3A_74, %or3A : vector<16x2048xi1>
      %jit3A_1396 = arith.constant 0.000000e+00 : f32
      %broadcast_in_dim3A_1397 = vector.broadcast %jit3A_1396 : f32 to vector<16x2048xf32>
      %select_n3A_1398 = arith.select %or3A_1395, %broadcast_in_dim3A_1397, %sub3A_1393 : vector<16x2048xi1>, vector<16x2048xf32>
      %swap3A = arith.constant 0 : index
      %swap3A_1399 = arith.constant 0 : index
      %swap3A_1400 = vector.load %arg7[%swap3A, %swap3A_1399] : memref<16x2048xf32, #tpu.memory_space<vmem>>, vector<16x2048xf32>
      tpu.vector_store %arg7[%swap3A, %swap3A_1399], %select_n3A_1398 {strides = array<i32>} : memref<16x2048xf32, #tpu.memory_space<vmem>>, vector<16x2048xf32>,
      %get3A_1401 = arith.constant 0 : index
      %get3A_1402 = arith.constant 0 : index
      %get3A_1403 = vector.load %arg15[%get3A_1401, %get3A_1402] : memref<16x1xf32, #tpu.memory_space<vmem>>, vector<16x1xf32>
      %convert_element_type3A_1404 = arith.extui %and3A_74 : vector<16x2048xi1> to vector<16x2048xi32>
      %convert_element_type3A_1405 = arith.sitofp %convert_element_type3A_1404 : vector<16x2048xi32> to vector<16x2048xf32>
      %reduce_sum3A_1406 = arith.constant dense<0.000000e+00> : vector<16xf32>
      %reduce_sum3A_1407 = vector.multi_reduction <add>, %convert_element_type3A_1405, %reduce_sum3A_1406 [1] : vector<16x2048xf32> to vector<16xf32>
      %broadcast_in_dim3A_1408 = vector.shape_cast %reduce_sum3A_1407 : vector<16xf32> to vector<16x1xf32>
      %add3A_1409 = arith.addf %get3A_1403, %broadcast_in_dim3A_1408 : vector<16x1xf32>
      %swap3A_1410 = arith.constant 0 : index
      %swap3A_1411 = arith.constant 0 : index
      %swap3A_1412 = vector.load %arg15[%swap3A_1410, %swap3A_1411] : memref<16x1xf32, #tpu.memory_space<vmem>>, vector<16x1xf32>
      tpu.vector_store %arg15[%swap3A_1410, %swap3A_1411], %add3A_1409 {strides = array<i32>} : memref<16x1xf32, #tpu.memory_space<vmem>>, vector<16x1xf32>,
      %convert_element_type3A_1413 = arith.extui %and3A_74 : vector<16x2048xi1> to vector<16x2048xi32>
      %convert_element_type3A_1414 = arith.sitofp %convert_element_type3A_1413 : vector<16x2048xi32> to vector<16x2048xf32>
      %get3A_1415 = arith.constant 0 : index
      %get3A_1416 = arith.constant 0 : index
      %get3A_1417 = vector.load %arg16[%get3A_1415, %get3A_1416] : memref<1x1xf32, #tpu.memory_space<vmem>>, vector<1x1xf32>
      %mul3A_1418 = arith.mulf %convert_element_type3A_1414, %sub3A_1393 : vector<16x2048xf32>
      %reduce_sum3A_1419 = vector.shape_cast %mul3A_1418 : vector<16x2048xf32> to vector<1x16x2048xf32>
      %reduce_sum3A_1420 = arith.constant dense<0.000000e+00> : vector<1xf32>
      %reduce_sum3A_1421 = vector.multi_reduction <add>, %reduce_sum3A_1419, %reduce_sum3A_1420 [1, 2] : vector<1x16x2048xf32> to vector<1xf32>
      %reduce_sum3A_1422 = vector.shape_cast %reduce_sum3A_1421 : vector<1xf32> to vector<1x1x1xf32>
      %reduce_sum3A_1423 = vector.extract %reduce_sum3A_1422[0, 0, 0] : f32 from vector<1x1x1xf32>
      %broadcast_in_dim3A_1424 = vector.broadcast %reduce_sum3A_1423 : f32 to vector<1x1xf32>
      %add3A_1425 = arith.addf %get3A_1417, %broadcast_in_dim3A_1424 : vector<1x1xf32>
      %swap3A_1426 = arith.constant 0 : index
      %swap3A_1427 = arith.constant 0 : index
      %swap3A_1428 = vector.load %arg16[%swap3A_1426, %swap3A_1427] : memref<1x1xf32, #tpu.memory_space<vmem>>, vector<1x1xf32>
      tpu.vector_store %arg16[%swap3A_1426, %swap3A_1427], %add3A_1425 {strides = array<i32>} : memref<1x1xf32, #tpu.memory_space<vmem>>, vector<1x1xf32>,
      %get3A_1429 = arith.constant 0 : index
      %get3A_1430 = arith.constant 0 : index
      %get3A_1431 = vector.load %arg17[%get3A_1429, %get3A_1430] : memref<1x1xf32, #tpu.memory_space<vmem>>, vector<1x1xf32>
      %mul3A_1432 = arith.mulf %convert_element_type3A_1414, %add3A_254 : vector<16x2048xf32>
      %reduce_sum3A_1433 = vector.shape_cast %mul3A_1432 : vector<16x2048xf32> to vector<1x16x2048xf32>
      %reduce_sum3A_1434 = arith.constant dense<0.000000e+00> : vector<1xf32>
      %reduce_sum3A_1435 = vector.multi_reduction <add>, %reduce_sum3A_1433, %reduce_sum3A_1434 [1, 2] : vector<1x16x2048xf32> to vector<1xf32>
      %reduce_sum3A_1436 = vector.shape_cast %reduce_sum3A_1435 : vector<1xf32> to vector<1x1x1xf32>
      %reduce_sum3A_1437 = vector.extract %reduce_sum3A_1436[0, 0, 0] : f32 from vector<1x1x1xf32>
      %broadcast_in_dim3A_1438 = vector.broadcast %reduce_sum3A_1437 : f32 to vector<1x1xf32>
      %add3A_1439 = arith.addf %get3A_1431, %broadcast_in_dim3A_1438 : vector<1x1xf32>
      %swap3A_1440 = arith.constant 0 : index
      %swap3A_1441 = arith.constant 0 : index
      %swap3A_1442 = vector.load %arg17[%swap3A_1440, %swap3A_1441] : memref<1x1xf32, #tpu.memory_space<vmem>>, vector<1x1xf32>
      tpu.vector_store %arg17[%swap3A_1440, %swap3A_1441], %add3A_1439 {strides = array<i32>} : memref<1x1xf32, #tpu.memory_space<vmem>>, vector<1x1xf32>,
    } else {
    }
    %eq3A_19 = arith.constant 1 : i32
    %eq3A_20 = arith.cmpi eq, %arg0, %eq3A_19 : i32
    %eq3A_21 = arith.constant 11 : i32
    %eq3A_22 = arith.cmpi eq, %arg1, %eq3A_21 : i32
    %and3A_23 = arith.andi %eq3A_20, %eq3A_22 : i1
    %convert_element_type3A_24 = arith.extui %and3A_23 : i1 to i32
    %cond3A_25 = arith.constant 0 : i32
    %cond3A_26 = arith.cmpi ne, %convert_element_type3A_24, %cond3A_25 : i32
    scf.if %cond3A_26 {
      %get3A = arith.constant 0 : index
      %get3A_27 = arith.constant 0 : index
      %get3A_28 = vector.load %arg15[%get3A, %get3A_27] : memref<16x1xf32, #tpu.memory_space<vmem>>, vector<16x1xf32>
      %swap3A = arith.constant 0 : index
      %swap3A_29 = arith.constant 0 : index
      %swap3A_30 = vector.load %arg8[%swap3A, %swap3A_29] : memref<16x1xf32, #tpu.memory_space<vmem>>, vector<16x1xf32>
      tpu.vector_store %arg8[%swap3A, %swap3A_29], %get3A_28 {strides = array<i32>} : memref<16x1xf32, #tpu.memory_space<vmem>>, vector<16x1xf32>,
      %get3A_31 = arith.constant 0 : index
      %get3A_32 = arith.constant 0 : index
      %get3A_33 = vector.load %arg16[%get3A_31, %get3A_32] : memref<1x1xf32, #tpu.memory_space<vmem>>, vector<1x1xf32>
      %swap3A_34 = arith.constant 0 : index
      %swap3A_35 = arith.constant 0 : index
      %swap3A_36 = vector.load %arg9[%swap3A_34, %swap3A_35] : memref<1x1xf32, #tpu.memory_space<vmem>>, vector<1x1xf32>
      tpu.vector_store %arg9[%swap3A_34, %swap3A_35], %get3A_33 {strides = array<i32>} : memref<1x1xf32, #tpu.memory_space<vmem>>, vector<1x1xf32>,
      %get3A_37 = arith.constant 0 : index
      %get3A_38 = arith.constant 0 : index
      %get3A_39 = vector.load %arg17[%get3A_37, %get3A_38] : memref<1x1xf32, #tpu.memory_space<vmem>>, vector<1x1xf32>
      %swap3A_40 = arith.constant 0 : index
      %swap3A_41 = arith.constant 0 : index
      %swap3A_42 = vector.load %arg10[%swap3A_40, %swap3A_41] : memref<1x1xf32, #tpu.memory_space<vmem>>, vector<1x1xf32>
      tpu.vector_store %arg10[%swap3A_40, %swap3A_41], %get3A_39 {strides = array<i32>} : memref<1x1xf32, #tpu.memory_space<vmem>>, vector<1x1xf32>,
    } else {
    }
    return
  }
  func.func @transform_0(%arg0: i32, %arg1: i32) -> (i32, i32) {
    %c0_i32 = arith.constant 0 : i32
    %c0_i32_0 = arith.constant 0 : i32
    return %c0_i32, %arg1 : i32, i32
  }
  func.func @transform_1(%arg0: i32, %arg1: i32) -> (i32, i32) {
    %c0_i32 = arith.constant 0 : i32
    %c0_i32_0 = arith.constant 0 : i32
    %c0_i32_1 = arith.constant 0 : i32
    return %c0_i32, %c0_i32_0 : i32, i32
  }
  func.func @transform_2(%arg0: i32, %arg1: i32) -> (i32, i32) {
    %c0_i32 = arith.constant 0 : i32
    %c0_i32_0 = arith.constant 0 : i32
    %c0_i32_1 = arith.constant 0 : i32
    return %c0_i32, %c0_i32_0 : i32, i32
  }
  func.func @transform_3(%arg0: i32, %arg1: i32) -> (i32, i32, i32) {
    %mul3A = arith.muli %arg0, %arg1 : i32
    %c0_i32 = arith.constant 0 : i32
    %c0_i32_0 = arith.constant 0 : i32
    %c0_i32_1 = arith.constant 0 : i32
    return %c0_i32, %c0_i32_0, %mul3A : i32, i32, i32
  }
  func.func @transform_4(%arg0: i32, %arg1: i32) -> (i32, i32, i32) {
    %mul3A = arith.muli %arg0, %arg1 : i32
    %c0_i32 = arith.constant 0 : i32
    %c0_i32_0 = arith.constant 0 : i32
    %c0_i32_1 = arith.constant 0 : i32
    return %c0_i32, %c0_i32_0, %mul3A : i32, i32, i32
  }
  func.func @transform_5(%arg0: i32, %arg1: i32) -> (i32, i32) {
    %mul3A = arith.muli %arg0, %arg1 : i32
    %c0_i32 = arith.constant 0 : i32
    %c0_i32_0 = arith.constant 0 : i32
    return %c0_i32, %mul3A : i32, i32
  }
  func.func @transform_6(%arg0: i32, %arg1: i32) -> (i32, i32) {
    %c0_i32 = arith.constant 0 : i32
    %c0_i32_0 = arith.constant 0 : i32
    %c0_i32_1 = arith.constant 0 : i32
    return %c0_i32, %c0_i32_0 : i32, i32
  }
  func.func @transform_7(%arg0: i32, %arg1: i32) -> (i32, i32) {
    %c0_i32 = arith.constant 0 : i32
    %c0_i32_0 = arith.constant 0 : i32
    %c0_i32_1 = arith.constant 0 : i32
    return %c0_i32, %c0_i32_0 : i32, i32
  }
  func.func @transform_8(%arg0: i32, %arg1: i32) -> (i32, i32) {
    %c0_i32 = arith.constant 0 : i32
    %c0_i32_0 = arith.constant 0 : i32
    %c0_i32_1 = arith.constant 0 : i32
    return %c0_i32, %c0_i32_0 : i32, i32
  }
}

</mosaic_0001>

<sc_bundles>
// kernel: kernel.4.cloned.1.call-start
scs
__scs_entry_jumppad:
0x0: {  	(pc) =	sbr.rel $0x88, $3  }
0x1: {  	(tag) =	ssettag $0x0;
	lr =	simm.s32 $0x1  }
0x2: {  	[smem:$0x3F9D] =	sst lr;
	_ =	strace $0xD0000000  }
0x3: {  	_ = 	snop  }
0x4: {  	_ = 	snop  }
0x5: {  	_ = 	snop  }
0x6: {  	_ = 	snop  }
0x7: {  	_ = 	snop  }
__scs_overlays_trampoline_lowered:
0x8: {  	[smem:$0x3FAC] =	sst s0  }
0x9: {  	[smem:$0x3FAD] =	sst s1  }
0xa: {  	[smem:$0x3FAE] =	sst s2  }
0xb: {  	[smem:$0x3FAF] =	sst s3  }
0xc: {  	[smem:$0x3FB0] =	sst s4  }
0xd: {  	[smem:$0x3FB1] =	sst s5  }
0xe: {  	[smem:$0x3FB2] =	sst s6  }
0xf: {  	[smem:$0x3FB3] =	sst s7  }
0x10: {  	[smem:$0x3FB4] =	sst s8  }
0x11: {  	[smem:$0x3FB5] =	sst s9;
	s0 =	simm.s32 @!p0 $0x0  }
0x12: {  	s1 =	sld [smem:$0x3F9B];
	s0 =	simm.s32 @p0 $0x1  }
0x13: {  	[smem:$0x3FB6] =	sst s0;
	s0 =	simm.s32 @!p1 $0x0  }
0x14: {  	s2 =	sld [smem:$0x3F9A];
	s0 =	simm.s32 @p1 $0x1  }
0x15: {  	[smem:$0x3FB7] =	sst s0;
	s0 =	simm.s32 @!p2 $0x0  }
0x16: {  	s3 =	sld [smem:$0x3FDB];
	s0 =	simm.s32 @p2 $0x1  }
0x17: {  	s4 =	simm.s32 $0x1BF5;
	[smem:$0x3FB9] =	sst s0  }
0x18: {  	s0 =	sld [smem:$0x3F9C];
	_ =	swait.ge [sflag:s4], $0x0  }
0x19: {  	s7 =	sld [smem:$0x3F9D]  }
0x1a: {  	s8 =	sadd.s32 $0xFFFFE003, lr  }
0x1b: {  	s9 =	sadd.s32 $0xFFFFFEF7, lr;
	s5 =	simm.s32 $0xFFFFFFFF;
	p2 =	slt.u32 s8, $0xFFFFF086  }
0x1c: {  	p1 =	slt.u32 s9, $0xF7A;
	s5 =	simm.s32 @!p2 $0x0  }
0x1d: {  	s5 =	simm.s32 @p1 $0x1;
	p0 =	seq.s32 s7, s2  }
0x1e: {  	s7 =	smul.u32 @!p0 $0xF7A, s2;
	p2 =	seq.s32 @!p0 s5, $0x0  }
0x1f: {  	s9 =	smul.u32 $0xF7A, s1;
	s8 =	simm.s32 @!p0 $0x1BF5;
	p2 =	por !p2, p0  }
0x20: {  	[sflag:s8] =	ssyncset.s32 @!p0 $0xFFFFF086;
	s6 =	sadd.s32 @!p0 s3, s7;
	s7 =	simm.s32 @!p0 $0x108  }
0x21: {  	s3 =	sadd.s32 s3, s9;
	s6 =	sadd.s32 @!p0 $0x88, s6;
	s7 =	simm.s32 @p2 $0x1082  }
0x22: {  	[simem:s7], [sflag:s8] =	dma.local @!p0 [hbm:s6], $0xF7A  }
0x23: {  	s9 =	sor.u32 $0xD0000000, s2;
	s6 =	simm.s32 $0x108;
	_ =	swait.ge @!p0 [sflag:s8], $0x0  }
0x24: {  	s3 =	sadd.s32 $0x88, s3;
	s6 =	simm.s32 @!p1 $0x1082;
	[sflag:s4] =	ssyncset.s32 $0xFFFFF086  }
0x25: {  	[simem:s6], [sflag:s4] =	dma.local [hbm:s3], $0xF7A  }
0x26: {  	[smem:$0x3F9D] =	sst s1;
	(tag) =	ssettag s2;
	_ =	strace s9  }
0x27: {  	s1 =	sld [smem:$0x3FAD]  }
0x28: {  	s2 =	sld [smem:$0x3FAE]  }
0x29: {  	s4 =	sld [smem:$0x3FB0]  }
0x2a: {  	p0 =	seq.s32 s5, $0x0;
	s5 =	sld [smem:$0x3FB1]  }
0x2b: {  	s6 =	sld [smem:$0x3FB2]  }
0x2c: {  	s7 =	sld [smem:$0x3FB3]  }
0x2d: {  	s3 =	simm.s32 $0x108;
	s8 =	sld [smem:$0x3FB4]  }
0x2e: {  	s3 =	simm.s32 @!p0 $0x1082;
	s9 =	sld [smem:$0x3FB5]  }
0x2f: {  	lr =	sadd.s32 s0, s3;
	s0 =	sld [smem:$0x3FAC]  }
0x30: {  	s3 =	sld [smem:$0x3FAF]  }
0x31: {  	[smem:$0x3FB8] =	sst s10  }
0x32: {  	s10 =	sld [smem:$0x3FB6];
	_ =	sdelay $0x3  }
0x33: {  	p0 =	seq.s32 s10, $0x1;
	s10 =	sld [smem:$0x3FB8];
	_ =	sdelay $0x3  }
0x34: {  	[smem:$0x3FB8] =	sst s10  }
0x35: {  	s10 =	sld [smem:$0x3FB7];
	_ =	sdelay $0x3  }
0x36: {  	p1 =	seq.s32 s10, $0x1;
	s10 =	sld [smem:$0x3FB8];
	_ =	sdelay $0x3  }
0x37: {  	[smem:$0x3FB8] =	sst s10  }
0x38: {  	s10 =	sld [smem:$0x3FB9]  }
0x39: {  	_ = 	snop;
	(pc) =	sbr.ind lr, $3  }
0x3a: {  	_ = 	snop  }
0x3b: {  	_ = 	snop  }
0x3c: {  	p2 =	seq.s32 s10, $0x1;
	s10 =	sld [smem:$0x3FB8]  }
0x3d: {  	_ =	shalt  }
0x3e: {  	_ =	shalt  }
0x3f: {  	_ =	shalt  }
0x40: {  	_ =	shalt  }
0x41: {  	_ =	shalt  }
0x42: {  	_ =	shalt  }
0x43: {  	_ =	shalt  }
0x44: {  	_ =	shalt  }
0x45: {  	_ =	shalt  }
0x46: {  	_ =	shalt  }
0x47: {  	_ =	shalt  }
0x48: {  	_ =	shalt  }
0x49: {  	_ =	shalt  }
0x4a: {  	_ =	shalt  }
0x4b: {  	_ =	shalt  }
0x4c: {  	_ =	shalt  }
0x4d: {  	_ =	shalt  }
0x4e: {  	_ =	shalt  }
0x4f: {  	_ =	shalt  }
0x50: {  	_ =	shalt  }
0x51: {  	_ =	shalt  }
0x52: {  	_ =	shalt  }
0x53: {  	_ =	shalt  }
0x54: {  	_ =	shalt  }
0x55: {  	_ =	shalt  }
0x56: {  	_ =	shalt  }
0x57: {  	_ =	shalt  }
0x58: {  	_ =	shalt  }
0x59: {  	_ =	shalt  }
0x5a: {  	_ =	shalt  }
0x5b: {  	_ =	shalt  }
0x5c: {  	_ =	shalt  }
0x5d: {  	_ =	shalt  }
0x5e: {  	_ =	shalt  }
0x5f: {  	_ =	shalt  }
0x60: {  	_ =	shalt  }
0x61: {  	_ =	shalt  }
0x62: {  	_ =	shalt  }
0x63: {  	_ =	shalt  }
0x64: {  	_ =	shalt  }
0x65: {  	_ =	shalt  }
0x66: {  	_ =	shalt  }
0x67: {  	_ =	shalt  }
0x68: {  	_ =	shalt  }
0x69: {  	_ =	shalt  }
0x6a: {  	_ =	shalt  }
0x6b: {  	_ =	shalt  }
0x6c: {  	_ =	shalt  }
0x6d: {  	_ =	shalt  }
0x6e: {  	_ =	shalt  }
0x6f: {  	_ =	shalt  }
0x70: {  	_ =	shalt  }
0x71: {  	_ =	shalt  }
0x72: {  	_ =	shalt  }
0x73: {  	_ =	shalt  }
0x74: {  	_ =	shalt  }
0x75: {  	_ =	shalt  }
0x76: {  	_ =	shalt  }
0x77: {  	_ =	shalt  }
0x78: {  	_ =	shalt  }
0x79: {  	_ =	shalt  }
0x7a: {  	_ =	shalt  }
0x7b: {  	_ =	shalt  }
0x7c: {  	_ =	shalt  }
0x7d: {  	_ =	shalt  }
0x7e: {  	_ =	shalt  }
0x7f: {  	_ =	shalt  }
0x80: {  	_ =	shalt  }
0x81: {  	_ =	shalt  }
0x82: {  	_ =	shalt  }
0x83: {  	_ =	shalt  }
0x84: {  	_ =	shalt  }
0x85: {  	_ =	shalt  }
0x86: {  	_ =	shalt  }
0x87: {  	_ =	shalt  }
.Lfunc_end0:
.L_simem_size_0:
called_computation_lowered:
.L_overlay_start_0:
0x88: {  	s2 =	sld [smem:$0x3FD9]  }
0x89: {  	s3 =	sld [smem:$0x3FFE];
	_ =	sdelay $0x1  }
0x8a: {  	s1 =	srdreg.scid  }
0x8b: {  	s0 =	sand.u32 $0x1, s1  }
0x8c: {  	s16 =	sshll.u32 s0, $0xA;
	s2 =	sadd.s32 s3, s2  }
0x8d: {  	s2 =	sadd.s32 s2, s16  }
0x8e: {  	[smem:$0x3FC4] =	sst s2  }
0x8f: {  	_ = 	snop  }
0x90: {  	(tm) =	ssettm $0x1  }
0x91: {  	s17 =	sld [smem:$0x3FFB];
	_ =	sdelay $0x3  }
0x92: {  	_ =	strace s17  }
0x93: {  	s2 =	sld [smem:$0x3FFC];
	_ =	sdelay $0x3  }
0x94: {  	_ =	strace s2  }
0x95: {  	s2 =	sld [smem:$0x3FFD];
	_ =	sdelay $0x3  }
0x96: {  	_ =	strace s2  }
0x97: {  	_ =	strace $0x8FFFFFFF  }
0x98: {  	s18 =	sld [smem:$0x3FDB];
	_ =	sdelay $0x1  }
0x99: {  	s19 =	simm.s32 $_scs_section_size  }
0x9a: {  	s4 =	simm.s32 $_size__tile_overlayer_lowered;
	s5 =	simm.s32 $_tile_overlayer_lowered  }
0x9b: {  	s22 =	simm.s32 $0x1BFF;
	s21 =	sshll.u32 s5, $0x1;
	s2 =	sadd.s32 s19, s18  }
0x9c: {  	s6 =	simm.s32 $0x0;
	s20 =	sshll.u32 s4, $0x1;
	s4 =	sadd.s32 s21, s2  }
0x9d: {  	[timem:s6], [sflag:s22] =	dma.local [hbm:s4], s20  }
0x9e: {  	_ =	swait.ge [sflag:s22], s20  }
0x9f: {  	s3 =	ssub.s32 $0x0, s20;
	[sflag:s22] =	ssyncset.done $0x0  }
0xa0: {  	[sflag:s22] =	ssyncadd.s32 s3;
	_ =	sdelay $0x1  }
0xa1: {  	s23 =	simm.s32 $0x1B8B  }
0xa2: {  	_ =	swait.ge [sflag:s23], $0x1  }
0xa3: {  	[sflag:s23] =	ssyncset.done $0x0  }
0xa4: {  	s25 =	simm.s32 $0x1B8E;
	s24 =	sld [smem:$0x3FFE];
	[sflag:s23] =	ssyncadd.s32 $0xFFFFFFFF  }
0xa5: {  	s26 =	simm.s32 $execute0_lowered;
	[smem:$0x3FD2] =	sst s25  }
0xa6: {  	s4 =	sshll.u32 s26, $0x1;
	_ =	strace $0x80000046;
	[dreg:$0x1] =	wrdreg $0xFFFFFFFF  }
0xa7: {  	s28 =	simm.s32 $_size_execute0_lowered;
	s2 =	sadd.s32 s2, s4;
	[dreg:$0x0] =	wrdreg $0x0  }
0xa8: {  	s4 =	sshll.u32 s28, $0x1;
	[dreg:$0x2] =	wrdreg s2  }
0xa9: {  	[dreg:$0x3] =	wrdreg s4  }
0xaa: {  	[dreg:$0x4] =	wrdreg $0xC0  }
0xab: {  	_ =	task [dreg:s6], $0x5FFFF  }
0xac: {  	[dreg:$0x1] =	wrdreg $0xFFFFFFFF  }
0xad: {  	[dreg:$0x0] =	wrdreg $0x60  }
0xae: {  	[dreg:$0x2] =	wrdreg s24  }
0xaf: {  	[dreg:$0x3] =	wrdreg $0x9  }
0xb0: {  	_ =	task.clear_ibuf [dreg:s6], $0x4FFFF;
	_ =	strace $0x90000046  }
0xb1: {  	s29 =	simm.s32 $0x9;
	_ =	strace $0x80000048  }
0xb2: {  	_ =	swait.ge [sflag:s29], $0x1  }
0xb3: {  	[sflag:s29] =	ssyncadd.s32 $0xFFFFFFFF  }
0xb4: {  	_ =	strace $0x90000048  }
0xb5: {  	_ =	sfence  }
0xb6: {  	s30 =	sld [smem:$0x0];
	_ =	sdelay $0x2  }
0xb7: {  	s31 =	sshll.u32 s1, $0xD;
	s1 =	sshrl.u32 s1, $0x2  }
0xb8: {  	s3 =	sand.u32 $0x4000, s31;
	s1 =	sadd.s32 s1, s30  }
0xb9: {  	s0 =	sor.u32 s3, s0;
	s1 =	sshll.u32 s1, $0x11  }
0xba: {  	s0 =	sor.u32 s1, s0  }
0xbb: {  	s0 =	sadd.s32 $0x8F2B, s0  }
0xbc: {  	[sflag:s0] =	ssyncadd.remote.s32 $0x1  }
0xbd: {  	_ =	sfence.sel $0xFFFF  }
0xbe: {  	[dreg:$0x0] =	wrdreg $0xFFFFFFFF;
	(pc) =	sbr.abs _section_cstart, $3  }
0xbf: {  	[dreg:$0x1] =	wrdreg $0xFFFFFFFF  }
0xc0: {  	_ =	task.clear_ibuf [dreg:s6], $0x2FFFF;
	_ =	strace $0x9FFFFFFF  }
0xc1: {  	(tm) =	ssettm $0x7FFFFFFF  }
tec
execute0_lowered:
.L_overlay_start_1:
0x0: {  	(tag) =	ssettag $0x1  }
0x1: {  	s1 =	stileid.u32  }
0x2: {  	p0 =	sgt.u32 s1, $0x7  }
.Ltmp0:
0x3: {  	_ = 	snop;
	(pc) =	sbr.rel @p0 .LBB2_25-.Ltmp0, $4  }
0x4: {  	_ = 	snop  }
0x5: {  	s2 =	simm.s32 $0x0  }
0x6: {  	[smem:$0x7FF] =	sst s2  }
0x7: {  	s0 =	rddreg [dreg:$0x0];
	_ =	strace $0x80000047  }
0x8: {  	s1 =	srdreg.scid;
	s3 =	stileid.u32  }
0x9: {  	s1 =	sand.u32 $0x1, s1;
	s2 =	sshll.u32 s3, $0x1  }
0xa: {  	s3 =	sshrl.u32 s3, $0x2;
	s2 =	sor.u32 s1, s2  }
0xb: {  	s6 =	sadd.s32 $0xC000, s0;
	s5 =	smul.u32 $0x30000, s3;
	s4 =	sshll.u32 s2, $0x7  }
0xc: {  	[dreg:$0x2] =	wrdreg s6;
	s3 =	sshll.u32 s3, $0xA;
	s4 =	sand.u32 $0x380, s4  }
0xd: {  	s1 =	ssub.s32 $0x2, s1;
	s3 =	sor.u32 s3, s4;
	s4 =	sor.u32 s5, s4  }
.Ltmp1:
0xe: {  	s28 =	sshrl.u32 s1, $0x1;
	s4 =	sshrl.u32 s4, $0x3;
	(pc) =	sbr.rel .LBB2_2-.Ltmp1, $4  }
0xf: {  	v0 =	vlaneseq.u32;
	v3 =	vmov s2;
	s30 =	ssub.s32 s1, s28;
	s3 =	sshrl.u32 s3, $0x3;
	s29 =	sadd.s32 s0, s4  }
0x10: {  	v5 =	vimm.s32 $0x0;
	v4 =	vmul.u32 $0xFFFFFFFF, v0;
	vm0 =	veq.s32 v3, v0;
	s3 =	sadd.s32 s3, s0;
	s0 =	smax.u32 s30, $0x1;
	[dreg:$0x3] =	wrdreg s29  }
0x11: {  	s7 =	simm.s32 $0x1;
	v1 =	vimm.f32 $0.0e+00;
	v5 =	vsel vm0, $0xFFFFFFFF, v5;
	s31 =	sadd.s32 $0xC400, s3;
	[dreg:$0x5] =	wrdreg s0  }
0x12: {  	v2 =	vimm.f32 $1.000000000e+00;
	s11 =	simm.s32 $0x6000;
	v4 =	vadd.s32 $0xF, v4;
	v3 =	vmul.u32 $0x10, v0;
	[tilespmem:$0x1FFF0] =	vst v5;
	s3 =	simm.s32 $0x0;
	[dreg:$0x4] =	wrdreg s31  }
.LBB2_20:
0x13: {  	v5 =	vimm.f32 $0.0e+00;
	s3 =	rddreg [dreg:$0x6]  }
.LBB2_24:
0x14: {  	(xrf2) =	vadd.scan.msk.f32 $0xffff, v7  }
0x15: {  	(xrf2) =	vadd.scan.msk.f32 $0xffff, v5;
	_ =	sdelay $0x8  }
0x16: {  	v5, _, _ =	vpop (xrf2)  }
0x17: {  	(v2sf) =	vpush v5, $0xF;
	v5, _, _ =	vpop (xrf2)  }
0x18: {  	(v2sf) =	vpush v5, $0xF;
	_ =	sdelay $0xd  }
0x19: {  	s0 =	spop (v2sf)  }
0x1a: {  	s1 =	spop (v2sf)  }
0x1b: {  	s1 =	ssub.f32 s14, s1;
	_ =	sdelay $0x1  }
0x1c: {  	s0 =	sadd.f32 s0, s17;
	s1 =	smul.f32 s16, s1  }
0x1d: {  	_ = 	snop  }
0x1e: {  	s0 =	sadd.f32 s1, s0;
	_ =	sdelay $0x1  }
0x1f: {  	v5 =	vmov s0  }
0x20: {  	v5 =	vadd.f32 $0.0e+00, v5;
	_ =	sdelay $0x1  }
0x21: {  	v5 =	vbroadcast v5, $0x0;
	_ =	sdelay $0x1  }
0x22: {  	s29 =	simm.s32 $0x0;
	s30 =	rddreg [dreg:$0x4];
	s2 =	simm.s32 $0x14100;
	[tilespmem:$0x14100] =	vst v5  }
0x23: {  	[hbm4b:s30+s29] =	stream.linear.scatter [tilespmem:s2], [sflag:$0x1], $0x80, $0x38;
	[tilespmem:$0x14180] =	vst v63  }
0x24: {  	_ =	swait.ge [sflag:s7], $0x80  }
0x25: {  	s3 =	sadd.s32 $0x1, s3;
	s31 =	rddreg [dreg:$0x5]  }
0x26: {  	p0 =	sne.s32 s3, s31  }
.Ltmp2:
0x27: {  	_ = 	snop;
	(pc) =	sbr.rel @!p0 .LBB2_25-.Ltmp2, $3  }
0x28: {  	_ =	sdelay $0x1  }
0x29: {  	[sflag:s7] =	ssyncset.done $0x0  }
0x2a: {  	[sflag:s7] =	ssyncadd.s32 $0xFFFFFF80  }
.LBB2_2:
0x2b: {  	[dreg:$0x6] =	wrdreg s3  }
0x2c: {  	s14 =	simm.s32 $0x0;
	s0 =	rddreg [dreg:$0x2];
	s1 =	simm.s32 $0x14080  }
0x2d: {  	[tilespmem:s1], [sflag:$0x1] =	stream.linear.gather [hbm4b:s0+s14], $0x80, $0x38;
	[tilespmem:$0x14180] =	vst v63  }
0x2e: {  	_ =	swait.ge [sflag:s7], $0x80  }
0x2f: {  	s31 =	simm.s32 $0x80;
	[sflag:s7] =	ssyncset.done $0x0  }
0x30: {  	s2 =	simm.s32 $0x400;
	s30 =	rddreg [dreg:$0x3];
	[sflag:s7] =	ssyncadd.s32 $0xFFFFFF80  }
0x31: {  	[tilespmem:s14], [sflag:$0x1] =	stream.strided.gather [hbm4b:s30+s31], $0x6000, s2, s31, $0x38;
	[tilespmem:$0x14180] =	vst v63  }
0x32: {  	_ =	swait.ge [sflag:s7], $0x6000  }
0x33: {  	[sflag:s7] =	ssyncset.done $0x0  }
0x34: {  	[sflag:s7] =	ssyncadd.s32 $0xFFFFA000  }
0x35: {  	s0 =	simm.s32 $0x0;
	s1 =	simm.s32 $0x400;
	v5 =	vld [tilespmem:$0x14080]  }
.LBB2_3:
0x36: {  	p0 =	seq.s32 s1, $0x1FC00;
	[tilespmem:s0+$0x60F0] =	vst v1  }
0x37: {  	[tilespmem:s0+$0x6000] =	vst v1  }
0x38: {  	[tilespmem:s0+$0x6010] =	vst v1  }
0x39: {  	[tilespmem:s0+$0x6020] =	vst v1  }
0x3a: {  	[tilespmem:s0+$0x6030] =	vst v1  }
0x3b: {  	[tilespmem:s0+$0x6040] =	vst v1  }
0x3c: {  	[tilespmem:s0+$0x6050] =	vst v1  }
0x3d: {  	[tilespmem:s0+$0x6060] =	vst v1  }
0x3e: {  	[tilespmem:s0+$0x6070] =	vst v1  }
0x3f: {  	[tilespmem:s0+$0x6080] =	vst v1  }
0x40: {  	[tilespmem:s0+$0x6090] =	vst v1  }
.Ltmp3:
0x41: {  	[tilespmem:s0+$0x60A0] =	vst v1;
	(pc) =	sbr.rel @!p0 .LBB2_3-.Ltmp3, $4  }
0x42: {  	[tilespmem:s0+$0x60B0] =	vst v1  }
0x43: {  	[tilespmem:s0+$0x60C0] =	vst v1  }
0x44: {  	[tilespmem:s0+$0x60D0] =	vst v1  }
0x45: {  	[tilespmem:s0+$0x60E0] =	vst v1;
	s0 =	sshra.s32 s1, $0x2;
	s1 =	sadd.s32 $0x400, s1  }
0x46: {  	[tilespmem:s0+$0x60F0] =	vst v1  }
0x47: {  	[tilespmem:s0+$0x6000] =	vst v1  }
0x48: {  	[tilespmem:s0+$0x6010] =	vst v1  }
0x49: {  	[tilespmem:s0+$0x6020] =	vst v1  }
0x4a: {  	[tilespmem:s0+$0x6030] =	vst v1  }
0x4b: {  	[tilespmem:s0+$0x6040] =	vst v1  }
0x4c: {  	[tilespmem:s0+$0x6050] =	vst v1  }
0x4d: {  	[tilespmem:s0+$0x6060] =	vst v1  }
0x4e: {  	[tilespmem:s0+$0x6070] =	vst v1  }
0x4f: {  	[tilespmem:s0+$0x6080] =	vst v1  }
0x50: {  	[tilespmem:s0+$0x6090] =	vst v1  }
0x51: {  	[tilespmem:s0+$0x60A0] =	vst v1  }
0x52: {  	[tilespmem:s0+$0x60B0] =	vst v1  }
0x53: {  	[tilespmem:s0+$0x60C0] =	vst v1  }
0x54: {  	[tilespmem:s0+$0x60D0] =	vst v1  }
0x55: {  	[tilespmem:s0+$0x60E0] =	vst v1  }
.LBB2_5:
0x56: {  	s0 =	sshra.s32 s14, $0x2  }
0x57: {  	v6 =	vld [tilespmem:s0+$0x0];
	_ =	sdelay $0x4  }
0x58: {  	v6 =	vshrl.u32 v6, $0x10  }
0x59: {  	v6 =	vand.u32 $0xFFF0, v6  }
0x5a: {  	v6 =	vor.u32 v0, v6;
	_ =	sdelay $0x4  }
0x5b: {  	[tilespmem:v6+s11+$0x0] =	vst.idx.add.f32.msk $0xffff, v2  }
0x5c: {  	v6 =	vld [tilespmem:s0+$0x10];
	_ =	sdelay $0x4  }
0x5d: {  	v6 =	vshrl.u32 v6, $0x10  }
0x5e: {  	v6 =	vand.u32 $0xFFF0, v6  }
0x5f: {  	v6 =	vor.u32 v0, v6;
	_ =	sdelay $0x4  }
0x60: {  	[tilespmem:v6+s11+$0x0] =	vst.idx.add.f32.msk $0xffff, v2  }
0x61: {  	v6 =	vld [tilespmem:s0+$0x20];
	_ =	sdelay $0x4  }
0x62: {  	v6 =	vshrl.u32 v6, $0x10  }
0x63: {  	v6 =	vand.u32 $0xFFF0, v6  }
0x64: {  	v6 =	vor.u32 v0, v6;
	_ =	sdelay $0x4  }
0x65: {  	[tilespmem:v6+s11+$0x0] =	vst.idx.add.f32.msk $0xffff, v2  }
0x66: {  	v6 =	vld [tilespmem:s0+$0x30];
	_ =	sdelay $0x4  }
0x67: {  	v6 =	vshrl.u32 v6, $0x10  }
0x68: {  	v6 =	vand.u32 $0xFFF0, v6  }
0x69: {  	v6 =	vor.u32 v0, v6;
	_ =	sdelay $0x4  }
0x6a: {  	[tilespmem:v6+s11+$0x0] =	vst.idx.add.f32.msk $0xffff, v2  }
0x6b: {  	v6 =	vld [tilespmem:s0+$0x40];
	_ =	sdelay $0x4  }
0x6c: {  	v6 =	vshrl.u32 v6, $0x10  }
0x6d: {  	v6 =	vand.u32 $0xFFF0, v6  }
0x6e: {  	v6 =	vor.u32 v0, v6;
	_ =	sdelay $0x4  }
0x6f: {  	[tilespmem:v6+s11+$0x0] =	vst.idx.add.f32.msk $0xffff, v2  }
0x70: {  	v6 =	vld [tilespmem:s0+$0x50];
	_ =	sdelay $0x4  }
0x71: {  	v6 =	vshrl.u32 v6, $0x10  }
0x72: {  	v6 =	vand.u32 $0xFFF0, v6  }
0x73: {  	v6 =	vor.u32 v0, v6;
	_ =	sdelay $0x4  }
0x74: {  	[tilespmem:v6+s11+$0x0] =	vst.idx.add.f32.msk $0xffff, v2  }
0x75: {  	v6 =	vld [tilespmem:s0+$0x60];
	_ =	sdelay $0x4  }
0x76: {  	v6 =	vshrl.u32 v6, $0x10  }
0x77: {  	v6 =	vand.u32 $0xFFF0, v6  }
0x78: {  	v6 =	vor.u32 v0, v6;
	_ =	sdelay $0x4  }
0x79: {  	[tilespmem:v6+s11+$0x0] =	vst.idx.add.f32.msk $0xffff, v2  }
0x7a: {  	v6 =	vld [tilespmem:s0+$0x70];
	_ =	sdelay $0x4  }
0x7b: {  	v6 =	vshrl.u32 v6, $0x10  }
0x7c: {  	v6 =	vand.u32 $0xFFF0, v6  }
0x7d: {  	v6 =	vor.u32 v0, v6;
	_ =	sdelay $0x4  }
0x7e: {  	[tilespmem:v6+s11+$0x0] =	vst.idx.add.f32.msk $0xffff, v2  }
0x7f: {  	v6 =	vld [tilespmem:s0+$0x80];
	_ =	sdelay $0x4  }
0x80: {  	v6 =	vshrl.u32 v6, $0x10  }
0x81: {  	v6 =	vand.u32 $0xFFF0, v6  }
0x82: {  	v6 =	vor.u32 v0, v6;
	_ =	sdelay $0x4  }
0x83: {  	[tilespmem:v6+s11+$0x0] =	vst.idx.add.f32.msk $0xffff, v2  }
0x84: {  	v6 =	vld [tilespmem:s0+$0x90];
	_ =	sdelay $0x4  }
0x85: {  	v6 =	vshrl.u32 v6, $0x10  }
0x86: {  	v6 =	vand.u32 $0xFFF0, v6  }
0x87: {  	v6 =	vor.u32 v0, v6;
	_ =	sdelay $0x4  }
0x88: {  	[tilespmem:v6+s11+$0x0] =	vst.idx.add.f32.msk $0xffff, v2  }
0x89: {  	v6 =	vld [tilespmem:s0+$0xA0];
	_ =	sdelay $0x4  }
0x8a: {  	v6 =	vshrl.u32 v6, $0x10  }
0x8b: {  	v6 =	vand.u32 $0xFFF0, v6  }
0x8c: {  	v6 =	vor.u32 v0, v6;
	_ =	sdelay $0x4  }
0x8d: {  	[tilespmem:v6+s11+$0x0] =	vst.idx.add.f32.msk $0xffff, v2  }
0x8e: {  	v6 =	vld [tilespmem:s0+$0xB0];
	_ =	sdelay $0x4  }
0x8f: {  	v6 =	vshrl.u32 v6, $0x10  }
0x90: {  	v6 =	vand.u32 $0xFFF0, v6  }
0x91: {  	v6 =	vor.u32 v0, v6;
	_ =	sdelay $0x4  }
0x92: {  	[tilespmem:v6+s11+$0x0] =	vst.idx.add.f32.msk $0xffff, v2  }
0x93: {  	v6 =	vld [tilespmem:s0+$0xC0];
	_ =	sdelay $0x4  }
0x94: {  	v6 =	vshrl.u32 v6, $0x10  }
0x95: {  	v6 =	vand.u32 $0xFFF0, v6  }
0x96: {  	v6 =	vor.u32 v0, v6;
	_ =	sdelay $0x4  }
0x97: {  	[tilespmem:v6+s11+$0x0] =	vst.idx.add.f32.msk $0xffff, v2  }
0x98: {  	v6 =	vld [tilespmem:s0+$0xD0];
	_ =	sdelay $0x4  }
0x99: {  	v6 =	vshrl.u32 v6, $0x10  }
0x9a: {  	v6 =	vand.u32 $0xFFF0, v6  }
0x9b: {  	v6 =	vor.u32 v0, v6;
	_ =	sdelay $0x4  }
0x9c: {  	[tilespmem:v6+s11+$0x0] =	vst.idx.add.f32.msk $0xffff, v2  }
0x9d: {  	v6 =	vld [tilespmem:s0+$0xE0];
	_ =	sdelay $0x4  }
0x9e: {  	v6 =	vshrl.u32 v6, $0x10  }
0x9f: {  	v6 =	vand.u32 $0xFFF0, v6  }
0xa0: {  	v6 =	vor.u32 v0, v6;
	_ =	sdelay $0x4  }
0xa1: {  	[tilespmem:v6+s11+$0x0] =	vst.idx.add.f32.msk $0xffff, v2  }
0xa2: {  	v6 =	vld [tilespmem:s0+$0xF0];
	_ =	sdelay $0x4  }
0xa3: {  	v6 =	vshrl.u32 v6, $0x10  }
0xa4: {  	v6 =	vand.u32 $0xFFF0, v6  }
0xa5: {  	p0 =	seq.s32 s14, $0x17C00;
	v6 =	vor.u32 v0, v6  }
.Ltmp4:
0xa6: {  	_ = 	snop;
	(pc) =	sbr.rel @!p0 .LBB2_5-.Ltmp4, $2  }
0xa7: {  	_ =	sdelay $0x2  }
0xa8: {  	s14 =	sadd.s32 $0x400, s14;
	[tilespmem:v6+s11+$0x0] =	vst.idx.add.f32.msk $0xffff, v2  }
0xa9: {  	s23 =	simm.s32 $0x7F0  }
0xaa: {  	v6 =	vmov s23  }
0xab: {  	v6 =	vshll.u32 v6, $0x4  }
0xac: {  	v6 =	vor.u32 v3, v6;
	_ =	sdelay $0x1  }
0xad: {  	v7 =	vor.u32 $0x1, v6;
	_ =	sdelay $0x1  }
0xae: {  	v8 =	vor.u32 $0x2, v6  }
0xaf: {  	v9 =	vld.idx.msk [tilespmem:v6+s11+$0x0], $0xffff  }
0xb0: {  	v10 =	vor.u32 $0x3, v6  }
0xb1: {  	v7 =	vld.idx.msk [tilespmem:v7+s11+$0x0], $0xffff  }
0xb2: {  	v11 =	vor.u32 $0x4, v6  }
0xb3: {  	v8 =	vld.idx.msk [tilespmem:v8+s11+$0x0], $0xffff  }
0xb4: {  	v12 =	vor.u32 $0x5, v6;
	v9 =	vadd.f32 $0.0e+00, v9  }
0xb5: {  	s17 =	simm.s32 $0x7E0;
	v10 =	vld.idx.msk [tilespmem:v10+s11+$0x0], $0xffff  }
0xb6: {  	v13 =	vmov s17;
	v7 =	vadd.f32 v7, v9;
	v9 =	vor.u32 $0x6, v6  }
0xb7: {  	v13 =	vshll.u32 v13, $0x4;
	v14 =	vor.u32 $0x7, v6;
	v11 =	vld.idx.msk [tilespmem:v11+s11+$0x0], $0xffff  }
0xb8: {  	v7 =	vadd.f32 v8, v7;
	v8 =	vor.u32 v3, v13  }
0xb9: {  	v12 =	vld.idx.msk [tilespmem:v12+s11+$0x0], $0xffff;
	v13 =	vor.u32 $0x8, v6  }
0xba: {  	v15 =	vor.u32 $0x1, v8;
	v7 =	vadd.f32 v10, v7  }
0xbb: {  	v16 =	vor.u32 $0x2, v8;
	v9 =	vld.idx.msk [tilespmem:v9+s11+$0x0], $0xffff  }
0xbc: {  	v10 =	vor.u32 $0x9, v6;
	v7 =	vadd.f32 v11, v7;
	v11 =	vld.idx.msk [tilespmem:v14+s11+$0x0], $0xffff  }
0xbd: {  	v18 =	vor.u32 $0x3, v8;
	v14 =	vld.idx.msk [tilespmem:v8+s11+$0x0], $0xffff  }
0xbe: {  	v17 =	vor.u32 $0xA, v6;
	v7 =	vadd.f32 v12, v7;
	v12 =	vld.idx.msk [tilespmem:v13+s11+$0x0], $0xffff  }
0xbf: {  	v13 =	vor.u32 $0xB, v6;
	v15 =	vld.idx.msk [tilespmem:v15+s11+$0x0], $0xffff  }
0xc0: {  	v19 =	vor.u32 $0x4, v8;
	v16 =	vld.idx.msk [tilespmem:v16+s11+$0x0], $0xffff  }
0xc1: {  	v7 =	vadd.f32 v9, v7;
	v9 =	vld.idx.msk [tilespmem:v10+s11+$0x0], $0xffff;
	v10 =	vor.u32 $0xC, v6  }
0xc2: {  	v5 =	vnsel vm0, $0x0, v5;
	v20 =	vor.u32 $0x5, v8;
	v18 =	vld.idx.msk [tilespmem:v18+s11+$0x0], $0xffff  }
0xc3: {  	(xrf2) =	vadd.scan.msk.f32 $0xffff, v5;
	v7 =	vadd.f32 v11, v7;
	v11 =	vld.idx.msk [tilespmem:v17+s11+$0x0], $0xffff;
	v17 =	vor.u32 $0xD, v6;
	v14 =	vadd.f32 $0.0e+00, v14  }
0xc4: {  	v22 =	vor.u32 $0x6, v8;
	v13 =	vld.idx.msk [tilespmem:v13+s11+$0x0], $0xffff  }
0xc5: {  	s18 =	simm.s32 $0x7D0;
	v7 =	vadd.f32 v12, v7;
	v12 =	vor.u32 $0xE, v6;
	v14 =	vadd.f32 v15, v14;
	v15 =	vld.idx.msk [tilespmem:v19+s11+$0x0], $0xffff  }
0xc6: {  	v21 =	vmov s18;
	v6 =	vor.u32 $0xF, v6;
	v19 =	vor.u32 $0x7, v8;
	v10 =	vld.idx.msk [tilespmem:v10+s11+$0x0], $0xffff  }
0xc7: {  	v7 =	vadd.f32 v9, v7;
	v9 =	vshll.u32 v21, $0x4;
	v14 =	vadd.f32 v16, v14;
	v16 =	vld.idx.msk [tilespmem:v20+s11+$0x0], $0xffff  }
0xc8: {  	v17 =	vld.idx.msk [tilespmem:v17+s11+$0x0], $0xffff;
	v9 =	vor.u32 v3, v9  }
0xc9: {  	v7 =	vadd.f32 v11, v7;
	v11 =	vor.u32 $0x8, v8;
	v14 =	vadd.f32 v18, v14;
	v18 =	vld.idx.msk [tilespmem:v22+s11+$0x0], $0xffff  }
0xca: {  	v20 =	vor.u32 $0x1, v9;
	v12 =	vld.idx.msk [tilespmem:v12+s11+$0x0], $0xffff  }
0xcb: {  	v6 =	vld.idx.msk [tilespmem:v6+s11+$0x0], $0xffff;
	v7 =	vadd.f32 v13, v7;
	v13 =	vor.u32 $0x9, v8  }
0xcc: {  	v21 =	vor.u32 $0x2, v9;
	v14 =	vadd.f32 v15, v14;
	v15 =	vld.idx.msk [tilespmem:v19+s11+$0x0], $0xffff  }
0xcd: {  	v5, _, _ =	vpop (xrf2);
	v19 =	vor.u32 $0xA, v8;
	v7 =	vadd.f32 v10, v7;
	v10 =	vld.idx.msk [tilespmem:v9+s11+$0x0], $0xffff  }
0xce: {  	(v2sf) =	vpush v5, $0xF;
	v14 =	vadd.f32 v16, v14;
	v16 =	vor.u32 $0xB, v8;
	v11 =	vld.idx.msk [tilespmem:v11+s11+$0x0], $0xffff  }
0xcf: {  	v7 =	vadd.f32 v17, v7;
	v17 =	vld.idx.msk [tilespmem:v20+s11+$0x0], $0xffff;
	v20 =	vor.u32 $0x3, v9  }
0xd0: {  	v14 =	vadd.f32 v18, v14;
	v18 =	vor.u32 $0xC, v8;
	v13 =	vld.idx.msk [tilespmem:v13+s11+$0x0], $0xffff  }
0xd1: {  	v7 =	vadd.f32 v12, v7;
	v12 =	vld.idx.msk [tilespmem:v21+s11+$0x0], $0xffff;
	v21 =	vor.u32 $0x4, v9  }
0xd2: {  	v14 =	vadd.f32 v15, v14;
	v15 =	vld.idx.msk [tilespmem:v19+s11+$0x0], $0xffff;
	v19 =	vor.u32 $0xD, v8  }
0xd3: {  	v16 =	vld.idx.msk [tilespmem:v16+s11+$0x0], $0xffff;
	v6 =	vadd.f32 v6, v7;
	v7 =	vadd.f32 $0.0e+00, v10;
	v10 =	vor.u32 $0x5, v9  }
0xd4: {  	v11 =	vadd.f32 v11, v14;
	v14 =	vor.u32 $0xE, v8;
	v20 =	vld.idx.msk [tilespmem:v20+s11+$0x0], $0xffff  }
0xd5: {  	s19 =	simm.s32 $0x7C0;
	v8 =	vor.u32 $0xF, v8;
	v18 =	vld.idx.msk [tilespmem:v18+s11+$0x0], $0xffff;
	v6 =	vperm.xlane v6, v4  }
0xd6: {  	v22 =	vmov s19;
	v23 =	vor.u32 $0x6, v9;
	v7 =	vadd.f32 v17, v7;
	v17 =	vld.idx.msk [tilespmem:v21+s11+$0x0], $0xffff  }
0xd7: {  	v11 =	vadd.f32 v13, v11;
	v13 =	vshll.u32 v22, $0x4;
	v21 =	vor.u32 $0x7, v9;
	v19 =	vld.idx.msk [tilespmem:v19+s11+$0x0], $0xffff;
	(xrf2) =	vadd.scan.msk.f32 $0xffff, v6  }
0xd8: {  	v7 =	vadd.f32 v12, v7;
	v12 =	vor.u32 v3, v13;
	v10 =	vld.idx.msk [tilespmem:v10+s11+$0x0], $0xffff  }
0xd9: {  	v11 =	vadd.f32 v15, v11;
	v13 =	vor.u32 $0x8, v9;
	v14 =	vld.idx.msk [tilespmem:v14+s11+$0x0], $0xffff  }
0xda: {  	v15 =	vor.u32 $0x1, v12;
	v8 =	vld.idx.msk [tilespmem:v8+s11+$0x0], $0xffff;
	v7 =	vadd.f32 v20, v7  }
0xdb: {  	v22 =	vor.u32 $0x2, v12;
	v20 =	vld.idx.msk [tilespmem:v23+s11+$0x0], $0xffff;
	v11 =	vadd.f32 v16, v11  }
0xdc: {  	v16 =	vor.u32 $0x9, v9;
	v7 =	vadd.f32 v17, v7;
	v17 =	vld.idx.msk [tilespmem:v21+s11+$0x0], $0xffff  }
0xdd: {  	s0 =	spop (v2sf);
	v11 =	vadd.f32 v18, v11;
	v21 =	vor.u32 $0xA, v9;
	v18 =	vld.idx.msk [tilespmem:v12+s11+$0x0], $0xffff  }
0xde: {  	s0 =	smul.f32 $3.000000000e+00, s0;
	v23 =	vor.u32 $0x4, v12;
	v7 =	vadd.f32 v10, v7;
	v10 =	vld.idx.msk [tilespmem:v13+s11+$0x0], $0xffff  }
0xdf: {  	s20 =	simm.s32 $0x7B0;
	v11 =	vadd.f32 v19, v11;
	v15 =	vld.idx.msk [tilespmem:v15+s11+$0x0], $0xffff;
	v19 =	vor.u32 $0x3, v12  }
0xe0: {  	v25 =	vmov s20;
	s0 =	smin.f32 s0, $2.456300000e+04;
	v13 =	vor.u32 $0xB, v9;
	v22 =	vld.idx.msk [tilespmem:v22+s11+$0x0], $0xffff;
	v7 =	vadd.f32 v20, v7  }
0xe1: {  	v5 =	vmov s0;
	v16 =	vld.idx.msk [tilespmem:v16+s11+$0x0], $0xffff;
	v20 =	vor.u32 $0xC, v9;
	v11 =	vadd.f32 v14, v11;
	v14, _, _ =	vpop (xrf2)  }
0xe2: {  	v7 =	vadd.f32 v17, v7;
	v17 =	vld.idx.msk [tilespmem:v21+s11+$0x0], $0xffff;
	v21 =	vor.u32 $0xD, v9;
	(v2sf) =	vpush v14, $0xF  }
0xe3: {  	s15 =	simm.f32 $0.0e+00;
	v23 =	vld.idx.msk [tilespmem:v23+s11+$0x0], $0xffff;
	v8 =	vadd.f32 v8, v11;
	v11 =	vadd.f32 $0.0e+00, v18;
	v18 =	vor.u32 $0x5, v12  }
0xe4: {  	v19 =	vld.idx.msk [tilespmem:v19+s11+$0x0], $0xffff;
	v24 =	vadd.f32 s15, v14;
	v7 =	vadd.f32 v10, v7;
	v10 =	vor.u32 $0xE, v9  }
0xe5: {  	v13 =	vld.idx.msk [tilespmem:v13+s11+$0x0], $0xffff;
	v8 =	vperm.xlane v8, v4;
	v11 =	vadd.f32 v15, v11;
	v15 =	vor.u32 $0x6, v12  }
0xe6: {  	v9 =	vor.u32 $0xF, v9;
	v20 =	vld.idx.msk [tilespmem:v20+s11+$0x0], $0xffff;
	vm1 =	vge.f32 v24, v5;
	v16 =	vadd.f32 v16, v7  }
0xe7: {  	v24 =	vor.u32 $0x7, v12;
	v7 =	vshll.u32 v25, $0x4;
	v11 =	vadd.f32 v22, v11;
	v21 =	vld.idx.msk [tilespmem:v21+s11+$0x0], $0xffff  }
0xe8: {  	v6 =	vsub.f32 v14, v6;
	v7 =	vor.u32 v3, v7;
	v18 =	vld.idx.msk [tilespmem:v18+s11+$0x0], $0xffff;
	v16 =	vadd.f32 v17, v16  }
0xe9: {  	(xrf2) =	vadd.scan.msk.f32 $0xffff, v8;
	v22 =	vor.u32 $0x8, v12;
	v17 =	vmpcnt.ones.xlane vm1;
	v11 =	vadd.f32 v19, v11;
	v10 =	vld.idx.msk [tilespmem:v10+s11+$0x0], $0xffff  }
0xea: {  	v25 =	vmctz.xlane vm1;
	v19 =	vor.u32 $0x1, v7;
	v15 =	vld.idx.msk [tilespmem:v15+s11+$0x0], $0xffff;
	v13 =	vadd.f32 v13, v16  }
0xeb: {  	v9 =	vld.idx.msk [tilespmem:v9+s11+$0x0], $0xffff;
	(v2sf) =	vpush v17, $0x0;
	v16 =	vor.u32 $0x9, v12;
	v11 =	vadd.f32 v23, v11  }
0xec: {  	v17 =	vbroadcast v25, $0x0;
	v23 =	vor.u32 $0x2, v7;
	v24 =	vld.idx.msk [tilespmem:v24+s11+$0x0], $0xffff;
	v13 =	vadd.f32 v20, v13  }
0xed: {  	(v2sf) =	vpush v25, $0x0;
	v14 =	vld.idx.msk [tilespmem:v7+s11+$0x0], $0xffff;
	v20 =	vor.u32 $0xA, v12;
	v11 =	vadd.f32 v18, v11  }
0xee: {  	vm1 =	veq.s32 v17, v0;
	v17 =	vld.idx.msk [tilespmem:v22+s11+$0x0], $0xffff;
	v18 =	vor.u32 $0xB, v12;
	v13 =	vadd.f32 v21, v13  }
0xef: {  	s21 =	simm.s32 $0x7A0;
	v19 =	vld.idx.msk [tilespmem:v19+s11+$0x0], $0xffff;
	v6 =	vnsel vm1, $0x0, v6;
	v21 =	vor.u32 $0x3, v7;
	v11 =	vadd.f32 v15, v11  }
0xf0: {  	(xrf2) =	vadd.scan.msk.f32 $0xffff, v6;
	v6 =	vmov s21;
	v15 =	vld.idx.msk [tilespmem:v16+s11+$0x0], $0xffff;
	v16 =	vor.u32 $0xC, v12;
	v10 =	vadd.f32 v10, v13  }
0xf1: {  	v22 =	vld.idx.msk [tilespmem:v23+s11+$0x0], $0xffff;
	v23 =	vor.u32 $0x4, v7;
	v6 =	vshll.u32 v6, $0x4;
	v11 =	vadd.f32 v24, v11;
	s24 =	spop (v2sf)  }
0xf2: {  	v24 =	vor.u32 $0xD, v12;
	v6 =	vor.u32 v3, v6;
	v20 =	vld.idx.msk [tilespmem:v20+s11+$0x0], $0xffff;
	v9 =	vadd.f32 v9, v10;
	s23 =	sadd.f32 s24, s15  }
0xf3: {  	v18 =	vld.idx.msk [tilespmem:v18+s11+$0x0], $0xffff;
	v13, _, _ =	vpop (xrf2);
	v10 =	vadd.f32 $0.0e+00, v14;
	v14 =	vor.u32 $0x5, v7;
	v11 =	vadd.f32 v17, v11  }
0xf4: {  	v17 =	vor.u32 $0xE, v12;
	(v2sf) =	vpush v13, $0xF;
	v21 =	vld.idx.msk [tilespmem:v21+s11+$0x0], $0xffff;
	v25 =	vadd.f32 s23, v13  }
0xf5: {  	v26 =	vperm.xlane v9, v4;
	v9 =	vadd.f32 v19, v10;
	v10 =	vor.u32 $0x6, v7;
	v16 =	vld.idx.msk [tilespmem:v16+s11+$0x0], $0xffff  }
0xf6: {  	v12 =	vor.u32 $0xF, v12;
	v19 =	vld.idx.msk [tilespmem:v23+s11+$0x0], $0xffff;
	v11 =	vadd.f32 v15, v11;
	vm1 =	vge.f32 v25, v5  }
0xf7: {  	v23 =	vld.idx.msk [tilespmem:v24+s11+$0x0], $0xffff;
	v9 =	vadd.f32 v22, v9;
	v22 =	vor.u32 $0x7, v7;
	v15 =	vmpcnt.ones.xlane vm1  }
0xf8: {  	v8 =	vsub.f32 v13, v8;
	v11 =	vadd.f32 v20, v11;
	v14 =	vld.idx.msk [tilespmem:v14+s11+$0x0], $0xffff;
	v20 =	vmctz.xlane vm1  }
0xf9: {  	v13 =	vld.idx.msk [tilespmem:v6+s11+$0x0], $0xffff;
	(xrf2) =	vadd.scan.msk.f32 $0xffff, v26;
	v9 =	vadd.f32 v21, v9;
	(v2sf) =	vpush v15, $0x0;
	v15 =	vor.u32 $0x8, v7  }
0xfa: {  	v24 =	vor.u32 $0x1, v6;
	v11 =	vadd.f32 v18, v11;
	v18, _, _ =	vpop (xrf2);
	v21 =	vor.u32 $0x9, v7;
	v10 =	vld.idx.msk [tilespmem:v10+s11+$0x0], $0xffff  }
0xfb: {  	v17 =	vld.idx.msk [tilespmem:v17+s11+$0x0], $0xffff;
	v9 =	vadd.f32 v19, v9;
	(v2sf) =	vpush v18, $0xF;
	v18 =	vbroadcast v20, $0x0  }
0xfc: {  	v11 =	vadd.f32 v16, v11;
	v22 =	vld.idx.msk [tilespmem:v22+s11+$0x0], $0xffff  }
0xfd: {  	v12 =	vld.idx.msk [tilespmem:v12+s11+$0x0], $0xffff;
	v16 =	vor.u32 $0xA, v7;
	v9 =	vadd.f32 v14, v9;
	vm1 =	veq.s32 v18, v0  }
0xfe: {  	v19 =	vor.u32 $0x2, v6;
	v11 =	vadd.f32 v23, v11;
	v8 =	vnsel vm1, $0x0, v8;
	v14 =	vld.idx.msk [tilespmem:v15+s11+$0x0], $0xffff  }
0xff: {  	v18 =	vld.idx.msk [tilespmem:v24+s11+$0x0], $0xffff;
	v9 =	vadd.f32 v10, v9;
	v15 =	vor.u32 $0xB, v7;
	(xrf2) =	vadd.scan.msk.f32 $0xffff, v8  }
0x100: {  	(v2sf) =	vpush v20, $0x0;
	v20 =	vor.u32 $0x3, v6;
	v10 =	vld.idx.msk [tilespmem:v21+s11+$0x0], $0xffff;
	v11 =	vadd.f32 v17, v11  }
0x101: {  	s25 =	spop (v2sf);
	v21 =	vor.u32 $0xC, v7;
	v8 =	vadd.f32 v22, v9  }
0x102: {  	s1 =	spop (v2sf);
	v16 =	vld.idx.msk [tilespmem:v16+s11+$0x0], $0xffff;
	v9 =	vadd.f32 v12, v11;
	v11 =	vadd.f32 $0.0e+00, v13;
	v13 =	vor.u32 $0x5, v6  }
0x103: {  	v24 =	vor.u32 $0x4, v6;
	v19 =	vld.idx.msk [tilespmem:v19+s11+$0x0], $0xffff;
	v23, _, _ =	vpop (xrf2);
	s2 =	spop (v2sf);
	v14 =	vadd.f32 v14, v8  }
0x104: {  	(v2sf) =	vpush v23, $0xF;
	s26 =	sadd.f32 s2, s23;
	v25 =	vld.idx.msk [tilespmem:v15+s11+$0x0], $0xffff;
	v15 =	vor.u32 $0xE, v7  }
0x105: {  	v27 =	vld.idx.msk [tilespmem:v20+s11+$0x0], $0xffff;
	v11 =	vadd.f32 v18, v11;
	v18 =	vadd.f32 v10, v14  }
0x106: {  	s22 =	simm.s32 $0x790;
	v28 =	vor.u32 $0x6, v6;
	v8 =	vperm.xlane v9, v4;
	v9 =	vld.idx.msk [tilespmem:v21+s11+$0x0], $0xffff;
	v12 =	vadd.f32 s26, v23  }
0x107: {  	p0 =	por $0x1, $0x1;
	p1 =	sgt.s32 s25, $0x0;
	v17 =	vmov s22;
	v22 =	vor.u32 $0xD, v7;
	v14 =	vld.idx.msk [tilespmem:v13+s11+$0x0], $0xffff;
	v13 =	vadd.f32 v16, v18  }
0x108: {  	s16 =	simm.s32 $0x0;
	p0 =	por !p0, !p1;
	v21 =	vadd.f32 v19, v11;
	vm1 =	vge.f32 v12, v5;
	v12 =	vld.idx.msk [tilespmem:v24+s11+$0x0], $0xffff;
	v24 =	vor.u32 $0xF, v7  }
0x109: {  	[dreg:$0x7] =	wrdreg s0;
	s24 =	simm.s32 $0x0;
	p0 =	por !p0, !p0;
	v20 =	vmpcnt.ones.xlane vm1;
	v11 =	vld.idx.msk [tilespmem:v15+s11+$0x0], $0xffff;
	v15 =	vsub.f32 v23, v26;
	v23 =	vadd.f32 v25, v13;
	v25, _, _ =	vpop (xrf2);
	(xrf2) =	vadd.scan.msk.f32 $0xffff, v8  }
0x10a: {  	s29 =	ssub.s32 $0x7F0, s1;
	s24 =	simm.s32 @p0 $0x1;
	v7 =	vshll.u32 v17, $0x4;
	v17 =	vor.u32 $0x7, v6;
	s30 =	spop (v2sf)  }
0x10b: {  	s0 =	sadd.s32 $0xF, s29;
	p6 =	seq.s32 s24, $0x0;
	(v2sf) =	vpush v20, $0x0;
	p2 =	sgt.s32 s30, $0x0  }
0x10c: {  	s25 =	simm.s32 $0x780;
	s16 =	smov.u32 @p0 s0;
	v10 =	vld.idx.msk [tilespmem:v22+s11+$0x0], $0xffff;
	v7 =	vor.u32 v3, v7;
	v18 =	vor.u32 $0x8, v6;
	v19 =	vmctz.xlane vm1;
	p1 =	por !p6, !p2  }
0x10d: {  	p0 =	por p0, p0;
	v22 =	vadd.f32 v27, v21;
	v16 =	vld.idx.msk [tilespmem:v28+s11+$0x0], $0xffff;
	v20 =	vor.u32 $0x1, v7;
	s31 =	spop (v2sf);
	p1 =	por !p1, !p1  }
0x10e: {  	s0 =	simm.s32 $0x770;
	v21 =	vor.u32 $0x9, v6;
	(v2sf) =	vpush v25, $0xF;
	s28 =	sadd.f32 s31, s15;
	v13 =	vld.idx.msk [tilespmem:v24+s11+$0x0], $0xffff;
	v24 =	vbroadcast v19, $0x0;
	s24 =	simm.s32 @p1 $0x1  }
.LBB2_7:
0x10f: {  	p2 =	seq.s32 s0, $0x0;
	v25 =	vor.u32 $0x2, v7;
	v12 =	vadd.f32 v12, v22;
	v17 =	vld.idx.msk [tilespmem:v17+s11+$0x0], $0xffff;
	v9 =	vadd.f32 v9, v23;
	s2 =	spop (v2sf);
	s1 =	smov.u32 s23  }
0x110: {  	v23 =	vor.u32 $0xA, v6;
	s23 =	smov.u32 s26;
	v22 =	vld.idx.msk [tilespmem:v7+s11+$0x0], $0xffff;
	vm1 =	veq.s32 v24, v0;
	(v2sf) =	vpush v19, $0x0;
	s2 =	ssub.s32 s17, s2;
	s15 =	smov.u32 @p0 s28  }
0x111: {  	s17 =	smov.u32 s18;
	s18 =	smov.u32 s19;
	v12 =	vadd.f32 v14, v12;
	v14 =	vld.idx.msk [tilespmem:v18+s11+$0x0], $0xffff;
	v18 =	vor.u32 $0xB, v6;
	v9 =	vadd.f32 v10, v9;
	s2 =	sadd.s32 $0xF, s2  }
0x112: {  	v19 =	vor.u32 $0x3, v7;
	s19 =	smov.u32 s20;
	s20 =	smov.u32 s21;
	v15 =	vnsel vm1, $0x0, v15;
	v10 =	vld.idx.msk [tilespmem:v20+s11+$0x0], $0xffff;
	s16 =	smov.u32 @p1 s2  }
0x113: {  	s21 =	smov.u32 s22;
	s22 =	smov.u32 s25;
	v20 =	vor.u32 $0xC, v6;
	v12 =	vadd.f32 v16, v12;
	v16 =	vld.idx.msk [tilespmem:v21+s11+$0x0], $0xffff;
	v9 =	vadd.f32 v11, v9;
	v21, _, _ =	vpop (xrf2);
	(xrf2) =	vadd.scan.msk.f32 $0xffff, v15;
	s2 =	spop (v2sf)  }
0x114: {  	v24 =	vor.u32 $0x4, v7;
	s25 =	smov.u32 s0;
	p0 =	por p1, p1;
	v11 =	vmov s22;
	v15 =	vld.idx.msk [tilespmem:v25+s11+$0x0], $0xffff;
	(v2sf) =	vpush v21, $0xF;
	s26 =	sadd.f32 s2, s26  }
0x115: {  	v25 =	vor.u32 $0xD, v6;
	v12 =	vadd.f32 v17, v12;
	v23 =	vld.idx.msk [tilespmem:v23+s11+$0x0], $0xffff;
	v9 =	vadd.f32 v13, v9  }
0x116: {  	v13 =	vadd.f32 $0.0e+00, v22;
	v22 =	vor.u32 $0x5, v7;
	v26 =	vld.idx.msk [tilespmem:v18+s11+$0x0], $0xffff;
	v17 =	vadd.f32 s26, v21  }
0x117: {  	v27 =	vld.idx.msk [tilespmem:v19+s11+$0x0], $0xffff;
	v14 =	vadd.f32 v14, v12;
	v19 =	vor.u32 $0xE, v6;
	v28 =	vperm.xlane v9, v4  }
0x118: {  	v10 =	vadd.f32 v10, v13;
	v13 =	vor.u32 $0x6, v7;
	v9 =	vld.idx.msk [tilespmem:v20+s11+$0x0], $0xffff;
	vm1 =	vge.f32 v17, v5  }
0x119: {  	v12 =	vld.idx.msk [tilespmem:v24+s11+$0x0], $0xffff;
	v16 =	vadd.f32 v16, v14;
	v24 =	vor.u32 $0xF, v6;
	(xrf2) =	vadd.scan.msk.f32 $0xffff, v28;
	v18 =	vmpcnt.ones.xlane vm1;
	v6 =	vmovc v7  }
.Ltmp5:
0x11a: {  	v7 =	vshll.u32 v11, $0x4;
	v29 =	vadd.f32 v15, v10;
	v17 =	vor.u32 $0x7, v6;
	v10 =	vld.idx.msk [tilespmem:v25+s11+$0x0], $0xffff;
	s2 =	spop (v2sf);
	(pc) =	sbr.rel @!p2 .LBB2_7-.Ltmp5, $4  }
0x11b: {  	p1 =	seq.s32 s24, $0x0;
	v7 =	vor.u32 v3, v7;
	v14 =	vld.idx.msk [tilespmem:v22+s11+$0x0], $0xffff;
	v23 =	vadd.f32 v23, v16;
	(v2sf) =	vpush v18, $0x0;
	p3 =	sgt.s32 s2, $0x0  }
0x11c: {  	v15 =	vsub.f32 v21, v8;
	v8 =	vmovc v28;
	v18 =	vor.u32 $0x8, v6;
	v11 =	vld.idx.msk [tilespmem:v19+s11+$0x0], $0xffff;
	v19 =	vmctz.xlane vm1;
	p1 =	por !p1, !p3  }
0x11d: {  	v20 =	vor.u32 $0x1, v7;
	v22 =	vadd.f32 v27, v29;
	v16 =	vld.idx.msk [tilespmem:v13+s11+$0x0], $0xffff;
	v23 =	vadd.f32 v26, v23;
	p1 =	por !p1, !p1;
	v25, _, _ =	vpop (xrf2);
	s2 =	spop (v2sf)  }
0x11e: {  	s0 =	sadd.s32 $0xFFFFFFF0, s0;
	v21 =	vor.u32 $0x9, v6;
	v13 =	vld.idx.msk [tilespmem:v24+s11+$0x0], $0xffff;
	v24 =	vbroadcast v19, $0x0;
	s24 =	simm.s32 @p1 $0x1;
	(v2sf) =	vpush v25, $0xF;
	s28 =	sadd.f32 s2, s1  }
0x11f: {  	_ =	sdelay $0x3  }
0x120: {  	v25 =	vor.u32 $0x2, v7;
	v17 =	vld.idx.msk [tilespmem:v17+s11+$0x0], $0xffff  }
0x121: {  	v26 =	vld.idx.msk [tilespmem:v7+s11+$0x0], $0xffff;
	v27 =	vor.u32 $0xA, v6  }
0x122: {  	v18 =	vld.idx.msk [tilespmem:v18+s11+$0x0], $0xffff;
	v28 =	vor.u32 $0x3, v7  }
0x123: {  	v9 =	vadd.f32 v9, v23;
	v47 =	vor.u32 $0xB, v6;
	v20 =	vld.idx.msk [tilespmem:v20+s11+$0x0], $0xffff  }
0x124: {  	v12 =	vadd.f32 v12, v22;
	v21 =	vld.idx.msk [tilespmem:v21+s11+$0x0], $0xffff;
	v48 =	vor.u32 $0x4, v7;
	(v2sf) =	vpush v19, $0x0  }
0x125: {  	v52 =	vor.u32 $0x5, v7;
	v55 =	vor.u32 $0x6, v7;
	v57 =	vmov s25;
	v49 =	vld.idx.msk [tilespmem:v25+s11+$0x0], $0xffff  }
0x126: {  	v58 =	vor.u32 $0x7, v7;
	v9 =	vadd.f32 v10, v9;
	v50 =	vld.idx.msk [tilespmem:v27+s11+$0x0], $0xffff;
	v51 =	vadd.f32 $0.0e+00, v26  }
0x127: {  	v60 =	vor.u32 $0x8, v7;
	v63 =	vor.u32 $0x9, v7;
	v12 =	vadd.f32 v14, v12;
	v53 =	vld.idx.msk [tilespmem:v28+s11+$0x0], $0xffff  }
0x128: {  	v30 =	vor.u32 $0xA, v7;
	v9 =	vadd.f32 v11, v9;
	v54, _, _ =	vpop (xrf2);
	v23 =	vld.idx.msk [tilespmem:v47+s11+$0x0], $0xffff;
	v20 =	vadd.f32 v20, v51  }
0x129: {  	vm1 =	veq.s32 v24, v0;
	v12 =	vadd.f32 v16, v12;
	(v2sf) =	vpush v54, $0xF;
	v22 =	vld.idx.msk [tilespmem:v48+s11+$0x0], $0xffff  }
0x12a: {  	v15 =	vnsel vm1, $0x0, v15;
	v59 =	vld.idx.msk [tilespmem:v52+s11+$0x0], $0xffff;
	v9 =	vadd.f32 v13, v9;
	v19 =	vadd.f32 v49, v20  }
0x12b: {  	v10 =	vor.u32 $0xC, v6;
	(xrf2) =	vadd.scan.msk.f32 $0xffff, v15;
	v15 =	vshll.u32 v57, $0x4;
	v62 =	vld.idx.msk [tilespmem:v55+s11+$0x0], $0xffff;
	v12 =	vadd.f32 v17, v12  }
0x12c: {  	s0 =	spop (v2sf);
	v11 =	vor.u32 $0xD, v6;
	v25 =	vld.idx.msk [tilespmem:v60+s11+$0x0], $0xffff;
	v9 =	vperm.xlane v9, v4;
	v19 =	vadd.f32 v53, v19  }
0x12d: {  	s10 =	spop (v2sf);
	v15 =	vor.u32 v3, v15;
	v24 =	vld.idx.msk [tilespmem:v63+s11+$0x0], $0xffff;
	v12 =	vadd.f32 v18, v12  }
0x12e: {  	v56 =	vor.u32 $0xE, v6;
	s29 =	sadd.f32 s10, s26;
	v38 =	vld.idx.msk [tilespmem:v30+s11+$0x0], $0xffff;
	(xrf2) =	vadd.scan.msk.f32 $0xffff, v9;
	v19 =	vadd.f32 v22, v19  }
0x12f: {  	v33 =	vor.u32 $0xB, v7;
	v36 =	vor.u32 $0xC, v7;
	v12 =	vadd.f32 v21, v12;
	v20 =	vld.idx.msk [tilespmem:v58+s11+$0x0], $0xffff  }
0x130: {  	v28 =	vor.u32 $0x1, v15;
	v10 =	vld.idx.msk [tilespmem:v10+s11+$0x0], $0xffff;
	v61 =	vadd.f32 s29, v54;
	v17 =	vadd.f32 v59, v19  }
0x131: {  	v40 =	vor.u32 $0xD, v7;
	v6 =	vor.u32 $0xF, v6;
	v11 =	vld.idx.msk [tilespmem:v11+s11+$0x0], $0xffff;
	v12 =	vadd.f32 v50, v12  }
0x132: {  	v31 =	vor.u32 $0x2, v15;
	vm1 =	vge.f32 v61, v5;
	v32 =	vld.idx.msk [tilespmem:v15+s11+$0x0], $0xffff;
	v17 =	vadd.f32 v62, v17  }
0x133: {  	v34 =	vor.u32 $0x3, v15;
	v13 =	vld.idx.msk [tilespmem:v56+s11+$0x0], $0xffff;
	v29 =	vmpcnt.ones.xlane vm1;
	v12 =	vadd.f32 v23, v12  }
0x134: {  	v42 =	vor.u32 $0xE, v7;
	v8 =	vsub.f32 v54, v8;
	v18 =	vld.idx.msk [tilespmem:v33+s11+$0x0], $0xffff;
	v17 =	vadd.f32 v20, v17  }
0x135: {  	v37 =	vor.u32 $0x4, v15;
	v21 =	vld.idx.msk [tilespmem:v28+s11+$0x0], $0xffff;
	s1 =	spop (v2sf);
	(v2sf) =	vpush v29, $0x0;
	v35, _, _ =	vpop (xrf2);
	v10 =	vadd.f32 v10, v12  }
0x136: {  	v6 =	vld.idx.msk [tilespmem:v6+s11+$0x0], $0xffff;
	v26 =	vmctz.xlane vm1;
	(v2sf) =	vpush v35, $0xF;
	s12 =	spop (v2sf);
	v17 =	vadd.f32 v25, v17  }
0x137: {  	v14 =	vld.idx.msk [tilespmem:v31+s11+$0x0], $0xffff;
	v22 =	vadd.f32 $0.0e+00, v32;
	s7 =	spop (v2sf);
	v10 =	vadd.f32 v11, v10;
	v11 =	vor.u32 $0x5, v15  }
0x138: {  	v7 =	vor.u32 $0xF, v7;
	v23 =	vld.idx.msk [tilespmem:v34+s11+$0x0], $0xffff;
	(v2sf) =	vpush v26, $0x0;
	v41, _, _ =	vpop (xrf2);
	s13 =	spop (v2sf);
	v17 =	vadd.f32 v24, v17  }
0x139: {  	v43 =	vor.u32 $0x6, v15;
	v10 =	vadd.f32 v13, v10;
	v20 =	vld.idx.msk [tilespmem:v36+s11+$0x0], $0xffff;
	(v2sf) =	vpush v41, $0xF;
	s31 =	sadd.f32 s13, s29  }
0x13a: {  	v44 =	vld.idx.msk [tilespmem:v40+s11+$0x0], $0xffff;
	v39 =	vbroadcast v26, $0x0;
	v21 =	vadd.f32 v21, v22;
	v16 =	vadd.f32 v38, v17  }
0x13b: {  	v45 =	vor.u32 $0x7, v15;
	v12 =	vld.idx.msk [tilespmem:v37+s11+$0x0], $0xffff;
	v6 =	vadd.f32 v6, v10;
	v10 =	vadd.f32 s31, v41  }
0x13c: {  	vm1 =	veq.s32 v39, v0;
	v14 =	vadd.f32 v14, v21;
	v11 =	vld.idx.msk [tilespmem:v11+s11+$0x0], $0xffff;
	v16 =	vadd.f32 v18, v16  }
0x13d: {  	v46 =	vor.u32 $0x8, v15;
	v8 =	vnsel vm1, $0x0, v8;
	vm1 =	vge.f32 v10, v5;
	v10 =	vld.idx.msk [tilespmem:v42+s11+$0x0], $0xffff  }
0x13e: {  	v7 =	vld.idx.msk [tilespmem:v7+s11+$0x0], $0xffff;
	v14 =	vadd.f32 v23, v14;
	v6 =	vperm.xlane v6, v4;
	v16 =	vadd.f32 v20, v16  }
0x13f: {  	v47 =	vor.u32 $0x9, v15;
	(xrf2) =	vadd.scan.msk.f32 $0xffff, v8;
	v13 =	vld.idx.msk [tilespmem:v43+s11+$0x0], $0xffff  }
0x140: {  	v12 =	vadd.f32 v12, v14;
	v8 =	vmctz.xlane vm1;
	(xrf2) =	vadd.scan.msk.f32 $0xffff, v6;
	v48 =	vadd.f32 v44, v16  }
0x141: {  	v51 =	vor.u32 $0xA, v15;
	v50 =	vld.idx.msk [tilespmem:v45+s11+$0x0], $0xffff  }
0x142: {  	v49 =	vbroadcast v8, $0x0;
	v11 =	vadd.f32 v11, v12;
	v10 =	vadd.f32 v10, v48  }
0x143: {  	v52 =	vld.idx.msk [tilespmem:v46+s11+$0x0], $0xffff;
	v53 =	vor.u32 $0xB, v15;
	v9 =	vsub.f32 v41, v9  }
0x144: {  	vm2 =	veq.s32 v49, v0;
	v11 =	vadd.f32 v13, v11;
	v7 =	vadd.f32 v7, v10  }
0x145: {  	s3 =	spop (v2sf);
	v9 =	vnsel vm2, $0x0, v9;
	v10 =	vld.idx.msk [tilespmem:v47+s11+$0x0], $0xffff  }
0x146: {  	v54 =	vor.u32 $0xC, v15;
	s4 =	spop (v2sf);
	(xrf2) =	vadd.scan.msk.f32 $0xffff, v9;
	v9 =	vadd.f32 v50, v11;
	v7 =	vperm.xlane v7, v4  }
0x147: {  	s2 =	spop (v2sf);
	v11 =	vld.idx.msk [tilespmem:v51+s11+$0x0], $0xffff  }
0x148: {  	v55 =	vor.u32 $0xD, v15;
	v9 =	vadd.f32 v52, v9;
	s14 =	spop (v2sf);
	(xrf2) =	vadd.scan.msk.f32 $0xffff, v7  }
0x149: {  	v14 =	vld.idx.msk [tilespmem:v53+s11+$0x0], $0xffff;
	v56, _, _ =	vpop (xrf2);
	s9 =	sadd.f32 s14, s31  }
0x14a: {  	v59 =	vor.u32 $0xE, v15;
	v58 =	vmpcnt.ones.xlane vm1;
	v57, _, _ =	vpop (xrf2);
	v9 =	vadd.f32 v10, v9  }
0x14b: {  	v13 =	vld.idx.msk [tilespmem:v54+s11+$0x0], $0xffff;
	v10 =	vadd.f32 s9, v57  }
0x14c: {  	v15 =	vor.u32 $0xF, v15;
	(v2sf) =	vpush v58, $0x0;
	v9 =	vadd.f32 v11, v9  }
0x14d: {  	(v2sf) =	vpush v56, $0xF;
	vm1 =	vge.f32 v10, v5;
	v10 =	vld.idx.msk [tilespmem:v55+s11+$0x0], $0xffff  }
0x14e: {  	(v2sf) =	vpush v8, $0x0;
	v8 =	vmpcnt.ones.xlane vm1;
	v9 =	vadd.f32 v14, v9  }
0x14f: {  	(v2sf) =	vpush v57, $0xF;
	v11 =	vld.idx.msk [tilespmem:v59+s11+$0x0], $0xffff  }
0x150: {  	v60, _, _ =	vpop (xrf2);
	(v2sf) =	vpush v8, $0x0;
	v8 =	vmctz.xlane vm1;
	v9 =	vadd.f32 v13, v9  }
0x151: {  	v61 =	vld.idx.msk [tilespmem:v15+s11+$0x0], $0xffff;
	(v2sf) =	vpush v60, $0xF  }
0x152: {  	(v2sf) =	vpush v8, $0x0;
	v9 =	vadd.f32 v10, v9;
	v10, _, _ =	vpop (xrf2)  }
0x153: {  	(v2sf) =	vpush v10, $0xF  }
0x154: {  	v9 =	vadd.f32 v11, v9  }
0x155: {  	v8 =	vbroadcast v8, $0x0  }
0x156: {  	v6 =	vsub.f32 v57, v6;
	v9 =	vadd.f32 v61, v9  }
0x157: {  	vm1 =	veq.s32 v8, v0  }
0x158: {  	v6 =	vnsel vm1, $0x0, v6;
	v8 =	vperm.xlane v9, v4  }
0x159: {  	(xrf2) =	vadd.scan.msk.f32 $0xffff, v6  }
0x15a: {  	(xrf2) =	vadd.scan.msk.f32 $0xffff, v8  }
0x15b: {  	[dreg:$0x8] =	wrdreg s0;
	s0 =	spop (v2sf)  }
0x15c: {  	s13 =	spop (v2sf)  }
0x15d: {  	s14 =	spop (v2sf)  }
0x15e: {  	s5 =	spop (v2sf)  }
0x15f: {  	s8 =	spop (v2sf)  }
0x160: {  	s10 =	sadd.f32 s5, s9;
	s6 =	spop (v2sf)  }
0x161: {  	s5 =	spop (v2sf)  }
0x162: {  	[dreg:$0x9] =	wrdreg s12;
	v6 =	vadd.f32 s10, v10;
	s12 =	spop (v2sf)  }
0x163: {  	v9, _, _ =	vpop (xrf2);
	s12 =	sadd.f32 s12, s10  }
0x164: {  	vm1 =	vge.f32 v6, v5;
	v11, _, _ =	vpop (xrf2)  }
0x165: {  	v62 =	vmctz.xlane vm1;
	v6 =	vadd.f32 s12, v11;
	_ =	sdelay $0x1  }
0x166: {  	vm2 =	vge.f32 v6, v5;
	v5 =	vbroadcast v62, $0x0  }
0x167: {  	v7 =	vsub.f32 v10, v7  }
0x168: {  	vm3 =	veq.s32 v5, v0  }
0x169: {  	v6 =	vmctz.xlane vm2;
	v7 =	vnsel vm3, $0x0, v7  }
0x16a: {  	(xrf2) =	vadd.scan.msk.f32 $0xffff, v7  }
0x16b: {  	v5 =	vbroadcast v6, $0x0  }
0x16c: {  	v8 =	vsub.f32 v11, v8  }
0x16d: {  	s30 =	rddreg [dreg:$0x8];
	v10 =	vmpcnt.ones.xlane vm1;
	vm1 =	veq.s32 v5, v0  }
0x16e: {  	p3 =	seq.s32 s24, $0x0;
	s17 =	ssub.s32 s17, s30;
	p2 =	sgt.s32 s1, $0x0;
	v5 =	vnsel vm1, $0x0, v8  }
0x16f: {  	s15 =	smov.u32 @p0 s28;
	s1 =	sadd.s32 $0xF, s17;
	p4 =	por !p3, !p2;
	(v2sf) =	vpush v10, $0x0;
	(xrf2) =	vadd.scan.msk.f32 $0xffff, v5  }
0x170: {  	s16 =	smov.u32 @p1 s1;
	p0 =	por !p4, !p4;
	s17 =	rddreg [dreg:$0x9];
	v5 =	vmpcnt.ones.xlane vm2  }
0x171: {  	p1 =	por p1, p1;
	s24 =	simm.s32 @p0 $0x1;
	s1 =	sadd.f32 s17, s23;
	(v2sf) =	vpush v9, $0xF  }
0x172: {  	s7 =	ssub.s32 s18, s7;
	p6 =	seq.s32 s24, $0x0;
	p5 =	sgt.s32 s3, $0x0;
	(v2sf) =	vpush v62, $0x0  }
0x173: {  	s15 =	smov.u32 @p1 s1;
	s3 =	sadd.s32 $0xF, s7;
	p1 =	por !p6, !p5;
	(v2sf) =	vpush v11, $0xF  }
0x174: {  	p2 =	por p0, p0;
	s16 =	smov.u32 @p0 s3;
	p0 =	por !p1, !p1;
	(v2sf) =	vpush v5, $0x0;
	v5, _, _ =	vpop (xrf2)  }
0x175: {  	s1 =	sadd.f32 s4, s26;
	s24 =	simm.s32 @p0 $0x1;
	(v2sf) =	vpush v5, $0xF  }
0x176: {  	s2 =	ssub.s32 s19, s2;
	p4 =	seq.s32 s24, $0x0;
	p3 =	sgt.s32 s0, $0x0;
	(v2sf) =	vpush v6, $0x0  }
0x177: {  	s15 =	smov.u32 @p2 s1;
	s0 =	sadd.s32 $0xF, s2;
	p1 =	por !p4, !p3  }
0x178: {  	s16 =	smov.u32 @p0 s0;
	s0 =	sadd.f32 s13, s29;
	p1 =	por !p1, !p1  }
0x179: {  	p0 =	por p0, p0;
	s13 =	simm.s32 $0x0;
	s24 =	simm.s32 @p1 $0x1;
	v5, _, _ =	vpop (xrf2)  }
0x17a: {  	s26 =	ssub.s32 s20, s14;
	p6 =	seq.s32 s24, $0x0;
	p5 =	sgt.s32 s8, $0x0;
	(v2sf) =	vpush v5, $0xF  }
0x17b: {  	s15 =	smov.u32 @p0 s0;
	s1 =	sadd.s32 $0xF, s26;
	p0 =	por !p6, !p5  }
0x17c: {  	s16 =	smov.u32 @p1 s1;
	s2 =	sadd.f32 s6, s31;
	p0 =	por !p0, !p0  }
0x17d: {  	p1 =	por p1, p1;
	s31 =	ssub.s32 s21, s5;
	s24 =	simm.s32 @p0 $0x1  }
0x17e: {  	s15 =	smov.u32 @p1 s2;
	s0 =	sadd.s32 $0xF, s31;
	s28 =	spop (v2sf)  }
0x17f: {  	p3 =	seq.s32 s24, $0x0;
	s16 =	smov.u32 @p0 s0;
	p4 =	sgt.s32 s28, $0x0  }
0x180: {  	p0 =	por p0, p0;
	p1 =	por !p3, !p4;
	s29 =	spop (v2sf)  }
0x181: {  	p1 =	por !p1, !p1;
	s30 =	spop (v2sf);
	s0 =	sadd.f32 s29, s9  }
0x182: {  	s24 =	simm.s32 @p1 $0x1;
	s6 =	ssub.s32 s22, s30;
	s5 =	spop (v2sf)  }
0x183: {  	s15 =	smov.u32 @p0 s0;
	s0 =	sadd.s32 $0xF, s6;
	s7 =	spop (v2sf)  }
0x184: {  	v7 =	vld [tilespmem:s13+$0x0];
	p5 =	seq.s32 s24, $0x0;
	s16 =	smov.u32 @p1 s0;
	s8 =	spop (v2sf)  }
0x185: {  	p6 =	sgt.s32 s7, $0x0;
	s9 =	spop (v2sf);
	s0 =	sadd.f32 s8, s10  }
0x186: {  	p0 =	por p1, p1;
	p1 =	por !p5, !p6;
	s1 =	ssub.s32 s25, s9  }
0x187: {  	p1 =	por !p1, !p1;
	s15 =	smov.u32 @p0 s0;
	s0 =	sadd.s32 $0xF, s1  }
0x188: {  	s16 =	smov.u32 @p1 s0  }
0x189: {  	v8 =	vshrl.u32 v7, $0x14;
	s10 =	spop (v2sf);
	v5 =	vmov s16  }
0x18a: {  	s2 =	sadd.f32 s10, s12;
	s12 =	simm.s32 $0x0;
	vm1 =	veq.s32 v8, v5  }
0x18b: {  	[tilespmem:s12+$0xE000] =	vst.msk vm1, v7;
	v9 =	vmpcnt.ones.xlane vm1  }
0x18c: {  	v10 =	vld [tilespmem:s13+$0x10]  }
0x18d: {  	(v2sf) =	vpush v9, $0x0;
	_ =	sdelay $0x3  }
0x18e: {  	v9 =	vshrl.u32 v10, $0x14  }
0x18f: {  	vm1 =	veq.s32 v9, v5  }
0x190: {  	v11 =	vmpcnt.ones.xlane vm1;
	_ =	sdelay $0x1  }
0x191: {  	(v2sf) =	vpush v11, $0x0;
	_ =	sdelay $0x6  }
0x192: {  	s14 =	spop (v2sf)  }
0x193: {  	s1 =	sadd.s32 $0x0, s14  }
0x194: {  	[tilespmem:s1+$0xE000] =	vst.msk vm1, v10  }
0x195: {  	v11 =	vld [tilespmem:s13+$0x20];
	_ =	sdelay $0x4  }
0x196: {  	v63 =	vshrl.u32 v11, $0x14;
	s17 =	spop (v2sf)  }
0x197: {  	s1 =	sadd.s32 s1, s17;
	vm1 =	veq.s32 v63, v5  }
0x198: {  	[tilespmem:s1+$0xE000] =	vst.msk vm1, v11;
	v35 =	vmpcnt.ones.xlane vm1  }
0x199: {  	v36 =	vld [tilespmem:s13+$0x30]  }
0x19a: {  	(v2sf) =	vpush v35, $0x0;
	_ =	sdelay $0x3  }
0x19b: {  	v37 =	vshrl.u32 v36, $0x14  }
0x19c: {  	vm1 =	veq.s32 v37, v5  }
0x19d: {  	v38 =	vmpcnt.ones.xlane vm1;
	_ =	sdelay $0x1  }
0x19e: {  	(v2sf) =	vpush v38, $0x0;
	_ =	sdelay $0x6  }
0x19f: {  	s18 =	spop (v2sf)  }
0x1a0: {  	s1 =	sadd.s32 s1, s18  }
0x1a1: {  	[tilespmem:s1+$0xE000] =	vst.msk vm1, v36  }
0x1a2: {  	v39 =	vld [tilespmem:s13+$0x40];
	_ =	sdelay $0x4  }
0x1a3: {  	v40 =	vshrl.u32 v39, $0x14;
	s19 =	spop (v2sf)  }
0x1a4: {  	s1 =	sadd.s32 s1, s19;
	vm1 =	veq.s32 v40, v5  }
0x1a5: {  	[tilespmem:s1+$0xE000] =	vst.msk vm1, v39;
	v41 =	vmpcnt.ones.xlane vm1  }
0x1a6: {  	v42 =	vld [tilespmem:s13+$0x50]  }
0x1a7: {  	(v2sf) =	vpush v41, $0x0;
	_ =	sdelay $0x3  }
0x1a8: {  	v43 =	vshrl.u32 v42, $0x14  }
0x1a9: {  	vm1 =	veq.s32 v43, v5  }
0x1aa: {  	v44 =	vmpcnt.ones.xlane vm1;
	_ =	sdelay $0x1  }
0x1ab: {  	(v2sf) =	vpush v44, $0x0;
	_ =	sdelay $0x6  }
0x1ac: {  	s20 =	spop (v2sf)  }
0x1ad: {  	s1 =	sadd.s32 s1, s20  }
0x1ae: {  	[tilespmem:s1+$0xE000] =	vst.msk vm1, v42  }
0x1af: {  	v45 =	vld [tilespmem:s13+$0x60];
	_ =	sdelay $0x4  }
0x1b0: {  	v46 =	vshrl.u32 v45, $0x14;
	s21 =	spop (v2sf)  }
0x1b1: {  	s1 =	sadd.s32 s1, s21;
	vm1 =	veq.s32 v46, v5  }
0x1b2: {  	[tilespmem:s1+$0xE000] =	vst.msk vm1, v45;
	v47 =	vmpcnt.ones.xlane vm1  }
0x1b3: {  	v48 =	vld [tilespmem:s13+$0x70]  }
0x1b4: {  	(v2sf) =	vpush v47, $0x0;
	_ =	sdelay $0x3  }
0x1b5: {  	v49 =	vshrl.u32 v48, $0x14  }
0x1b6: {  	vm1 =	veq.s32 v49, v5  }
0x1b7: {  	v50 =	vmpcnt.ones.xlane vm1;
	_ =	sdelay $0x1  }
0x1b8: {  	(v2sf) =	vpush v50, $0x0;
	_ =	sdelay $0x6  }
0x1b9: {  	s22 =	spop (v2sf)  }
0x1ba: {  	s1 =	sadd.s32 s1, s22  }
0x1bb: {  	[tilespmem:s1+$0xE000] =	vst.msk vm1, v48  }
0x1bc: {  	v51 =	vld [tilespmem:s13+$0x80];
	_ =	sdelay $0x4  }
0x1bd: {  	v52 =	vshrl.u32 v51, $0x14;
	s23 =	spop (v2sf)  }
0x1be: {  	s1 =	sadd.s32 s1, s23;
	vm1 =	veq.s32 v52, v5  }
0x1bf: {  	[tilespmem:s1+$0xE000] =	vst.msk vm1, v51;
	v53 =	vmpcnt.ones.xlane vm1  }
0x1c0: {  	v54 =	vld [tilespmem:s13+$0x90]  }
0x1c1: {  	(v2sf) =	vpush v53, $0x0;
	_ =	sdelay $0x3  }
0x1c2: {  	v55 =	vshrl.u32 v54, $0x14  }
0x1c3: {  	vm1 =	veq.s32 v55, v5  }
0x1c4: {  	v56 =	vmpcnt.ones.xlane vm1;
	_ =	sdelay $0x1  }
0x1c5: {  	(v2sf) =	vpush v56, $0x0;
	_ =	sdelay $0x6  }
0x1c6: {  	s24 =	spop (v2sf)  }
0x1c7: {  	s1 =	sadd.s32 s1, s24  }
0x1c8: {  	[tilespmem:s1+$0xE000] =	vst.msk vm1, v54  }
0x1c9: {  	v57 =	vld [tilespmem:s13+$0xA0];
	_ =	sdelay $0x4  }
0x1ca: {  	v58 =	vshrl.u32 v57, $0x14;
	s25 =	spop (v2sf)  }
0x1cb: {  	s1 =	sadd.s32 s1, s25;
	vm1 =	veq.s32 v58, v5  }
0x1cc: {  	[tilespmem:s1+$0xE000] =	vst.msk vm1, v57;
	v29 =	vmpcnt.ones.xlane vm1  }
0x1cd: {  	v30 =	vld [tilespmem:s13+$0xB0]  }
0x1ce: {  	(v2sf) =	vpush v29, $0x0;
	_ =	sdelay $0x3  }
0x1cf: {  	v59 =	vshrl.u32 v30, $0x14  }
0x1d0: {  	vm1 =	veq.s32 v59, v5  }
0x1d1: {  	v31 =	vmpcnt.ones.xlane vm1;
	_ =	sdelay $0x1  }
0x1d2: {  	(v2sf) =	vpush v31, $0x0;
	_ =	sdelay $0x6  }
0x1d3: {  	s26 =	spop (v2sf)  }
0x1d4: {  	s1 =	sadd.s32 s1, s26  }
0x1d5: {  	[tilespmem:s1+$0xE000] =	vst.msk vm1, v30  }
0x1d6: {  	v60 =	vld [tilespmem:s13+$0xC0];
	_ =	sdelay $0x4  }
0x1d7: {  	v32 =	vshrl.u32 v60, $0x14;
	s28 =	spop (v2sf)  }
0x1d8: {  	s1 =	sadd.s32 s1, s28;
	vm1 =	veq.s32 v32, v5  }
0x1d9: {  	[tilespmem:s1+$0xE000] =	vst.msk vm1, v60;
	v33 =	vmpcnt.ones.xlane vm1  }
0x1da: {  	v34 =	vld [tilespmem:s13+$0xD0]  }
0x1db: {  	(v2sf) =	vpush v33, $0x0;
	_ =	sdelay $0x3  }
0x1dc: {  	v61 =	vshrl.u32 v34, $0x14  }
0x1dd: {  	vm1 =	veq.s32 v61, v5  }
0x1de: {  	v35 =	vmpcnt.ones.xlane vm1;
	_ =	sdelay $0x1  }
0x1df: {  	(v2sf) =	vpush v35, $0x0;
	_ =	sdelay $0x6  }
0x1e0: {  	s29 =	spop (v2sf)  }
0x1e1: {  	s1 =	sadd.s32 s1, s29  }
0x1e2: {  	[tilespmem:s1+$0xE000] =	vst.msk vm1, v34  }
0x1e3: {  	vm1 =	vgt.s32 v8, v5;
	v8 =	vld [tilespmem:s13+$0xE0]  }
0x1e4: {  	v6 =	vimm.f32 $0.0e+00;
	v7 =	vnsel vm1, $0x0, v7  }
0x1e5: {  	vm1 =	vgt.s32 v9, v5;
	v6 =	vadd.f32 v7, v6  }
0x1e6: {  	v7 =	vnsel vm1, $0x0, v10  }
0x1e7: {  	vm1 =	vgt.s32 v63, v5;
	v6 =	vadd.f32 v7, v6  }
0x1e8: {  	v7 =	vnsel vm1, $0x0, v11;
	v9 =	vshrl.u32 v8, $0x14;
	s30 =	spop (v2sf)  }
0x1e9: {  	vm1 =	vgt.s32 v37, v5;
	v6 =	vadd.f32 v7, v6;
	s1 =	sadd.s32 s1, s30;
	vm2 =	veq.s32 v9, v5  }
0x1ea: {  	v7 =	vnsel vm1, $0x0, v36;
	[tilespmem:s1+$0xE000] =	vst.msk vm2, v8;
	v10 =	vmpcnt.ones.xlane vm2  }
0x1eb: {  	vm1 =	vgt.s32 v40, v5;
	v6 =	vadd.f32 v7, v6;
	v11 =	vld [tilespmem:s13+$0xF0]  }
0x1ec: {  	v7 =	vnsel vm1, $0x0, v39;
	(v2sf) =	vpush v10, $0x0  }
0x1ed: {  	vm1 =	vgt.s32 v43, v5;
	v6 =	vadd.f32 v7, v6  }
0x1ee: {  	v7 =	vnsel vm1, $0x0, v42  }
0x1ef: {  	vm1 =	vgt.s32 v46, v5;
	v6 =	vadd.f32 v7, v6  }
0x1f0: {  	v7 =	vnsel vm1, $0x0, v45;
	v10 =	vshrl.u32 v11, $0x14  }
0x1f1: {  	vm1 =	vgt.s32 v49, v5;
	v6 =	vadd.f32 v7, v6;
	vm2 =	veq.s32 v10, v5  }
0x1f2: {  	v7 =	vnsel vm1, $0x0, v48;
	v62 =	vmpcnt.ones.xlane vm2  }
0x1f3: {  	vm1 =	vgt.s32 v52, v5;
	v6 =	vadd.f32 v7, v6  }
0x1f4: {  	v7 =	vnsel vm1, $0x0, v51;
	(v2sf) =	vpush v62, $0x0  }
0x1f5: {  	vm1 =	vgt.s32 v55, v5;
	v6 =	vadd.f32 v7, v6  }
0x1f6: {  	v7 =	vnsel vm1, $0x0, v54  }
0x1f7: {  	vm1 =	vgt.s32 v58, v5;
	v6 =	vadd.f32 v7, v6  }
0x1f8: {  	v7 =	vnsel vm1, $0x0, v57  }
0x1f9: {  	vm1 =	vgt.s32 v59, v5;
	v6 =	vadd.f32 v7, v6  }
0x1fa: {  	v7 =	vnsel vm1, $0x0, v30  }
0x1fb: {  	vm1 =	vgt.s32 v32, v5;
	v6 =	vadd.f32 v7, v6;
	s31 =	spop (v2sf)  }
0x1fc: {  	v7 =	vnsel vm1, $0x0, v60;
	s0 =	sadd.s32 s1, s31  }
0x1fd: {  	s17 =	simm.s32 $0x100;
	vm1 =	vgt.s32 v61, v5;
	v6 =	vadd.f32 v7, v6;
	[tilespmem:s0+$0xE000] =	vst.msk vm2, v11  }
0x1fe: {  	v63 =	vnsel vm1, $0x0, v34;
	v7 =	vld [tilespmem:s17+$0x0]  }
0x1ff: {  	vm1 =	vgt.s32 v9, v5;
	v6 =	vadd.f32 v63, v6  }
0x200: {  	v8 =	vnsel vm1, $0x0, v8  }
0x201: {  	vm1 =	vgt.s32 v10, v5;
	v6 =	vadd.f32 v8, v6  }
0x202: {  	s7 =	simm.s32 $0x1;
	p0 =	por p1, p1;
	v8 =	vnsel vm1, $0x0, v11  }
0x203: {  	s15 =	smov.u32 @p0 s2;
	s18 =	simm.s32 $0x800;
	v6 =	vadd.f32 v8, v6;
	v8 =	vshrl.u32 v7, $0x14;
	s1 =	spop (v2sf)  }
.LBB2_9:
0x204: {  	p0 =	sne.s32 s18, $0x17C00  }
0x205: {  	vm1 =	veq.s32 v8, v5;
	s0 =	sadd.s32 s0, s1;
	s19 =	smov.u32 s18;
	s18 =	sadd.s32 $0x400, s18  }
0x206: {  	[tilespmem:s0+$0xE000] =	vst.msk vm1, v7;
	v9 =	vmpcnt.ones.xlane vm1  }
0x207: {  	v10 =	vld [tilespmem:s17+$0x10]  }
0x208: {  	(v2sf) =	vpush v9, $0x0;
	_ =	sdelay $0x3  }
0x209: {  	v9 =	vshrl.u32 v10, $0x14  }
0x20a: {  	vm1 =	vgt.s32 v9, v5;
	vm2 =	veq.s32 v9, v5  }
0x20b: {  	v9 =	vnsel vm1, $0x0, v10;
	v11 =	vmpcnt.ones.xlane vm2;
	_ =	sdelay $0x1  }
0x20c: {  	(v2sf) =	vpush v11, $0x0;
	_ =	sdelay $0x6  }
0x20d: {  	s1 =	spop (v2sf)  }
0x20e: {  	s0 =	sadd.s32 s0, s1  }
0x20f: {  	[tilespmem:s0+$0xE000] =	vst.msk vm2, v10  }
0x210: {  	v11 =	vld [tilespmem:s17+$0x20];
	_ =	sdelay $0x4  }
0x211: {  	v10 =	vshrl.u32 v11, $0x14;
	s1 =	spop (v2sf)  }
0x212: {  	s0 =	sadd.s32 s0, s1;
	vm1 =	vgt.s32 v10, v5;
	vm2 =	veq.s32 v10, v5  }
0x213: {  	v10 =	vnsel vm1, $0x0, v11;
	[tilespmem:s0+$0xE000] =	vst.msk vm2, v11;
	v11 =	vmpcnt.ones.xlane vm2  }
0x214: {  	v12 =	vld [tilespmem:s17+$0x30]  }
0x215: {  	(v2sf) =	vpush v11, $0x0;
	_ =	sdelay $0x3  }
0x216: {  	v11 =	vshrl.u32 v12, $0x14  }
0x217: {  	vm1 =	vgt.s32 v11, v5;
	vm2 =	veq.s32 v11, v5  }
0x218: {  	v11 =	vnsel vm1, $0x0, v12;
	v13 =	vmpcnt.ones.xlane vm2;
	_ =	sdelay $0x1  }
0x219: {  	(v2sf) =	vpush v13, $0x0;
	_ =	sdelay $0x6  }
0x21a: {  	s1 =	spop (v2sf)  }
0x21b: {  	s0 =	sadd.s32 s0, s1  }
0x21c: {  	[tilespmem:s0+$0xE000] =	vst.msk vm2, v12  }
0x21d: {  	v13 =	vld [tilespmem:s17+$0x40];
	_ =	sdelay $0x4  }
0x21e: {  	v12 =	vshrl.u32 v13, $0x14;
	s1 =	spop (v2sf)  }
0x21f: {  	s0 =	sadd.s32 s0, s1;
	vm1 =	vgt.s32 v12, v5;
	vm2 =	veq.s32 v12, v5  }
0x220: {  	v12 =	vnsel vm1, $0x0, v13;
	[tilespmem:s0+$0xE000] =	vst.msk vm2, v13;
	v13 =	vmpcnt.ones.xlane vm2  }
0x221: {  	v14 =	vld [tilespmem:s17+$0x50]  }
0x222: {  	(v2sf) =	vpush v13, $0x0;
	_ =	sdelay $0x3  }
0x223: {  	v13 =	vshrl.u32 v14, $0x14  }
0x224: {  	vm1 =	vgt.s32 v13, v5;
	vm2 =	veq.s32 v13, v5  }
0x225: {  	v13 =	vnsel vm1, $0x0, v14;
	v15 =	vmpcnt.ones.xlane vm2;
	_ =	sdelay $0x1  }
0x226: {  	(v2sf) =	vpush v15, $0x0;
	_ =	sdelay $0x6  }
0x227: {  	s1 =	spop (v2sf)  }
0x228: {  	s0 =	sadd.s32 s0, s1  }
0x229: {  	[tilespmem:s0+$0xE000] =	vst.msk vm2, v14  }
0x22a: {  	v15 =	vld [tilespmem:s17+$0x60];
	_ =	sdelay $0x4  }
0x22b: {  	v14 =	vshrl.u32 v15, $0x14;
	s1 =	spop (v2sf)  }
0x22c: {  	s0 =	sadd.s32 s0, s1;
	vm1 =	vgt.s32 v14, v5;
	vm2 =	veq.s32 v14, v5  }
0x22d: {  	v14 =	vnsel vm1, $0x0, v15;
	[tilespmem:s0+$0xE000] =	vst.msk vm2, v15;
	v15 =	vmpcnt.ones.xlane vm2  }
0x22e: {  	v16 =	vld [tilespmem:s17+$0x70]  }
0x22f: {  	(v2sf) =	vpush v15, $0x0;
	_ =	sdelay $0x3  }
0x230: {  	v15 =	vshrl.u32 v16, $0x14  }
0x231: {  	vm1 =	vgt.s32 v15, v5;
	vm2 =	veq.s32 v15, v5  }
0x232: {  	v15 =	vnsel vm1, $0x0, v16;
	v17 =	vmpcnt.ones.xlane vm2;
	_ =	sdelay $0x1  }
0x233: {  	(v2sf) =	vpush v17, $0x0;
	_ =	sdelay $0x6  }
0x234: {  	s1 =	spop (v2sf)  }
0x235: {  	s0 =	sadd.s32 s0, s1  }
0x236: {  	[tilespmem:s0+$0xE000] =	vst.msk vm2, v16  }
0x237: {  	v17 =	vld [tilespmem:s17+$0x80];
	_ =	sdelay $0x4  }
0x238: {  	v16 =	vshrl.u32 v17, $0x14;
	s1 =	spop (v2sf)  }
0x239: {  	s0 =	sadd.s32 s0, s1;
	vm1 =	vgt.s32 v16, v5;
	vm2 =	veq.s32 v16, v5  }
0x23a: {  	v16 =	vnsel vm1, $0x0, v17;
	[tilespmem:s0+$0xE000] =	vst.msk vm2, v17;
	v17 =	vmpcnt.ones.xlane vm2  }
0x23b: {  	v18 =	vld [tilespmem:s17+$0x90]  }
0x23c: {  	(v2sf) =	vpush v17, $0x0;
	_ =	sdelay $0x3  }
0x23d: {  	v17 =	vshrl.u32 v18, $0x14  }
0x23e: {  	vm1 =	vgt.s32 v17, v5;
	vm2 =	veq.s32 v17, v5  }
0x23f: {  	v17 =	vnsel vm1, $0x0, v18;
	v19 =	vmpcnt.ones.xlane vm2;
	_ =	sdelay $0x1  }
0x240: {  	(v2sf) =	vpush v19, $0x0;
	_ =	sdelay $0x6  }
0x241: {  	s1 =	spop (v2sf)  }
0x242: {  	s0 =	sadd.s32 s0, s1  }
0x243: {  	[tilespmem:s0+$0xE000] =	vst.msk vm2, v18  }
0x244: {  	v18 =	vld [tilespmem:s17+$0xA0];
	_ =	sdelay $0x4  }
0x245: {  	v19 =	vshrl.u32 v18, $0x14;
	s1 =	spop (v2sf)  }
0x246: {  	s0 =	sadd.s32 s0, s1;
	vm1 =	vgt.s32 v19, v5;
	vm2 =	veq.s32 v19, v5  }
0x247: {  	v19 =	vnsel vm1, $0x0, v18;
	[tilespmem:s0+$0xE000] =	vst.msk vm2, v18;
	v18 =	vmpcnt.ones.xlane vm2  }
0x248: {  	v20 =	vld [tilespmem:s17+$0xB0]  }
0x249: {  	(v2sf) =	vpush v18, $0x0;
	_ =	sdelay $0x3  }
0x24a: {  	v18 =	vshrl.u32 v20, $0x14  }
0x24b: {  	vm1 =	vgt.s32 v18, v5;
	vm2 =	veq.s32 v18, v5  }
0x24c: {  	v18 =	vnsel vm1, $0x0, v20;
	v21 =	vmpcnt.ones.xlane vm2;
	_ =	sdelay $0x1  }
0x24d: {  	(v2sf) =	vpush v21, $0x0;
	_ =	sdelay $0x6  }
0x24e: {  	s1 =	spop (v2sf)  }
0x24f: {  	s0 =	sadd.s32 s0, s1  }
0x250: {  	[tilespmem:s0+$0xE000] =	vst.msk vm2, v20  }
0x251: {  	v20 =	vld [tilespmem:s17+$0xC0];
	_ =	sdelay $0x4  }
0x252: {  	v21 =	vshrl.u32 v20, $0x14;
	s1 =	spop (v2sf)  }
0x253: {  	s0 =	sadd.s32 s0, s1;
	vm1 =	vgt.s32 v21, v5;
	vm2 =	veq.s32 v21, v5  }
0x254: {  	v21 =	vnsel vm1, $0x0, v20;
	[tilespmem:s0+$0xE000] =	vst.msk vm2, v20;
	v20 =	vmpcnt.ones.xlane vm2  }
0x255: {  	v22 =	vld [tilespmem:s17+$0xD0]  }
0x256: {  	(v2sf) =	vpush v20, $0x0;
	_ =	sdelay $0x1  }
0x257: {  	vm1 =	vgt.s32 v8, v5  }
0x258: {  	v7 =	vnsel vm1, $0x0, v7  }
0x259: {  	v6 =	vadd.f32 v7, v6;
	v7 =	vshrl.u32 v22, $0x14  }
0x25a: {  	vm1 =	vgt.s32 v7, v5;
	vm2 =	veq.s32 v7, v5  }
0x25b: {  	v6 =	vadd.f32 v9, v6;
	v7 =	vnsel vm1, $0x0, v22;
	v8 =	vmpcnt.ones.xlane vm2;
	_ =	sdelay $0x1  }
0x25c: {  	v6 =	vadd.f32 v10, v6;
	(v2sf) =	vpush v8, $0x0;
	_ =	sdelay $0x1  }
0x25d: {  	v6 =	vadd.f32 v11, v6;
	_ =	sdelay $0x1  }
0x25e: {  	v6 =	vadd.f32 v12, v6;
	_ =	sdelay $0x1  }
0x25f: {  	v6 =	vadd.f32 v13, v6  }
0x260: {  	s1 =	spop (v2sf)  }
0x261: {  	v6 =	vadd.f32 v14, v6;
	s0 =	sadd.s32 s0, s1  }
0x262: {  	[tilespmem:s0+$0xE000] =	vst.msk vm2, v22  }
0x263: {  	v6 =	vadd.f32 v15, v6;
	v8 =	vld [tilespmem:s17+$0xE0];
	_ =	sdelay $0x1  }
0x264: {  	v6 =	vadd.f32 v16, v6;
	_ =	sdelay $0x1  }
0x265: {  	v6 =	vadd.f32 v17, v6  }
0x266: {  	v9 =	vshrl.u32 v8, $0x14;
	s1 =	spop (v2sf)  }
0x267: {  	v6 =	vadd.f32 v19, v6;
	s0 =	sadd.s32 s0, s1;
	vm1 =	vgt.s32 v9, v5;
	vm2 =	veq.s32 v9, v5  }
0x268: {  	v9 =	vnsel vm1, $0x0, v8;
	[tilespmem:s0+$0xE000] =	vst.msk vm2, v8;
	v8 =	vmpcnt.ones.xlane vm2  }
0x269: {  	v6 =	vadd.f32 v18, v6;
	v10 =	vld [tilespmem:s17+$0xF0]  }
0x26a: {  	(v2sf) =	vpush v8, $0x0  }
0x26b: {  	v6 =	vadd.f32 v21, v6;
	_ =	sdelay $0x1  }
0x26c: {  	v6 =	vadd.f32 v7, v6  }
0x26d: {  	v7 =	vshrl.u32 v10, $0x14  }
0x26e: {  	v6 =	vadd.f32 v9, v6;
	vm1 =	vgt.s32 v7, v5;
	vm2 =	veq.s32 v7, v5  }
0x26f: {  	v7 =	vnsel vm1, $0x0, v10;
	v8 =	vmpcnt.ones.xlane vm2  }
0x270: {  	v6 =	vadd.f32 v7, v6  }
0x271: {  	(v2sf) =	vpush v8, $0x0;
	_ =	sdelay $0x6  }
0x272: {  	s1 =	spop (v2sf)  }
0x273: {  	s0 =	sadd.s32 s0, s1  }
0x274: {  	s17 =	sshra.s32 s19, $0x2;
	[tilespmem:s0+$0xE000] =	vst.msk vm2, v10  }
0x275: {  	v7 =	vld [tilespmem:s17+$0x0]  }
.Ltmp6:
0x276: {  	(pc) =	sbr.rel @p0 .LBB2_9-.Ltmp6, $2  }
0x277: {  	_ =	sdelay $0x2  }
0x278: {  	v8 =	vshrl.u32 v7, $0x14;
	s1 =	spop (v2sf)  }
0x279: {  	vm1 =	veq.s32 v8, v5;
	s0 =	sadd.s32 s0, s1  }
0x27a: {  	[tilespmem:s0+$0xE000] =	vst.msk vm1, v7;
	v9 =	vmpcnt.ones.xlane vm1  }
0x27b: {  	v10 =	vld [tilespmem:s17+$0x10]  }
0x27c: {  	(v2sf) =	vpush v9, $0x0;
	_ =	sdelay $0x3  }
0x27d: {  	v47 =	vshrl.u32 v10, $0x14  }
0x27e: {  	vm1 =	veq.s32 v47, v5  }
0x27f: {  	v11 =	vmpcnt.ones.xlane vm1;
	_ =	sdelay $0x1  }
0x280: {  	(v2sf) =	vpush v11, $0x0;
	_ =	sdelay $0x6  }
0x281: {  	s12 =	spop (v2sf)  }
0x282: {  	s0 =	sadd.s32 s0, s12  }
0x283: {  	[tilespmem:s0+$0xE000] =	vst.msk vm1, v10  }
0x284: {  	v48 =	vld [tilespmem:s17+$0x20];
	_ =	sdelay $0x4  }
0x285: {  	v12 =	vshrl.u32 v48, $0x14;
	s13 =	spop (v2sf)  }
0x286: {  	s0 =	sadd.s32 s0, s13;
	vm1 =	veq.s32 v12, v5  }
0x287: {  	[tilespmem:s0+$0xE000] =	vst.msk vm1, v48;
	v13 =	vmpcnt.ones.xlane vm1  }
0x288: {  	v14 =	vld [tilespmem:s17+$0x30]  }
0x289: {  	(v2sf) =	vpush v13, $0x0;
	_ =	sdelay $0x3  }
0x28a: {  	v49 =	vshrl.u32 v14, $0x14  }
0x28b: {  	vm1 =	veq.s32 v49, v5  }
0x28c: {  	v15 =	vmpcnt.ones.xlane vm1;
	_ =	sdelay $0x1  }
0x28d: {  	(v2sf) =	vpush v15, $0x0;
	_ =	sdelay $0x6  }
0x28e: {  	s14 =	spop (v2sf)  }
0x28f: {  	s0 =	sadd.s32 s0, s14  }
0x290: {  	[tilespmem:s0+$0xE000] =	vst.msk vm1, v14  }
0x291: {  	v50 =	vld [tilespmem:s17+$0x40];
	_ =	sdelay $0x4  }
0x292: {  	v16 =	vshrl.u32 v50, $0x14;
	s18 =	spop (v2sf)  }
0x293: {  	s0 =	sadd.s32 s0, s18;
	vm1 =	veq.s32 v16, v5  }
0x294: {  	[tilespmem:s0+$0xE000] =	vst.msk vm1, v50;
	v17 =	vmpcnt.ones.xlane vm1  }
0x295: {  	v18 =	vld [tilespmem:s17+$0x50]  }
0x296: {  	(v2sf) =	vpush v17, $0x0;
	_ =	sdelay $0x3  }
0x297: {  	v51 =	vshrl.u32 v18, $0x14  }
0x298: {  	vm1 =	veq.s32 v51, v5  }
0x299: {  	v19 =	vmpcnt.ones.xlane vm1;
	_ =	sdelay $0x1  }
0x29a: {  	(v2sf) =	vpush v19, $0x0;
	_ =	sdelay $0x6  }
0x29b: {  	s19 =	spop (v2sf)  }
0x29c: {  	s0 =	sadd.s32 s0, s19  }
0x29d: {  	[tilespmem:s0+$0xE000] =	vst.msk vm1, v18  }
0x29e: {  	v52 =	vld [tilespmem:s17+$0x60];
	_ =	sdelay $0x4  }
0x29f: {  	v20 =	vshrl.u32 v52, $0x14;
	s20 =	spop (v2sf)  }
0x2a0: {  	s0 =	sadd.s32 s0, s20;
	vm1 =	veq.s32 v20, v5  }
0x2a1: {  	[tilespmem:s0+$0xE000] =	vst.msk vm1, v52;
	v21 =	vmpcnt.ones.xlane vm1  }
0x2a2: {  	v22 =	vld [tilespmem:s17+$0x70]  }
0x2a3: {  	(v2sf) =	vpush v21, $0x0;
	_ =	sdelay $0x3  }
0x2a4: {  	v53 =	vshrl.u32 v22, $0x14  }
0x2a5: {  	vm1 =	veq.s32 v53, v5  }
0x2a6: {  	v23 =	vmpcnt.ones.xlane vm1;
	_ =	sdelay $0x1  }
0x2a7: {  	(v2sf) =	vpush v23, $0x0;
	_ =	sdelay $0x6  }
0x2a8: {  	s21 =	spop (v2sf)  }
0x2a9: {  	s0 =	sadd.s32 s0, s21  }
0x2aa: {  	[tilespmem:s0+$0xE000] =	vst.msk vm1, v22  }
0x2ab: {  	v54 =	vld [tilespmem:s17+$0x80];
	_ =	sdelay $0x4  }
0x2ac: {  	v24 =	vshrl.u32 v54, $0x14;
	s22 =	spop (v2sf)  }
0x2ad: {  	s0 =	sadd.s32 s0, s22;
	vm1 =	veq.s32 v24, v5  }
0x2ae: {  	[tilespmem:s0+$0xE000] =	vst.msk vm1, v54;
	v25 =	vmpcnt.ones.xlane vm1  }
0x2af: {  	v26 =	vld [tilespmem:s17+$0x90]  }
0x2b0: {  	(v2sf) =	vpush v25, $0x0;
	_ =	sdelay $0x3  }
0x2b1: {  	v55 =	vshrl.u32 v26, $0x14  }
0x2b2: {  	vm1 =	veq.s32 v55, v5  }
0x2b3: {  	v27 =	vmpcnt.ones.xlane vm1;
	_ =	sdelay $0x1  }
0x2b4: {  	(v2sf) =	vpush v27, $0x0;
	_ =	sdelay $0x6  }
0x2b5: {  	s23 =	spop (v2sf)  }
0x2b6: {  	s0 =	sadd.s32 s0, s23  }
0x2b7: {  	[tilespmem:s0+$0xE000] =	vst.msk vm1, v26  }
0x2b8: {  	v56 =	vld [tilespmem:s17+$0xA0];
	_ =	sdelay $0x4  }
0x2b9: {  	v28 =	vshrl.u32 v56, $0x14;
	s24 =	spop (v2sf)  }
0x2ba: {  	s0 =	sadd.s32 s0, s24;
	vm1 =	veq.s32 v28, v5  }
0x2bb: {  	[tilespmem:s0+$0xE000] =	vst.msk vm1, v56;
	v29 =	vmpcnt.ones.xlane vm1  }
0x2bc: {  	v30 =	vld [tilespmem:s17+$0xB0]  }
0x2bd: {  	(v2sf) =	vpush v29, $0x0;
	_ =	sdelay $0x3  }
0x2be: {  	v57 =	vshrl.u32 v30, $0x14  }
0x2bf: {  	vm1 =	veq.s32 v57, v5  }
0x2c0: {  	v31 =	vmpcnt.ones.xlane vm1;
	_ =	sdelay $0x1  }
0x2c1: {  	(v2sf) =	vpush v31, $0x0;
	_ =	sdelay $0x6  }
0x2c2: {  	s25 =	spop (v2sf)  }
0x2c3: {  	s0 =	sadd.s32 s0, s25  }
0x2c4: {  	[tilespmem:s0+$0xE000] =	vst.msk vm1, v30  }
0x2c5: {  	v58 =	vld [tilespmem:s17+$0xC0];
	_ =	sdelay $0x4  }
0x2c6: {  	v32 =	vshrl.u32 v58, $0x14;
	s26 =	spop (v2sf)  }
0x2c7: {  	s0 =	sadd.s32 s0, s26;
	vm1 =	veq.s32 v32, v5  }
0x2c8: {  	[tilespmem:s0+$0xE000] =	vst.msk vm1, v58;
	v33 =	vmpcnt.ones.xlane vm1  }
0x2c9: {  	v34 =	vld [tilespmem:s17+$0xD0]  }
0x2ca: {  	(v2sf) =	vpush v33, $0x0;
	_ =	sdelay $0x3  }
0x2cb: {  	v59 =	vshrl.u32 v34, $0x14  }
0x2cc: {  	vm1 =	veq.s32 v59, v5  }
0x2cd: {  	v35 =	vmpcnt.ones.xlane vm1;
	_ =	sdelay $0x1  }
0x2ce: {  	(v2sf) =	vpush v35, $0x0;
	_ =	sdelay $0x6  }
0x2cf: {  	s28 =	spop (v2sf)  }
0x2d0: {  	s0 =	sadd.s32 s0, s28  }
0x2d1: {  	[tilespmem:s0+$0xE000] =	vst.msk vm1, v34  }
0x2d2: {  	v60 =	vld [tilespmem:s17+$0xE0];
	_ =	sdelay $0x4  }
0x2d3: {  	v36 =	vshrl.u32 v60, $0x14;
	s29 =	spop (v2sf)  }
0x2d4: {  	vm1 =	vgt.s32 v8, v5;
	s0 =	sadd.s32 s0, s29;
	vm2 =	veq.s32 v36, v5  }
0x2d5: {  	v7 =	vnsel vm1, $0x0, v7;
	[tilespmem:s0+$0xE000] =	vst.msk vm2, v60  }
0x2d6: {  	vm1 =	vgt.s32 v47, v5;
	v6 =	vadd.f32 v7, v6;
	v7 =	vld [tilespmem:s17+$0xF0]  }
0x2d7: {  	v8 =	vnsel vm1, $0x0, v10  }
0x2d8: {  	vm1 =	vgt.s32 v12, v5;
	v6 =	vadd.f32 v8, v6  }
0x2d9: {  	v8 =	vnsel vm1, $0x0, v48  }
0x2da: {  	vm1 =	vgt.s32 v49, v5;
	v6 =	vadd.f32 v8, v6  }
0x2db: {  	vm3 =	vgt.s32 v16, v5;
	v8 =	vnsel vm1, $0x0, v14;
	v61 =	vshrl.u32 v7, $0x14  }
0x2dc: {  	v6 =	vadd.f32 v8, v6;
	v8 =	vmpcnt.ones.xlane vm2;
	vm1 =	veq.s32 v61, v5  }
0x2dd: {  	v62 =	vnsel vm3, $0x0, v50;
	v63 =	vmpcnt.ones.xlane vm1  }
0x2de: {  	vm2 =	vgt.s32 v51, v5;
	v6 =	vadd.f32 v62, v6;
	(v2sf) =	vpush v8, $0x0  }
0x2df: {  	v8 =	vnsel vm2, $0x0, v18;
	(v2sf) =	vpush v63, $0x0  }
0x2e0: {  	vm2 =	vgt.s32 v20, v5;
	v6 =	vadd.f32 v8, v6  }
0x2e1: {  	v8 =	vnsel vm2, $0x0, v52  }
0x2e2: {  	vm2 =	vgt.s32 v53, v5;
	v6 =	vadd.f32 v8, v6  }
0x2e3: {  	v8 =	vnsel vm2, $0x0, v22  }
0x2e4: {  	vm2 =	vgt.s32 v24, v5;
	v6 =	vadd.f32 v8, v6  }
0x2e5: {  	v8 =	vnsel vm2, $0x0, v54  }
0x2e6: {  	vm2 =	vgt.s32 v55, v5;
	v6 =	vadd.f32 v8, v6  }
0x2e7: {  	v8 =	vnsel vm2, $0x0, v26  }
0x2e8: {  	vm2 =	vgt.s32 v28, v5;
	v6 =	vadd.f32 v8, v6  }
0x2e9: {  	v8 =	vnsel vm2, $0x0, v56  }
0x2ea: {  	vm2 =	vgt.s32 v57, v5;
	v6 =	vadd.f32 v8, v6  }
0x2eb: {  	v8 =	vnsel vm2, $0x0, v30  }
0x2ec: {  	vm2 =	vgt.s32 v32, v5;
	v6 =	vadd.f32 v8, v6  }
0x2ed: {  	v8 =	vnsel vm2, $0x0, v58;
	s30 =	spop (v2sf)  }
0x2ee: {  	vm2 =	vgt.s32 v59, v5;
	v6 =	vadd.f32 v8, v6;
	s0 =	sadd.s32 s0, s30;
	s31 =	spop (v2sf)  }
0x2ef: {  	v8 =	vnsel vm2, $0x0, v34;
	s1 =	sadd.s32 s0, s31  }
.Ltmp7:
0x2f0: {  	vm2 =	vgt.s32 v36, v5;
	v6 =	vadd.f32 v8, v6;
	s2 =	sadd.s32 $0xFF, s1;
	(pc) =	sbr.rel .LBB2_11-.Ltmp7, $4  }
0x2f1: {  	v8 =	vnsel vm2, $0x0, v60;
	s3 =	sshra.s32 s2, $0x1F  }
0x2f2: {  	s16 =	sshll.u32 s16, $0x14;
	s4 =	rddreg [dreg:$0x7];
	vm2 =	vgt.s32 v61, v5;
	v6 =	vadd.f32 v8, v6;
	s3 =	sshrl.u32 s3, $0x18  }
0x2f3: {  	s14 =	ssub.f32 s4, s15;
	s18 =	simm.s32 $0x0;
	v5 =	vnsel vm2, $0x0, v7;
	s3 =	sadd.s32 s3, s2  }
0x2f4: {  	s17 =	sor.u32 $0xFFFFF, s16;
	[tilespmem:s0+$0xE000] =	vst.msk vm1, v7;
	v6 =	vadd.f32 v5, v6;
	v5 =	vmov s1;
	p0 =	slt.s32 s2, $0x100;
	s15 =	sshra.s32 s3, $0x8  }
.LBB2_13:
0x2f5: {  	s22 =	simm.s32 $0x80  }
.LBB2_17:
0x2f6: {  	v14 =	vsel @p1 vm1, $0x3F800000, v1;
	vm1 =	vlt.s32 @p1 v13, v5;
	vm2 =	vge.f32 @p1 v11, v7;
	s0 =	sadd.s32 @p1 $0x70, s22  }
0x2f7: {  	s1 =	sadd.s32 @p1 $0x100, s22;
	v45 =	vld [tilespmem:s21+$0xFFFFFF90];
	v11 =	vadd.f32 @p1 v14, v12;
	vm1 =	vmand @p1 vm1, vm2;
	v12 =	vor.u32 @p1 s0, v0  }
0x2f8: {  	s20 =	smov.u32 @p1 s1;
	vm2 =	vge.f32 @p1 v10, v7;
	v14 =	vsel @p1 vm1, $0x3F800000, v1;
	vm1 =	vlt.s32 @p1 v12, v5  }
0x2f9: {  	s6 =	sadd.s32 $0xFFFFFF80, s20;
	v11 =	vadd.f32 @p1 v14, v11;
	vm1 =	vmand @p1 vm1, vm2  }
0x2fa: {  	v46 =	vld [tilespmem:s21+$0xFFFFFFA0];
	vm3 =	vge.f32 v9, v7;
	v10 =	vor.u32 s6, v0;
	v9 =	vsel @p1 vm1, $0x3F800000, v1  }
0x2fb: {  	s8 =	sadd.s32 $0xFFFFFF90, s20;
	vm2 =	vlt.s32 v10, v5;
	v9 =	vadd.f32 @p1 v9, v11  }
0x2fc: {  	v10 =	vor.u32 s8, v0;
	vm1 =	vmand vm2, vm3;
	v11 =	vld [tilespmem:s21+$0xFFFFFFB0];
	vm2 =	vge.f32 v45, v7  }
0x2fd: {  	s9 =	sadd.s32 $0xFFFFFFA0, s20;
	v47 =	vsel vm1, $0x3F800000, v1;
	vm1 =	vlt.s32 v10, v5;
	v8 =	vpsel p1, v9, v8  }
0x2fe: {  	v10 =	vld [tilespmem:s21+$0xFFFFFFC0];
	vm1 =	vmand vm1, vm2;
	v9 =	vor.u32 s9, v0;
	v8 =	vadd.f32 v47, v8  }
0x2ff: {  	s10 =	sadd.s32 $0xFFFFFFB0, s20;
	vm2 =	vge.f32 v46, v7;
	v48 =	vsel vm1, $0x3F800000, v1;
	vm1 =	vlt.s32 v9, v5  }
0x300: {  	v49 =	vld [tilespmem:s21+$0xFFFFFFD0];
	v9 =	vor.u32 s10, v0;
	vm1 =	vmand vm1, vm2;
	v8 =	vadd.f32 v48, v8  }
0x301: {  	s12 =	sadd.s32 $0xFFFFFFC0, s20;
	v50 =	vsel vm1, $0x3F800000, v1;
	vm1 =	vlt.s32 v9, v5;
	vm2 =	vge.f32 v11, v7  }
0x302: {  	v9 =	vor.u32 s12, v0;
	v11 =	vld [tilespmem:s21+$0xFFFFFFE0];
	vm1 =	vmand vm1, vm2;
	v8 =	vadd.f32 v50, v8  }
0x303: {  	s13 =	sadd.s32 $0xFFFFFFD0, s20;
	vm2 =	vge.f32 v10, v7;
	v51 =	vsel vm1, $0x3F800000, v1;
	vm1 =	vlt.s32 v9, v5  }
0x304: {  	v10 =	vld [tilespmem:s21+$0xFFFFFFF0];
	v9 =	vor.u32 s13, v0;
	vm1 =	vmand vm1, vm2;
	v8 =	vadd.f32 v51, v8  }
0x305: {  	s22 =	sadd.s32 $0xFFFFFFE0, s20;
	vm2 =	vge.f32 v49, v7;
	v52 =	vsel vm1, $0x3F800000, v1;
	vm1 =	vlt.s32 v9, v5  }
0x306: {  	v53 =	vld [tilespmem:s21+$0x0];
	v9 =	vor.u32 s22, v0;
	vm1 =	vmand vm1, vm2;
	v8 =	vadd.f32 v52, v8  }
0x307: {  	s23 =	sadd.s32 $0xFFFFFFF0, s20;
	vm2 =	vge.f32 v11, v7;
	v54 =	vsel vm1, $0x3F800000, v1;
	vm1 =	vlt.s32 v9, v5  }
0x308: {  	v11 =	vld [tilespmem:s21+$0x10];
	v9 =	vor.u32 s23, v0;
	vm1 =	vmand vm1, vm2;
	v8 =	vadd.f32 v54, v8  }
0x309: {  	vm2 =	vge.f32 v10, v7;
	v55 =	vsel vm1, $0x3F800000, v1;
	vm1 =	vlt.s32 v9, v5  }
0x30a: {  	v10 =	vld [tilespmem:s21+$0x20];
	v9 =	vor.u32 s20, v0;
	vm1 =	vmand vm1, vm2;
	v8 =	vadd.f32 v55, v8  }
0x30b: {  	s24 =	sadd.s32 $0x10, s20;
	vm2 =	vge.f32 v53, v7;
	v56 =	vsel vm1, $0x3F800000, v1;
	vm1 =	vlt.s32 v9, v5  }
0x30c: {  	v57 =	vld [tilespmem:s21+$0x30];
	v9 =	vor.u32 s24, v0;
	vm1 =	vmand vm1, vm2;
	v8 =	vadd.f32 v56, v8  }
0x30d: {  	s25 =	sadd.s32 $0x20, s20;
	vm2 =	vge.f32 v11, v7;
	v58 =	vsel vm1, $0x3F800000, v1;
	vm1 =	vlt.s32 v9, v5  }
0x30e: {  	v11 =	vld [tilespmem:s21+$0x40];
	v9 =	vor.u32 s25, v0;
	vm1 =	vmand vm1, vm2;
	v8 =	vadd.f32 v58, v8  }
0x30f: {  	s26 =	sadd.s32 $0x30, s20;
	vm2 =	vge.f32 v10, v7;
	v59 =	vsel vm1, $0x3F800000, v1;
	vm1 =	vlt.s32 v9, v5  }
0x310: {  	v10 =	vld [tilespmem:s21+$0x50];
	v9 =	vor.u32 s26, v0;
	vm1 =	vmand vm1, vm2;
	v8 =	vadd.f32 v59, v8  }
0x311: {  	s28 =	sadd.s32 $0x40, s20;
	vm2 =	vge.f32 v57, v7;
	v60 =	vsel vm1, $0x3F800000, v1;
	vm1 =	vlt.s32 v9, v5  }
0x312: {  	v61 =	vld [tilespmem:s21+$0x60];
	v9 =	vor.u32 s28, v0;
	vm1 =	vmand vm1, vm2;
	v8 =	vadd.f32 v60, v8  }
0x313: {  	s29 =	sadd.s32 $0x50, s20;
	vm2 =	vge.f32 v11, v7;
	v62 =	vsel vm1, $0x3F800000, v1;
	vm1 =	vlt.s32 v9, v5  }
0x314: {  	v11 =	vld [tilespmem:s21+$0x70];
	v9 =	vor.u32 s29, v0;
	vm1 =	vmand vm1, vm2;
	v8 =	vadd.f32 v62, v8  }
0x315: {  	s30 =	sadd.s32 $0x60, s20;
	vm2 =	vge.f32 v10, v7;
	v63 =	vsel vm1, $0x3F800000, v1;
	vm1 =	vlt.s32 v9, v5  }
0x316: {  	v9 =	vor.u32 s30, v0;
	vm1 =	vmand vm1, vm2;
	v8 =	vadd.f32 v63, v8  }
0x317: {  	s31 =	sadd.s32 $0x70, s20;
	vm2 =	vge.f32 v61, v7;
	v10 =	vsel vm1, $0x3F800000, v1;
	vm1 =	vlt.s32 v9, v5  }
0x318: {  	v9 =	vor.u32 s31, v0;
	vm1 =	vmand vm1, vm2;
	v8 =	vadd.f32 v10, v8  }
0x319: {  	vm2 =	vge.f32 v11, v7;
	v10 =	vsel vm1, $0x3F800000, v1;
	vm1 =	vlt.s32 v9, v5  }
0x31a: {  	vm1 =	vmand vm1, vm2;
	v7 =	vadd.f32 v10, v8  }
0x31b: {  	v8 =	vsel vm1, $0x3F800000, v1  }
0x31c: {  	v8 =	vadd.f32 v8, v7  }
.LBB2_18:
0x31d: {  	_ = 	snop  }
0x31e: {  	(xrf2) =	vadd.scan.msk.f32 $0xffff, v8;
	_ =	sdelay $0x9  }
0x31f: {  	v7, _, _ =	vpop (xrf2)  }
0x320: {  	(v2sf) =	vpush v7, $0xF;
	_ =	sdelay $0xc  }
0x321: {  	s18 =	sadd.s32 $0x1, s18  }
0x322: {  	p2 =	sne.s32 s18, $0x15  }
.Ltmp8:
0x323: {  	s0 =	spop (v2sf);
	(pc) =	sbr.rel @!p2 .LBB2_19-.Ltmp8, $4  }
0x324: {  	p1 =	sge.f32 s0, s14  }
0x325: {  	s0 =	sadd.s32 $0xFFFFFFFF, s19  }
0x326: {  	s0 =	smov.u32 @p1 s17  }
0x327: {  	s16 =	smov.u32 @p1 s19;
	s17 =	smov.u32 s0  }
.LBB2_11:
.Ltmp9:
0x328: {  	(pc) =	sbr.rel @p0 .LBB2_18-.Ltmp9, $4  }
0x329: {  	s0 =	ssub.s32 s17, s16  }
0x32a: {  	s0 =	sadd.s32 $0x1, s0  }
0x32b: {  	s0 =	sshrl.u32 s0, $0x1  }
0x32c: {  	v8 =	vimm.f32 $0.0e+00;
	s19 =	sadd.s32 s16, s0  }
0x32d: {  	p2 =	sne.s32 s15, $0x1  }
.Ltmp10:
0x32e: {  	_ = 	snop;
	(pc) =	sbr.rel @!p2 .LBB2_13-.Ltmp10, $4  }
0x32f: {  	_ = 	snop  }
0x330: {  	v7 =	vmov s19  }
0x331: {  	s21 =	simm.s32 $0xE080;
	v7 =	vbroadcast v7, $0x0  }
0x332: {  	s20 =	simm.s32 $0x80;
	s0 =	sadd.s32 $0xFFFFFFFF, s15;
	p1 =	por $0x0, $0x0;
	v9 =	vld [tilespmem:s21+$0xFFFFFF80]  }
0x333: {  	_ = 	snop  }
0x334: {  	v10 =	vld [tilespmem:s21+$0xFFFFFF90]  }
0x335: {  	s1 =	simm.s32 $0x0  }
0x336: {  	v12 =	vld [tilespmem:s21+$0xFFFFFFA0];
	v11 =	vor.u32 s1, v0  }
0x337: {  	s9 =	simm.s32 $0x10;
	vm1 =	vlt.s32 v11, v5;
	vm2 =	vge.f32 v9, v7  }
0x338: {  	v11 =	vld [tilespmem:s21+$0xFFFFFFB0];
	v9 =	vor.u32 s9, v0;
	vm1 =	vmand vm1, vm2  }
0x339: {  	s10 =	simm.s32 $0x20;
	vm2 =	vge.f32 v10, v7;
	v13 =	vsel vm1, $0x3F800000, v1;
	vm1 =	vlt.s32 v9, v5  }
0x33a: {  	v10 =	vor.u32 s10, v0;
	v9 =	vadd.f32 v13, v8;
	vm1 =	vmand vm1, vm2;
	v13 =	vld [tilespmem:s21+$0xFFFFFFC0]  }
0x33b: {  	s12 =	simm.s32 $0x30;
	vm2 =	vge.f32 v12, v7;
	v14 =	vsel vm1, $0x3F800000, v1;
	vm1 =	vlt.s32 v10, v5  }
0x33c: {  	v12 =	vld [tilespmem:s21+$0xFFFFFFD0];
	v10 =	vor.u32 s12, v0;
	v9 =	vadd.f32 v14, v9;
	vm1 =	vmand vm1, vm2  }
0x33d: {  	s13 =	simm.s32 $0x40;
	vm2 =	vge.f32 v11, v7;
	v14 =	vsel vm1, $0x3F800000, v1;
	vm1 =	vlt.s32 v10, v5  }
0x33e: {  	v11 =	vld [tilespmem:s21+$0xFFFFFFE0];
	v10 =	vor.u32 s13, v0;
	v9 =	vadd.f32 v14, v9;
	vm1 =	vmand vm1, vm2  }
0x33f: {  	s22 =	simm.s32 $0x50;
	v14 =	vsel vm1, $0x3F800000, v1;
	vm1 =	vlt.s32 v10, v5;
	vm2 =	vge.f32 v13, v7  }
0x340: {  	v10 =	vor.u32 s22, v0;
	v13 =	vld [tilespmem:s21+$0xFFFFFFF0];
	v9 =	vadd.f32 v14, v9;
	vm1 =	vmand vm1, vm2  }
0x341: {  	s23 =	simm.s32 $0x60;
	vm2 =	vge.f32 v12, v7;
	v14 =	vsel vm1, $0x3F800000, v1;
	vm1 =	vlt.s32 v10, v5  }
0x342: {  	v12 =	vld [tilespmem:s21+$0x0];
	v10 =	vor.u32 s23, v0;
	v9 =	vadd.f32 v14, v9;
	vm1 =	vmand vm1, vm2  }
0x343: {  	s24 =	simm.s32 $0x70;
	vm2 =	vge.f32 v11, v7;
	v14 =	vsel vm1, $0x3F800000, v1;
	vm1 =	vlt.s32 v10, v5  }
0x344: {  	v11 =	vld [tilespmem:s21+$0x10];
	v10 =	vor.u32 s24, v0;
	v9 =	vadd.f32 v14, v9;
	vm1 =	vmand vm1, vm2  }
0x345: {  	vm2 =	vge.f32 v13, v7;
	v14 =	vsel vm1, $0x3F800000, v1;
	vm1 =	vlt.s32 v10, v5  }
0x346: {  	v13 =	vld [tilespmem:s21+$0x20];
	v10 =	vor.u32 s20, v0;
	v9 =	vadd.f32 v14, v9;
	vm1 =	vmand vm1, vm2  }
0x347: {  	s25 =	simm.s32 $0x90;
	vm2 =	vge.f32 v12, v7;
	v14 =	vsel vm1, $0x3F800000, v1;
	vm1 =	vlt.s32 v10, v5  }
0x348: {  	v12 =	vld [tilespmem:s21+$0x30];
	v10 =	vor.u32 s25, v0;
	v9 =	vadd.f32 v14, v9;
	vm1 =	vmand vm1, vm2  }
0x349: {  	s26 =	simm.s32 $0xA0;
	vm2 =	vge.f32 v11, v7;
	v14 =	vsel vm1, $0x3F800000, v1;
	vm1 =	vlt.s32 v10, v5  }
0x34a: {  	v10 =	vor.u32 s26, v0;
	v9 =	vadd.f32 v14, v9;
	vm1 =	vmand vm1, vm2;
	v14 =	vld [tilespmem:s21+$0x40]  }
0x34b: {  	s28 =	simm.s32 $0xB0;
	vm2 =	vge.f32 v13, v7;
	v11 =	vsel vm1, $0x3F800000, v1;
	vm1 =	vlt.s32 v10, v5  }
0x34c: {  	v13 =	vld [tilespmem:s21+$0x50];
	v10 =	vor.u32 s28, v0;
	v9 =	vadd.f32 v11, v9;
	vm1 =	vmand vm1, vm2  }
0x34d: {  	s29 =	simm.s32 $0xC0;
	p2 =	sne.s32 s0, $0x1;
	vm2 =	vge.f32 v12, v7;
	v11 =	vsel vm1, $0x3F800000, v1;
	vm1 =	vlt.s32 v10, v5  }
.Ltmp11:
0x34e: {  	v10 =	vor.u32 s29, v0;
	v9 =	vadd.f32 v11, v9;
	vm1 =	vmand vm1, vm2;
	v11 =	vld [tilespmem:s21+$0x60];
	(pc) =	sbr.rel @!p2 .LBB2_15-.Ltmp11, $4  }
0x34f: {  	s30 =	simm.s32 $0xD0;
	v12 =	vsel vm1, $0x3F800000, v1;
	vm1 =	vlt.s32 v10, v5;
	vm2 =	vge.f32 v14, v7  }
0x350: {  	v10 =	vld [tilespmem:s21+$0x70];
	v12 =	vadd.f32 v12, v9;
	vm1 =	vmand vm1, vm2;
	v9 =	vor.u32 s30, v0  }
0x351: {  	s31 =	simm.s32 $0xE0;
	s21 =	simm.s32 $0xE180;
	vm2 =	vge.f32 v13, v7;
	v14 =	vsel vm1, $0x3F800000, v1;
	vm1 =	vlt.s32 v9, v5  }
0x352: {  	p1 =	por $0x1, $0x1;
	s22 =	simm.s32 $0x80;
	s23 =	sadd.s32 $0xFFFFFFFF, s0;
	v13 =	vor.u32 s31, v0;
	v9 =	vld [tilespmem:s21+$0xFFFFFF80];
	v12 =	vadd.f32 v14, v12;
	vm1 =	vmand vm1, vm2  }
.LBB2_16:
0x353: {  	p2 =	sne.s32 s23, $0x1;
	v14 =	vsel vm1, $0x3F800000, v1;
	vm1 =	vlt.s32 v13, v5;
	vm2 =	vge.f32 v11, v7;
	s0 =	sadd.s32 $0x70, s22  }
0x354: {  	s22 =	sadd.s32 $0x100, s22;
	v11 =	vld [tilespmem:s21+$0xFFFFFF90];
	v12 =	vadd.f32 v14, v12;
	vm1 =	vmand vm1, vm2;
	v13 =	vor.u32 s0, v0  }
0x355: {  	s0 =	sadd.s32 $0xFFFFFF80, s22;
	vm2 =	vge.f32 v10, v7;
	v14 =	vsel vm1, $0x3F800000, v1;
	vm1 =	vlt.s32 v13, v5  }
0x356: {  	v10 =	vor.u32 s0, v0;
	v13 =	vld [tilespmem:s21+$0xFFFFFFA0];
	v12 =	vadd.f32 v14, v12;
	vm1 =	vmand vm1, vm2  }
0x357: {  	vm3 =	vge.f32 v9, v7;
	s0 =	sadd.s32 $0xFFFFFF90, s22;
	vm2 =	vlt.s32 v10, v5;
	v9 =	vsel vm1, $0x3F800000, v1  }
0x358: {  	v10 =	vor.u32 s0, v0;
	vm1 =	vmand vm2, vm3;
	v14 =	vld [tilespmem:s21+$0xFFFFFFB0];
	v9 =	vadd.f32 v9, v12  }
0x359: {  	s0 =	sadd.s32 $0xFFFFFFA0, s22;
	v12 =	vsel vm1, $0x3F800000, v1;
	vm1 =	vlt.s32 v10, v5;
	vm2 =	vge.f32 v11, v7  }
0x35a: {  	v10 =	vor.u32 s0, v0;
	v9 =	vadd.f32 v12, v9;
	vm1 =	vmand vm1, vm2;
	v11 =	vld [tilespmem:s21+$0xFFFFFFC0]  }
0x35b: {  	s0 =	sadd.s32 $0xFFFFFFB0, s22;
	v12 =	vsel vm1, $0x3F800000, v1;
	vm1 =	vlt.s32 v10, v5;
	vm2 =	vge.f32 v13, v7  }
0x35c: {  	v10 =	vor.u32 s0, v0;
	v9 =	vadd.f32 v12, v9;
	vm1 =	vmand vm1, vm2;
	v12 =	vld [tilespmem:s21+$0xFFFFFFD0]  }
0x35d: {  	s0 =	sadd.s32 $0xFFFFFFC0, s22;
	v13 =	vsel vm1, $0x3F800000, v1;
	vm1 =	vlt.s32 v10, v5;
	vm2 =	vge.f32 v14, v7  }
0x35e: {  	v10 =	vor.u32 s0, v0;
	v9 =	vadd.f32 v13, v9;
	vm1 =	vmand vm1, vm2;
	v13 =	vld [tilespmem:s21+$0xFFFFFFE0]  }
0x35f: {  	s0 =	sadd.s32 $0xFFFFFFD0, s22;
	v14 =	vsel vm1, $0x3F800000, v1;
	vm1 =	vlt.s32 v10, v5;
	vm2 =	vge.f32 v11, v7  }
0x360: {  	v10 =	vor.u32 s0, v0;
	v9 =	vadd.f32 v14, v9;
	vm1 =	vmand vm1, vm2;
	v11 =	vld [tilespmem:s21+$0xFFFFFFF0]  }
0x361: {  	s0 =	sadd.s32 $0xFFFFFFE0, s22;
	v14 =	vsel vm1, $0x3F800000, v1;
	vm1 =	vlt.s32 v10, v5;
	vm2 =	vge.f32 v12, v7  }
0x362: {  	v10 =	vor.u32 s0, v0;
	v9 =	vadd.f32 v14, v9;
	vm1 =	vmand vm1, vm2;
	v12 =	vld [tilespmem:s21+$0x0]  }
0x363: {  	s0 =	sadd.s32 $0xFFFFFFF0, s22;
	v14 =	vsel vm1, $0x3F800000, v1;
	vm1 =	vlt.s32 v10, v5;
	vm2 =	vge.f32 v13, v7  }
0x364: {  	v10 =	vor.u32 s0, v0;
	v9 =	vadd.f32 v14, v9;
	vm1 =	vmand vm1, vm2;
	v13 =	vld [tilespmem:s21+$0x10]  }
0x365: {  	v14 =	vsel vm1, $0x3F800000, v1;
	vm1 =	vlt.s32 v10, v5;
	vm2 =	vge.f32 v11, v7  }
0x366: {  	v10 =	vor.u32 s22, v0;
	v9 =	vadd.f32 v14, v9;
	vm1 =	vmand vm1, vm2;
	v11 =	vld [tilespmem:s21+$0x20]  }
0x367: {  	s0 =	sadd.s32 $0x10, s22;
	v14 =	vsel vm1, $0x3F800000, v1;
	vm1 =	vlt.s32 v10, v5;
	vm2 =	vge.f32 v12, v7  }
0x368: {  	v10 =	vor.u32 s0, v0;
	v9 =	vadd.f32 v14, v9;
	vm1 =	vmand vm1, vm2;
	v12 =	vld [tilespmem:s21+$0x30]  }
0x369: {  	s0 =	sadd.s32 $0x20, s22;
	v14 =	vsel vm1, $0x3F800000, v1;
	vm1 =	vlt.s32 v10, v5;
	vm2 =	vge.f32 v13, v7  }
0x36a: {  	v10 =	vor.u32 s0, v0;
	v9 =	vadd.f32 v14, v9;
	vm1 =	vmand vm1, vm2;
	v13 =	vld [tilespmem:s21+$0x40]  }
0x36b: {  	s0 =	sadd.s32 $0x30, s22;
	v14 =	vsel vm1, $0x3F800000, v1;
	vm1 =	vlt.s32 v10, v5;
	vm2 =	vge.f32 v11, v7  }
0x36c: {  	v10 =	vor.u32 s0, v0;
	v9 =	vadd.f32 v14, v9;
	vm1 =	vmand vm1, vm2;
	v14 =	vld [tilespmem:s21+$0x50]  }
0x36d: {  	s0 =	sadd.s32 $0x40, s22;
	v11 =	vsel vm1, $0x3F800000, v1;
	vm1 =	vlt.s32 v10, v5;
	vm2 =	vge.f32 v12, v7  }
.Ltmp12:
0x36e: {  	v10 =	vor.u32 s0, v0;
	v9 =	vadd.f32 v11, v9;
	vm1 =	vmand vm1, vm2;
	v11 =	vld [tilespmem:s21+$0x60];
	(pc) =	sbr.rel @p2 .LBB2_16-.Ltmp12, $4  }
0x36f: {  	s0 =	sadd.s32 $0x50, s22;
	v12 =	vsel vm1, $0x3F800000, v1;
	vm1 =	vlt.s32 v10, v5;
	vm2 =	vge.f32 v13, v7  }
0x370: {  	v12 =	vadd.f32 v12, v9;
	vm1 =	vmand vm1, vm2;
	v9 =	vor.u32 s0, v0;
	v10 =	vld [tilespmem:s21+$0x70]  }
0x371: {  	s0 =	sadd.s32 $0x60, s22;
	s21 =	sadd.s32 $0x100, s21;
	v13 =	vsel vm1, $0x3F800000, v1;
	vm1 =	vlt.s32 v9, v5;
	vm2 =	vge.f32 v14, v7  }
0x372: {  	s23 =	sadd.s32 $0xFFFFFFFF, s23;
	v9 =	vld [tilespmem:s21+$0xFFFFFF80];
	v12 =	vadd.f32 v13, v12;
	vm1 =	vmand vm1, vm2;
	v13 =	vor.u32 s0, v0  }
.Ltmp13:
0x373: {  	_ = 	snop;
	(pc) =	sbr.rel .LBB2_17-.Ltmp13, $1  }
0x374: {  	_ =	sdelay $0x3  }
.LBB2_15:
.Ltmp14:
0x375: {  	(pc) =	sbr.rel .LBB2_17-.Ltmp14, $2  }
0x376: {  	_ =	sdelay $0x2  }
0x377: {  	s22 =	simm.s32 $0x80  }
.LBB2_19:
0x378: {  	(xrf2) =	vadd.scan.msk.f32 $0xffff, v6;
	_ =	sdelay $0x9  }
0x379: {  	v6, _, _ =	vpop (xrf2)  }
0x37a: {  	(v2sf) =	vpush v6, $0xF;
	_ =	sdelay $0xa  }
.Ltmp15:
0x37b: {  	_ = 	snop;
	(pc) =	sbr.rel @p0 .LBB2_20-.Ltmp15, $2  }
0x37c: {  	_ =	sdelay $0x2  }
0x37d: {  	v7 =	vimm.f32 $0.0e+00;
	s17 =	spop (v2sf)  }
0x37e: {  	s19 =	simm.s32 $0x80  }
0x37f: {  	v6 =	vmov s16;
	s0 =	simm.s32 $0xD0;
	s1 =	simm.s32 $0xE0;
	s2 =	simm.s32 $0xF0  }
0x380: {  	s3 =	simm.s32 $0xA0;
	s23 =	simm.s32 $0xB0;
	p0 =	sne.s32 s15, $0x1;
	v6 =	vbroadcast v6, $0x0;
	v8 =	vor.u32 s19, v0;
	v9 =	vor.u32 s0, v0  }
.Ltmp16:
0x381: {  	s4 =	simm.s32 $0xC0;
	s24 =	simm.s32 $0x70;
	v11 =	vor.u32 s1, v0;
	v12 =	vor.u32 s2, v0;
	v10 =	vor.u32 s3, v0;
	(pc) =	sbr.rel @!p0 .LBB2_23-.Ltmp16, $4  }
0x382: {  	s25 =	simm.s32 $0x90;
	s26 =	simm.s32 $0x40;
	s28 =	simm.s32 $0x50;
	v14 =	vor.u32 s23, v0;
	v15 =	vor.u32 s4, v0;
	v16 =	vor.u32 s24, v0  }
0x383: {  	s29 =	simm.s32 $0x60;
	s30 =	simm.s32 $0x10;
	s31 =	simm.s32 $0x20;
	v19 =	vor.u32 s25, v0;
	v20 =	vor.u32 s26, v0;
	v21 =	vor.u32 s28, v0  }
0x384: {  	s18 =	simm.s32 $0xE080;
	s5 =	simm.s32 $0x30;
	v22 =	vor.u32 s29, v0;
	v17 =	vor.u32 s30, v0;
	v18 =	vor.u32 s31, v0  }
0x385: {  	s15 =	sadd.s32 $0xFFFFFFFF, s15;
	s0 =	simm.s32 $0x0;
	v13 =	vld [tilespmem:s18+$0xFFFFFF80];
	v23 =	vor.u32 s5, v0;
	vm1 =	vlt.s32 v8, v5;
	v8 =	vimm.f32 $0.0e+00  }
.LBB2_22:
0x386: {  	p0 =	sne.s32 s15, $0x1;
	v24 =	vor.u32 s0, v0;
	vm3 =	vlt.s32 v11, v5;
	vm2 =	vlt.s32 v12, v5  }
0x387: {  	vm6 =	vlt.s32 v14, v5;
	vm5 =	vlt.s32 v15, v5;
	vm4 =	vlt.s32 v9, v5;
	v11 =	vld [tilespmem:s18+$0xFFFFFF90]  }
0x388: {  	vm9 =	vlt.s32 v16, v5;
	vm8 =	vlt.s32 v19, v5;
	vm7 =	vlt.s32 v10, v5  }
0x389: {  	vm12 =	vlt.s32 v20, v5;
	vm11 =	vlt.s32 v21, v5;
	vm10 =	vlt.s32 v22, v5;
	v9 =	vld [tilespmem:s18+$0xFFFFFFA0]  }
0x38a: {  	vm15 =	vlt.s32 v23, v5;
	vm13 =	vlt.s32 v24, v5;
	vm14 =	vgt.f32 v13, v6  }
0x38b: {  	vm0 =	vlt.s32 v18, v5;
	vm13 =	vmand vm13, vm14;
	vm14 =	vlt.s32 v17, v5;
	v10 =	vld [tilespmem:s18+$0xFFFFFFB0]  }
0x38c: {  	v12 =	vnsel vm13, $0x0, v13;
	v13 =	vsel vm13, $0x3F800000, v1;
	vm13 =	vgt.f32 v11, v6  }
0x38d: {  	v7 =	vadd.f32 v12, v7;
	v8 =	vadd.f32 v13, v8;
	vm13 =	vmand vm14, vm13;
	v12 =	vld [tilespmem:s18+$0xFFFFFFC0]  }
0x38e: {  	v11 =	vnsel vm13, $0x0, v11;
	v13 =	vsel vm13, $0x3F800000, v1;
	vm13 =	vgt.f32 v9, v6  }
0x38f: {  	v7 =	vadd.f32 v11, v7;
	v8 =	vadd.f32 v13, v8;
	vm0 =	vmand vm0, vm13;
	v11 =	vld [tilespmem:s18+$0xFFFFFFD0]  }
0x390: {  	v9 =	vnsel vm0, $0x0, v9;
	v13 =	vsel vm0, $0x3F800000, v1;
	vm0 =	vgt.f32 v10, v6  }
0x391: {  	v7 =	vadd.f32 v9, v7;
	v8 =	vadd.f32 v13, v8;
	vm0 =	vmand vm15, vm0;
	v9 =	vld [tilespmem:s18+$0xFFFFFFE0]  }
0x392: {  	v10 =	vnsel vm0, $0x0, v10;
	v13 =	vsel vm0, $0x3F800000, v1;
	vm0 =	vgt.f32 v12, v6  }
0x393: {  	v7 =	vadd.f32 v10, v7;
	v8 =	vadd.f32 v13, v8;
	vm0 =	vmand vm12, vm0;
	v10 =	vld [tilespmem:s18+$0xFFFFFFF0]  }
0x394: {  	v12 =	vnsel vm0, $0x0, v12;
	v13 =	vsel vm0, $0x3F800000, v1;
	vm0 =	vgt.f32 v11, v6  }
0x395: {  	v7 =	vadd.f32 v12, v7;
	v8 =	vadd.f32 v13, v8;
	vm0 =	vmand vm11, vm0;
	v12 =	vld [tilespmem:s18+$0x0]  }
0x396: {  	v11 =	vnsel vm0, $0x0, v11;
	v13 =	vsel vm0, $0x3F800000, v1;
	vm0 =	vgt.f32 v9, v6  }
0x397: {  	v7 =	vadd.f32 v11, v7;
	v8 =	vadd.f32 v13, v8;
	vm0 =	vmand vm10, vm0;
	v11 =	vld [tilespmem:s18+$0x10]  }
0x398: {  	v9 =	vnsel vm0, $0x0, v9;
	v13 =	vsel vm0, $0x3F800000, v1;
	vm0 =	vgt.f32 v10, v6  }
0x399: {  	v7 =	vadd.f32 v9, v7;
	v8 =	vadd.f32 v13, v8;
	vm0 =	vmand vm9, vm0;
	v9 =	vld [tilespmem:s18+$0x20]  }
0x39a: {  	v10 =	vnsel vm0, $0x0, v10;
	v13 =	vsel vm0, $0x3F800000, v1;
	vm0 =	vgt.f32 v12, v6  }
0x39b: {  	v7 =	vadd.f32 v10, v7;
	v8 =	vadd.f32 v13, v8;
	vm0 =	vmand vm1, vm0;
	v10 =	vld [tilespmem:s18+$0x30]  }
0x39c: {  	v12 =	vnsel vm0, $0x0, v12;
	v13 =	vsel vm0, $0x3F800000, v1;
	vm0 =	vgt.f32 v11, v6  }
0x39d: {  	v7 =	vadd.f32 v12, v7;
	v8 =	vadd.f32 v13, v8;
	vm0 =	vmand vm8, vm0;
	v12 =	vld [tilespmem:s18+$0x40]  }
0x39e: {  	v11 =	vnsel vm0, $0x0, v11;
	v13 =	vsel vm0, $0x3F800000, v1;
	vm0 =	vgt.f32 v9, v6  }
0x39f: {  	v7 =	vadd.f32 v11, v7;
	v8 =	vadd.f32 v13, v8;
	vm0 =	vmand vm7, vm0;
	v11 =	vld [tilespmem:s18+$0x50]  }
0x3a0: {  	v9 =	vnsel vm0, $0x0, v9;
	v13 =	vsel vm0, $0x3F800000, v1;
	vm0 =	vgt.f32 v10, v6  }
0x3a1: {  	v7 =	vadd.f32 v9, v7;
	v8 =	vadd.f32 v13, v8;
	vm0 =	vmand vm6, vm0;
	v9 =	vld [tilespmem:s18+$0x60]  }
0x3a2: {  	v10 =	vnsel vm0, $0x0, v10;
	v13 =	vsel vm0, $0x3F800000, v1;
	vm0 =	vgt.f32 v12, v6  }
0x3a3: {  	v7 =	vadd.f32 v10, v7;
	v8 =	vadd.f32 v13, v8;
	vm0 =	vmand vm5, vm0;
	v10 =	vld [tilespmem:s18+$0x70]  }
0x3a4: {  	v12 =	vnsel vm0, $0x0, v12;
	v13 =	vsel vm0, $0x3F800000, v1;
	vm0 =	vgt.f32 v11, v6  }
0x3a5: {  	v7 =	vadd.f32 v12, v7;
	v8 =	vadd.f32 v13, v8;
	vm0 =	vmand vm4, vm0  }
0x3a6: {  	v11 =	vnsel vm0, $0x0, v11;
	v12 =	vsel vm0, $0x3F800000, v1;
	vm0 =	vgt.f32 v9, v6  }
0x3a7: {  	v7 =	vadd.f32 v11, v7;
	v8 =	vadd.f32 v12, v8;
	vm0 =	vmand vm3, vm0  }
0x3a8: {  	v9 =	vnsel vm0, $0x0, v9;
	v11 =	vsel vm0, $0x3F800000, v1;
	vm0 =	vgt.f32 v10, v6  }
0x3a9: {  	s19 =	sadd.s32 $0x100, s19;
	v7 =	vadd.f32 v9, v7;
	v8 =	vadd.f32 v11, v8;
	vm0 =	vmand vm2, vm0  }
0x3aa: {  	s0 =	sadd.s32 $0x50, s19;
	v9 =	vnsel vm0, $0x0, v10;
	v10 =	vsel vm0, $0x3F800000, v1  }
0x3ab: {  	s1 =	sadd.s32 $0x60, s19;
	s2 =	sadd.s32 $0x70, s19;
	s3 =	sadd.s32 $0x20, s19;
	v13 =	vor.u32 s19, v0;
	v7 =	vadd.f32 v9, v7;
	v8 =	vadd.f32 v10, v8  }
.Ltmp17:
0x3ac: {  	s4 =	sadd.s32 $0x30, s19;
	s5 =	sadd.s32 $0x40, s19;
	v12 =	vor.u32 s2, v0;
	v11 =	vor.u32 s1, v0;
	v9 =	vor.u32 s0, v0;
	(pc) =	sbr.rel @p0 .LBB2_22-.Ltmp17, $4  }
0x3ad: {  	v14 =	vor.u32 s4, v0;
	v15 =	vor.u32 s5, v0;
	s18 =	sadd.s32 $0x100, s18;
	s1 =	sadd.s32 $0x10, s19;
	s0 =	sadd.s32 $0xFFFFFFF0, s19;
	v10 =	vor.u32 s3, v0  }
0x3ae: {  	s4 =	sadd.s32 $0xFFFFFFE0, s19;
	vm1 =	vlt.s32 v13, v5;
	s2 =	sadd.s32 $0xFFFFFFC0, s19;
	v19 =	vor.u32 s1, v0;
	s3 =	sadd.s32 $0xFFFFFFD0, s19;
	v16 =	vor.u32 s0, v0  }
0x3af: {  	s6 =	sadd.s32 $0xFFFFFFB0, s19;
	s5 =	sadd.s32 $0xFFFFFFA0, s19;
	v22 =	vor.u32 s4, v0;
	v20 =	vor.u32 s2, v0;
	s1 =	sadd.s32 $0xFFFFFF90, s19;
	v21 =	vor.u32 s3, v0  }
0x3b0: {  	s15 =	sadd.s32 $0xFFFFFFFF, s15;
	v23 =	vor.u32 s6, v0;
	v18 =	vor.u32 s5, v0;
	v17 =	vor.u32 s1, v0;
	s0 =	sadd.s32 $0xFFFFFF80, s19;
	v13 =	vld [tilespmem:s18+$0xFFFFFF80]  }
.LBB2_23:
0x3b1: {  	v24 =	vor.u32 s0, v0;
	vm3 =	vlt.s32 v11, v5;
	vm2 =	vlt.s32 v12, v5  }
0x3b2: {  	v36 =	vld [tilespmem:s18+$0xFFFFFF90];
	vm6 =	vlt.s32 v14, v5;
	vm5 =	vlt.s32 v15, v5;
	vm4 =	vlt.s32 v9, v5  }
0x3b3: {  	vm9 =	vlt.s32 v16, v5;
	vm8 =	vlt.s32 v19, v5;
	vm7 =	vlt.s32 v10, v5  }
0x3b4: {  	v37 =	vld [tilespmem:s18+$0xFFFFFFA0];
	vm12 =	vlt.s32 v20, v5;
	vm11 =	vlt.s32 v21, v5;
	vm10 =	vlt.s32 v22, v5  }
0x3b5: {  	vm14 =	vlt.s32 v23, v5;
	vm0 =	vlt.s32 v24, v5;
	vm13 =	vgt.f32 v13, v6  }
0x3b6: {  	vm15 =	vlt.s32 v18, v5;
	vm0 =	vmand vm0, vm13;
	vm13 =	vlt.s32 v17, v5;
	v5 =	vld [tilespmem:s18+$0xFFFFFFB0]  }
0x3b7: {  	v38 =	vnsel vm0, $0x0, v13;
	v39 =	vsel vm0, $0x3F800000, v1;
	vm0 =	vgt.f32 v36, v6  }
0x3b8: {  	v40 =	vld [tilespmem:s18+$0xFFFFFFC0];
	v7 =	vadd.f32 v38, v7;
	v8 =	vadd.f32 v39, v8;
	vm0 =	vmand vm13, vm0  }
0x3b9: {  	v11 =	vnsel vm0, $0x0, v36;
	v41 =	vsel vm0, $0x3F800000, v1;
	vm0 =	vgt.f32 v37, v6  }
0x3ba: {  	v42 =	vld [tilespmem:s18+$0xFFFFFFD0];
	v7 =	vadd.f32 v11, v7;
	v8 =	vadd.f32 v41, v8;
	vm0 =	vmand vm15, vm0  }
0x3bb: {  	v9 =	vnsel vm0, $0x0, v37;
	v43 =	vsel vm0, $0x3F800000, v1;
	vm0 =	vgt.f32 v5, v6  }
0x3bc: {  	v44 =	vld [tilespmem:s18+$0xFFFFFFE0];
	v7 =	vadd.f32 v9, v7;
	v8 =	vadd.f32 v43, v8;
	vm0 =	vmand vm14, vm0  }
0x3bd: {  	v5 =	vnsel vm0, $0x0, v5;
	v45 =	vsel vm0, $0x3F800000, v1;
	vm0 =	vgt.f32 v40, v6  }
0x3be: {  	v5 =	vadd.f32 v5, v7;
	v7 =	vadd.f32 v45, v8;
	vm0 =	vmand vm12, vm0;
	v8 =	vld [tilespmem:s18+$0xFFFFFFF0]  }
0x3bf: {  	v10 =	vnsel vm0, $0x0, v40;
	v46 =	vsel vm0, $0x3F800000, v1;
	vm0 =	vgt.f32 v42, v6  }
0x3c0: {  	v47 =	vld [tilespmem:s18+$0x0];
	v5 =	vadd.f32 v10, v5;
	v7 =	vadd.f32 v46, v7;
	vm0 =	vmand vm11, vm0  }
0x3c1: {  	v11 =	vnsel vm0, $0x0, v42;
	v48 =	vsel vm0, $0x3F800000, v1;
	vm0 =	vgt.f32 v44, v6  }
0x3c2: {  	v49 =	vld [tilespmem:s18+$0x10];
	v5 =	vadd.f32 v11, v5;
	v7 =	vadd.f32 v48, v7;
	vm0 =	vmand vm10, vm0  }
0x3c3: {  	v9 =	vnsel vm0, $0x0, v44;
	v50 =	vsel vm0, $0x3F800000, v1;
	vm0 =	vgt.f32 v8, v6  }
0x3c4: {  	v51 =	vld [tilespmem:s18+$0x20];
	v5 =	vadd.f32 v9, v5;
	v7 =	vadd.f32 v50, v7;
	vm0 =	vmand vm9, vm0  }
0x3c5: {  	v8 =	vnsel vm0, $0x0, v8;
	v52 =	vsel vm0, $0x3F800000, v1;
	vm0 =	vgt.f32 v47, v6  }
0x3c6: {  	v5 =	vadd.f32 v8, v5;
	v7 =	vadd.f32 v52, v7;
	vm0 =	vmand vm1, vm0;
	v8 =	vld [tilespmem:s18+$0x30]  }
0x3c7: {  	v10 =	vnsel vm0, $0x0, v47;
	v53 =	vsel vm0, $0x3F800000, v1;
	vm0 =	vgt.f32 v49, v6  }
0x3c8: {  	v54 =	vld [tilespmem:s18+$0x40];
	v5 =	vadd.f32 v10, v5;
	v7 =	vadd.f32 v53, v7;
	vm0 =	vmand vm8, vm0  }
0x3c9: {  	v11 =	vnsel vm0, $0x0, v49;
	v55 =	vsel vm0, $0x3F800000, v1;
	vm0 =	vgt.f32 v51, v6  }
0x3ca: {  	v56 =	vld [tilespmem:s18+$0x50];
	v5 =	vadd.f32 v11, v5;
	v7 =	vadd.f32 v55, v7;
	vm0 =	vmand vm7, vm0  }
0x3cb: {  	v9 =	vnsel vm0, $0x0, v51;
	v57 =	vsel vm0, $0x3F800000, v1;
	vm0 =	vgt.f32 v8, v6  }
0x3cc: {  	v58 =	vld [tilespmem:s18+$0x60];
	v5 =	vadd.f32 v9, v5;
	v7 =	vadd.f32 v57, v7;
	vm0 =	vmand vm6, vm0  }
0x3cd: {  	v8 =	vnsel vm0, $0x0, v8;
	v59 =	vsel vm0, $0x3F800000, v1;
	vm0 =	vgt.f32 v54, v6  }
0x3ce: {  	v5 =	vadd.f32 v8, v5;
	v7 =	vadd.f32 v59, v7;
	vm0 =	vmand vm5, vm0;
	v8 =	vld [tilespmem:s18+$0x70]  }
0x3cf: {  	v10 =	vnsel vm0, $0x0, v54;
	v60 =	vsel vm0, $0x3F800000, v1;
	vm0 =	vgt.f32 v56, v6  }
0x3d0: {  	v5 =	vadd.f32 v10, v5;
	v7 =	vadd.f32 v60, v7;
	vm0 =	vmand vm4, vm0  }
0x3d1: {  	v61 =	vnsel vm0, $0x0, v56;
	v62 =	vsel vm0, $0x3F800000, v1;
	vm0 =	vgt.f32 v58, v6  }
0x3d2: {  	v5 =	vadd.f32 v61, v5;
	v7 =	vadd.f32 v62, v7;
	vm0 =	vmand vm3, vm0  }
0x3d3: {  	v9 =	vnsel vm0, $0x0, v58;
	v63 =	vsel vm0, $0x3F800000, v1;
	vm0 =	vgt.f32 v8, v6  }
0x3d4: {  	v5 =	vadd.f32 v9, v5;
	v6 =	vadd.f32 v63, v7;
	vm0 =	vmand vm2, vm0  }
0x3d5: {  	v7 =	vnsel vm0, $0x0, v8;
	v8 =	vsel vm0, $0x3F800000, v1  }
0x3d6: {  	v7 =	vadd.f32 v7, v5;
	v5 =	vadd.f32 v8, v6;
	v6 =	vld [tilespmem:$0x1FFF0]  }
.Ltmp18:
0x3d7: {  	_ = 	snop;
	(pc) =	sbr.rel .LBB2_24-.Ltmp18, $2  }
0x3d8: {  	_ =	sdelay $0x2  }
0x3d9: {  	s3 =	rddreg [dreg:$0x6];
	vm0 =	vnez.u8 v6  }
.LBB2_25:
0x3da: {  	_ =	sfence.sel $0x180000  }
0x3db: {  	[bflag:$0x0] =	sbarrier.arrive $0xFFFF  }
0x3dc: {  	_ =	strace $0x90000047  }
0x3dd: {  	s0 =	stileid.u32;
	[bflag:$0x2] =	sbarrier.arrive $0xFFFF  }
0x3de: {  	p0 =	sne.s32 s0, $0x0;
	s0 =	rddreg [dreg:$0x1]  }
0x3df: {  	s0 =	sadd.s32 @!p0 $0x100000, s0  }
0x3e0: {  	[sflag:s0] =	ssyncadd.tile.s32 @!p0 $0x1;
	_ =	shalt  }
.Lfunc_end2:
_tile_overlayer_lowered:
.L_overlay_start_2:
0x3e1: {  	(tag) =	ssettag $0x2  }
0x3e2: {  	s0 =	rddreg [dreg:$0x0];
	s2 =	stileid.u32  }
0x3e3: {  	s1 =	rddreg [dreg:$0x1];
	p0 =	sne.s32 s2, $0x0  }
0x3e4: {  	s3 =	rddreg [dreg:$0x2];
	[bflag:$0x3] =	sbarrier.arrive $0xFFFF;
	s2 =	simm.s32 @!p0 $0x1C01  }
0x3e5: {  	[timem:s3], [sflag:s2] =	dma.local @!p0 [hbm:s0], s1  }
0x3e6: {  	s0 =	simm.s32 @!p0 $0x1  }
0x3e7: {  	_ =	swait.ge @!p0 [sflag:s0], s1  }
0x3e8: {  	s1 =	ssub.s32 @!p0 $0x0, s1;
	[sflag:s0] =	ssyncset.done @!p0 $0x0  }
0x3e9: {  	[sflag:s0] =	ssyncadd.s32 @!p0 s1  }
0x3ea: {  	[bflag:$0x3] =	sbarrier.arrive $0xFFFF  }
0x3eb: {  	_ =	shalt  }

</sc_bundles>
